<compile_context>
chip_gen: v7x
topology: tpu7x:2x2x1
jax: 0.10.2.dev20260603
libtpu: 0.0.44.dev20260713+nightly
codegen_flags: <defaults>
</compile_context>

<pallas_src>
import functools

import jax
import jax.numpy as jnp
from jax import lax
from jax.experimental import pallas as pl
from jax.experimental.pallas import tpu as pltpu
from jax.experimental.pallas import tpu_sc as plsc

N, E, G, H = 10000, 320000, 32, 128
NW = 32
CH = 125
NSPLIT = 4
EP = E // NSPLIT
RPP = EP // CH
CPW = RPP // NW
ND = 4
PPD = NSPLIT // ND
NPT = N // 16
SEG = 20

BN = 1000
BE = 4000

_SC_PARAMS = pltpu.CompilerParams(use_tc_tiling_on_sc=False)


def _ln_block(x, g, b, eps=1e-5):
    m = jnp.mean(x, axis=-1, keepdims=True)
    v = jnp.mean((x - m) ** 2, axis=-1, keepdims=True)
    return (x - m) / jnp.sqrt(v + eps) * g + b


def _node_pre_body(nf, g2, b2, whi, whj, lat, wlat, be1,
                   h_out, pi_out, pj_out, qb_out):
    h = _ln_block(nf[...], g2[...], b2[...])
    h_out[...] = h
    pi_out[...] = jnp.dot(h, whi[...], preferred_element_type=jnp.float32)
    pj_out[...] = jnp.dot(h, whj[...], preferred_element_type=jnp.float32)
    qb_out[...] = (jnp.dot(lat[...], wlat[...], preferred_element_type=jnp.float32)
                   + be1[...])


def _node_pre(nf, g2, b2, whi, whj, lat, wlat, be1):
    const = pl.BlockSpec((H, H), lambda i: (0, 0))
    vec = pl.BlockSpec((1, H), lambda i: (0, 0))
    blk = pl.BlockSpec((BN, H), lambda i: (i, 0))
    return pl.pallas_call(
        _node_pre_body,
        grid=(N // BN,),
        in_specs=[blk, vec, vec, const, const,
                  pl.BlockSpec((G, 6), lambda i: (0, 0)),
                  pl.BlockSpec((6, H), lambda i: (0, 0)),
                  vec],
        out_specs=[blk, blk, blk, pl.BlockSpec((G, H), lambda i: (0, 0))],
        out_shape=[jax.ShapeDtypeStruct((N, H), jnp.float32)] * 3
        + [jax.ShapeDtypeStruct((G, H), jnp.float32)],
    )(nf, g2, b2, whi, whj, lat, wlat, be1)


def _gather_body(part, pi_hbm, pj_hbm, src2d, dst2d, out_hbm,
                 idx_s, idx_d, rows0, rows1, sem0, sem1):
    wid = lax.axis_index("c") * 16 + lax.axis_index("s")
    row0 = part * RPP + wid * CPW
    pltpu.sync_copy(src2d.at[pl.ds(row0, CPW), :], idx_s)
    pltpu.sync_copy(dst2d.at[pl.ds(row0, CPW), :], idx_d)

    def pair(k, _):
        ja = 2 * k
        jb = 2 * k + 1
        ea = wid * (CPW * CH) + ja * CH
        eb = wid * (CPW * CH) + jb * CH
        g1a = pltpu.async_copy(pi_hbm.at[idx_s.at[ja]], rows0, sem0)
        g1b = pltpu.async_copy(pi_hbm.at[idx_s.at[jb]], rows1, sem1)
        g1a.wait()
        g2a = pltpu.async_copy(pj_hbm.at[idx_d.at[ja]], rows0, sem0, add=True)
        g1b.wait()
        g2b = pltpu.async_copy(pj_hbm.at[idx_d.at[jb]], rows1, sem1, add=True)
        g2a.wait()
        wa = pltpu.async_copy(rows0, out_hbm.at[pl.ds(ea, CH), :], sem0)
        g2b.wait()
        wb = pltpu.async_copy(rows1, out_hbm.at[pl.ds(eb, CH), :], sem1)
        wa.wait()
        wb.wait()
        return ()

    lax.fori_loop(0, CPW // 2, pair, ())


def _gather_sum(part, pi, pj, src2d, dst2d):
    mesh = plsc.VectorSubcoreMesh(core_axis_name="c", subcore_axis_name="s")
    fn = pl.kernel(
        functools.partial(_gather_body, part),
        out_type=jax.ShapeDtypeStruct((EP, H), jnp.float32),
        mesh=mesh,
        scratch_types=[
            pltpu.VMEM((CPW, CH), jnp.int32),
            pltpu.VMEM((CPW, CH), jnp.int32),
            pltpu.VMEM((CH, H), jnp.float32),
            pltpu.VMEM((CH, H), jnp.float32),
            pltpu.SemaphoreType.DMA,
            pltpu.SemaphoreType.DMA,
        ],
        compiler_params=_SC_PARAMS,
        name=f"gather_sum_p{part}",
    )
    return fn(pi, pj, src2d, dst2d)


def _edge_body(ef, gsum, fdg, qb, wef, wfd, we2, be2, out):
    fdv = fdg[...]
    wfdv = wfd[...]
    fd_term = (fdv[:, 0:1] * wfdv[0:1, :] + fdv[:, 1:2] * wfdv[1:2, :]
               + fdv[:, 2:3] * wfdv[2:3, :])
    gid = jnp.bitwise_and(
        lax.bitcast_convert_type(fdv[:, 0:1], jnp.int32), 31)
    onehot = (gid
              == lax.broadcasted_iota(jnp.int32, (1, G), 1)).astype(jnp.float32)
    lat_term = jnp.dot(onehot, qb[...], preferred_element_type=jnp.float32)
    pre = (jnp.dot(ef[...].astype(jnp.bfloat16), wef[...].astype(jnp.bfloat16),
                   preferred_element_type=jnp.float32)
           + gsum[...] + fd_term + lat_term)
    e1 = jax.nn.silu(pre)
    e2 = jax.nn.silu(jnp.dot(e1.astype(jnp.bfloat16), we2[...].astype(jnp.bfloat16),
                             preferred_element_type=jnp.float32)
                     + be2[...])
    out[...] = e2


def _edge_mlp(part, edge_feats, gsum, fdg, qb, wef, wfd, we2, be2):
    off = part * (EP // BE)
    const = pl.BlockSpec((H, H), lambda i: (0, 0))
    vec = pl.BlockSpec((1, H), lambda i: (0, 0))
    return pl.pallas_call(
        _edge_body,
        grid=(EP // BE,),
        in_specs=[
            pl.BlockSpec((BE, H), lambda i: (off + i, 0)),
            pl.BlockSpec((BE, H), lambda i: (i, 0)),
            pl.BlockSpec((BE, 3), lambda i: (off + i, 0)),
            pl.BlockSpec((G, H), lambda i: (0, 0)),
            const,
            pl.BlockSpec((3, H), lambda i: (0, 0)),
            const,
            vec,
        ],
        out_specs=pl.BlockSpec((BE, H), lambda i: (i, 0)),
        out_shape=jax.ShapeDtypeStruct((EP, H), jnp.float32),
        name=f"edge_mlp_p{part}",
    )(edge_feats, gsum, fdg, qb, wef, wfd, we2, be2)


def _scatter_body(dpart, e2a_hbm, e2b_hbm, src2d, zrows, zcnt, ones_hbm,
                  agg_out, cnt_out, agg_sh, cnt_sh, idx_v, rows0, rows1,
                  ones_v, sem0, sem1, semc):
    c = lax.axis_index("c")
    s = lax.axis_index("s")
    wid = c * 16 + s
    pltpu.sync_copy(zrows.at[pl.ds(s * NPT, NPT), :], agg_sh.at[pl.ds(s * NPT, NPT), :])
    pltpu.sync_copy(zcnt.at[pl.ds(s * NPT, NPT), :], cnt_sh.at[pl.ds(s * NPT, NPT), :])
    pltpu.sync_copy(ones_hbm, ones_v)
    plsc.subcore_barrier()

    def pair_of(e2_hbm, seg):
        def pair(k, _):
            ja = 2 * k
            jb = ja + 1
            ea = wid * (CPW * CH) + (seg * SEG + 2 * k) * CH
            eb = ea + CH
            la = pltpu.async_copy(e2_hbm.at[pl.ds(ea, CH), :], rows0, sem0)
            lb = pltpu.async_copy(e2_hbm.at[pl.ds(eb, CH), :], rows1, sem1)
            ca = pltpu.async_copy(ones_v, cnt_sh.at[idx_v.at[ja]], semc, add=True)
            cb = pltpu.async_copy(ones_v, cnt_sh.at[idx_v.at[jb]], semc, add=True)
            la.wait()
            sa = pltpu.async_copy(rows0, agg_sh.at[idx_v.at[ja]], sem0, add=True)
            lb.wait()
            sb = pltpu.async_copy(rows1, agg_sh.at[idx_v.at[jb]], sem1, add=True)
            sa.wait()
            sb.wait()
            ca.wait()
            cb.wait()
            return ()
        return pair

    for pl_idx, e2_hbm in enumerate((e2a_hbm, e2b_hbm)[:PPD]):
        part = dpart * PPD + pl_idx
        for seg in range(CPW // SEG):
            pltpu.sync_copy(
                src2d.at[pl.ds(part * RPP + wid * CPW + seg * SEG, SEG), :],
                idx_v)
            lax.fori_loop(0, SEG // 2, pair_of(e2_hbm, seg), ())
    plsc.subcore_barrier()
    pltpu.sync_copy(agg_sh.at[pl.ds(s * NPT, NPT), :], agg_out.at[c, pl.ds(s * NPT, NPT), :])
    pltpu.sync_copy(cnt_sh.at[pl.ds(s * NPT, NPT), :], cnt_out.at[c, pl.ds(s * NPT, NPT), :])


def _scatter_mean_partials(dpart, e2a, e2b, src2d, zrows, zcnt, ones16):
    mesh = plsc.VectorSubcoreMesh(core_axis_name="c", subcore_axis_name="s")
    fn = pl.kernel(
        functools.partial(_scatter_body, dpart),
        out_type=[
            jax.ShapeDtypeStruct((2, N, H), jnp.float32),
            jax.ShapeDtypeStruct((2, N, 16), jnp.float32),
        ],
        mesh=mesh,
        scratch_types=[
            pltpu.VMEM_SHARED((N, H), jnp.float32),
            pltpu.VMEM_SHARED((N, 16), jnp.float32),
            pltpu.VMEM((SEG, CH), jnp.int32),
            pltpu.VMEM((CH, H), jnp.float32),
            pltpu.VMEM((CH, H), jnp.float32),
            pltpu.VMEM((CH, 16), jnp.float32),
            pltpu.SemaphoreType.DMA,
            pltpu.SemaphoreType.DMA,
            pltpu.SemaphoreType.DMA,
        ],
        compiler_params=_SC_PARAMS,
        name=f"scatter_add_d{dpart}",
    )
    return fn(e2a, e2b, src2d, zrows, zcnt, ones16)


def _node_mlp_body(nf, h, *rest):
    aggps = rest[:ND]
    cntps = rest[ND:2 * ND]
    wn1a, wn1b, bn1, wn2, bn2, out = rest[2 * ND:]
    agg = aggps[0][0] + aggps[0][1]
    cnt = cntps[0][0, :, 0:1] + cntps[0][1, :, 0:1]
    for k in range(1, ND):
        agg = agg + aggps[k][0] + aggps[k][1]
        cnt = cnt + cntps[k][0, :, 0:1] + cntps[k][1, :, 0:1]
    agg = agg / jnp.maximum(cnt, 1.0)
    n1 = jax.nn.silu(
        jnp.dot(h[...], wn1a[...], preferred_element_type=jnp.float32)
        + jnp.dot(agg, wn1b[...], preferred_element_type=jnp.float32)
        + bn1[...])
    n2 = jax.nn.silu(jnp.dot(n1, wn2[...], preferred_element_type=jnp.float32)
                     + bn2[...])
    out[...] = nf[...] + n2


def _node_mlp(nf, h, aggps, cntps, wn1a, wn1b, bn1, wn2, bn2):
    const = pl.BlockSpec((H, H), lambda i: (0, 0))
    vec = pl.BlockSpec((1, H), lambda i: (0, 0))
    blk = pl.BlockSpec((BN, H), lambda i: (i, 0))
    pblk = pl.BlockSpec((2, BN, H), lambda i: (0, i, 0))
    cblk = pl.BlockSpec((2, BN, 16), lambda i: (0, i, 0))
    return pl.pallas_call(
        _node_mlp_body,
        grid=(N // BN,),
        in_specs=[blk, blk] + [pblk] * ND + [cblk] * ND
        + [const, const, vec, const, vec],
        out_specs=blk,
        out_shape=jax.ShapeDtypeStruct((N, H), jnp.float32),
    )(nf, h, *aggps, *cntps, wn1a, wn1b, bn1, wn2, bn2)


def kernel(node_features, lattices, edge_index, edge2graph, frac_diff,
           edge_feats, ln_gamma, ln_beta, W_e1, b_e1, W_e2, b_e2,
           W_n1, b_n1, W_n2, b_n2):
    f32 = jnp.float32
    W_ef = W_e1[0:H]
    W_hi = W_e1[H:2 * H]
    W_hj = W_e1[2 * H:3 * H]
    W_lat = W_e1[3 * H:3 * H + 6]
    W_fd = W_e1[3 * H + 6:]
    src = edge_index[0].astype(jnp.int32)
    dst = edge_index[1].astype(jnp.int32)
    src2d = src.reshape(E // CH, CH)
    dst2d = dst.reshape(E // CH, CH)
    col0 = jax.lax.bitcast_convert_type(frac_diff[:, 0:1], jnp.int32)
    col0 = jnp.bitwise_or(jnp.bitwise_and(col0, ~jnp.int32(31)),
                          edge2graph.astype(jnp.int32).reshape(E, 1))
    fdg = jnp.concatenate(
        [jax.lax.bitcast_convert_type(col0, f32), frac_diff[:, 1:3]], axis=1)
    g2 = ln_gamma.reshape(1, H).astype(f32)
    b2 = ln_beta.reshape(1, H).astype(f32)
    lat6 = lattices.reshape(G, 6)
    be1 = b_e1.reshape(1, H)
    be2 = b_e2.reshape(1, H)

    h, pi, pj, qb = _node_pre(node_features, g2, b2, W_hi, W_hj, lat6, W_lat, be1)
    e2_parts = []
    for part in range(NSPLIT):
        gsum = _gather_sum(part, pi, pj, src2d, dst2d)
        e2_parts.append(_edge_mlp(part, edge_feats, gsum, fdg, qb,
                                  W_ef, W_fd, W_e2, be2))
    zrows = jnp.zeros((N, H), f32)
    zcnt = jnp.zeros((N, 16), f32)
    ones16 = jnp.ones((CH, 16), f32)
    aggps, cntps = [], []
    for dpart in range(ND):
        ea = e2_parts[dpart * PPD]
        eb = e2_parts[dpart * PPD + 1] if PPD == 2 else ea
        aggp, cntp = _scatter_mean_partials(
            dpart, ea, eb, src2d, zrows, zcnt, ones16)
        aggps.append(aggp)
        cntps.append(cntp)
    out = _node_mlp(node_features, h, aggps, cntps,
                    W_n1[0:H], W_n1[H:2 * H], b_n1.reshape(1, H),
                    W_n2, b_n2.reshape(1, H))
    return out

# --- scband reference (transcript-rebuilt; emitter-appended) ---
"""Pipeline reference for scband-projected-conjugated-cspnet-40759239639736 (READ-ONLY COPY).

The authoritative reference and input builder live on the scoring server;
editing this copy changes nothing except your own understanding.
"""

import jax, jax.numpy as jnp
import numpy as np

N, E, G, H = 10000, 320000, 32, 128
DIN = H + 2 * H + 6 + 3  # edge_feats + hi + hj + lattice_flat(6) + frac_diff(3) = 393


def _layer_norm(x, g, b, eps=1e-5):
    m = jnp.mean(x, axis=-1, keepdims=True)
    v = jnp.var(x, axis=-1, keepdims=True)
    return (x - m) / jnp.sqrt(v + eps) * g + b


def setup_inputs(seed: int = 0) -> dict:
    key = jax.random.key(seed)
    ks = jax.random.split(key, 16)
    return {
        "node_features": jax.random.normal(ks[0], (N, H), dtype=jnp.float32),
        "lattices": jax.random.normal(ks[1], (G, 6), dtype=jnp.float32),
        "edge_index": jax.random.randint(ks[2], (2, E), 0, N),
        "edge2graph": jax.random.randint(ks[3], (E,), 0, G),
        "frac_diff": jax.random.uniform(ks[4], (E, 3), dtype=jnp.float32),
        "edge_feats": jax.random.normal(ks[5], (E, H), dtype=jnp.float32),
        "ln_gamma": jnp.ones((H,), jnp.float32),
        "ln_beta": jnp.zeros((H,), jnp.float32),
        "W_e1": jax.random.normal(ks[6], (DIN, H), dtype=jnp.float32) * 0.02,
        "b_e1": jnp.zeros((H,), jnp.float32),
        "W_e2": jax.random.normal(ks[7], (H, H), dtype=jnp.float32) * 0.02,
        "b_e2": jnp.zeros((H,), jnp.float32),
        "W_n1": jax.random.normal(ks[8], (2 * H, H), dtype=jnp.float32) * 0.02,
        "b_n1": jnp.zeros((H,), jnp.float32),
        "W_n2": jax.random.normal(ks[9], (H, H), dtype=jnp.float32) * 0.02,
        "b_n2": jnp.zeros((H,), jnp.float32),
    }


def reference(node_features, lattices, edge_index, edge2graph, frac_diff, edge_feats,
              ln_gamma, ln_beta, W_e1, b_e1, W_e2, b_e2, W_n1, b_n1, W_n2, b_n2):
    n_nodes = node_features.shape[0]
    node_input = node_features
    # self.ln: pre layer norm
    h = _layer_norm(node_features, ln_gamma, ln_beta)
    # edge_model: gather endpoint features
    hi = h[edge_index[0]]
    hj = h[edge_index[1]]
    # dis_emb is None -> frac_diff used raw (dis_dim = n_space = 3)
    lattices_flat = lattices.reshape(lattices.shape[0], -1)
    lattices_flat_edges = lattices_flat[edge2graph]
    ef = jnp.concatenate([edge_feats, hi, hj, lattices_flat_edges, frac_diff], axis=1)
    e = jax.nn.silu(ef @ W_e1 + b_e1)
    e = jax.nn.silu(e @ W_e2 + b_e2)
    # node_model: scatter-mean over destination (edge_index[0]) then MLP
    seg = edge_index[0]
    agg = jax.ops.segment_sum(e, seg, num_segments=n_nodes)
    cnt = jax.ops.segment_sum(jnp.ones((e.shape[0],), e.dtype), seg, num_segments=n_nodes)
    agg = agg / jnp.clip(cnt, 1.0)[:, None]
    n = jax.nn.silu(jnp.concatenate([h, agg], axis=1) @ W_n1 + b_n1)
    n = jax.nn.silu(n @ W_n2 + b_n2)
    return node_input + n

if __name__ == "__main__":
    import jax
    _d = setup_inputs()
    print(jax.jit(kernel)(*tuple(_d.values())))

</pallas_src>

<mosaic_0001>
#map = affine_map<(d0, d1) -> (0, 0)>
module attributes {stable_mosaic.version = 14 : i64} {
  func.func @gather_sum_p0(%arg0: i32, %arg1: i32, %arg2: memref<10000x128xf32, #tpu.memory_space<hbm>>, %arg3: memref<10000x128xf32, #tpu.memory_space<hbm>>, %arg4: memref<2560x125xi32, #tpu.memory_space<hbm>>, %arg5: memref<2560x125xi32, #tpu.memory_space<hbm>>, %arg6: memref<80000x128xf32, #tpu.memory_space<hbm>>, %arg7: memref<20x125xi32, #tpu.memory_space<vmem>>, %arg8: memref<20x125xi32, #tpu.memory_space<vmem>>, %arg9: memref<125x128xf32, #tpu.memory_space<vmem>>, %arg10: memref<125x128xf32, #tpu.memory_space<vmem>>, %arg11: memref<!tpu.dma_semaphore, #tpu.memory_space<semaphore_mem>>, %arg12: memref<!tpu.dma_semaphore, #tpu.memory_space<semaphore_mem>>) attributes {dimension_semantics = [#tpu.dimension_semantics<core_parallel>, #tpu.dimension_semantics<subcore_parallel>], iteration_bounds = array<i64: 2, 16>, scalar_prefetch = 0 : i64, scratch_operands = 6 : i64, tpu.core_type = #tpu.core_type<sc_vector_subcore>, window_params = [{transform_indices = #map}, {transform_indices = #map}, {transform_indices = #map}, {transform_indices = #map}, {transform_indices = #map}]} {
    %mul3A = arith.constant 16 : i32
    %mul3A_0 = arith.muli %arg0, %mul3A : i32
    %add3A = arith.addi %mul3A_0, %arg1 : i32
    %mul3A_1 = arith.constant 20 : i32
    %mul3A_2 = arith.muli %add3A, %mul3A_1 : i32
    %add3A_3 = arith.constant 0 : i32
    %add3A_4 = arith.addi %add3A_3, %mul3A_2 : i32
    "tpu.region"() ({
      %run_scoped3A = tpu.sem_alloc : memref<!tpu.dma_semaphore, #tpu.memory_space<semaphore_mem>>
      %dma_start3A = arith.constant 0 : i32
      %dma_start3A_9 = tpu.memref_slice %arg4[%add3A_4, %dma_start3A] : memref<2560x125xi32, #tpu.memory_space<hbm>> -> memref<20x125xi32, #tpu.memory_space<hbm>>
      %dma_start3A_10 = arith.constant 0 : i32
      %dma_start3A_11 = tpu.memref_slice %arg4[%add3A_4, %dma_start3A_10] : memref<2560x125xi32, #tpu.memory_space<hbm>> -> memref<20x125xi32, #tpu.memory_space<hbm>>
      tpu.enqueue_dma source(%dma_start3A_11 : memref<20x125xi32, #tpu.memory_space<hbm>>) target(%arg7 : memref<20x125xi32, #tpu.memory_space<vmem>>) target_semaphore(%run_scoped3A : memref<!tpu.dma_semaphore, #tpu.memory_space<semaphore_mem>>)
      %dma_wait3A = arith.constant 0 : i32
      %dma_wait3A_12 = tpu.memref_slice %arg4[%add3A_4, %dma_wait3A] : memref<2560x125xi32, #tpu.memory_space<hbm>> -> memref<20x125xi32, #tpu.memory_space<hbm>>
      %dma_wait3A_13 = arith.constant 0 : i32
      %dma_wait3A_14 = tpu.memref_slice %arg4[%add3A_4, %dma_wait3A_13] : memref<2560x125xi32, #tpu.memory_space<hbm>> -> memref<20x125xi32, #tpu.memory_space<hbm>>
      tpu.wait_dma2 semaphore(%run_scoped3A : memref<!tpu.dma_semaphore, #tpu.memory_space<semaphore_mem>>) src(%dma_wait3A_14 : memref<20x125xi32, #tpu.memory_space<hbm>>) dst(%arg7 : memref<20x125xi32, #tpu.memory_space<vmem>>)
      tpu.yield
    }) : () -> ()
    "tpu.region"() ({
      %run_scoped3A = tpu.sem_alloc : memref<!tpu.dma_semaphore, #tpu.memory_space<semaphore_mem>>
      %dma_start3A = arith.constant 0 : i32
      %dma_start3A_9 = tpu.memref_slice %arg5[%add3A_4, %dma_start3A] : memref<2560x125xi32, #tpu.memory_space<hbm>> -> memref<20x125xi32, #tpu.memory_space<hbm>>
      %dma_start3A_10 = arith.constant 0 : i32
      %dma_start3A_11 = tpu.memref_slice %arg5[%add3A_4, %dma_start3A_10] : memref<2560x125xi32, #tpu.memory_space<hbm>> -> memref<20x125xi32, #tpu.memory_space<hbm>>
      tpu.enqueue_dma source(%dma_start3A_11 : memref<20x125xi32, #tpu.memory_space<hbm>>) target(%arg8 : memref<20x125xi32, #tpu.memory_space<vmem>>) target_semaphore(%run_scoped3A : memref<!tpu.dma_semaphore, #tpu.memory_space<semaphore_mem>>)
      %dma_wait3A = arith.constant 0 : i32
      %dma_wait3A_12 = tpu.memref_slice %arg5[%add3A_4, %dma_wait3A] : memref<2560x125xi32, #tpu.memory_space<hbm>> -> memref<20x125xi32, #tpu.memory_space<hbm>>
      %dma_wait3A_13 = arith.constant 0 : i32
      %dma_wait3A_14 = tpu.memref_slice %arg5[%add3A_4, %dma_wait3A_13] : memref<2560x125xi32, #tpu.memory_space<hbm>> -> memref<20x125xi32, #tpu.memory_space<hbm>>
      tpu.wait_dma2 semaphore(%run_scoped3A : memref<!tpu.dma_semaphore, #tpu.memory_space<semaphore_mem>>) src(%dma_wait3A_14 : memref<20x125xi32, #tpu.memory_space<hbm>>) dst(%arg8 : memref<20x125xi32, #tpu.memory_space<vmem>>)
      tpu.yield
    }) : () -> ()
    %scan3A = arith.constant 0 : i32
    %scan3A_5 = arith.constant 10 : i32
    %scan3A_6 = arith.addi %scan3A, %scan3A_5 : i32
    %scan3A_7 = arith.constant 1 : i32
    scf.for %scan3A_9 = %scan3A to %scan3A_6 step %scan3A_7  : i32 {
      %mul3A_10 = arith.constant 2 : i32
      %mul3A_11 = arith.muli %mul3A_10, %scan3A_9 : i32
      %mul3A_12 = arith.constant 2 : i32
      %mul3A_13 = arith.muli %mul3A_12, %scan3A_9 : i32
      %add3A_14 = arith.constant 1 : i32
      %add3A_15 = arith.addi %mul3A_13, %add3A_14 : i32
      %mul3A_16 = arith.constant 2500 : i32
      %mul3A_17 = arith.muli %add3A, %mul3A_16 : i32
      %mul3A_18 = arith.constant 125 : i32
      %mul3A_19 = arith.muli %mul3A_11, %mul3A_18 : i32
      %add3A_20 = arith.addi %mul3A_17, %mul3A_19 : i32
      %mul3A_21 = arith.constant 2500 : i32
      %mul3A_22 = arith.muli %add3A, %mul3A_21 : i32
      %mul3A_23 = arith.constant 125 : i32
      %mul3A_24 = arith.muli %add3A_15, %mul3A_23 : i32
      %add3A_25 = arith.addi %mul3A_22, %mul3A_24 : i32
      %dma_start3A = arith.constant 0 : i32
      %dma_start3A_26 = tpu.memref_slice %arg7[%mul3A_11, %dma_start3A] : memref<20x125xi32, #tpu.memory_space<vmem>> -> memref<1x125xi32, #tpu.memory_space<vmem>>
      %dma_start3A_27 = tpu.memref_squeeze %dma_start3A_26 : memref<1x125xi32, #tpu.memory_space<vmem>> -> memref<125xi32, #tpu.memory_space<vmem>>
      %dma_start3A_28 = arith.constant 0 : i32
      %dma_start3A_29 = arith.constant 0 : i32
      %dma_start3A_30 = tpu.memref_slice %arg2[%dma_start3A_28, %dma_start3A_29] : memref<10000x128xf32, #tpu.memory_space<hbm>> -> memref<10000x128xf32, #tpu.memory_space<hbm>>
      tpu.enqueue_indirect_dma source(%dma_start3A_30 : memref<10000x128xf32, #tpu.memory_space<hbm>>) target(%arg9 : memref<125x128xf32, #tpu.memory_space<vmem>>) offsets(%dma_start3A_27 : memref<125xi32, #tpu.memory_space<vmem>>) semaphore(%arg11 : memref<!tpu.dma_semaphore, #tpu.memory_space<semaphore_mem>>)
      %dma_start3A_31 = arith.constant 0 : i32
      %dma_start3A_32 = tpu.memref_slice %arg7[%add3A_15, %dma_start3A_31] : memref<20x125xi32, #tpu.memory_space<vmem>> -> memref<1x125xi32, #tpu.memory_space<vmem>>
      %dma_start3A_33 = tpu.memref_squeeze %dma_start3A_32 : memref<1x125xi32, #tpu.memory_space<vmem>> -> memref<125xi32, #tpu.memory_space<vmem>>
      %dma_start3A_34 = arith.constant 0 : i32
      %dma_start3A_35 = arith.constant 0 : i32
      %dma_start3A_36 = tpu.memref_slice %arg2[%dma_start3A_34, %dma_start3A_35] : memref<10000x128xf32, #tpu.memory_space<hbm>> -> memref<10000x128xf32, #tpu.memory_space<hbm>>
      tpu.enqueue_indirect_dma source(%dma_start3A_36 : memref<10000x128xf32, #tpu.memory_space<hbm>>) target(%arg10 : memref<125x128xf32, #tpu.memory_space<vmem>>) offsets(%dma_start3A_33 : memref<125xi32, #tpu.memory_space<vmem>>) semaphore(%arg12 : memref<!tpu.dma_semaphore, #tpu.memory_space<semaphore_mem>>)
      %dma_wait3A = arith.constant 0 : i32
      %dma_wait3A_37 = tpu.memref_slice %arg7[%mul3A_11, %dma_wait3A] : memref<20x125xi32, #tpu.memory_space<vmem>> -> memref<1x125xi32, #tpu.memory_space<vmem>>
      %dma_wait3A_38 = tpu.memref_squeeze %dma_wait3A_37 : memref<1x125xi32, #tpu.memory_space<vmem>> -> memref<125xi32, #tpu.memory_space<vmem>>
      %dma_wait3A_39 = arith.constant 0 : i32
      %dma_wait3A_40 = arith.constant 0 : i32
      %dma_wait3A_41 = tpu.memref_slice %arg2[%dma_wait3A_39, %dma_wait3A_40] : memref<10000x128xf32, #tpu.memory_space<hbm>> -> memref<10000x128xf32, #tpu.memory_space<hbm>>
      tpu.wait_indirect_dma semaphore(%arg11 : memref<!tpu.dma_semaphore, #tpu.memory_space<semaphore_mem>>) src(%dma_wait3A_41 : memref<10000x128xf32, #tpu.memory_space<hbm>>) dst(%arg9 : memref<125x128xf32, #tpu.memory_space<vmem>>)
      %dma_start3A_42 = arith.constant 0 : i32
      %dma_start3A_43 = tpu.memref_slice %arg8[%mul3A_11, %dma_start3A_42] : memref<20x125xi32, #tpu.memory_space<vmem>> -> memref<1x125xi32, #tpu.memory_space<vmem>>
      %dma_start3A_44 = tpu.memref_squeeze %dma_start3A_43 : memref<1x125xi32, #tpu.memory_space<vmem>> -> memref<125xi32, #tpu.memory_space<vmem>>
      %dma_start3A_45 = arith.constant 0 : i32
      %dma_start3A_46 = arith.constant 0 : i32
      %dma_start3A_47 = tpu.memref_slice %arg3[%dma_start3A_45, %dma_start3A_46] : memref<10000x128xf32, #tpu.memory_space<hbm>> -> memref<10000x128xf32, #tpu.memory_space<hbm>>
      tpu.enqueue_indirect_dma source(%dma_start3A_47 : memref<10000x128xf32, #tpu.memory_space<hbm>>) target(%arg9 : memref<125x128xf32, #tpu.memory_space<vmem>>) offsets(%dma_start3A_44 : memref<125xi32, #tpu.memory_space<vmem>>) semaphore(%arg11 : memref<!tpu.dma_semaphore, #tpu.memory_space<semaphore_mem>>) {add = true}
      %dma_wait3A_48 = arith.constant 0 : i32
      %dma_wait3A_49 = tpu.memref_slice %arg7[%add3A_15, %dma_wait3A_48] : memref<20x125xi32, #tpu.memory_space<vmem>> -> memref<1x125xi32, #tpu.memory_space<vmem>>
      %dma_wait3A_50 = tpu.memref_squeeze %dma_wait3A_49 : memref<1x125xi32, #tpu.memory_space<vmem>> -> memref<125xi32, #tpu.memory_space<vmem>>
      %dma_wait3A_51 = arith.constant 0 : i32
      %dma_wait3A_52 = arith.constant 0 : i32
      %dma_wait3A_53 = tpu.memref_slice %arg2[%dma_wait3A_51, %dma_wait3A_52] : memref<10000x128xf32, #tpu.memory_space<hbm>> -> memref<10000x128xf32, #tpu.memory_space<hbm>>
      tpu.wait_indirect_dma semaphore(%arg12 : memref<!tpu.dma_semaphore, #tpu.memory_space<semaphore_mem>>) src(%dma_wait3A_53 : memref<10000x128xf32, #tpu.memory_space<hbm>>) dst(%arg10 : memref<125x128xf32, #tpu.memory_space<vmem>>)
      %dma_start3A_54 = arith.constant 0 : i32
      %dma_start3A_55 = tpu.memref_slice %arg8[%add3A_15, %dma_start3A_54] : memref<20x125xi32, #tpu.memory_space<vmem>> -> memref<1x125xi32, #tpu.memory_space<vmem>>
      %dma_start3A_56 = tpu.memref_squeeze %dma_start3A_55 : memref<1x125xi32, #tpu.memory_space<vmem>> -> memref<125xi32, #tpu.memory_space<vmem>>
      %dma_start3A_57 = arith.constant 0 : i32
      %dma_start3A_58 = arith.constant 0 : i32
      %dma_start3A_59 = tpu.memref_slice %arg3[%dma_start3A_57, %dma_start3A_58] : memref<10000x128xf32, #tpu.memory_space<hbm>> -> memref<10000x128xf32, #tpu.memory_space<hbm>>
      tpu.enqueue_indirect_dma source(%dma_start3A_59 : memref<10000x128xf32, #tpu.memory_space<hbm>>) target(%arg10 : memref<125x128xf32, #tpu.memory_space<vmem>>) offsets(%dma_start3A_56 : memref<125xi32, #tpu.memory_space<vmem>>) semaphore(%arg12 : memref<!tpu.dma_semaphore, #tpu.memory_space<semaphore_mem>>) {add = true}
      %dma_wait3A_60 = arith.constant 0 : i32
      %dma_wait3A_61 = tpu.memref_slice %arg8[%mul3A_11, %dma_wait3A_60] : memref<20x125xi32, #tpu.memory_space<vmem>> -> memref<1x125xi32, #tpu.memory_space<vmem>>
      %dma_wait3A_62 = tpu.memref_squeeze %dma_wait3A_61 : memref<1x125xi32, #tpu.memory_space<vmem>> -> memref<125xi32, #tpu.memory_space<vmem>>
      %dma_wait3A_63 = arith.constant 0 : i32
      %dma_wait3A_64 = arith.constant 0 : i32
      %dma_wait3A_65 = tpu.memref_slice %arg3[%dma_wait3A_63, %dma_wait3A_64] : memref<10000x128xf32, #tpu.memory_space<hbm>> -> memref<10000x128xf32, #tpu.memory_space<hbm>>
      tpu.wait_indirect_dma semaphore(%arg11 : memref<!tpu.dma_semaphore, #tpu.memory_space<semaphore_mem>>) src(%dma_wait3A_65 : memref<10000x128xf32, #tpu.memory_space<hbm>>) dst(%arg9 : memref<125x128xf32, #tpu.memory_space<vmem>>)
      %dma_start3A_66 = arith.constant 0 : i32
      %dma_start3A_67 = tpu.memref_slice %arg6[%add3A_20, %dma_start3A_66] : memref<80000x128xf32, #tpu.memory_space<hbm>> -> memref<125x128xf32, #tpu.memory_space<hbm>>
      %dma_start3A_68 = arith.constant 0 : i32
      %dma_start3A_69 = tpu.memref_slice %arg6[%add3A_20, %dma_start3A_68] : memref<80000x128xf32, #tpu.memory_space<hbm>> -> memref<125x128xf32, #tpu.memory_space<hbm>>
      tpu.enqueue_dma source(%arg9 : memref<125x128xf32, #tpu.memory_space<vmem>>) target(%dma_start3A_69 : memref<125x128xf32, #tpu.memory_space<hbm>>) target_semaphore(%arg11 : memref<!tpu.dma_semaphore, #tpu.memory_space<semaphore_mem>>)
      %dma_wait3A_70 = arith.constant 0 : i32
      %dma_wait3A_71 = tpu.memref_slice %arg8[%add3A_15, %dma_wait3A_70] : memref<20x125xi32, #tpu.memory_space<vmem>> -> memref<1x125xi32, #tpu.memory_space<vmem>>
      %dma_wait3A_72 = tpu.memref_squeeze %dma_wait3A_71 : memref<1x125xi32, #tpu.memory_space<vmem>> -> memref<125xi32, #tpu.memory_space<vmem>>
      %dma_wait3A_73 = arith.constant 0 : i32
      %dma_wait3A_74 = arith.constant 0 : i32
      %dma_wait3A_75 = tpu.memref_slice %arg3[%dma_wait3A_73, %dma_wait3A_74] : memref<10000x128xf32, #tpu.memory_space<hbm>> -> memref<10000x128xf32, #tpu.memory_space<hbm>>
      tpu.wait_indirect_dma semaphore(%arg12 : memref<!tpu.dma_semaphore, #tpu.memory_space<semaphore_mem>>) src(%dma_wait3A_75 : memref<10000x128xf32, #tpu.memory_space<hbm>>) dst(%arg10 : memref<125x128xf32, #tpu.memory_space<vmem>>)
      %dma_start3A_76 = arith.constant 0 : i32
      %dma_start3A_77 = tpu.memref_slice %arg6[%add3A_25, %dma_start3A_76] : memref<80000x128xf32, #tpu.memory_space<hbm>> -> memref<125x128xf32, #tpu.memory_space<hbm>>
      %dma_start3A_78 = arith.constant 0 : i32
      %dma_start3A_79 = tpu.memref_slice %arg6[%add3A_25, %dma_start3A_78] : memref<80000x128xf32, #tpu.memory_space<hbm>> -> memref<125x128xf32, #tpu.memory_space<hbm>>
      tpu.enqueue_dma source(%arg10 : memref<125x128xf32, #tpu.memory_space<vmem>>) target(%dma_start3A_79 : memref<125x128xf32, #tpu.memory_space<hbm>>) target_semaphore(%arg12 : memref<!tpu.dma_semaphore, #tpu.memory_space<semaphore_mem>>)
      %dma_wait3A_80 = arith.constant 0 : i32
      %dma_wait3A_81 = tpu.memref_slice %arg6[%add3A_20, %dma_wait3A_80] : memref<80000x128xf32, #tpu.memory_space<hbm>> -> memref<125x128xf32, #tpu.memory_space<hbm>>
      %dma_wait3A_82 = arith.constant 0 : i32
      %dma_wait3A_83 = tpu.memref_slice %arg6[%add3A_20, %dma_wait3A_82] : memref<80000x128xf32, #tpu.memory_space<hbm>> -> memref<125x128xf32, #tpu.memory_space<hbm>>
      tpu.wait_dma2 semaphore(%arg11 : memref<!tpu.dma_semaphore, #tpu.memory_space<semaphore_mem>>) src(%arg9 : memref<125x128xf32, #tpu.memory_space<vmem>>) dst(%dma_wait3A_83 : memref<125x128xf32, #tpu.memory_space<hbm>>)
      %dma_wait3A_84 = arith.constant 0 : i32
      %dma_wait3A_85 = tpu.memref_slice %arg6[%add3A_25, %dma_wait3A_84] : memref<80000x128xf32, #tpu.memory_space<hbm>> -> memref<125x128xf32, #tpu.memory_space<hbm>>
      %dma_wait3A_86 = arith.constant 0 : i32
      %dma_wait3A_87 = tpu.memref_slice %arg6[%add3A_25, %dma_wait3A_86] : memref<80000x128xf32, #tpu.memory_space<hbm>> -> memref<125x128xf32, #tpu.memory_space<hbm>>
      tpu.wait_dma2 semaphore(%arg12 : memref<!tpu.dma_semaphore, #tpu.memory_space<semaphore_mem>>) src(%arg10 : memref<125x128xf32, #tpu.memory_space<vmem>>) dst(%dma_wait3A_87 : memref<125x128xf32, #tpu.memory_space<hbm>>)
    }
    %scan3A_8 = arith.constant 10 : i32
    return
  }
}

#map = affine_map<(d0, d1) -> (0, 0)>
module attributes {stable_mosaic.version = 14 : i64} {
  func.func @gather_sum_p1(%arg0: i32, %arg1: i32, %arg2: memref<10000x128xf32, #tpu.memory_space<hbm>>, %arg3: memref<10000x128xf32, #tpu.memory_space<hbm>>, %arg4: memref<2560x125xi32, #tpu.memory_space<hbm>>, %arg5: memref<2560x125xi32, #tpu.memory_space<hbm>>, %arg6: memref<80000x128xf32, #tpu.memory_space<hbm>>, %arg7: memref<20x125xi32, #tpu.memory_space<vmem>>, %arg8: memref<20x125xi32, #tpu.memory_space<vmem>>, %arg9: memref<125x128xf32, #tpu.memory_space<vmem>>, %arg10: memref<125x128xf32, #tpu.memory_space<vmem>>, %arg11: memref<!tpu.dma_semaphore, #tpu.memory_space<semaphore_mem>>, %arg12: memref<!tpu.dma_semaphore, #tpu.memory_space<semaphore_mem>>) attributes {dimension_semantics = [#tpu.dimension_semantics<core_parallel>, #tpu.dimension_semantics<subcore_parallel>], iteration_bounds = array<i64: 2, 16>, scalar_prefetch = 0 : i64, scratch_operands = 6 : i64, tpu.core_type = #tpu.core_type<sc_vector_subcore>, window_params = [{transform_indices = #map}, {transform_indices = #map}, {transform_indices = #map}, {transform_indices = #map}, {transform_indices = #map}]} {
    %mul3A = arith.constant 16 : i32
    %mul3A_0 = arith.muli %arg0, %mul3A : i32
    %add3A = arith.addi %mul3A_0, %arg1 : i32
    %mul3A_1 = arith.constant 20 : i32
    %mul3A_2 = arith.muli %add3A, %mul3A_1 : i32
    %add3A_3 = arith.constant 640 : i32
    %add3A_4 = arith.addi %add3A_3, %mul3A_2 : i32
    "tpu.region"() ({
      %run_scoped3A = tpu.sem_alloc : memref<!tpu.dma_semaphore, #tpu.memory_space<semaphore_mem>>
      %dma_start3A = arith.constant 0 : i32
      %dma_start3A_9 = tpu.memref_slice %arg4[%add3A_4, %dma_start3A] : memref<2560x125xi32, #tpu.memory_space<hbm>> -> memref<20x125xi32, #tpu.memory_space<hbm>>
      %dma_start3A_10 = arith.constant 0 : i32
      %dma_start3A_11 = tpu.memref_slice %arg4[%add3A_4, %dma_start3A_10] : memref<2560x125xi32, #tpu.memory_space<hbm>> -> memref<20x125xi32, #tpu.memory_space<hbm>>
      tpu.enqueue_dma source(%dma_start3A_11 : memref<20x125xi32, #tpu.memory_space<hbm>>) target(%arg7 : memref<20x125xi32, #tpu.memory_space<vmem>>) target_semaphore(%run_scoped3A : memref<!tpu.dma_semaphore, #tpu.memory_space<semaphore_mem>>)
      %dma_wait3A = arith.constant 0 : i32
      %dma_wait3A_12 = tpu.memref_slice %arg4[%add3A_4, %dma_wait3A] : memref<2560x125xi32, #tpu.memory_space<hbm>> -> memref<20x125xi32, #tpu.memory_space<hbm>>
      %dma_wait3A_13 = arith.constant 0 : i32
      %dma_wait3A_14 = tpu.memref_slice %arg4[%add3A_4, %dma_wait3A_13] : memref<2560x125xi32, #tpu.memory_space<hbm>> -> memref<20x125xi32, #tpu.memory_space<hbm>>
      tpu.wait_dma2 semaphore(%run_scoped3A : memref<!tpu.dma_semaphore, #tpu.memory_space<semaphore_mem>>) src(%dma_wait3A_14 : memref<20x125xi32, #tpu.memory_space<hbm>>) dst(%arg7 : memref<20x125xi32, #tpu.memory_space<vmem>>)
      tpu.yield
    }) : () -> ()
    "tpu.region"() ({
      %run_scoped3A = tpu.sem_alloc : memref<!tpu.dma_semaphore, #tpu.memory_space<semaphore_mem>>
      %dma_start3A = arith.constant 0 : i32
      %dma_start3A_9 = tpu.memref_slice %arg5[%add3A_4, %dma_start3A] : memref<2560x125xi32, #tpu.memory_space<hbm>> -> memref<20x125xi32, #tpu.memory_space<hbm>>
      %dma_start3A_10 = arith.constant 0 : i32
      %dma_start3A_11 = tpu.memref_slice %arg5[%add3A_4, %dma_start3A_10] : memref<2560x125xi32, #tpu.memory_space<hbm>> -> memref<20x125xi32, #tpu.memory_space<hbm>>
      tpu.enqueue_dma source(%dma_start3A_11 : memref<20x125xi32, #tpu.memory_space<hbm>>) target(%arg8 : memref<20x125xi32, #tpu.memory_space<vmem>>) target_semaphore(%run_scoped3A : memref<!tpu.dma_semaphore, #tpu.memory_space<semaphore_mem>>)
      %dma_wait3A = arith.constant 0 : i32
      %dma_wait3A_12 = tpu.memref_slice %arg5[%add3A_4, %dma_wait3A] : memref<2560x125xi32, #tpu.memory_space<hbm>> -> memref<20x125xi32, #tpu.memory_space<hbm>>
      %dma_wait3A_13 = arith.constant 0 : i32
      %dma_wait3A_14 = tpu.memref_slice %arg5[%add3A_4, %dma_wait3A_13] : memref<2560x125xi32, #tpu.memory_space<hbm>> -> memref<20x125xi32, #tpu.memory_space<hbm>>
      tpu.wait_dma2 semaphore(%run_scoped3A : memref<!tpu.dma_semaphore, #tpu.memory_space<semaphore_mem>>) src(%dma_wait3A_14 : memref<20x125xi32, #tpu.memory_space<hbm>>) dst(%arg8 : memref<20x125xi32, #tpu.memory_space<vmem>>)
      tpu.yield
    }) : () -> ()
    %scan3A = arith.constant 0 : i32
    %scan3A_5 = arith.constant 10 : i32
    %scan3A_6 = arith.addi %scan3A, %scan3A_5 : i32
    %scan3A_7 = arith.constant 1 : i32
    scf.for %scan3A_9 = %scan3A to %scan3A_6 step %scan3A_7  : i32 {
      %mul3A_10 = arith.constant 2 : i32
      %mul3A_11 = arith.muli %mul3A_10, %scan3A_9 : i32
      %mul3A_12 = arith.constant 2 : i32
      %mul3A_13 = arith.muli %mul3A_12, %scan3A_9 : i32
      %add3A_14 = arith.constant 1 : i32
      %add3A_15 = arith.addi %mul3A_13, %add3A_14 : i32
      %mul3A_16 = arith.constant 2500 : i32
      %mul3A_17 = arith.muli %add3A, %mul3A_16 : i32
      %mul3A_18 = arith.constant 125 : i32
      %mul3A_19 = arith.muli %mul3A_11, %mul3A_18 : i32
      %add3A_20 = arith.addi %mul3A_17, %mul3A_19 : i32
      %mul3A_21 = arith.constant 2500 : i32
      %mul3A_22 = arith.muli %add3A, %mul3A_21 : i32
      %mul3A_23 = arith.constant 125 : i32
      %mul3A_24 = arith.muli %add3A_15, %mul3A_23 : i32
      %add3A_25 = arith.addi %mul3A_22, %mul3A_24 : i32
      %dma_start3A = arith.constant 0 : i32
      %dma_start3A_26 = tpu.memref_slice %arg7[%mul3A_11, %dma_start3A] : memref<20x125xi32, #tpu.memory_space<vmem>> -> memref<1x125xi32, #tpu.memory_space<vmem>>
      %dma_start3A_27 = tpu.memref_squeeze %dma_start3A_26 : memref<1x125xi32, #tpu.memory_space<vmem>> -> memref<125xi32, #tpu.memory_space<vmem>>
      %dma_start3A_28 = arith.constant 0 : i32
      %dma_start3A_29 = arith.constant 0 : i32
      %dma_start3A_30 = tpu.memref_slice %arg2[%dma_start3A_28, %dma_start3A_29] : memref<10000x128xf32, #tpu.memory_space<hbm>> -> memref<10000x128xf32, #tpu.memory_space<hbm>>
      tpu.enqueue_indirect_dma source(%dma_start3A_30 : memref<10000x128xf32, #tpu.memory_space<hbm>>) target(%arg9 : memref<125x128xf32, #tpu.memory_space<vmem>>) offsets(%dma_start3A_27 : memref<125xi32, #tpu.memory_space<vmem>>) semaphore(%arg11 : memref<!tpu.dma_semaphore, #tpu.memory_space<semaphore_mem>>)
      %dma_start3A_31 = arith.constant 0 : i32
      %dma_start3A_32 = tpu.memref_slice %arg7[%add3A_15, %dma_start3A_31] : memref<20x125xi32, #tpu.memory_space<vmem>> -> memref<1x125xi32, #tpu.memory_space<vmem>>
      %dma_start3A_33 = tpu.memref_squeeze %dma_start3A_32 : memref<1x125xi32, #tpu.memory_space<vmem>> -> memref<125xi32, #tpu.memory_space<vmem>>
      %dma_start3A_34 = arith.constant 0 : i32
      %dma_start3A_35 = arith.constant 0 : i32
      %dma_start3A_36 = tpu.memref_slice %arg2[%dma_start3A_34, %dma_start3A_35] : memref<10000x128xf32, #tpu.memory_space<hbm>> -> memref<10000x128xf32, #tpu.memory_space<hbm>>
      tpu.enqueue_indirect_dma source(%dma_start3A_36 : memref<10000x128xf32, #tpu.memory_space<hbm>>) target(%arg10 : memref<125x128xf32, #tpu.memory_space<vmem>>) offsets(%dma_start3A_33 : memref<125xi32, #tpu.memory_space<vmem>>) semaphore(%arg12 : memref<!tpu.dma_semaphore, #tpu.memory_space<semaphore_mem>>)
      %dma_wait3A = arith.constant 0 : i32
      %dma_wait3A_37 = tpu.memref_slice %arg7[%mul3A_11, %dma_wait3A] : memref<20x125xi32, #tpu.memory_space<vmem>> -> memref<1x125xi32, #tpu.memory_space<vmem>>
      %dma_wait3A_38 = tpu.memref_squeeze %dma_wait3A_37 : memref<1x125xi32, #tpu.memory_space<vmem>> -> memref<125xi32, #tpu.memory_space<vmem>>
      %dma_wait3A_39 = arith.constant 0 : i32
      %dma_wait3A_40 = arith.constant 0 : i32
      %dma_wait3A_41 = tpu.memref_slice %arg2[%dma_wait3A_39, %dma_wait3A_40] : memref<10000x128xf32, #tpu.memory_space<hbm>> -> memref<10000x128xf32, #tpu.memory_space<hbm>>
      tpu.wait_indirect_dma semaphore(%arg11 : memref<!tpu.dma_semaphore, #tpu.memory_space<semaphore_mem>>) src(%dma_wait3A_41 : memref<10000x128xf32, #tpu.memory_space<hbm>>) dst(%arg9 : memref<125x128xf32, #tpu.memory_space<vmem>>)
      %dma_start3A_42 = arith.constant 0 : i32
      %dma_start3A_43 = tpu.memref_slice %arg8[%mul3A_11, %dma_start3A_42] : memref<20x125xi32, #tpu.memory_space<vmem>> -> memref<1x125xi32, #tpu.memory_space<vmem>>
      %dma_start3A_44 = tpu.memref_squeeze %dma_start3A_43 : memref<1x125xi32, #tpu.memory_space<vmem>> -> memref<125xi32, #tpu.memory_space<vmem>>
      %dma_start3A_45 = arith.constant 0 : i32
      %dma_start3A_46 = arith.constant 0 : i32
      %dma_start3A_47 = tpu.memref_slice %arg3[%dma_start3A_45, %dma_start3A_46] : memref<10000x128xf32, #tpu.memory_space<hbm>> -> memref<10000x128xf32, #tpu.memory_space<hbm>>
      tpu.enqueue_indirect_dma source(%dma_start3A_47 : memref<10000x128xf32, #tpu.memory_space<hbm>>) target(%arg9 : memref<125x128xf32, #tpu.memory_space<vmem>>) offsets(%dma_start3A_44 : memref<125xi32, #tpu.memory_space<vmem>>) semaphore(%arg11 : memref<!tpu.dma_semaphore, #tpu.memory_space<semaphore_mem>>) {add = true}
      %dma_wait3A_48 = arith.constant 0 : i32
      %dma_wait3A_49 = tpu.memref_slice %arg7[%add3A_15, %dma_wait3A_48] : memref<20x125xi32, #tpu.memory_space<vmem>> -> memref<1x125xi32, #tpu.memory_space<vmem>>
      %dma_wait3A_50 = tpu.memref_squeeze %dma_wait3A_49 : memref<1x125xi32, #tpu.memory_space<vmem>> -> memref<125xi32, #tpu.memory_space<vmem>>
      %dma_wait3A_51 = arith.constant 0 : i32
      %dma_wait3A_52 = arith.constant 0 : i32
      %dma_wait3A_53 = tpu.memref_slice %arg2[%dma_wait3A_51, %dma_wait3A_52] : memref<10000x128xf32, #tpu.memory_space<hbm>> -> memref<10000x128xf32, #tpu.memory_space<hbm>>
      tpu.wait_indirect_dma semaphore(%arg12 : memref<!tpu.dma_semaphore, #tpu.memory_space<semaphore_mem>>) src(%dma_wait3A_53 : memref<10000x128xf32, #tpu.memory_space<hbm>>) dst(%arg10 : memref<125x128xf32, #tpu.memory_space<vmem>>)
      %dma_start3A_54 = arith.constant 0 : i32
      %dma_start3A_55 = tpu.memref_slice %arg8[%add3A_15, %dma_start3A_54] : memref<20x125xi32, #tpu.memory_space<vmem>> -> memref<1x125xi32, #tpu.memory_space<vmem>>
      %dma_start3A_56 = tpu.memref_squeeze %dma_start3A_55 : memref<1x125xi32, #tpu.memory_space<vmem>> -> memref<125xi32, #tpu.memory_space<vmem>>
      %dma_start3A_57 = arith.constant 0 : i32
      %dma_start3A_58 = arith.constant 0 : i32
      %dma_start3A_59 = tpu.memref_slice %arg3[%dma_start3A_57, %dma_start3A_58] : memref<10000x128xf32, #tpu.memory_space<hbm>> -> memref<10000x128xf32, #tpu.memory_space<hbm>>
      tpu.enqueue_indirect_dma source(%dma_start3A_59 : memref<10000x128xf32, #tpu.memory_space<hbm>>) target(%arg10 : memref<125x128xf32, #tpu.memory_space<vmem>>) offsets(%dma_start3A_56 : memref<125xi32, #tpu.memory_space<vmem>>) semaphore(%arg12 : memref<!tpu.dma_semaphore, #tpu.memory_space<semaphore_mem>>) {add = true}
      %dma_wait3A_60 = arith.constant 0 : i32
      %dma_wait3A_61 = tpu.memref_slice %arg8[%mul3A_11, %dma_wait3A_60] : memref<20x125xi32, #tpu.memory_space<vmem>> -> memref<1x125xi32, #tpu.memory_space<vmem>>
      %dma_wait3A_62 = tpu.memref_squeeze %dma_wait3A_61 : memref<1x125xi32, #tpu.memory_space<vmem>> -> memref<125xi32, #tpu.memory_space<vmem>>
      %dma_wait3A_63 = arith.constant 0 : i32
      %dma_wait3A_64 = arith.constant 0 : i32
      %dma_wait3A_65 = tpu.memref_slice %arg3[%dma_wait3A_63, %dma_wait3A_64] : memref<10000x128xf32, #tpu.memory_space<hbm>> -> memref<10000x128xf32, #tpu.memory_space<hbm>>
      tpu.wait_indirect_dma semaphore(%arg11 : memref<!tpu.dma_semaphore, #tpu.memory_space<semaphore_mem>>) src(%dma_wait3A_65 : memref<10000x128xf32, #tpu.memory_space<hbm>>) dst(%arg9 : memref<125x128xf32, #tpu.memory_space<vmem>>)
      %dma_start3A_66 = arith.constant 0 : i32
      %dma_start3A_67 = tpu.memref_slice %arg6[%add3A_20, %dma_start3A_66] : memref<80000x128xf32, #tpu.memory_space<hbm>> -> memref<125x128xf32, #tpu.memory_space<hbm>>
      %dma_start3A_68 = arith.constant 0 : i32
      %dma_start3A_69 = tpu.memref_slice %arg6[%add3A_20, %dma_start3A_68] : memref<80000x128xf32, #tpu.memory_space<hbm>> -> memref<125x128xf32, #tpu.memory_space<hbm>>
      tpu.enqueue_dma source(%arg9 : memref<125x128xf32, #tpu.memory_space<vmem>>) target(%dma_start3A_69 : memref<125x128xf32, #tpu.memory_space<hbm>>) target_semaphore(%arg11 : memref<!tpu.dma_semaphore, #tpu.memory_space<semaphore_mem>>)
      %dma_wait3A_70 = arith.constant 0 : i32
      %dma_wait3A_71 = tpu.memref_slice %arg8[%add3A_15, %dma_wait3A_70] : memref<20x125xi32, #tpu.memory_space<vmem>> -> memref<1x125xi32, #tpu.memory_space<vmem>>
      %dma_wait3A_72 = tpu.memref_squeeze %dma_wait3A_71 : memref<1x125xi32, #tpu.memory_space<vmem>> -> memref<125xi32, #tpu.memory_space<vmem>>
      %dma_wait3A_73 = arith.constant 0 : i32
      %dma_wait3A_74 = arith.constant 0 : i32
      %dma_wait3A_75 = tpu.memref_slice %arg3[%dma_wait3A_73, %dma_wait3A_74] : memref<10000x128xf32, #tpu.memory_space<hbm>> -> memref<10000x128xf32, #tpu.memory_space<hbm>>
      tpu.wait_indirect_dma semaphore(%arg12 : memref<!tpu.dma_semaphore, #tpu.memory_space<semaphore_mem>>) src(%dma_wait3A_75 : memref<10000x128xf32, #tpu.memory_space<hbm>>) dst(%arg10 : memref<125x128xf32, #tpu.memory_space<vmem>>)
      %dma_start3A_76 = arith.constant 0 : i32
      %dma_start3A_77 = tpu.memref_slice %arg6[%add3A_25, %dma_start3A_76] : memref<80000x128xf32, #tpu.memory_space<hbm>> -> memref<125x128xf32, #tpu.memory_space<hbm>>
      %dma_start3A_78 = arith.constant 0 : i32
      %dma_start3A_79 = tpu.memref_slice %arg6[%add3A_25, %dma_start3A_78] : memref<80000x128xf32, #tpu.memory_space<hbm>> -> memref<125x128xf32, #tpu.memory_space<hbm>>
      tpu.enqueue_dma source(%arg10 : memref<125x128xf32, #tpu.memory_space<vmem>>) target(%dma_start3A_79 : memref<125x128xf32, #tpu.memory_space<hbm>>) target_semaphore(%arg12 : memref<!tpu.dma_semaphore, #tpu.memory_space<semaphore_mem>>)
      %dma_wait3A_80 = arith.constant 0 : i32
      %dma_wait3A_81 = tpu.memref_slice %arg6[%add3A_20, %dma_wait3A_80] : memref<80000x128xf32, #tpu.memory_space<hbm>> -> memref<125x128xf32, #tpu.memory_space<hbm>>
      %dma_wait3A_82 = arith.constant 0 : i32
      %dma_wait3A_83 = tpu.memref_slice %arg6[%add3A_20, %dma_wait3A_82] : memref<80000x128xf32, #tpu.memory_space<hbm>> -> memref<125x128xf32, #tpu.memory_space<hbm>>
      tpu.wait_dma2 semaphore(%arg11 : memref<!tpu.dma_semaphore, #tpu.memory_space<semaphore_mem>>) src(%arg9 : memref<125x128xf32, #tpu.memory_space<vmem>>) dst(%dma_wait3A_83 : memref<125x128xf32, #tpu.memory_space<hbm>>)
      %dma_wait3A_84 = arith.constant 0 : i32
      %dma_wait3A_85 = tpu.memref_slice %arg6[%add3A_25, %dma_wait3A_84] : memref<80000x128xf32, #tpu.memory_space<hbm>> -> memref<125x128xf32, #tpu.memory_space<hbm>>
      %dma_wait3A_86 = arith.constant 0 : i32
      %dma_wait3A_87 = tpu.memref_slice %arg6[%add3A_25, %dma_wait3A_86] : memref<80000x128xf32, #tpu.memory_space<hbm>> -> memref<125x128xf32, #tpu.memory_space<hbm>>
      tpu.wait_dma2 semaphore(%arg12 : memref<!tpu.dma_semaphore, #tpu.memory_space<semaphore_mem>>) src(%arg10 : memref<125x128xf32, #tpu.memory_space<vmem>>) dst(%dma_wait3A_87 : memref<125x128xf32, #tpu.memory_space<hbm>>)
    }
    %scan3A_8 = arith.constant 10 : i32
    return
  }
}

#map = affine_map<(d0, d1) -> (0, 0)>
module attributes {stable_mosaic.version = 14 : i64} {
  func.func @gather_sum_p2(%arg0: i32, %arg1: i32, %arg2: memref<10000x128xf32, #tpu.memory_space<hbm>>, %arg3: memref<10000x128xf32, #tpu.memory_space<hbm>>, %arg4: memref<2560x125xi32, #tpu.memory_space<hbm>>, %arg5: memref<2560x125xi32, #tpu.memory_space<hbm>>, %arg6: memref<80000x128xf32, #tpu.memory_space<hbm>>, %arg7: memref<20x125xi32, #tpu.memory_space<vmem>>, %arg8: memref<20x125xi32, #tpu.memory_space<vmem>>, %arg9: memref<125x128xf32, #tpu.memory_space<vmem>>, %arg10: memref<125x128xf32, #tpu.memory_space<vmem>>, %arg11: memref<!tpu.dma_semaphore, #tpu.memory_space<semaphore_mem>>, %arg12: memref<!tpu.dma_semaphore, #tpu.memory_space<semaphore_mem>>) attributes {dimension_semantics = [#tpu.dimension_semantics<core_parallel>, #tpu.dimension_semantics<subcore_parallel>], iteration_bounds = array<i64: 2, 16>, scalar_prefetch = 0 : i64, scratch_operands = 6 : i64, tpu.core_type = #tpu.core_type<sc_vector_subcore>, window_params = [{transform_indices = #map}, {transform_indices = #map}, {transform_indices = #map}, {transform_indices = #map}, {transform_indices = #map}]} {
    %mul3A = arith.constant 16 : i32
    %mul3A_0 = arith.muli %arg0, %mul3A : i32
    %add3A = arith.addi %mul3A_0, %arg1 : i32
    %mul3A_1 = arith.constant 20 : i32
    %mul3A_2 = arith.muli %add3A, %mul3A_1 : i32
    %add3A_3 = arith.constant 1280 : i32
    %add3A_4 = arith.addi %add3A_3, %mul3A_2 : i32
    "tpu.region"() ({
      %run_scoped3A = tpu.sem_alloc : memref<!tpu.dma_semaphore, #tpu.memory_space<semaphore_mem>>
      %dma_start3A = arith.constant 0 : i32
      %dma_start3A_9 = tpu.memref_slice %arg4[%add3A_4, %dma_start3A] : memref<2560x125xi32, #tpu.memory_space<hbm>> -> memref<20x125xi32, #tpu.memory_space<hbm>>
      %dma_start3A_10 = arith.constant 0 : i32
      %dma_start3A_11 = tpu.memref_slice %arg4[%add3A_4, %dma_start3A_10] : memref<2560x125xi32, #tpu.memory_space<hbm>> -> memref<20x125xi32, #tpu.memory_space<hbm>>
      tpu.enqueue_dma source(%dma_start3A_11 : memref<20x125xi32, #tpu.memory_space<hbm>>) target(%arg7 : memref<20x125xi32, #tpu.memory_space<vmem>>) target_semaphore(%run_scoped3A : memref<!tpu.dma_semaphore, #tpu.memory_space<semaphore_mem>>)
      %dma_wait3A = arith.constant 0 : i32
      %dma_wait3A_12 = tpu.memref_slice %arg4[%add3A_4, %dma_wait3A] : memref<2560x125xi32, #tpu.memory_space<hbm>> -> memref<20x125xi32, #tpu.memory_space<hbm>>
      %dma_wait3A_13 = arith.constant 0 : i32
      %dma_wait3A_14 = tpu.memref_slice %arg4[%add3A_4, %dma_wait3A_13] : memref<2560x125xi32, #tpu.memory_space<hbm>> -> memref<20x125xi32, #tpu.memory_space<hbm>>
      tpu.wait_dma2 semaphore(%run_scoped3A : memref<!tpu.dma_semaphore, #tpu.memory_space<semaphore_mem>>) src(%dma_wait3A_14 : memref<20x125xi32, #tpu.memory_space<hbm>>) dst(%arg7 : memref<20x125xi32, #tpu.memory_space<vmem>>)
      tpu.yield
    }) : () -> ()
    "tpu.region"() ({
      %run_scoped3A = tpu.sem_alloc : memref<!tpu.dma_semaphore, #tpu.memory_space<semaphore_mem>>
      %dma_start3A = arith.constant 0 : i32
      %dma_start3A_9 = tpu.memref_slice %arg5[%add3A_4, %dma_start3A] : memref<2560x125xi32, #tpu.memory_space<hbm>> -> memref<20x125xi32, #tpu.memory_space<hbm>>
      %dma_start3A_10 = arith.constant 0 : i32
      %dma_start3A_11 = tpu.memref_slice %arg5[%add3A_4, %dma_start3A_10] : memref<2560x125xi32, #tpu.memory_space<hbm>> -> memref<20x125xi32, #tpu.memory_space<hbm>>
      tpu.enqueue_dma source(%dma_start3A_11 : memref<20x125xi32, #tpu.memory_space<hbm>>) target(%arg8 : memref<20x125xi32, #tpu.memory_space<vmem>>) target_semaphore(%run_scoped3A : memref<!tpu.dma_semaphore, #tpu.memory_space<semaphore_mem>>)
      %dma_wait3A = arith.constant 0 : i32
      %dma_wait3A_12 = tpu.memref_slice %arg5[%add3A_4, %dma_wait3A] : memref<2560x125xi32, #tpu.memory_space<hbm>> -> memref<20x125xi32, #tpu.memory_space<hbm>>
      %dma_wait3A_13 = arith.constant 0 : i32
      %dma_wait3A_14 = tpu.memref_slice %arg5[%add3A_4, %dma_wait3A_13] : memref<2560x125xi32, #tpu.memory_space<hbm>> -> memref<20x125xi32, #tpu.memory_space<hbm>>
      tpu.wait_dma2 semaphore(%run_scoped3A : memref<!tpu.dma_semaphore, #tpu.memory_space<semaphore_mem>>) src(%dma_wait3A_14 : memref<20x125xi32, #tpu.memory_space<hbm>>) dst(%arg8 : memref<20x125xi32, #tpu.memory_space<vmem>>)
      tpu.yield
    }) : () -> ()
    %scan3A = arith.constant 0 : i32
    %scan3A_5 = arith.constant 10 : i32
    %scan3A_6 = arith.addi %scan3A, %scan3A_5 : i32
    %scan3A_7 = arith.constant 1 : i32
    scf.for %scan3A_9 = %scan3A to %scan3A_6 step %scan3A_7  : i32 {
      %mul3A_10 = arith.constant 2 : i32
      %mul3A_11 = arith.muli %mul3A_10, %scan3A_9 : i32
      %mul3A_12 = arith.constant 2 : i32
      %mul3A_13 = arith.muli %mul3A_12, %scan3A_9 : i32
      %add3A_14 = arith.constant 1 : i32
      %add3A_15 = arith.addi %mul3A_13, %add3A_14 : i32
      %mul3A_16 = arith.constant 2500 : i32
      %mul3A_17 = arith.muli %add3A, %mul3A_16 : i32
      %mul3A_18 = arith.constant 125 : i32
      %mul3A_19 = arith.muli %mul3A_11, %mul3A_18 : i32
      %add3A_20 = arith.addi %mul3A_17, %mul3A_19 : i32
      %mul3A_21 = arith.constant 2500 : i32
      %mul3A_22 = arith.muli %add3A, %mul3A_21 : i32
      %mul3A_23 = arith.constant 125 : i32
      %mul3A_24 = arith.muli %add3A_15, %mul3A_23 : i32
      %add3A_25 = arith.addi %mul3A_22, %mul3A_24 : i32
      %dma_start3A = arith.constant 0 : i32
      %dma_start3A_26 = tpu.memref_slice %arg7[%mul3A_11, %dma_start3A] : memref<20x125xi32, #tpu.memory_space<vmem>> -> memref<1x125xi32, #tpu.memory_space<vmem>>
      %dma_start3A_27 = tpu.memref_squeeze %dma_start3A_26 : memref<1x125xi32, #tpu.memory_space<vmem>> -> memref<125xi32, #tpu.memory_space<vmem>>
      %dma_start3A_28 = arith.constant 0 : i32
      %dma_start3A_29 = arith.constant 0 : i32
      %dma_start3A_30 = tpu.memref_slice %arg2[%dma_start3A_28, %dma_start3A_29] : memref<10000x128xf32, #tpu.memory_space<hbm>> -> memref<10000x128xf32, #tpu.memory_space<hbm>>
      tpu.enqueue_indirect_dma source(%dma_start3A_30 : memref<10000x128xf32, #tpu.memory_space<hbm>>) target(%arg9 : memref<125x128xf32, #tpu.memory_space<vmem>>) offsets(%dma_start3A_27 : memref<125xi32, #tpu.memory_space<vmem>>) semaphore(%arg11 : memref<!tpu.dma_semaphore, #tpu.memory_space<semaphore_mem>>)
      %dma_start3A_31 = arith.constant 0 : i32
      %dma_start3A_32 = tpu.memref_slice %arg7[%add3A_15, %dma_start3A_31] : memref<20x125xi32, #tpu.memory_space<vmem>> -> memref<1x125xi32, #tpu.memory_space<vmem>>
      %dma_start3A_33 = tpu.memref_squeeze %dma_start3A_32 : memref<1x125xi32, #tpu.memory_space<vmem>> -> memref<125xi32, #tpu.memory_space<vmem>>
      %dma_start3A_34 = arith.constant 0 : i32
      %dma_start3A_35 = arith.constant 0 : i32
      %dma_start3A_36 = tpu.memref_slice %arg2[%dma_start3A_34, %dma_start3A_35] : memref<10000x128xf32, #tpu.memory_space<hbm>> -> memref<10000x128xf32, #tpu.memory_space<hbm>>
      tpu.enqueue_indirect_dma source(%dma_start3A_36 : memref<10000x128xf32, #tpu.memory_space<hbm>>) target(%arg10 : memref<125x128xf32, #tpu.memory_space<vmem>>) offsets(%dma_start3A_33 : memref<125xi32, #tpu.memory_space<vmem>>) semaphore(%arg12 : memref<!tpu.dma_semaphore, #tpu.memory_space<semaphore_mem>>)
      %dma_wait3A = arith.constant 0 : i32
      %dma_wait3A_37 = tpu.memref_slice %arg7[%mul3A_11, %dma_wait3A] : memref<20x125xi32, #tpu.memory_space<vmem>> -> memref<1x125xi32, #tpu.memory_space<vmem>>
      %dma_wait3A_38 = tpu.memref_squeeze %dma_wait3A_37 : memref<1x125xi32, #tpu.memory_space<vmem>> -> memref<125xi32, #tpu.memory_space<vmem>>
      %dma_wait3A_39 = arith.constant 0 : i32
      %dma_wait3A_40 = arith.constant 0 : i32
      %dma_wait3A_41 = tpu.memref_slice %arg2[%dma_wait3A_39, %dma_wait3A_40] : memref<10000x128xf32, #tpu.memory_space<hbm>> -> memref<10000x128xf32, #tpu.memory_space<hbm>>
      tpu.wait_indirect_dma semaphore(%arg11 : memref<!tpu.dma_semaphore, #tpu.memory_space<semaphore_mem>>) src(%dma_wait3A_41 : memref<10000x128xf32, #tpu.memory_space<hbm>>) dst(%arg9 : memref<125x128xf32, #tpu.memory_space<vmem>>)
      %dma_start3A_42 = arith.constant 0 : i32
      %dma_start3A_43 = tpu.memref_slice %arg8[%mul3A_11, %dma_start3A_42] : memref<20x125xi32, #tpu.memory_space<vmem>> -> memref<1x125xi32, #tpu.memory_space<vmem>>
      %dma_start3A_44 = tpu.memref_squeeze %dma_start3A_43 : memref<1x125xi32, #tpu.memory_space<vmem>> -> memref<125xi32, #tpu.memory_space<vmem>>
      %dma_start3A_45 = arith.constant 0 : i32
      %dma_start3A_46 = arith.constant 0 : i32
      %dma_start3A_47 = tpu.memref_slice %arg3[%dma_start3A_45, %dma_start3A_46] : memref<10000x128xf32, #tpu.memory_space<hbm>> -> memref<10000x128xf32, #tpu.memory_space<hbm>>
      tpu.enqueue_indirect_dma source(%dma_start3A_47 : memref<10000x128xf32, #tpu.memory_space<hbm>>) target(%arg9 : memref<125x128xf32, #tpu.memory_space<vmem>>) offsets(%dma_start3A_44 : memref<125xi32, #tpu.memory_space<vmem>>) semaphore(%arg11 : memref<!tpu.dma_semaphore, #tpu.memory_space<semaphore_mem>>) {add = true}
      %dma_wait3A_48 = arith.constant 0 : i32
      %dma_wait3A_49 = tpu.memref_slice %arg7[%add3A_15, %dma_wait3A_48] : memref<20x125xi32, #tpu.memory_space<vmem>> -> memref<1x125xi32, #tpu.memory_space<vmem>>
      %dma_wait3A_50 = tpu.memref_squeeze %dma_wait3A_49 : memref<1x125xi32, #tpu.memory_space<vmem>> -> memref<125xi32, #tpu.memory_space<vmem>>
      %dma_wait3A_51 = arith.constant 0 : i32
      %dma_wait3A_52 = arith.constant 0 : i32
      %dma_wait3A_53 = tpu.memref_slice %arg2[%dma_wait3A_51, %dma_wait3A_52] : memref<10000x128xf32, #tpu.memory_space<hbm>> -> memref<10000x128xf32, #tpu.memory_space<hbm>>
      tpu.wait_indirect_dma semaphore(%arg12 : memref<!tpu.dma_semaphore, #tpu.memory_space<semaphore_mem>>) src(%dma_wait3A_53 : memref<10000x128xf32, #tpu.memory_space<hbm>>) dst(%arg10 : memref<125x128xf32, #tpu.memory_space<vmem>>)
      %dma_start3A_54 = arith.constant 0 : i32
      %dma_start3A_55 = tpu.memref_slice %arg8[%add3A_15, %dma_start3A_54] : memref<20x125xi32, #tpu.memory_space<vmem>> -> memref<1x125xi32, #tpu.memory_space<vmem>>
      %dma_start3A_56 = tpu.memref_squeeze %dma_start3A_55 : memref<1x125xi32, #tpu.memory_space<vmem>> -> memref<125xi32, #tpu.memory_space<vmem>>
      %dma_start3A_57 = arith.constant 0 : i32
      %dma_start3A_58 = arith.constant 0 : i32
      %dma_start3A_59 = tpu.memref_slice %arg3[%dma_start3A_57, %dma_start3A_58] : memref<10000x128xf32, #tpu.memory_space<hbm>> -> memref<10000x128xf32, #tpu.memory_space<hbm>>
      tpu.enqueue_indirect_dma source(%dma_start3A_59 : memref<10000x128xf32, #tpu.memory_space<hbm>>) target(%arg10 : memref<125x128xf32, #tpu.memory_space<vmem>>) offsets(%dma_start3A_56 : memref<125xi32, #tpu.memory_space<vmem>>) semaphore(%arg12 : memref<!tpu.dma_semaphore, #tpu.memory_space<semaphore_mem>>) {add = true}
      %dma_wait3A_60 = arith.constant 0 : i32
      %dma_wait3A_61 = tpu.memref_slice %arg8[%mul3A_11, %dma_wait3A_60] : memref<20x125xi32, #tpu.memory_space<vmem>> -> memref<1x125xi32, #tpu.memory_space<vmem>>
      %dma_wait3A_62 = tpu.memref_squeeze %dma_wait3A_61 : memref<1x125xi32, #tpu.memory_space<vmem>> -> memref<125xi32, #tpu.memory_space<vmem>>
      %dma_wait3A_63 = arith.constant 0 : i32
      %dma_wait3A_64 = arith.constant 0 : i32
      %dma_wait3A_65 = tpu.memref_slice %arg3[%dma_wait3A_63, %dma_wait3A_64] : memref<10000x128xf32, #tpu.memory_space<hbm>> -> memref<10000x128xf32, #tpu.memory_space<hbm>>
      tpu.wait_indirect_dma semaphore(%arg11 : memref<!tpu.dma_semaphore, #tpu.memory_space<semaphore_mem>>) src(%dma_wait3A_65 : memref<10000x128xf32, #tpu.memory_space<hbm>>) dst(%arg9 : memref<125x128xf32, #tpu.memory_space<vmem>>)
      %dma_start3A_66 = arith.constant 0 : i32
      %dma_start3A_67 = tpu.memref_slice %arg6[%add3A_20, %dma_start3A_66] : memref<80000x128xf32, #tpu.memory_space<hbm>> -> memref<125x128xf32, #tpu.memory_space<hbm>>
      %dma_start3A_68 = arith.constant 0 : i32
      %dma_start3A_69 = tpu.memref_slice %arg6[%add3A_20, %dma_start3A_68] : memref<80000x128xf32, #tpu.memory_space<hbm>> -> memref<125x128xf32, #tpu.memory_space<hbm>>
      tpu.enqueue_dma source(%arg9 : memref<125x128xf32, #tpu.memory_space<vmem>>) target(%dma_start3A_69 : memref<125x128xf32, #tpu.memory_space<hbm>>) target_semaphore(%arg11 : memref<!tpu.dma_semaphore, #tpu.memory_space<semaphore_mem>>)
      %dma_wait3A_70 = arith.constant 0 : i32
      %dma_wait3A_71 = tpu.memref_slice %arg8[%add3A_15, %dma_wait3A_70] : memref<20x125xi32, #tpu.memory_space<vmem>> -> memref<1x125xi32, #tpu.memory_space<vmem>>
      %dma_wait3A_72 = tpu.memref_squeeze %dma_wait3A_71 : memref<1x125xi32, #tpu.memory_space<vmem>> -> memref<125xi32, #tpu.memory_space<vmem>>
      %dma_wait3A_73 = arith.constant 0 : i32
      %dma_wait3A_74 = arith.constant 0 : i32
      %dma_wait3A_75 = tpu.memref_slice %arg3[%dma_wait3A_73, %dma_wait3A_74] : memref<10000x128xf32, #tpu.memory_space<hbm>> -> memref<10000x128xf32, #tpu.memory_space<hbm>>
      tpu.wait_indirect_dma semaphore(%arg12 : memref<!tpu.dma_semaphore, #tpu.memory_space<semaphore_mem>>) src(%dma_wait3A_75 : memref<10000x128xf32, #tpu.memory_space<hbm>>) dst(%arg10 : memref<125x128xf32, #tpu.memory_space<vmem>>)
      %dma_start3A_76 = arith.constant 0 : i32
      %dma_start3A_77 = tpu.memref_slice %arg6[%add3A_25, %dma_start3A_76] : memref<80000x128xf32, #tpu.memory_space<hbm>> -> memref<125x128xf32, #tpu.memory_space<hbm>>
      %dma_start3A_78 = arith.constant 0 : i32
      %dma_start3A_79 = tpu.memref_slice %arg6[%add3A_25, %dma_start3A_78] : memref<80000x128xf32, #tpu.memory_space<hbm>> -> memref<125x128xf32, #tpu.memory_space<hbm>>
      tpu.enqueue_dma source(%arg10 : memref<125x128xf32, #tpu.memory_space<vmem>>) target(%dma_start3A_79 : memref<125x128xf32, #tpu.memory_space<hbm>>) target_semaphore(%arg12 : memref<!tpu.dma_semaphore, #tpu.memory_space<semaphore_mem>>)
      %dma_wait3A_80 = arith.constant 0 : i32
      %dma_wait3A_81 = tpu.memref_slice %arg6[%add3A_20, %dma_wait3A_80] : memref<80000x128xf32, #tpu.memory_space<hbm>> -> memref<125x128xf32, #tpu.memory_space<hbm>>
      %dma_wait3A_82 = arith.constant 0 : i32
      %dma_wait3A_83 = tpu.memref_slice %arg6[%add3A_20, %dma_wait3A_82] : memref<80000x128xf32, #tpu.memory_space<hbm>> -> memref<125x128xf32, #tpu.memory_space<hbm>>
      tpu.wait_dma2 semaphore(%arg11 : memref<!tpu.dma_semaphore, #tpu.memory_space<semaphore_mem>>) src(%arg9 : memref<125x128xf32, #tpu.memory_space<vmem>>) dst(%dma_wait3A_83 : memref<125x128xf32, #tpu.memory_space<hbm>>)
      %dma_wait3A_84 = arith.constant 0 : i32
      %dma_wait3A_85 = tpu.memref_slice %arg6[%add3A_25, %dma_wait3A_84] : memref<80000x128xf32, #tpu.memory_space<hbm>> -> memref<125x128xf32, #tpu.memory_space<hbm>>
      %dma_wait3A_86 = arith.constant 0 : i32
      %dma_wait3A_87 = tpu.memref_slice %arg6[%add3A_25, %dma_wait3A_86] : memref<80000x128xf32, #tpu.memory_space<hbm>> -> memref<125x128xf32, #tpu.memory_space<hbm>>
      tpu.wait_dma2 semaphore(%arg12 : memref<!tpu.dma_semaphore, #tpu.memory_space<semaphore_mem>>) src(%arg10 : memref<125x128xf32, #tpu.memory_space<vmem>>) dst(%dma_wait3A_87 : memref<125x128xf32, #tpu.memory_space<hbm>>)
    }
    %scan3A_8 = arith.constant 10 : i32
    return
  }
}

#map = affine_map<(d0, d1) -> (0, 0)>
module attributes {stable_mosaic.version = 14 : i64} {
  func.func @gather_sum_p3(%arg0: i32, %arg1: i32, %arg2: memref<10000x128xf32, #tpu.memory_space<hbm>>, %arg3: memref<10000x128xf32, #tpu.memory_space<hbm>>, %arg4: memref<2560x125xi32, #tpu.memory_space<hbm>>, %arg5: memref<2560x125xi32, #tpu.memory_space<hbm>>, %arg6: memref<80000x128xf32, #tpu.memory_space<hbm>>, %arg7: memref<20x125xi32, #tpu.memory_space<vmem>>, %arg8: memref<20x125xi32, #tpu.memory_space<vmem>>, %arg9: memref<125x128xf32, #tpu.memory_space<vmem>>, %arg10: memref<125x128xf32, #tpu.memory_space<vmem>>, %arg11: memref<!tpu.dma_semaphore, #tpu.memory_space<semaphore_mem>>, %arg12: memref<!tpu.dma_semaphore, #tpu.memory_space<semaphore_mem>>) attributes {dimension_semantics = [#tpu.dimension_semantics<core_parallel>, #tpu.dimension_semantics<subcore_parallel>], iteration_bounds = array<i64: 2, 16>, scalar_prefetch = 0 : i64, scratch_operands = 6 : i64, tpu.core_type = #tpu.core_type<sc_vector_subcore>, window_params = [{transform_indices = #map}, {transform_indices = #map}, {transform_indices = #map}, {transform_indices = #map}, {transform_indices = #map}]} {
    %mul3A = arith.constant 16 : i32
    %mul3A_0 = arith.muli %arg0, %mul3A : i32
    %add3A = arith.addi %mul3A_0, %arg1 : i32
    %mul3A_1 = arith.constant 20 : i32
    %mul3A_2 = arith.muli %add3A, %mul3A_1 : i32
    %add3A_3 = arith.constant 1920 : i32
    %add3A_4 = arith.addi %add3A_3, %mul3A_2 : i32
    "tpu.region"() ({
      %run_scoped3A = tpu.sem_alloc : memref<!tpu.dma_semaphore, #tpu.memory_space<semaphore_mem>>
      %dma_start3A = arith.constant 0 : i32
      %dma_start3A_9 = tpu.memref_slice %arg4[%add3A_4, %dma_start3A] : memref<2560x125xi32, #tpu.memory_space<hbm>> -> memref<20x125xi32, #tpu.memory_space<hbm>>
      %dma_start3A_10 = arith.constant 0 : i32
      %dma_start3A_11 = tpu.memref_slice %arg4[%add3A_4, %dma_start3A_10] : memref<2560x125xi32, #tpu.memory_space<hbm>> -> memref<20x125xi32, #tpu.memory_space<hbm>>
      tpu.enqueue_dma source(%dma_start3A_11 : memref<20x125xi32, #tpu.memory_space<hbm>>) target(%arg7 : memref<20x125xi32, #tpu.memory_space<vmem>>) target_semaphore(%run_scoped3A : memref<!tpu.dma_semaphore, #tpu.memory_space<semaphore_mem>>)
      %dma_wait3A = arith.constant 0 : i32
      %dma_wait3A_12 = tpu.memref_slice %arg4[%add3A_4, %dma_wait3A] : memref<2560x125xi32, #tpu.memory_space<hbm>> -> memref<20x125xi32, #tpu.memory_space<hbm>>
      %dma_wait3A_13 = arith.constant 0 : i32
      %dma_wait3A_14 = tpu.memref_slice %arg4[%add3A_4, %dma_wait3A_13] : memref<2560x125xi32, #tpu.memory_space<hbm>> -> memref<20x125xi32, #tpu.memory_space<hbm>>
      tpu.wait_dma2 semaphore(%run_scoped3A : memref<!tpu.dma_semaphore, #tpu.memory_space<semaphore_mem>>) src(%dma_wait3A_14 : memref<20x125xi32, #tpu.memory_space<hbm>>) dst(%arg7 : memref<20x125xi32, #tpu.memory_space<vmem>>)
      tpu.yield
    }) : () -> ()
    "tpu.region"() ({
      %run_scoped3A = tpu.sem_alloc : memref<!tpu.dma_semaphore, #tpu.memory_space<semaphore_mem>>
      %dma_start3A = arith.constant 0 : i32
      %dma_start3A_9 = tpu.memref_slice %arg5[%add3A_4, %dma_start3A] : memref<2560x125xi32, #tpu.memory_space<hbm>> -> memref<20x125xi32, #tpu.memory_space<hbm>>
      %dma_start3A_10 = arith.constant 0 : i32
      %dma_start3A_11 = tpu.memref_slice %arg5[%add3A_4, %dma_start3A_10] : memref<2560x125xi32, #tpu.memory_space<hbm>> -> memref<20x125xi32, #tpu.memory_space<hbm>>
      tpu.enqueue_dma source(%dma_start3A_11 : memref<20x125xi32, #tpu.memory_space<hbm>>) target(%arg8 : memref<20x125xi32, #tpu.memory_space<vmem>>) target_semaphore(%run_scoped3A : memref<!tpu.dma_semaphore, #tpu.memory_space<semaphore_mem>>)
      %dma_wait3A = arith.constant 0 : i32
      %dma_wait3A_12 = tpu.memref_slice %arg5[%add3A_4, %dma_wait3A] : memref<2560x125xi32, #tpu.memory_space<hbm>> -> memref<20x125xi32, #tpu.memory_space<hbm>>
      %dma_wait3A_13 = arith.constant 0 : i32
      %dma_wait3A_14 = tpu.memref_slice %arg5[%add3A_4, %dma_wait3A_13] : memref<2560x125xi32, #tpu.memory_space<hbm>> -> memref<20x125xi32, #tpu.memory_space<hbm>>
      tpu.wait_dma2 semaphore(%run_scoped3A : memref<!tpu.dma_semaphore, #tpu.memory_space<semaphore_mem>>) src(%dma_wait3A_14 : memref<20x125xi32, #tpu.memory_space<hbm>>) dst(%arg8 : memref<20x125xi32, #tpu.memory_space<vmem>>)
      tpu.yield
    }) : () -> ()
    %scan3A = arith.constant 0 : i32
    %scan3A_5 = arith.constant 10 : i32
    %scan3A_6 = arith.addi %scan3A, %scan3A_5 : i32
    %scan3A_7 = arith.constant 1 : i32
    scf.for %scan3A_9 = %scan3A to %scan3A_6 step %scan3A_7  : i32 {
      %mul3A_10 = arith.constant 2 : i32
      %mul3A_11 = arith.muli %mul3A_10, %scan3A_9 : i32
      %mul3A_12 = arith.constant 2 : i32
      %mul3A_13 = arith.muli %mul3A_12, %scan3A_9 : i32
      %add3A_14 = arith.constant 1 : i32
      %add3A_15 = arith.addi %mul3A_13, %add3A_14 : i32
      %mul3A_16 = arith.constant 2500 : i32
      %mul3A_17 = arith.muli %add3A, %mul3A_16 : i32
      %mul3A_18 = arith.constant 125 : i32
      %mul3A_19 = arith.muli %mul3A_11, %mul3A_18 : i32
      %add3A_20 = arith.addi %mul3A_17, %mul3A_19 : i32
      %mul3A_21 = arith.constant 2500 : i32
      %mul3A_22 = arith.muli %add3A, %mul3A_21 : i32
      %mul3A_23 = arith.constant 125 : i32
      %mul3A_24 = arith.muli %add3A_15, %mul3A_23 : i32
      %add3A_25 = arith.addi %mul3A_22, %mul3A_24 : i32
      %dma_start3A = arith.constant 0 : i32
      %dma_start3A_26 = tpu.memref_slice %arg7[%mul3A_11, %dma_start3A] : memref<20x125xi32, #tpu.memory_space<vmem>> -> memref<1x125xi32, #tpu.memory_space<vmem>>
      %dma_start3A_27 = tpu.memref_squeeze %dma_start3A_26 : memref<1x125xi32, #tpu.memory_space<vmem>> -> memref<125xi32, #tpu.memory_space<vmem>>
      %dma_start3A_28 = arith.constant 0 : i32
      %dma_start3A_29 = arith.constant 0 : i32
      %dma_start3A_30 = tpu.memref_slice %arg2[%dma_start3A_28, %dma_start3A_29] : memref<10000x128xf32, #tpu.memory_space<hbm>> -> memref<10000x128xf32, #tpu.memory_space<hbm>>
      tpu.enqueue_indirect_dma source(%dma_start3A_30 : memref<10000x128xf32, #tpu.memory_space<hbm>>) target(%arg9 : memref<125x128xf32, #tpu.memory_space<vmem>>) offsets(%dma_start3A_27 : memref<125xi32, #tpu.memory_space<vmem>>) semaphore(%arg11 : memref<!tpu.dma_semaphore, #tpu.memory_space<semaphore_mem>>)
      %dma_start3A_31 = arith.constant 0 : i32
      %dma_start3A_32 = tpu.memref_slice %arg7[%add3A_15, %dma_start3A_31] : memref<20x125xi32, #tpu.memory_space<vmem>> -> memref<1x125xi32, #tpu.memory_space<vmem>>
      %dma_start3A_33 = tpu.memref_squeeze %dma_start3A_32 : memref<1x125xi32, #tpu.memory_space<vmem>> -> memref<125xi32, #tpu.memory_space<vmem>>
      %dma_start3A_34 = arith.constant 0 : i32
      %dma_start3A_35 = arith.constant 0 : i32
      %dma_start3A_36 = tpu.memref_slice %arg2[%dma_start3A_34, %dma_start3A_35] : memref<10000x128xf32, #tpu.memory_space<hbm>> -> memref<10000x128xf32, #tpu.memory_space<hbm>>
      tpu.enqueue_indirect_dma source(%dma_start3A_36 : memref<10000x128xf32, #tpu.memory_space<hbm>>) target(%arg10 : memref<125x128xf32, #tpu.memory_space<vmem>>) offsets(%dma_start3A_33 : memref<125xi32, #tpu.memory_space<vmem>>) semaphore(%arg12 : memref<!tpu.dma_semaphore, #tpu.memory_space<semaphore_mem>>)
      %dma_wait3A = arith.constant 0 : i32
      %dma_wait3A_37 = tpu.memref_slice %arg7[%mul3A_11, %dma_wait3A] : memref<20x125xi32, #tpu.memory_space<vmem>> -> memref<1x125xi32, #tpu.memory_space<vmem>>
      %dma_wait3A_38 = tpu.memref_squeeze %dma_wait3A_37 : memref<1x125xi32, #tpu.memory_space<vmem>> -> memref<125xi32, #tpu.memory_space<vmem>>
      %dma_wait3A_39 = arith.constant 0 : i32
      %dma_wait3A_40 = arith.constant 0 : i32
      %dma_wait3A_41 = tpu.memref_slice %arg2[%dma_wait3A_39, %dma_wait3A_40] : memref<10000x128xf32, #tpu.memory_space<hbm>> -> memref<10000x128xf32, #tpu.memory_space<hbm>>
      tpu.wait_indirect_dma semaphore(%arg11 : memref<!tpu.dma_semaphore, #tpu.memory_space<semaphore_mem>>) src(%dma_wait3A_41 : memref<10000x128xf32, #tpu.memory_space<hbm>>) dst(%arg9 : memref<125x128xf32, #tpu.memory_space<vmem>>)
      %dma_start3A_42 = arith.constant 0 : i32
      %dma_start3A_43 = tpu.memref_slice %arg8[%mul3A_11, %dma_start3A_42] : memref<20x125xi32, #tpu.memory_space<vmem>> -> memref<1x125xi32, #tpu.memory_space<vmem>>
      %dma_start3A_44 = tpu.memref_squeeze %dma_start3A_43 : memref<1x125xi32, #tpu.memory_space<vmem>> -> memref<125xi32, #tpu.memory_space<vmem>>
      %dma_start3A_45 = arith.constant 0 : i32
      %dma_start3A_46 = arith.constant 0 : i32
      %dma_start3A_47 = tpu.memref_slice %arg3[%dma_start3A_45, %dma_start3A_46] : memref<10000x128xf32, #tpu.memory_space<hbm>> -> memref<10000x128xf32, #tpu.memory_space<hbm>>
      tpu.enqueue_indirect_dma source(%dma_start3A_47 : memref<10000x128xf32, #tpu.memory_space<hbm>>) target(%arg9 : memref<125x128xf32, #tpu.memory_space<vmem>>) offsets(%dma_start3A_44 : memref<125xi32, #tpu.memory_space<vmem>>) semaphore(%arg11 : memref<!tpu.dma_semaphore, #tpu.memory_space<semaphore_mem>>) {add = true}
      %dma_wait3A_48 = arith.constant 0 : i32
      %dma_wait3A_49 = tpu.memref_slice %arg7[%add3A_15, %dma_wait3A_48] : memref<20x125xi32, #tpu.memory_space<vmem>> -> memref<1x125xi32, #tpu.memory_space<vmem>>
      %dma_wait3A_50 = tpu.memref_squeeze %dma_wait3A_49 : memref<1x125xi32, #tpu.memory_space<vmem>> -> memref<125xi32, #tpu.memory_space<vmem>>
      %dma_wait3A_51 = arith.constant 0 : i32
      %dma_wait3A_52 = arith.constant 0 : i32
      %dma_wait3A_53 = tpu.memref_slice %arg2[%dma_wait3A_51, %dma_wait3A_52] : memref<10000x128xf32, #tpu.memory_space<hbm>> -> memref<10000x128xf32, #tpu.memory_space<hbm>>
      tpu.wait_indirect_dma semaphore(%arg12 : memref<!tpu.dma_semaphore, #tpu.memory_space<semaphore_mem>>) src(%dma_wait3A_53 : memref<10000x128xf32, #tpu.memory_space<hbm>>) dst(%arg10 : memref<125x128xf32, #tpu.memory_space<vmem>>)
      %dma_start3A_54 = arith.constant 0 : i32
      %dma_start3A_55 = tpu.memref_slice %arg8[%add3A_15, %dma_start3A_54] : memref<20x125xi32, #tpu.memory_space<vmem>> -> memref<1x125xi32, #tpu.memory_space<vmem>>
      %dma_start3A_56 = tpu.memref_squeeze %dma_start3A_55 : memref<1x125xi32, #tpu.memory_space<vmem>> -> memref<125xi32, #tpu.memory_space<vmem>>
      %dma_start3A_57 = arith.constant 0 : i32
      %dma_start3A_58 = arith.constant 0 : i32
      %dma_start3A_59 = tpu.memref_slice %arg3[%dma_start3A_57, %dma_start3A_58] : memref<10000x128xf32, #tpu.memory_space<hbm>> -> memref<10000x128xf32, #tpu.memory_space<hbm>>
      tpu.enqueue_indirect_dma source(%dma_start3A_59 : memref<10000x128xf32, #tpu.memory_space<hbm>>) target(%arg10 : memref<125x128xf32, #tpu.memory_space<vmem>>) offsets(%dma_start3A_56 : memref<125xi32, #tpu.memory_space<vmem>>) semaphore(%arg12 : memref<!tpu.dma_semaphore, #tpu.memory_space<semaphore_mem>>) {add = true}
      %dma_wait3A_60 = arith.constant 0 : i32
      %dma_wait3A_61 = tpu.memref_slice %arg8[%mul3A_11, %dma_wait3A_60] : memref<20x125xi32, #tpu.memory_space<vmem>> -> memref<1x125xi32, #tpu.memory_space<vmem>>
      %dma_wait3A_62 = tpu.memref_squeeze %dma_wait3A_61 : memref<1x125xi32, #tpu.memory_space<vmem>> -> memref<125xi32, #tpu.memory_space<vmem>>
      %dma_wait3A_63 = arith.constant 0 : i32
      %dma_wait3A_64 = arith.constant 0 : i32
      %dma_wait3A_65 = tpu.memref_slice %arg3[%dma_wait3A_63, %dma_wait3A_64] : memref<10000x128xf32, #tpu.memory_space<hbm>> -> memref<10000x128xf32, #tpu.memory_space<hbm>>
      tpu.wait_indirect_dma semaphore(%arg11 : memref<!tpu.dma_semaphore, #tpu.memory_space<semaphore_mem>>) src(%dma_wait3A_65 : memref<10000x128xf32, #tpu.memory_space<hbm>>) dst(%arg9 : memref<125x128xf32, #tpu.memory_space<vmem>>)
      %dma_start3A_66 = arith.constant 0 : i32
      %dma_start3A_67 = tpu.memref_slice %arg6[%add3A_20, %dma_start3A_66] : memref<80000x128xf32, #tpu.memory_space<hbm>> -> memref<125x128xf32, #tpu.memory_space<hbm>>
      %dma_start3A_68 = arith.constant 0 : i32
      %dma_start3A_69 = tpu.memref_slice %arg6[%add3A_20, %dma_start3A_68] : memref<80000x128xf32, #tpu.memory_space<hbm>> -> memref<125x128xf32, #tpu.memory_space<hbm>>
      tpu.enqueue_dma source(%arg9 : memref<125x128xf32, #tpu.memory_space<vmem>>) target(%dma_start3A_69 : memref<125x128xf32, #tpu.memory_space<hbm>>) target_semaphore(%arg11 : memref<!tpu.dma_semaphore, #tpu.memory_space<semaphore_mem>>)
      %dma_wait3A_70 = arith.constant 0 : i32
      %dma_wait3A_71 = tpu.memref_slice %arg8[%add3A_15, %dma_wait3A_70] : memref<20x125xi32, #tpu.memory_space<vmem>> -> memref<1x125xi32, #tpu.memory_space<vmem>>
      %dma_wait3A_72 = tpu.memref_squeeze %dma_wait3A_71 : memref<1x125xi32, #tpu.memory_space<vmem>> -> memref<125xi32, #tpu.memory_space<vmem>>
      %dma_wait3A_73 = arith.constant 0 : i32
      %dma_wait3A_74 = arith.constant 0 : i32
      %dma_wait3A_75 = tpu.memref_slice %arg3[%dma_wait3A_73, %dma_wait3A_74] : memref<10000x128xf32, #tpu.memory_space<hbm>> -> memref<10000x128xf32, #tpu.memory_space<hbm>>
      tpu.wait_indirect_dma semaphore(%arg12 : memref<!tpu.dma_semaphore, #tpu.memory_space<semaphore_mem>>) src(%dma_wait3A_75 : memref<10000x128xf32, #tpu.memory_space<hbm>>) dst(%arg10 : memref<125x128xf32, #tpu.memory_space<vmem>>)
      %dma_start3A_76 = arith.constant 0 : i32
      %dma_start3A_77 = tpu.memref_slice %arg6[%add3A_25, %dma_start3A_76] : memref<80000x128xf32, #tpu.memory_space<hbm>> -> memref<125x128xf32, #tpu.memory_space<hbm>>
      %dma_start3A_78 = arith.constant 0 : i32
      %dma_start3A_79 = tpu.memref_slice %arg6[%add3A_25, %dma_start3A_78] : memref<80000x128xf32, #tpu.memory_space<hbm>> -> memref<125x128xf32, #tpu.memory_space<hbm>>
      tpu.enqueue_dma source(%arg10 : memref<125x128xf32, #tpu.memory_space<vmem>>) target(%dma_start3A_79 : memref<125x128xf32, #tpu.memory_space<hbm>>) target_semaphore(%arg12 : memref<!tpu.dma_semaphore, #tpu.memory_space<semaphore_mem>>)
      %dma_wait3A_80 = arith.constant 0 : i32
      %dma_wait3A_81 = tpu.memref_slice %arg6[%add3A_20, %dma_wait3A_80] : memref<80000x128xf32, #tpu.memory_space<hbm>> -> memref<125x128xf32, #tpu.memory_space<hbm>>
      %dma_wait3A_82 = arith.constant 0 : i32
      %dma_wait3A_83 = tpu.memref_slice %arg6[%add3A_20, %dma_wait3A_82] : memref<80000x128xf32, #tpu.memory_space<hbm>> -> memref<125x128xf32, #tpu.memory_space<hbm>>
      tpu.wait_dma2 semaphore(%arg11 : memref<!tpu.dma_semaphore, #tpu.memory_space<semaphore_mem>>) src(%arg9 : memref<125x128xf32, #tpu.memory_space<vmem>>) dst(%dma_wait3A_83 : memref<125x128xf32, #tpu.memory_space<hbm>>)
      %dma_wait3A_84 = arith.constant 0 : i32
      %dma_wait3A_85 = tpu.memref_slice %arg6[%add3A_25, %dma_wait3A_84] : memref<80000x128xf32, #tpu.memory_space<hbm>> -> memref<125x128xf32, #tpu.memory_space<hbm>>
      %dma_wait3A_86 = arith.constant 0 : i32
      %dma_wait3A_87 = tpu.memref_slice %arg6[%add3A_25, %dma_wait3A_86] : memref<80000x128xf32, #tpu.memory_space<hbm>> -> memref<125x128xf32, #tpu.memory_space<hbm>>
      tpu.wait_dma2 semaphore(%arg12 : memref<!tpu.dma_semaphore, #tpu.memory_space<semaphore_mem>>) src(%arg10 : memref<125x128xf32, #tpu.memory_space<vmem>>) dst(%dma_wait3A_87 : memref<125x128xf32, #tpu.memory_space<hbm>>)
    }
    %scan3A_8 = arith.constant 10 : i32
    return
  }
}

#map = affine_map<(d0, d1) -> (0, 0)>
#map1 = affine_map<(d0, d1) -> (0, 0, 0)>
module attributes {stable_mosaic.version = 14 : i64} {
  func.func @scatter_add_d0(%arg0: i32, %arg1: i32, %arg2: memref<80000x128xf32, #tpu.memory_space<hbm>>, %arg3: memref<80000x128xf32, #tpu.memory_space<hbm>>, %arg4: memref<2560x125xi32, #tpu.memory_space<hbm>>, %arg5: memref<10000x128xf32, #tpu.memory_space<hbm>>, %arg6: memref<10000x16xf32, #tpu.memory_space<hbm>>, %arg7: memref<125x16xf32, #tpu.memory_space<hbm>>, %arg8: memref<2x10000x128xf32, #tpu.memory_space<hbm>>, %arg9: memref<2x10000x16xf32, #tpu.memory_space<hbm>>, %arg10: memref<10000x128xf32, #tpu.memory_space<vmem_shared>>, %arg11: memref<10000x16xf32, #tpu.memory_space<vmem_shared>>, %arg12: memref<20x125xi32, #tpu.memory_space<vmem>>, %arg13: memref<125x128xf32, #tpu.memory_space<vmem>>, %arg14: memref<125x128xf32, #tpu.memory_space<vmem>>, %arg15: memref<125x16xf32, #tpu.memory_space<vmem>>, %arg16: memref<!tpu.dma_semaphore, #tpu.memory_space<semaphore_mem>>, %arg17: memref<!tpu.dma_semaphore, #tpu.memory_space<semaphore_mem>>, %arg18: memref<!tpu.dma_semaphore, #tpu.memory_space<semaphore_mem>>) attributes {dimension_semantics = [#tpu.dimension_semantics<core_parallel>, #tpu.dimension_semantics<subcore_parallel>], iteration_bounds = array<i64: 2, 16>, scalar_prefetch = 0 : i64, scratch_operands = 9 : i64, tpu.core_type = #tpu.core_type<sc_vector_subcore>, window_params = [{transform_indices = #map}, {transform_indices = #map}, {transform_indices = #map}, {transform_indices = #map}, {transform_indices = #map}, {transform_indices = #map}, {transform_indices = #map1}, {transform_indices = #map1}]} {
    %mul3A = arith.constant 16 : i32
    %mul3A_0 = arith.muli %arg0, %mul3A : i32
    %add3A = arith.addi %mul3A_0, %arg1 : i32
    %mul3A_1 = arith.constant 625 : i32
    %mul3A_2 = arith.muli %arg1, %mul3A_1 : i32
    %mul3A_3 = arith.constant 625 : i32
    %mul3A_4 = arith.muli %arg1, %mul3A_3 : i32
    "tpu.region"() ({
      %run_scoped3A = tpu.sem_alloc : memref<!tpu.dma_semaphore, #tpu.memory_space<semaphore_mem>>
      %dma_start3A = arith.constant 0 : i32
      %dma_start3A_28 = tpu.memref_slice %arg10[%mul3A_4, %dma_start3A] : memref<10000x128xf32, #tpu.memory_space<vmem_shared>> -> memref<625x128xf32, #tpu.memory_space<vmem_shared>>
      %dma_start3A_29 = arith.constant 0 : i32
      %dma_start3A_30 = tpu.memref_slice %arg5[%mul3A_2, %dma_start3A_29] : memref<10000x128xf32, #tpu.memory_space<hbm>> -> memref<625x128xf32, #tpu.memory_space<hbm>>
      tpu.enqueue_dma source(%dma_start3A_30 : memref<625x128xf32, #tpu.memory_space<hbm>>) target(%dma_start3A_28 : memref<625x128xf32, #tpu.memory_space<vmem_shared>>) target_semaphore(%run_scoped3A : memref<!tpu.dma_semaphore, #tpu.memory_space<semaphore_mem>>)
      %dma_wait3A = arith.constant 0 : i32
      %dma_wait3A_31 = tpu.memref_slice %arg10[%mul3A_4, %dma_wait3A] : memref<10000x128xf32, #tpu.memory_space<vmem_shared>> -> memref<625x128xf32, #tpu.memory_space<vmem_shared>>
      %dma_wait3A_32 = arith.constant 0 : i32
      %dma_wait3A_33 = tpu.memref_slice %arg5[%mul3A_2, %dma_wait3A_32] : memref<10000x128xf32, #tpu.memory_space<hbm>> -> memref<625x128xf32, #tpu.memory_space<hbm>>
      tpu.wait_dma2 semaphore(%run_scoped3A : memref<!tpu.dma_semaphore, #tpu.memory_space<semaphore_mem>>) src(%dma_wait3A_33 : memref<625x128xf32, #tpu.memory_space<hbm>>) dst(%dma_wait3A_31 : memref<625x128xf32, #tpu.memory_space<vmem_shared>>)
      tpu.yield
    }) : () -> ()
    %mul3A_5 = arith.constant 625 : i32
    %mul3A_6 = arith.muli %arg1, %mul3A_5 : i32
    %mul3A_7 = arith.constant 625 : i32
    %mul3A_8 = arith.muli %arg1, %mul3A_7 : i32
    "tpu.region"() ({
      %run_scoped3A = tpu.sem_alloc : memref<!tpu.dma_semaphore, #tpu.memory_space<semaphore_mem>>
      %dma_start3A = arith.constant 0 : i32
      %dma_start3A_28 = tpu.memref_slice %arg11[%mul3A_8, %dma_start3A] : memref<10000x16xf32, #tpu.memory_space<vmem_shared>> -> memref<625x16xf32, #tpu.memory_space<vmem_shared>>
      %dma_start3A_29 = arith.constant 0 : i32
      %dma_start3A_30 = tpu.memref_slice %arg6[%mul3A_6, %dma_start3A_29] : memref<10000x16xf32, #tpu.memory_space<hbm>> -> memref<625x16xf32, #tpu.memory_space<hbm>>
      tpu.enqueue_dma source(%dma_start3A_30 : memref<625x16xf32, #tpu.memory_space<hbm>>) target(%dma_start3A_28 : memref<625x16xf32, #tpu.memory_space<vmem_shared>>) target_semaphore(%run_scoped3A : memref<!tpu.dma_semaphore, #tpu.memory_space<semaphore_mem>>)
      %dma_wait3A = arith.constant 0 : i32
      %dma_wait3A_31 = tpu.memref_slice %arg11[%mul3A_8, %dma_wait3A] : memref<10000x16xf32, #tpu.memory_space<vmem_shared>> -> memref<625x16xf32, #tpu.memory_space<vmem_shared>>
      %dma_wait3A_32 = arith.constant 0 : i32
      %dma_wait3A_33 = tpu.memref_slice %arg6[%mul3A_6, %dma_wait3A_32] : memref<10000x16xf32, #tpu.memory_space<hbm>> -> memref<625x16xf32, #tpu.memory_space<hbm>>
      tpu.wait_dma2 semaphore(%run_scoped3A : memref<!tpu.dma_semaphore, #tpu.memory_space<semaphore_mem>>) src(%dma_wait3A_33 : memref<625x16xf32, #tpu.memory_space<hbm>>) dst(%dma_wait3A_31 : memref<625x16xf32, #tpu.memory_space<vmem_shared>>)
      tpu.yield
    }) : () -> ()
    "tpu.region"() ({
      %run_scoped3A = tpu.sem_alloc : memref<!tpu.dma_semaphore, #tpu.memory_space<semaphore_mem>>
      tpu.enqueue_dma source(%arg7 : memref<125x16xf32, #tpu.memory_space<hbm>>) target(%arg15 : memref<125x16xf32, #tpu.memory_space<vmem>>) target_semaphore(%run_scoped3A : memref<!tpu.dma_semaphore, #tpu.memory_space<semaphore_mem>>)
      tpu.wait_dma2 semaphore(%run_scoped3A : memref<!tpu.dma_semaphore, #tpu.memory_space<semaphore_mem>>) src(%arg7 : memref<125x16xf32, #tpu.memory_space<hbm>>) dst(%arg15 : memref<125x16xf32, #tpu.memory_space<vmem>>)
      tpu.yield
    }) : () -> ()
    %barrier3A = arith.constant 0 : index
    tpu.barrier barrier_id(%barrier3A)
    %mul3A_9 = arith.constant 20 : i32
    %mul3A_10 = arith.muli %add3A, %mul3A_9 : i32
    %add3A_11 = arith.constant 0 : i32
    %add3A_12 = arith.addi %add3A_11, %mul3A_10 : i32
    %add3A_13 = arith.constant 0 : i32
    %add3A_14 = arith.addi %add3A_12, %add3A_13 : i32
    "tpu.region"() ({
      %run_scoped3A = tpu.sem_alloc : memref<!tpu.dma_semaphore, #tpu.memory_space<semaphore_mem>>
      %dma_start3A = arith.constant 0 : i32
      %dma_start3A_28 = tpu.memref_slice %arg4[%add3A_14, %dma_start3A] : memref<2560x125xi32, #tpu.memory_space<hbm>> -> memref<20x125xi32, #tpu.memory_space<hbm>>
      %dma_start3A_29 = arith.constant 0 : i32
      %dma_start3A_30 = tpu.memref_slice %arg4[%add3A_14, %dma_start3A_29] : memref<2560x125xi32, #tpu.memory_space<hbm>> -> memref<20x125xi32, #tpu.memory_space<hbm>>
      tpu.enqueue_dma source(%dma_start3A_30 : memref<20x125xi32, #tpu.memory_space<hbm>>) target(%arg12 : memref<20x125xi32, #tpu.memory_space<vmem>>) target_semaphore(%run_scoped3A : memref<!tpu.dma_semaphore, #tpu.memory_space<semaphore_mem>>)
      %dma_wait3A = arith.constant 0 : i32
      %dma_wait3A_31 = tpu.memref_slice %arg4[%add3A_14, %dma_wait3A] : memref<2560x125xi32, #tpu.memory_space<hbm>> -> memref<20x125xi32, #tpu.memory_space<hbm>>
      %dma_wait3A_32 = arith.constant 0 : i32
      %dma_wait3A_33 = tpu.memref_slice %arg4[%add3A_14, %dma_wait3A_32] : memref<2560x125xi32, #tpu.memory_space<hbm>> -> memref<20x125xi32, #tpu.memory_space<hbm>>
      tpu.wait_dma2 semaphore(%run_scoped3A : memref<!tpu.dma_semaphore, #tpu.memory_space<semaphore_mem>>) src(%dma_wait3A_33 : memref<20x125xi32, #tpu.memory_space<hbm>>) dst(%arg12 : memref<20x125xi32, #tpu.memory_space<vmem>>)
      tpu.yield
    }) : () -> ()
    %scan3A = arith.constant 0 : i32
    %scan3A_15 = arith.constant 10 : i32
    %scan3A_16 = arith.addi %scan3A, %scan3A_15 : i32
    %scan3A_17 = arith.constant 1 : i32
    scf.for %scan3A_28 = %scan3A to %scan3A_16 step %scan3A_17  : i32 {
      %mul3A_29 = arith.constant 2 : i32
      %mul3A_30 = arith.muli %mul3A_29, %scan3A_28 : i32
      %add3A_31 = arith.constant 1 : i32
      %add3A_32 = arith.addi %mul3A_30, %add3A_31 : i32
      %mul3A_33 = arith.constant 2500 : i32
      %mul3A_34 = arith.muli %add3A, %mul3A_33 : i32
      %mul3A_35 = arith.constant 2 : i32
      %mul3A_36 = arith.muli %mul3A_35, %scan3A_28 : i32
      %add3A_37 = arith.constant 0 : i32
      %add3A_38 = arith.addi %add3A_37, %mul3A_36 : i32
      %mul3A_39 = arith.constant 125 : i32
      %mul3A_40 = arith.muli %add3A_38, %mul3A_39 : i32
      %add3A_41 = arith.addi %mul3A_34, %mul3A_40 : i32
      %add3A_42 = arith.constant 125 : i32
      %add3A_43 = arith.addi %add3A_41, %add3A_42 : i32
      %dma_start3A = arith.constant 0 : i32
      %dma_start3A_44 = tpu.memref_slice %arg2[%add3A_41, %dma_start3A] : memref<80000x128xf32, #tpu.memory_space<hbm>> -> memref<125x128xf32, #tpu.memory_space<hbm>>
      %dma_start3A_45 = arith.constant 0 : i32
      %dma_start3A_46 = tpu.memref_slice %arg2[%add3A_41, %dma_start3A_45] : memref<80000x128xf32, #tpu.memory_space<hbm>> -> memref<125x128xf32, #tpu.memory_space<hbm>>
      tpu.enqueue_dma source(%dma_start3A_46 : memref<125x128xf32, #tpu.memory_space<hbm>>) target(%arg13 : memref<125x128xf32, #tpu.memory_space<vmem>>) target_semaphore(%arg16 : memref<!tpu.dma_semaphore, #tpu.memory_space<semaphore_mem>>)
      %dma_start3A_47 = arith.constant 0 : i32
      %dma_start3A_48 = tpu.memref_slice %arg2[%add3A_43, %dma_start3A_47] : memref<80000x128xf32, #tpu.memory_space<hbm>> -> memref<125x128xf32, #tpu.memory_space<hbm>>
      %dma_start3A_49 = arith.constant 0 : i32
      %dma_start3A_50 = tpu.memref_slice %arg2[%add3A_43, %dma_start3A_49] : memref<80000x128xf32, #tpu.memory_space<hbm>> -> memref<125x128xf32, #tpu.memory_space<hbm>>
      tpu.enqueue_dma source(%dma_start3A_50 : memref<125x128xf32, #tpu.memory_space<hbm>>) target(%arg14 : memref<125x128xf32, #tpu.memory_space<vmem>>) target_semaphore(%arg17 : memref<!tpu.dma_semaphore, #tpu.memory_space<semaphore_mem>>)
      %dma_start3A_51 = arith.constant 0 : i32
      %dma_start3A_52 = tpu.memref_slice %arg12[%mul3A_30, %dma_start3A_51] : memref<20x125xi32, #tpu.memory_space<vmem>> -> memref<1x125xi32, #tpu.memory_space<vmem>>
      %dma_start3A_53 = tpu.memref_squeeze %dma_start3A_52 : memref<1x125xi32, #tpu.memory_space<vmem>> -> memref<125xi32, #tpu.memory_space<vmem>>
      %dma_start3A_54 = arith.constant 0 : i32
      %dma_start3A_55 = arith.constant 0 : i32
      %dma_start3A_56 = tpu.memref_slice %arg11[%dma_start3A_54, %dma_start3A_55] : memref<10000x16xf32, #tpu.memory_space<vmem_shared>> -> memref<10000x16xf32, #tpu.memory_space<vmem_shared>>
      tpu.enqueue_indirect_dma source(%arg15 : memref<125x16xf32, #tpu.memory_space<vmem>>) target(%dma_start3A_56 : memref<10000x16xf32, #tpu.memory_space<vmem_shared>>) offsets(%dma_start3A_53 : memref<125xi32, #tpu.memory_space<vmem>>) semaphore(%arg18 : memref<!tpu.dma_semaphore, #tpu.memory_space<semaphore_mem>>) {add = true}
      %dma_start3A_57 = arith.constant 0 : i32
      %dma_start3A_58 = tpu.memref_slice %arg12[%add3A_32, %dma_start3A_57] : memref<20x125xi32, #tpu.memory_space<vmem>> -> memref<1x125xi32, #tpu.memory_space<vmem>>
      %dma_start3A_59 = tpu.memref_squeeze %dma_start3A_58 : memref<1x125xi32, #tpu.memory_space<vmem>> -> memref<125xi32, #tpu.memory_space<vmem>>
      %dma_start3A_60 = arith.constant 0 : i32
      %dma_start3A_61 = arith.constant 0 : i32
      %dma_start3A_62 = tpu.memref_slice %arg11[%dma_start3A_60, %dma_start3A_61] : memref<10000x16xf32, #tpu.memory_space<vmem_shared>> -> memref<10000x16xf32, #tpu.memory_space<vmem_shared>>
      tpu.enqueue_indirect_dma source(%arg15 : memref<125x16xf32, #tpu.memory_space<vmem>>) target(%dma_start3A_62 : memref<10000x16xf32, #tpu.memory_space<vmem_shared>>) offsets(%dma_start3A_59 : memref<125xi32, #tpu.memory_space<vmem>>) semaphore(%arg18 : memref<!tpu.dma_semaphore, #tpu.memory_space<semaphore_mem>>) {add = true}
      %dma_wait3A = arith.constant 0 : i32
      %dma_wait3A_63 = tpu.memref_slice %arg2[%add3A_41, %dma_wait3A] : memref<80000x128xf32, #tpu.memory_space<hbm>> -> memref<125x128xf32, #tpu.memory_space<hbm>>
      %dma_wait3A_64 = arith.constant 0 : i32
      %dma_wait3A_65 = tpu.memref_slice %arg2[%add3A_41, %dma_wait3A_64] : memref<80000x128xf32, #tpu.memory_space<hbm>> -> memref<125x128xf32, #tpu.memory_space<hbm>>
      tpu.wait_dma2 semaphore(%arg16 : memref<!tpu.dma_semaphore, #tpu.memory_space<semaphore_mem>>) src(%dma_wait3A_65 : memref<125x128xf32, #tpu.memory_space<hbm>>) dst(%arg13 : memref<125x128xf32, #tpu.memory_space<vmem>>)
      %dma_start3A_66 = arith.constant 0 : i32
      %dma_start3A_67 = tpu.memref_slice %arg12[%mul3A_30, %dma_start3A_66] : memref<20x125xi32, #tpu.memory_space<vmem>> -> memref<1x125xi32, #tpu.memory_space<vmem>>
      %dma_start3A_68 = tpu.memref_squeeze %dma_start3A_67 : memref<1x125xi32, #tpu.memory_space<vmem>> -> memref<125xi32, #tpu.memory_space<vmem>>
      %dma_start3A_69 = arith.constant 0 : i32
      %dma_start3A_70 = arith.constant 0 : i32
      %dma_start3A_71 = tpu.memref_slice %arg10[%dma_start3A_69, %dma_start3A_70] : memref<10000x128xf32, #tpu.memory_space<vmem_shared>> -> memref<10000x128xf32, #tpu.memory_space<vmem_shared>>
      tpu.enqueue_indirect_dma source(%arg13 : memref<125x128xf32, #tpu.memory_space<vmem>>) target(%dma_start3A_71 : memref<10000x128xf32, #tpu.memory_space<vmem_shared>>) offsets(%dma_start3A_68 : memref<125xi32, #tpu.memory_space<vmem>>) semaphore(%arg16 : memref<!tpu.dma_semaphore, #tpu.memory_space<semaphore_mem>>) {add = true}
      %dma_wait3A_72 = arith.constant 0 : i32
      %dma_wait3A_73 = tpu.memref_slice %arg2[%add3A_43, %dma_wait3A_72] : memref<80000x128xf32, #tpu.memory_space<hbm>> -> memref<125x128xf32, #tpu.memory_space<hbm>>
      %dma_wait3A_74 = arith.constant 0 : i32
      %dma_wait3A_75 = tpu.memref_slice %arg2[%add3A_43, %dma_wait3A_74] : memref<80000x128xf32, #tpu.memory_space<hbm>> -> memref<125x128xf32, #tpu.memory_space<hbm>>
      tpu.wait_dma2 semaphore(%arg17 : memref<!tpu.dma_semaphore, #tpu.memory_space<semaphore_mem>>) src(%dma_wait3A_75 : memref<125x128xf32, #tpu.memory_space<hbm>>) dst(%arg14 : memref<125x128xf32, #tpu.memory_space<vmem>>)
      %dma_start3A_76 = arith.constant 0 : i32
      %dma_start3A_77 = tpu.memref_slice %arg12[%add3A_32, %dma_start3A_76] : memref<20x125xi32, #tpu.memory_space<vmem>> -> memref<1x125xi32, #tpu.memory_space<vmem>>
      %dma_start3A_78 = tpu.memref_squeeze %dma_start3A_77 : memref<1x125xi32, #tpu.memory_space<vmem>> -> memref<125xi32, #tpu.memory_space<vmem>>
      %dma_start3A_79 = arith.constant 0 : i32
      %dma_start3A_80 = arith.constant 0 : i32
      %dma_start3A_81 = tpu.memref_slice %arg10[%dma_start3A_79, %dma_start3A_80] : memref<10000x128xf32, #tpu.memory_space<vmem_shared>> -> memref<10000x128xf32, #tpu.memory_space<vmem_shared>>
      tpu.enqueue_indirect_dma source(%arg14 : memref<125x128xf32, #tpu.memory_space<vmem>>) target(%dma_start3A_81 : memref<10000x128xf32, #tpu.memory_space<vmem_shared>>) offsets(%dma_start3A_78 : memref<125xi32, #tpu.memory_space<vmem>>) semaphore(%arg17 : memref<!tpu.dma_semaphore, #tpu.memory_space<semaphore_mem>>) {add = true}
      %dma_wait3A_82 = arith.constant 0 : i32
      %dma_wait3A_83 = tpu.memref_slice %arg12[%mul3A_30, %dma_wait3A_82] : memref<20x125xi32, #tpu.memory_space<vmem>> -> memref<1x125xi32, #tpu.memory_space<vmem>>
      %dma_wait3A_84 = tpu.memref_squeeze %dma_wait3A_83 : memref<1x125xi32, #tpu.memory_space<vmem>> -> memref<125xi32, #tpu.memory_space<vmem>>
      %dma_wait3A_85 = arith.constant 0 : i32
      %dma_wait3A_86 = arith.constant 0 : i32
      %dma_wait3A_87 = tpu.memref_slice %arg10[%dma_wait3A_85, %dma_wait3A_86] : memref<10000x128xf32, #tpu.memory_space<vmem_shared>> -> memref<10000x128xf32, #tpu.memory_space<vmem_shared>>
      tpu.wait_indirect_dma semaphore(%arg16 : memref<!tpu.dma_semaphore, #tpu.memory_space<semaphore_mem>>) src(%arg13 : memref<125x128xf32, #tpu.memory_space<vmem>>) dst(%dma_wait3A_87 : memref<10000x128xf32, #tpu.memory_space<vmem_shared>>)
      %dma_wait3A_88 = arith.constant 0 : i32
      %dma_wait3A_89 = tpu.memref_slice %arg12[%add3A_32, %dma_wait3A_88] : memref<20x125xi32, #tpu.memory_space<vmem>> -> memref<1x125xi32, #tpu.memory_space<vmem>>
      %dma_wait3A_90 = tpu.memref_squeeze %dma_wait3A_89 : memref<1x125xi32, #tpu.memory_space<vmem>> -> memref<125xi32, #tpu.memory_space<vmem>>
      %dma_wait3A_91 = arith.constant 0 : i32
      %dma_wait3A_92 = arith.constant 0 : i32
      %dma_wait3A_93 = tpu.memref_slice %arg10[%dma_wait3A_91, %dma_wait3A_92] : memref<10000x128xf32, #tpu.memory_space<vmem_shared>> -> memref<10000x128xf32, #tpu.memory_space<vmem_shared>>
      tpu.wait_indirect_dma semaphore(%arg17 : memref<!tpu.dma_semaphore, #tpu.memory_space<semaphore_mem>>) src(%arg14 : memref<125x128xf32, #tpu.memory_space<vmem>>) dst(%dma_wait3A_93 : memref<10000x128xf32, #tpu.memory_space<vmem_shared>>)
      %dma_wait3A_94 = arith.constant 0 : i32
      %dma_wait3A_95 = tpu.memref_slice %arg12[%mul3A_30, %dma_wait3A_94] : memref<20x125xi32, #tpu.memory_space<vmem>> -> memref<1x125xi32, #tpu.memory_space<vmem>>
      %dma_wait3A_96 = tpu.memref_squeeze %dma_wait3A_95 : memref<1x125xi32, #tpu.memory_space<vmem>> -> memref<125xi32, #tpu.memory_space<vmem>>
      %dma_wait3A_97 = arith.constant 0 : i32
      %dma_wait3A_98 = arith.constant 0 : i32
      %dma_wait3A_99 = tpu.memref_slice %arg11[%dma_wait3A_97, %dma_wait3A_98] : memref<10000x16xf32, #tpu.memory_space<vmem_shared>> -> memref<10000x16xf32, #tpu.memory_space<vmem_shared>>
      tpu.wait_indirect_dma semaphore(%arg18 : memref<!tpu.dma_semaphore, #tpu.memory_space<semaphore_mem>>) src(%arg15 : memref<125x16xf32, #tpu.memory_space<vmem>>) dst(%dma_wait3A_99 : memref<10000x16xf32, #tpu.memory_space<vmem_shared>>)
      %dma_wait3A_100 = arith.constant 0 : i32
      %dma_wait3A_101 = tpu.memref_slice %arg12[%add3A_32, %dma_wait3A_100] : memref<20x125xi32, #tpu.memory_space<vmem>> -> memref<1x125xi32, #tpu.memory_space<vmem>>
      %dma_wait3A_102 = tpu.memref_squeeze %dma_wait3A_101 : memref<1x125xi32, #tpu.memory_space<vmem>> -> memref<125xi32, #tpu.memory_space<vmem>>
      %dma_wait3A_103 = arith.constant 0 : i32
      %dma_wait3A_104 = arith.constant 0 : i32
      %dma_wait3A_105 = tpu.memref_slice %arg11[%dma_wait3A_103, %dma_wait3A_104] : memref<10000x16xf32, #tpu.memory_space<vmem_shared>> -> memref<10000x16xf32, #tpu.memory_space<vmem_shared>>
      tpu.wait_indirect_dma semaphore(%arg18 : memref<!tpu.dma_semaphore, #tpu.memory_space<semaphore_mem>>) src(%arg15 : memref<125x16xf32, #tpu.memory_space<vmem>>) dst(%dma_wait3A_105 : memref<10000x16xf32, #tpu.memory_space<vmem_shared>>)
    }
    %scan3A_18 = arith.constant 10 : i32
    %barrier3A_19 = arith.constant 0 : index
    tpu.barrier barrier_id(%barrier3A_19)
    %mul3A_20 = arith.constant 625 : i32
    %mul3A_21 = arith.muli %arg1, %mul3A_20 : i32
    %mul3A_22 = arith.constant 625 : i32
    %mul3A_23 = arith.muli %arg1, %mul3A_22 : i32
    "tpu.region"() ({
      %run_scoped3A = tpu.sem_alloc : memref<!tpu.dma_semaphore, #tpu.memory_space<semaphore_mem>>
      %dma_start3A = arith.constant 0 : i32
      %dma_start3A_28 = tpu.memref_slice %arg8[%arg0, %mul3A_23, %dma_start3A] : memref<2x10000x128xf32, #tpu.memory_space<hbm>> -> memref<1x625x128xf32, #tpu.memory_space<hbm>>
      %dma_start3A_29 = tpu.memref_squeeze %dma_start3A_28 : memref<1x625x128xf32, #tpu.memory_space<hbm>> -> memref<625x128xf32, #tpu.memory_space<hbm>>
      %dma_start3A_30 = arith.constant 0 : i32
      %dma_start3A_31 = tpu.memref_slice %arg10[%mul3A_21, %dma_start3A_30] : memref<10000x128xf32, #tpu.memory_space<vmem_shared>> -> memref<625x128xf32, #tpu.memory_space<vmem_shared>>
      tpu.enqueue_dma source(%dma_start3A_31 : memref<625x128xf32, #tpu.memory_space<vmem_shared>>) target(%dma_start3A_29 : memref<625x128xf32, #tpu.memory_space<hbm>>) target_semaphore(%run_scoped3A : memref<!tpu.dma_semaphore, #tpu.memory_space<semaphore_mem>>)
      %dma_wait3A = arith.constant 0 : i32
      %dma_wait3A_32 = tpu.memref_slice %arg8[%arg0, %mul3A_23, %dma_wait3A] : memref<2x10000x128xf32, #tpu.memory_space<hbm>> -> memref<1x625x128xf32, #tpu.memory_space<hbm>>
      %dma_wait3A_33 = tpu.memref_squeeze %dma_wait3A_32 : memref<1x625x128xf32, #tpu.memory_space<hbm>> -> memref<625x128xf32, #tpu.memory_space<hbm>>
      %dma_wait3A_34 = arith.constant 0 : i32
      %dma_wait3A_35 = tpu.memref_slice %arg10[%mul3A_21, %dma_wait3A_34] : memref<10000x128xf32, #tpu.memory_space<vmem_shared>> -> memref<625x128xf32, #tpu.memory_space<vmem_shared>>
      tpu.wait_dma2 semaphore(%run_scoped3A : memref<!tpu.dma_semaphore, #tpu.memory_space<semaphore_mem>>) src(%dma_wait3A_35 : memref<625x128xf32, #tpu.memory_space<vmem_shared>>) dst(%dma_wait3A_33 : memref<625x128xf32, #tpu.memory_space<hbm>>)
      tpu.yield
    }) : () -> ()
    %mul3A_24 = arith.constant 625 : i32
    %mul3A_25 = arith.muli %arg1, %mul3A_24 : i32
    %mul3A_26 = arith.constant 625 : i32
    %mul3A_27 = arith.muli %arg1, %mul3A_26 : i32
    "tpu.region"() ({
      %run_scoped3A = tpu.sem_alloc : memref<!tpu.dma_semaphore, #tpu.memory_space<semaphore_mem>>
      %dma_start3A = arith.constant 0 : i32
      %dma_start3A_28 = tpu.memref_slice %arg9[%arg0, %mul3A_27, %dma_start3A] : memref<2x10000x16xf32, #tpu.memory_space<hbm>> -> memref<1x625x16xf32, #tpu.memory_space<hbm>>
      %dma_start3A_29 = tpu.memref_squeeze %dma_start3A_28 : memref<1x625x16xf32, #tpu.memory_space<hbm>> -> memref<625x16xf32, #tpu.memory_space<hbm>>
      %dma_start3A_30 = arith.constant 0 : i32
      %dma_start3A_31 = tpu.memref_slice %arg11[%mul3A_25, %dma_start3A_30] : memref<10000x16xf32, #tpu.memory_space<vmem_shared>> -> memref<625x16xf32, #tpu.memory_space<vmem_shared>>
      tpu.enqueue_dma source(%dma_start3A_31 : memref<625x16xf32, #tpu.memory_space<vmem_shared>>) target(%dma_start3A_29 : memref<625x16xf32, #tpu.memory_space<hbm>>) target_semaphore(%run_scoped3A : memref<!tpu.dma_semaphore, #tpu.memory_space<semaphore_mem>>)
      %dma_wait3A = arith.constant 0 : i32
      %dma_wait3A_32 = tpu.memref_slice %arg9[%arg0, %mul3A_27, %dma_wait3A] : memref<2x10000x16xf32, #tpu.memory_space<hbm>> -> memref<1x625x16xf32, #tpu.memory_space<hbm>>
      %dma_wait3A_33 = tpu.memref_squeeze %dma_wait3A_32 : memref<1x625x16xf32, #tpu.memory_space<hbm>> -> memref<625x16xf32, #tpu.memory_space<hbm>>
      %dma_wait3A_34 = arith.constant 0 : i32
      %dma_wait3A_35 = tpu.memref_slice %arg11[%mul3A_25, %dma_wait3A_34] : memref<10000x16xf32, #tpu.memory_space<vmem_shared>> -> memref<625x16xf32, #tpu.memory_space<vmem_shared>>
      tpu.wait_dma2 semaphore(%run_scoped3A : memref<!tpu.dma_semaphore, #tpu.memory_space<semaphore_mem>>) src(%dma_wait3A_35 : memref<625x16xf32, #tpu.memory_space<vmem_shared>>) dst(%dma_wait3A_33 : memref<625x16xf32, #tpu.memory_space<hbm>>)
      tpu.yield
    }) : () -> ()
    return
  }
}

#map = affine_map<(d0, d1) -> (0, 0)>
#map1 = affine_map<(d0, d1) -> (0, 0, 0)>
module attributes {stable_mosaic.version = 14 : i64} {
  func.func @scatter_add_d1(%arg0: i32, %arg1: i32, %arg2: memref<80000x128xf32, #tpu.memory_space<hbm>>, %arg3: memref<80000x128xf32, #tpu.memory_space<hbm>>, %arg4: memref<2560x125xi32, #tpu.memory_space<hbm>>, %arg5: memref<10000x128xf32, #tpu.memory_space<hbm>>, %arg6: memref<10000x16xf32, #tpu.memory_space<hbm>>, %arg7: memref<125x16xf32, #tpu.memory_space<hbm>>, %arg8: memref<2x10000x128xf32, #tpu.memory_space<hbm>>, %arg9: memref<2x10000x16xf32, #tpu.memory_space<hbm>>, %arg10: memref<10000x128xf32, #tpu.memory_space<vmem_shared>>, %arg11: memref<10000x16xf32, #tpu.memory_space<vmem_shared>>, %arg12: memref<20x125xi32, #tpu.memory_space<vmem>>, %arg13: memref<125x128xf32, #tpu.memory_space<vmem>>, %arg14: memref<125x128xf32, #tpu.memory_space<vmem>>, %arg15: memref<125x16xf32, #tpu.memory_space<vmem>>, %arg16: memref<!tpu.dma_semaphore, #tpu.memory_space<semaphore_mem>>, %arg17: memref<!tpu.dma_semaphore, #tpu.memory_space<semaphore_mem>>, %arg18: memref<!tpu.dma_semaphore, #tpu.memory_space<semaphore_mem>>) attributes {dimension_semantics = [#tpu.dimension_semantics<core_parallel>, #tpu.dimension_semantics<subcore_parallel>], iteration_bounds = array<i64: 2, 16>, scalar_prefetch = 0 : i64, scratch_operands = 9 : i64, tpu.core_type = #tpu.core_type<sc_vector_subcore>, window_params = [{transform_indices = #map}, {transform_indices = #map}, {transform_indices = #map}, {transform_indices = #map}, {transform_indices = #map}, {transform_indices = #map}, {transform_indices = #map1}, {transform_indices = #map1}]} {
    %mul3A = arith.constant 16 : i32
    %mul3A_0 = arith.muli %arg0, %mul3A : i32
    %add3A = arith.addi %mul3A_0, %arg1 : i32
    %mul3A_1 = arith.constant 625 : i32
    %mul3A_2 = arith.muli %arg1, %mul3A_1 : i32
    %mul3A_3 = arith.constant 625 : i32
    %mul3A_4 = arith.muli %arg1, %mul3A_3 : i32
    "tpu.region"() ({
      %run_scoped3A = tpu.sem_alloc : memref<!tpu.dma_semaphore, #tpu.memory_space<semaphore_mem>>
      %dma_start3A = arith.constant 0 : i32
      %dma_start3A_28 = tpu.memref_slice %arg10[%mul3A_4, %dma_start3A] : memref<10000x128xf32, #tpu.memory_space<vmem_shared>> -> memref<625x128xf32, #tpu.memory_space<vmem_shared>>
      %dma_start3A_29 = arith.constant 0 : i32
      %dma_start3A_30 = tpu.memref_slice %arg5[%mul3A_2, %dma_start3A_29] : memref<10000x128xf32, #tpu.memory_space<hbm>> -> memref<625x128xf32, #tpu.memory_space<hbm>>
      tpu.enqueue_dma source(%dma_start3A_30 : memref<625x128xf32, #tpu.memory_space<hbm>>) target(%dma_start3A_28 : memref<625x128xf32, #tpu.memory_space<vmem_shared>>) target_semaphore(%run_scoped3A : memref<!tpu.dma_semaphore, #tpu.memory_space<semaphore_mem>>)
      %dma_wait3A = arith.constant 0 : i32
      %dma_wait3A_31 = tpu.memref_slice %arg10[%mul3A_4, %dma_wait3A] : memref<10000x128xf32, #tpu.memory_space<vmem_shared>> -> memref<625x128xf32, #tpu.memory_space<vmem_shared>>
      %dma_wait3A_32 = arith.constant 0 : i32
      %dma_wait3A_33 = tpu.memref_slice %arg5[%mul3A_2, %dma_wait3A_32] : memref<10000x128xf32, #tpu.memory_space<hbm>> -> memref<625x128xf32, #tpu.memory_space<hbm>>
      tpu.wait_dma2 semaphore(%run_scoped3A : memref<!tpu.dma_semaphore, #tpu.memory_space<semaphore_mem>>) src(%dma_wait3A_33 : memref<625x128xf32, #tpu.memory_space<hbm>>) dst(%dma_wait3A_31 : memref<625x128xf32, #tpu.memory_space<vmem_shared>>)
      tpu.yield
    }) : () -> ()
    %mul3A_5 = arith.constant 625 : i32
    %mul3A_6 = arith.muli %arg1, %mul3A_5 : i32
    %mul3A_7 = arith.constant 625 : i32
    %mul3A_8 = arith.muli %arg1, %mul3A_7 : i32
    "tpu.region"() ({
      %run_scoped3A = tpu.sem_alloc : memref<!tpu.dma_semaphore, #tpu.memory_space<semaphore_mem>>
      %dma_start3A = arith.constant 0 : i32
      %dma_start3A_28 = tpu.memref_slice %arg11[%mul3A_8, %dma_start3A] : memref<10000x16xf32, #tpu.memory_space<vmem_shared>> -> memref<625x16xf32, #tpu.memory_space<vmem_shared>>
      %dma_start3A_29 = arith.constant 0 : i32
      %dma_start3A_30 = tpu.memref_slice %arg6[%mul3A_6, %dma_start3A_29] : memref<10000x16xf32, #tpu.memory_space<hbm>> -> memref<625x16xf32, #tpu.memory_space<hbm>>
      tpu.enqueue_dma source(%dma_start3A_30 : memref<625x16xf32, #tpu.memory_space<hbm>>) target(%dma_start3A_28 : memref<625x16xf32, #tpu.memory_space<vmem_shared>>) target_semaphore(%run_scoped3A : memref<!tpu.dma_semaphore, #tpu.memory_space<semaphore_mem>>)
      %dma_wait3A = arith.constant 0 : i32
      %dma_wait3A_31 = tpu.memref_slice %arg11[%mul3A_8, %dma_wait3A] : memref<10000x16xf32, #tpu.memory_space<vmem_shared>> -> memref<625x16xf32, #tpu.memory_space<vmem_shared>>
      %dma_wait3A_32 = arith.constant 0 : i32
      %dma_wait3A_33 = tpu.memref_slice %arg6[%mul3A_6, %dma_wait3A_32] : memref<10000x16xf32, #tpu.memory_space<hbm>> -> memref<625x16xf32, #tpu.memory_space<hbm>>
      tpu.wait_dma2 semaphore(%run_scoped3A : memref<!tpu.dma_semaphore, #tpu.memory_space<semaphore_mem>>) src(%dma_wait3A_33 : memref<625x16xf32, #tpu.memory_space<hbm>>) dst(%dma_wait3A_31 : memref<625x16xf32, #tpu.memory_space<vmem_shared>>)
      tpu.yield
    }) : () -> ()
    "tpu.region"() ({
      %run_scoped3A = tpu.sem_alloc : memref<!tpu.dma_semaphore, #tpu.memory_space<semaphore_mem>>
      tpu.enqueue_dma source(%arg7 : memref<125x16xf32, #tpu.memory_space<hbm>>) target(%arg15 : memref<125x16xf32, #tpu.memory_space<vmem>>) target_semaphore(%run_scoped3A : memref<!tpu.dma_semaphore, #tpu.memory_space<semaphore_mem>>)
      tpu.wait_dma2 semaphore(%run_scoped3A : memref<!tpu.dma_semaphore, #tpu.memory_space<semaphore_mem>>) src(%arg7 : memref<125x16xf32, #tpu.memory_space<hbm>>) dst(%arg15 : memref<125x16xf32, #tpu.memory_space<vmem>>)
      tpu.yield
    }) : () -> ()
    %barrier3A = arith.constant 0 : index
    tpu.barrier barrier_id(%barrier3A)
    %mul3A_9 = arith.constant 20 : i32
    %mul3A_10 = arith.muli %add3A, %mul3A_9 : i32
    %add3A_11 = arith.constant 640 : i32
    %add3A_12 = arith.addi %add3A_11, %mul3A_10 : i32
    %add3A_13 = arith.constant 0 : i32
    %add3A_14 = arith.addi %add3A_12, %add3A_13 : i32
    "tpu.region"() ({
      %run_scoped3A = tpu.sem_alloc : memref<!tpu.dma_semaphore, #tpu.memory_space<semaphore_mem>>
      %dma_start3A = arith.constant 0 : i32
      %dma_start3A_28 = tpu.memref_slice %arg4[%add3A_14, %dma_start3A] : memref<2560x125xi32, #tpu.memory_space<hbm>> -> memref<20x125xi32, #tpu.memory_space<hbm>>
      %dma_start3A_29 = arith.constant 0 : i32
      %dma_start3A_30 = tpu.memref_slice %arg4[%add3A_14, %dma_start3A_29] : memref<2560x125xi32, #tpu.memory_space<hbm>> -> memref<20x125xi32, #tpu.memory_space<hbm>>
      tpu.enqueue_dma source(%dma_start3A_30 : memref<20x125xi32, #tpu.memory_space<hbm>>) target(%arg12 : memref<20x125xi32, #tpu.memory_space<vmem>>) target_semaphore(%run_scoped3A : memref<!tpu.dma_semaphore, #tpu.memory_space<semaphore_mem>>)
      %dma_wait3A = arith.constant 0 : i32
      %dma_wait3A_31 = tpu.memref_slice %arg4[%add3A_14, %dma_wait3A] : memref<2560x125xi32, #tpu.memory_space<hbm>> -> memref<20x125xi32, #tpu.memory_space<hbm>>
      %dma_wait3A_32 = arith.constant 0 : i32
      %dma_wait3A_33 = tpu.memref_slice %arg4[%add3A_14, %dma_wait3A_32] : memref<2560x125xi32, #tpu.memory_space<hbm>> -> memref<20x125xi32, #tpu.memory_space<hbm>>
      tpu.wait_dma2 semaphore(%run_scoped3A : memref<!tpu.dma_semaphore, #tpu.memory_space<semaphore_mem>>) src(%dma_wait3A_33 : memref<20x125xi32, #tpu.memory_space<hbm>>) dst(%arg12 : memref<20x125xi32, #tpu.memory_space<vmem>>)
      tpu.yield
    }) : () -> ()
    %scan3A = arith.constant 0 : i32
    %scan3A_15 = arith.constant 10 : i32
    %scan3A_16 = arith.addi %scan3A, %scan3A_15 : i32
    %scan3A_17 = arith.constant 1 : i32
    scf.for %scan3A_28 = %scan3A to %scan3A_16 step %scan3A_17  : i32 {
      %mul3A_29 = arith.constant 2 : i32
      %mul3A_30 = arith.muli %mul3A_29, %scan3A_28 : i32
      %add3A_31 = arith.constant 1 : i32
      %add3A_32 = arith.addi %mul3A_30, %add3A_31 : i32
      %mul3A_33 = arith.constant 2500 : i32
      %mul3A_34 = arith.muli %add3A, %mul3A_33 : i32
      %mul3A_35 = arith.constant 2 : i32
      %mul3A_36 = arith.muli %mul3A_35, %scan3A_28 : i32
      %add3A_37 = arith.constant 0 : i32
      %add3A_38 = arith.addi %add3A_37, %mul3A_36 : i32
      %mul3A_39 = arith.constant 125 : i32
      %mul3A_40 = arith.muli %add3A_38, %mul3A_39 : i32
      %add3A_41 = arith.addi %mul3A_34, %mul3A_40 : i32
      %add3A_42 = arith.constant 125 : i32
      %add3A_43 = arith.addi %add3A_41, %add3A_42 : i32
      %dma_start3A = arith.constant 0 : i32
      %dma_start3A_44 = tpu.memref_slice %arg2[%add3A_41, %dma_start3A] : memref<80000x128xf32, #tpu.memory_space<hbm>> -> memref<125x128xf32, #tpu.memory_space<hbm>>
      %dma_start3A_45 = arith.constant 0 : i32
      %dma_start3A_46 = tpu.memref_slice %arg2[%add3A_41, %dma_start3A_45] : memref<80000x128xf32, #tpu.memory_space<hbm>> -> memref<125x128xf32, #tpu.memory_space<hbm>>
      tpu.enqueue_dma source(%dma_start3A_46 : memref<125x128xf32, #tpu.memory_space<hbm>>) target(%arg13 : memref<125x128xf32, #tpu.memory_space<vmem>>) target_semaphore(%arg16 : memref<!tpu.dma_semaphore, #tpu.memory_space<semaphore_mem>>)
      %dma_start3A_47 = arith.constant 0 : i32
      %dma_start3A_48 = tpu.memref_slice %arg2[%add3A_43, %dma_start3A_47] : memref<80000x128xf32, #tpu.memory_space<hbm>> -> memref<125x128xf32, #tpu.memory_space<hbm>>
      %dma_start3A_49 = arith.constant 0 : i32
      %dma_start3A_50 = tpu.memref_slice %arg2[%add3A_43, %dma_start3A_49] : memref<80000x128xf32, #tpu.memory_space<hbm>> -> memref<125x128xf32, #tpu.memory_space<hbm>>
      tpu.enqueue_dma source(%dma_start3A_50 : memref<125x128xf32, #tpu.memory_space<hbm>>) target(%arg14 : memref<125x128xf32, #tpu.memory_space<vmem>>) target_semaphore(%arg17 : memref<!tpu.dma_semaphore, #tpu.memory_space<semaphore_mem>>)
      %dma_start3A_51 = arith.constant 0 : i32
      %dma_start3A_52 = tpu.memref_slice %arg12[%mul3A_30, %dma_start3A_51] : memref<20x125xi32, #tpu.memory_space<vmem>> -> memref<1x125xi32, #tpu.memory_space<vmem>>
      %dma_start3A_53 = tpu.memref_squeeze %dma_start3A_52 : memref<1x125xi32, #tpu.memory_space<vmem>> -> memref<125xi32, #tpu.memory_space<vmem>>
      %dma_start3A_54 = arith.constant 0 : i32
      %dma_start3A_55 = arith.constant 0 : i32
      %dma_start3A_56 = tpu.memref_slice %arg11[%dma_start3A_54, %dma_start3A_55] : memref<10000x16xf32, #tpu.memory_space<vmem_shared>> -> memref<10000x16xf32, #tpu.memory_space<vmem_shared>>
      tpu.enqueue_indirect_dma source(%arg15 : memref<125x16xf32, #tpu.memory_space<vmem>>) target(%dma_start3A_56 : memref<10000x16xf32, #tpu.memory_space<vmem_shared>>) offsets(%dma_start3A_53 : memref<125xi32, #tpu.memory_space<vmem>>) semaphore(%arg18 : memref<!tpu.dma_semaphore, #tpu.memory_space<semaphore_mem>>) {add = true}
      %dma_start3A_57 = arith.constant 0 : i32
      %dma_start3A_58 = tpu.memref_slice %arg12[%add3A_32, %dma_start3A_57] : memref<20x125xi32, #tpu.memory_space<vmem>> -> memref<1x125xi32, #tpu.memory_space<vmem>>
      %dma_start3A_59 = tpu.memref_squeeze %dma_start3A_58 : memref<1x125xi32, #tpu.memory_space<vmem>> -> memref<125xi32, #tpu.memory_space<vmem>>
      %dma_start3A_60 = arith.constant 0 : i32
      %dma_start3A_61 = arith.constant 0 : i32
      %dma_start3A_62 = tpu.memref_slice %arg11[%dma_start3A_60, %dma_start3A_61] : memref<10000x16xf32, #tpu.memory_space<vmem_shared>> -> memref<10000x16xf32, #tpu.memory_space<vmem_shared>>
      tpu.enqueue_indirect_dma source(%arg15 : memref<125x16xf32, #tpu.memory_space<vmem>>) target(%dma_start3A_62 : memref<10000x16xf32, #tpu.memory_space<vmem_shared>>) offsets(%dma_start3A_59 : memref<125xi32, #tpu.memory_space<vmem>>) semaphore(%arg18 : memref<!tpu.dma_semaphore, #tpu.memory_space<semaphore_mem>>) {add = true}
      %dma_wait3A = arith.constant 0 : i32
      %dma_wait3A_63 = tpu.memref_slice %arg2[%add3A_41, %dma_wait3A] : memref<80000x128xf32, #tpu.memory_space<hbm>> -> memref<125x128xf32, #tpu.memory_space<hbm>>
      %dma_wait3A_64 = arith.constant 0 : i32
      %dma_wait3A_65 = tpu.memref_slice %arg2[%add3A_41, %dma_wait3A_64] : memref<80000x128xf32, #tpu.memory_space<hbm>> -> memref<125x128xf32, #tpu.memory_space<hbm>>
      tpu.wait_dma2 semaphore(%arg16 : memref<!tpu.dma_semaphore, #tpu.memory_space<semaphore_mem>>) src(%dma_wait3A_65 : memref<125x128xf32, #tpu.memory_space<hbm>>) dst(%arg13 : memref<125x128xf32, #tpu.memory_space<vmem>>)
      %dma_start3A_66 = arith.constant 0 : i32
      %dma_start3A_67 = tpu.memref_slice %arg12[%mul3A_30, %dma_start3A_66] : memref<20x125xi32, #tpu.memory_space<vmem>> -> memref<1x125xi32, #tpu.memory_space<vmem>>
      %dma_start3A_68 = tpu.memref_squeeze %dma_start3A_67 : memref<1x125xi32, #tpu.memory_space<vmem>> -> memref<125xi32, #tpu.memory_space<vmem>>
      %dma_start3A_69 = arith.constant 0 : i32
      %dma_start3A_70 = arith.constant 0 : i32
      %dma_start3A_71 = tpu.memref_slice %arg10[%dma_start3A_69, %dma_start3A_70] : memref<10000x128xf32, #tpu.memory_space<vmem_shared>> -> memref<10000x128xf32, #tpu.memory_space<vmem_shared>>
      tpu.enqueue_indirect_dma source(%arg13 : memref<125x128xf32, #tpu.memory_space<vmem>>) target(%dma_start3A_71 : memref<10000x128xf32, #tpu.memory_space<vmem_shared>>) offsets(%dma_start3A_68 : memref<125xi32, #tpu.memory_space<vmem>>) semaphore(%arg16 : memref<!tpu.dma_semaphore, #tpu.memory_space<semaphore_mem>>) {add = true}
      %dma_wait3A_72 = arith.constant 0 : i32
      %dma_wait3A_73 = tpu.memref_slice %arg2[%add3A_43, %dma_wait3A_72] : memref<80000x128xf32, #tpu.memory_space<hbm>> -> memref<125x128xf32, #tpu.memory_space<hbm>>
      %dma_wait3A_74 = arith.constant 0 : i32
      %dma_wait3A_75 = tpu.memref_slice %arg2[%add3A_43, %dma_wait3A_74] : memref<80000x128xf32, #tpu.memory_space<hbm>> -> memref<125x128xf32, #tpu.memory_space<hbm>>
      tpu.wait_dma2 semaphore(%arg17 : memref<!tpu.dma_semaphore, #tpu.memory_space<semaphore_mem>>) src(%dma_wait3A_75 : memref<125x128xf32, #tpu.memory_space<hbm>>) dst(%arg14 : memref<125x128xf32, #tpu.memory_space<vmem>>)
      %dma_start3A_76 = arith.constant 0 : i32
      %dma_start3A_77 = tpu.memref_slice %arg12[%add3A_32, %dma_start3A_76] : memref<20x125xi32, #tpu.memory_space<vmem>> -> memref<1x125xi32, #tpu.memory_space<vmem>>
      %dma_start3A_78 = tpu.memref_squeeze %dma_start3A_77 : memref<1x125xi32, #tpu.memory_space<vmem>> -> memref<125xi32, #tpu.memory_space<vmem>>
      %dma_start3A_79 = arith.constant 0 : i32
      %dma_start3A_80 = arith.constant 0 : i32
      %dma_start3A_81 = tpu.memref_slice %arg10[%dma_start3A_79, %dma_start3A_80] : memref<10000x128xf32, #tpu.memory_space<vmem_shared>> -> memref<10000x128xf32, #tpu.memory_space<vmem_shared>>
      tpu.enqueue_indirect_dma source(%arg14 : memref<125x128xf32, #tpu.memory_space<vmem>>) target(%dma_start3A_81 : memref<10000x128xf32, #tpu.memory_space<vmem_shared>>) offsets(%dma_start3A_78 : memref<125xi32, #tpu.memory_space<vmem>>) semaphore(%arg17 : memref<!tpu.dma_semaphore, #tpu.memory_space<semaphore_mem>>) {add = true}
      %dma_wait3A_82 = arith.constant 0 : i32
      %dma_wait3A_83 = tpu.memref_slice %arg12[%mul3A_30, %dma_wait3A_82] : memref<20x125xi32, #tpu.memory_space<vmem>> -> memref<1x125xi32, #tpu.memory_space<vmem>>
      %dma_wait3A_84 = tpu.memref_squeeze %dma_wait3A_83 : memref<1x125xi32, #tpu.memory_space<vmem>> -> memref<125xi32, #tpu.memory_space<vmem>>
      %dma_wait3A_85 = arith.constant 0 : i32
      %dma_wait3A_86 = arith.constant 0 : i32
      %dma_wait3A_87 = tpu.memref_slice %arg10[%dma_wait3A_85, %dma_wait3A_86] : memref<10000x128xf32, #tpu.memory_space<vmem_shared>> -> memref<10000x128xf32, #tpu.memory_space<vmem_shared>>
      tpu.wait_indirect_dma semaphore(%arg16 : memref<!tpu.dma_semaphore, #tpu.memory_space<semaphore_mem>>) src(%arg13 : memref<125x128xf32, #tpu.memory_space<vmem>>) dst(%dma_wait3A_87 : memref<10000x128xf32, #tpu.memory_space<vmem_shared>>)
      %dma_wait3A_88 = arith.constant 0 : i32
      %dma_wait3A_89 = tpu.memref_slice %arg12[%add3A_32, %dma_wait3A_88] : memref<20x125xi32, #tpu.memory_space<vmem>> -> memref<1x125xi32, #tpu.memory_space<vmem>>
      %dma_wait3A_90 = tpu.memref_squeeze %dma_wait3A_89 : memref<1x125xi32, #tpu.memory_space<vmem>> -> memref<125xi32, #tpu.memory_space<vmem>>
      %dma_wait3A_91 = arith.constant 0 : i32
      %dma_wait3A_92 = arith.constant 0 : i32
      %dma_wait3A_93 = tpu.memref_slice %arg10[%dma_wait3A_91, %dma_wait3A_92] : memref<10000x128xf32, #tpu.memory_space<vmem_shared>> -> memref<10000x128xf32, #tpu.memory_space<vmem_shared>>
      tpu.wait_indirect_dma semaphore(%arg17 : memref<!tpu.dma_semaphore, #tpu.memory_space<semaphore_mem>>) src(%arg14 : memref<125x128xf32, #tpu.memory_space<vmem>>) dst(%dma_wait3A_93 : memref<10000x128xf32, #tpu.memory_space<vmem_shared>>)
      %dma_wait3A_94 = arith.constant 0 : i32
      %dma_wait3A_95 = tpu.memref_slice %arg12[%mul3A_30, %dma_wait3A_94] : memref<20x125xi32, #tpu.memory_space<vmem>> -> memref<1x125xi32, #tpu.memory_space<vmem>>
      %dma_wait3A_96 = tpu.memref_squeeze %dma_wait3A_95 : memref<1x125xi32, #tpu.memory_space<vmem>> -> memref<125xi32, #tpu.memory_space<vmem>>
      %dma_wait3A_97 = arith.constant 0 : i32
      %dma_wait3A_98 = arith.constant 0 : i32
      %dma_wait3A_99 = tpu.memref_slice %arg11[%dma_wait3A_97, %dma_wait3A_98] : memref<10000x16xf32, #tpu.memory_space<vmem_shared>> -> memref<10000x16xf32, #tpu.memory_space<vmem_shared>>
      tpu.wait_indirect_dma semaphore(%arg18 : memref<!tpu.dma_semaphore, #tpu.memory_space<semaphore_mem>>) src(%arg15 : memref<125x16xf32, #tpu.memory_space<vmem>>) dst(%dma_wait3A_99 : memref<10000x16xf32, #tpu.memory_space<vmem_shared>>)
      %dma_wait3A_100 = arith.constant 0 : i32
      %dma_wait3A_101 = tpu.memref_slice %arg12[%add3A_32, %dma_wait3A_100] : memref<20x125xi32, #tpu.memory_space<vmem>> -> memref<1x125xi32, #tpu.memory_space<vmem>>
      %dma_wait3A_102 = tpu.memref_squeeze %dma_wait3A_101 : memref<1x125xi32, #tpu.memory_space<vmem>> -> memref<125xi32, #tpu.memory_space<vmem>>
      %dma_wait3A_103 = arith.constant 0 : i32
      %dma_wait3A_104 = arith.constant 0 : i32
      %dma_wait3A_105 = tpu.memref_slice %arg11[%dma_wait3A_103, %dma_wait3A_104] : memref<10000x16xf32, #tpu.memory_space<vmem_shared>> -> memref<10000x16xf32, #tpu.memory_space<vmem_shared>>
      tpu.wait_indirect_dma semaphore(%arg18 : memref<!tpu.dma_semaphore, #tpu.memory_space<semaphore_mem>>) src(%arg15 : memref<125x16xf32, #tpu.memory_space<vmem>>) dst(%dma_wait3A_105 : memref<10000x16xf32, #tpu.memory_space<vmem_shared>>)
    }
    %scan3A_18 = arith.constant 10 : i32
    %barrier3A_19 = arith.constant 0 : index
    tpu.barrier barrier_id(%barrier3A_19)
    %mul3A_20 = arith.constant 625 : i32
    %mul3A_21 = arith.muli %arg1, %mul3A_20 : i32
    %mul3A_22 = arith.constant 625 : i32
    %mul3A_23 = arith.muli %arg1, %mul3A_22 : i32
    "tpu.region"() ({
      %run_scoped3A = tpu.sem_alloc : memref<!tpu.dma_semaphore, #tpu.memory_space<semaphore_mem>>
      %dma_start3A = arith.constant 0 : i32
      %dma_start3A_28 = tpu.memref_slice %arg8[%arg0, %mul3A_23, %dma_start3A] : memref<2x10000x128xf32, #tpu.memory_space<hbm>> -> memref<1x625x128xf32, #tpu.memory_space<hbm>>
      %dma_start3A_29 = tpu.memref_squeeze %dma_start3A_28 : memref<1x625x128xf32, #tpu.memory_space<hbm>> -> memref<625x128xf32, #tpu.memory_space<hbm>>
      %dma_start3A_30 = arith.constant 0 : i32
      %dma_start3A_31 = tpu.memref_slice %arg10[%mul3A_21, %dma_start3A_30] : memref<10000x128xf32, #tpu.memory_space<vmem_shared>> -> memref<625x128xf32, #tpu.memory_space<vmem_shared>>
      tpu.enqueue_dma source(%dma_start3A_31 : memref<625x128xf32, #tpu.memory_space<vmem_shared>>) target(%dma_start3A_29 : memref<625x128xf32, #tpu.memory_space<hbm>>) target_semaphore(%run_scoped3A : memref<!tpu.dma_semaphore, #tpu.memory_space<semaphore_mem>>)
      %dma_wait3A = arith.constant 0 : i32
      %dma_wait3A_32 = tpu.memref_slice %arg8[%arg0, %mul3A_23, %dma_wait3A] : memref<2x10000x128xf32, #tpu.memory_space<hbm>> -> memref<1x625x128xf32, #tpu.memory_space<hbm>>
      %dma_wait3A_33 = tpu.memref_squeeze %dma_wait3A_32 : memref<1x625x128xf32, #tpu.memory_space<hbm>> -> memref<625x128xf32, #tpu.memory_space<hbm>>
      %dma_wait3A_34 = arith.constant 0 : i32
      %dma_wait3A_35 = tpu.memref_slice %arg10[%mul3A_21, %dma_wait3A_34] : memref<10000x128xf32, #tpu.memory_space<vmem_shared>> -> memref<625x128xf32, #tpu.memory_space<vmem_shared>>
      tpu.wait_dma2 semaphore(%run_scoped3A : memref<!tpu.dma_semaphore, #tpu.memory_space<semaphore_mem>>) src(%dma_wait3A_35 : memref<625x128xf32, #tpu.memory_space<vmem_shared>>) dst(%dma_wait3A_33 : memref<625x128xf32, #tpu.memory_space<hbm>>)
      tpu.yield
    }) : () -> ()
    %mul3A_24 = arith.constant 625 : i32
    %mul3A_25 = arith.muli %arg1, %mul3A_24 : i32
    %mul3A_26 = arith.constant 625 : i32
    %mul3A_27 = arith.muli %arg1, %mul3A_26 : i32
    "tpu.region"() ({
      %run_scoped3A = tpu.sem_alloc : memref<!tpu.dma_semaphore, #tpu.memory_space<semaphore_mem>>
      %dma_start3A = arith.constant 0 : i32
      %dma_start3A_28 = tpu.memref_slice %arg9[%arg0, %mul3A_27, %dma_start3A] : memref<2x10000x16xf32, #tpu.memory_space<hbm>> -> memref<1x625x16xf32, #tpu.memory_space<hbm>>
      %dma_start3A_29 = tpu.memref_squeeze %dma_start3A_28 : memref<1x625x16xf32, #tpu.memory_space<hbm>> -> memref<625x16xf32, #tpu.memory_space<hbm>>
      %dma_start3A_30 = arith.constant 0 : i32
      %dma_start3A_31 = tpu.memref_slice %arg11[%mul3A_25, %dma_start3A_30] : memref<10000x16xf32, #tpu.memory_space<vmem_shared>> -> memref<625x16xf32, #tpu.memory_space<vmem_shared>>
      tpu.enqueue_dma source(%dma_start3A_31 : memref<625x16xf32, #tpu.memory_space<vmem_shared>>) target(%dma_start3A_29 : memref<625x16xf32, #tpu.memory_space<hbm>>) target_semaphore(%run_scoped3A : memref<!tpu.dma_semaphore, #tpu.memory_space<semaphore_mem>>)
      %dma_wait3A = arith.constant 0 : i32
      %dma_wait3A_32 = tpu.memref_slice %arg9[%arg0, %mul3A_27, %dma_wait3A] : memref<2x10000x16xf32, #tpu.memory_space<hbm>> -> memref<1x625x16xf32, #tpu.memory_space<hbm>>
      %dma_wait3A_33 = tpu.memref_squeeze %dma_wait3A_32 : memref<1x625x16xf32, #tpu.memory_space<hbm>> -> memref<625x16xf32, #tpu.memory_space<hbm>>
      %dma_wait3A_34 = arith.constant 0 : i32
      %dma_wait3A_35 = tpu.memref_slice %arg11[%mul3A_25, %dma_wait3A_34] : memref<10000x16xf32, #tpu.memory_space<vmem_shared>> -> memref<625x16xf32, #tpu.memory_space<vmem_shared>>
      tpu.wait_dma2 semaphore(%run_scoped3A : memref<!tpu.dma_semaphore, #tpu.memory_space<semaphore_mem>>) src(%dma_wait3A_35 : memref<625x16xf32, #tpu.memory_space<vmem_shared>>) dst(%dma_wait3A_33 : memref<625x16xf32, #tpu.memory_space<hbm>>)
      tpu.yield
    }) : () -> ()
    return
  }
}

#map = affine_map<(d0, d1) -> (0, 0)>
#map1 = affine_map<(d0, d1) -> (0, 0, 0)>
module attributes {stable_mosaic.version = 14 : i64} {
  func.func @scatter_add_d2(%arg0: i32, %arg1: i32, %arg2: memref<80000x128xf32, #tpu.memory_space<hbm>>, %arg3: memref<80000x128xf32, #tpu.memory_space<hbm>>, %arg4: memref<2560x125xi32, #tpu.memory_space<hbm>>, %arg5: memref<10000x128xf32, #tpu.memory_space<hbm>>, %arg6: memref<10000x16xf32, #tpu.memory_space<hbm>>, %arg7: memref<125x16xf32, #tpu.memory_space<hbm>>, %arg8: memref<2x10000x128xf32, #tpu.memory_space<hbm>>, %arg9: memref<2x10000x16xf32, #tpu.memory_space<hbm>>, %arg10: memref<10000x128xf32, #tpu.memory_space<vmem_shared>>, %arg11: memref<10000x16xf32, #tpu.memory_space<vmem_shared>>, %arg12: memref<20x125xi32, #tpu.memory_space<vmem>>, %arg13: memref<125x128xf32, #tpu.memory_space<vmem>>, %arg14: memref<125x128xf32, #tpu.memory_space<vmem>>, %arg15: memref<125x16xf32, #tpu.memory_space<vmem>>, %arg16: memref<!tpu.dma_semaphore, #tpu.memory_space<semaphore_mem>>, %arg17: memref<!tpu.dma_semaphore, #tpu.memory_space<semaphore_mem>>, %arg18: memref<!tpu.dma_semaphore, #tpu.memory_space<semaphore_mem>>) attributes {dimension_semantics = [#tpu.dimension_semantics<core_parallel>, #tpu.dimension_semantics<subcore_parallel>], iteration_bounds = array<i64: 2, 16>, scalar_prefetch = 0 : i64, scratch_operands = 9 : i64, tpu.core_type = #tpu.core_type<sc_vector_subcore>, window_params = [{transform_indices = #map}, {transform_indices = #map}, {transform_indices = #map}, {transform_indices = #map}, {transform_indices = #map}, {transform_indices = #map}, {transform_indices = #map1}, {transform_indices = #map1}]} {
    %mul3A = arith.constant 16 : i32
    %mul3A_0 = arith.muli %arg0, %mul3A : i32
    %add3A = arith.addi %mul3A_0, %arg1 : i32
    %mul3A_1 = arith.constant 625 : i32
    %mul3A_2 = arith.muli %arg1, %mul3A_1 : i32
    %mul3A_3 = arith.constant 625 : i32
    %mul3A_4 = arith.muli %arg1, %mul3A_3 : i32
    "tpu.region"() ({
      %run_scoped3A = tpu.sem_alloc : memref<!tpu.dma_semaphore, #tpu.memory_space<semaphore_mem>>
      %dma_start3A = arith.constant 0 : i32
      %dma_start3A_28 = tpu.memref_slice %arg10[%mul3A_4, %dma_start3A] : memref<10000x128xf32, #tpu.memory_space<vmem_shared>> -> memref<625x128xf32, #tpu.memory_space<vmem_shared>>
      %dma_start3A_29 = arith.constant 0 : i32
      %dma_start3A_30 = tpu.memref_slice %arg5[%mul3A_2, %dma_start3A_29] : memref<10000x128xf32, #tpu.memory_space<hbm>> -> memref<625x128xf32, #tpu.memory_space<hbm>>
      tpu.enqueue_dma source(%dma_start3A_30 : memref<625x128xf32, #tpu.memory_space<hbm>>) target(%dma_start3A_28 : memref<625x128xf32, #tpu.memory_space<vmem_shared>>) target_semaphore(%run_scoped3A : memref<!tpu.dma_semaphore, #tpu.memory_space<semaphore_mem>>)
      %dma_wait3A = arith.constant 0 : i32
      %dma_wait3A_31 = tpu.memref_slice %arg10[%mul3A_4, %dma_wait3A] : memref<10000x128xf32, #tpu.memory_space<vmem_shared>> -> memref<625x128xf32, #tpu.memory_space<vmem_shared>>
      %dma_wait3A_32 = arith.constant 0 : i32
      %dma_wait3A_33 = tpu.memref_slice %arg5[%mul3A_2, %dma_wait3A_32] : memref<10000x128xf32, #tpu.memory_space<hbm>> -> memref<625x128xf32, #tpu.memory_space<hbm>>
      tpu.wait_dma2 semaphore(%run_scoped3A : memref<!tpu.dma_semaphore, #tpu.memory_space<semaphore_mem>>) src(%dma_wait3A_33 : memref<625x128xf32, #tpu.memory_space<hbm>>) dst(%dma_wait3A_31 : memref<625x128xf32, #tpu.memory_space<vmem_shared>>)
      tpu.yield
    }) : () -> ()
    %mul3A_5 = arith.constant 625 : i32
    %mul3A_6 = arith.muli %arg1, %mul3A_5 : i32
    %mul3A_7 = arith.constant 625 : i32
    %mul3A_8 = arith.muli %arg1, %mul3A_7 : i32
    "tpu.region"() ({
      %run_scoped3A = tpu.sem_alloc : memref<!tpu.dma_semaphore, #tpu.memory_space<semaphore_mem>>
      %dma_start3A = arith.constant 0 : i32
      %dma_start3A_28 = tpu.memref_slice %arg11[%mul3A_8, %dma_start3A] : memref<10000x16xf32, #tpu.memory_space<vmem_shared>> -> memref<625x16xf32, #tpu.memory_space<vmem_shared>>
      %dma_start3A_29 = arith.constant 0 : i32
      %dma_start3A_30 = tpu.memref_slice %arg6[%mul3A_6, %dma_start3A_29] : memref<10000x16xf32, #tpu.memory_space<hbm>> -> memref<625x16xf32, #tpu.memory_space<hbm>>
      tpu.enqueue_dma source(%dma_start3A_30 : memref<625x16xf32, #tpu.memory_space<hbm>>) target(%dma_start3A_28 : memref<625x16xf32, #tpu.memory_space<vmem_shared>>) target_semaphore(%run_scoped3A : memref<!tpu.dma_semaphore, #tpu.memory_space<semaphore_mem>>)
      %dma_wait3A = arith.constant 0 : i32
      %dma_wait3A_31 = tpu.memref_slice %arg11[%mul3A_8, %dma_wait3A] : memref<10000x16xf32, #tpu.memory_space<vmem_shared>> -> memref<625x16xf32, #tpu.memory_space<vmem_shared>>
      %dma_wait3A_32 = arith.constant 0 : i32
      %dma_wait3A_33 = tpu.memref_slice %arg6[%mul3A_6, %dma_wait3A_32] : memref<10000x16xf32, #tpu.memory_space<hbm>> -> memref<625x16xf32, #tpu.memory_space<hbm>>
      tpu.wait_dma2 semaphore(%run_scoped3A : memref<!tpu.dma_semaphore, #tpu.memory_space<semaphore_mem>>) src(%dma_wait3A_33 : memref<625x16xf32, #tpu.memory_space<hbm>>) dst(%dma_wait3A_31 : memref<625x16xf32, #tpu.memory_space<vmem_shared>>)
      tpu.yield
    }) : () -> ()
    "tpu.region"() ({
      %run_scoped3A = tpu.sem_alloc : memref<!tpu.dma_semaphore, #tpu.memory_space<semaphore_mem>>
      tpu.enqueue_dma source(%arg7 : memref<125x16xf32, #tpu.memory_space<hbm>>) target(%arg15 : memref<125x16xf32, #tpu.memory_space<vmem>>) target_semaphore(%run_scoped3A : memref<!tpu.dma_semaphore, #tpu.memory_space<semaphore_mem>>)
      tpu.wait_dma2 semaphore(%run_scoped3A : memref<!tpu.dma_semaphore, #tpu.memory_space<semaphore_mem>>) src(%arg7 : memref<125x16xf32, #tpu.memory_space<hbm>>) dst(%arg15 : memref<125x16xf32, #tpu.memory_space<vmem>>)
      tpu.yield
    }) : () -> ()
    %barrier3A = arith.constant 0 : index
    tpu.barrier barrier_id(%barrier3A)
    %mul3A_9 = arith.constant 20 : i32
    %mul3A_10 = arith.muli %add3A, %mul3A_9 : i32
    %add3A_11 = arith.constant 1280 : i32
    %add3A_12 = arith.addi %add3A_11, %mul3A_10 : i32
    %add3A_13 = arith.constant 0 : i32
    %add3A_14 = arith.addi %add3A_12, %add3A_13 : i32
    "tpu.region"() ({
      %run_scoped3A = tpu.sem_alloc : memref<!tpu.dma_semaphore, #tpu.memory_space<semaphore_mem>>
      %dma_start3A = arith.constant 0 : i32
      %dma_start3A_28 = tpu.memref_slice %arg4[%add3A_14, %dma_start3A] : memref<2560x125xi32, #tpu.memory_space<hbm>> -> memref<20x125xi32, #tpu.memory_space<hbm>>
      %dma_start3A_29 = arith.constant 0 : i32
      %dma_start3A_30 = tpu.memref_slice %arg4[%add3A_14, %dma_start3A_29] : memref<2560x125xi32, #tpu.memory_space<hbm>> -> memref<20x125xi32, #tpu.memory_space<hbm>>
      tpu.enqueue_dma source(%dma_start3A_30 : memref<20x125xi32, #tpu.memory_space<hbm>>) target(%arg12 : memref<20x125xi32, #tpu.memory_space<vmem>>) target_semaphore(%run_scoped3A : memref<!tpu.dma_semaphore, #tpu.memory_space<semaphore_mem>>)
      %dma_wait3A = arith.constant 0 : i32
      %dma_wait3A_31 = tpu.memref_slice %arg4[%add3A_14, %dma_wait3A] : memref<2560x125xi32, #tpu.memory_space<hbm>> -> memref<20x125xi32, #tpu.memory_space<hbm>>
      %dma_wait3A_32 = arith.constant 0 : i32
      %dma_wait3A_33 = tpu.memref_slice %arg4[%add3A_14, %dma_wait3A_32] : memref<2560x125xi32, #tpu.memory_space<hbm>> -> memref<20x125xi32, #tpu.memory_space<hbm>>
      tpu.wait_dma2 semaphore(%run_scoped3A : memref<!tpu.dma_semaphore, #tpu.memory_space<semaphore_mem>>) src(%dma_wait3A_33 : memref<20x125xi32, #tpu.memory_space<hbm>>) dst(%arg12 : memref<20x125xi32, #tpu.memory_space<vmem>>)
      tpu.yield
    }) : () -> ()
    %scan3A = arith.constant 0 : i32
    %scan3A_15 = arith.constant 10 : i32
    %scan3A_16 = arith.addi %scan3A, %scan3A_15 : i32
    %scan3A_17 = arith.constant 1 : i32
    scf.for %scan3A_28 = %scan3A to %scan3A_16 step %scan3A_17  : i32 {
      %mul3A_29 = arith.constant 2 : i32
      %mul3A_30 = arith.muli %mul3A_29, %scan3A_28 : i32
      %add3A_31 = arith.constant 1 : i32
      %add3A_32 = arith.addi %mul3A_30, %add3A_31 : i32
      %mul3A_33 = arith.constant 2500 : i32
      %mul3A_34 = arith.muli %add3A, %mul3A_33 : i32
      %mul3A_35 = arith.constant 2 : i32
      %mul3A_36 = arith.muli %mul3A_35, %scan3A_28 : i32
      %add3A_37 = arith.constant 0 : i32
      %add3A_38 = arith.addi %add3A_37, %mul3A_36 : i32
      %mul3A_39 = arith.constant 125 : i32
      %mul3A_40 = arith.muli %add3A_38, %mul3A_39 : i32
      %add3A_41 = arith.addi %mul3A_34, %mul3A_40 : i32
      %add3A_42 = arith.constant 125 : i32
      %add3A_43 = arith.addi %add3A_41, %add3A_42 : i32
      %dma_start3A = arith.constant 0 : i32
      %dma_start3A_44 = tpu.memref_slice %arg2[%add3A_41, %dma_start3A] : memref<80000x128xf32, #tpu.memory_space<hbm>> -> memref<125x128xf32, #tpu.memory_space<hbm>>
      %dma_start3A_45 = arith.constant 0 : i32
      %dma_start3A_46 = tpu.memref_slice %arg2[%add3A_41, %dma_start3A_45] : memref<80000x128xf32, #tpu.memory_space<hbm>> -> memref<125x128xf32, #tpu.memory_space<hbm>>
      tpu.enqueue_dma source(%dma_start3A_46 : memref<125x128xf32, #tpu.memory_space<hbm>>) target(%arg13 : memref<125x128xf32, #tpu.memory_space<vmem>>) target_semaphore(%arg16 : memref<!tpu.dma_semaphore, #tpu.memory_space<semaphore_mem>>)
      %dma_start3A_47 = arith.constant 0 : i32
      %dma_start3A_48 = tpu.memref_slice %arg2[%add3A_43, %dma_start3A_47] : memref<80000x128xf32, #tpu.memory_space<hbm>> -> memref<125x128xf32, #tpu.memory_space<hbm>>
      %dma_start3A_49 = arith.constant 0 : i32
      %dma_start3A_50 = tpu.memref_slice %arg2[%add3A_43, %dma_start3A_49] : memref<80000x128xf32, #tpu.memory_space<hbm>> -> memref<125x128xf32, #tpu.memory_space<hbm>>
      tpu.enqueue_dma source(%dma_start3A_50 : memref<125x128xf32, #tpu.memory_space<hbm>>) target(%arg14 : memref<125x128xf32, #tpu.memory_space<vmem>>) target_semaphore(%arg17 : memref<!tpu.dma_semaphore, #tpu.memory_space<semaphore_mem>>)
      %dma_start3A_51 = arith.constant 0 : i32
      %dma_start3A_52 = tpu.memref_slice %arg12[%mul3A_30, %dma_start3A_51] : memref<20x125xi32, #tpu.memory_space<vmem>> -> memref<1x125xi32, #tpu.memory_space<vmem>>
      %dma_start3A_53 = tpu.memref_squeeze %dma_start3A_52 : memref<1x125xi32, #tpu.memory_space<vmem>> -> memref<125xi32, #tpu.memory_space<vmem>>
      %dma_start3A_54 = arith.constant 0 : i32
      %dma_start3A_55 = arith.constant 0 : i32
      %dma_start3A_56 = tpu.memref_slice %arg11[%dma_start3A_54, %dma_start3A_55] : memref<10000x16xf32, #tpu.memory_space<vmem_shared>> -> memref<10000x16xf32, #tpu.memory_space<vmem_shared>>
      tpu.enqueue_indirect_dma source(%arg15 : memref<125x16xf32, #tpu.memory_space<vmem>>) target(%dma_start3A_56 : memref<10000x16xf32, #tpu.memory_space<vmem_shared>>) offsets(%dma_start3A_53 : memref<125xi32, #tpu.memory_space<vmem>>) semaphore(%arg18 : memref<!tpu.dma_semaphore, #tpu.memory_space<semaphore_mem>>) {add = true}
      %dma_start3A_57 = arith.constant 0 : i32
      %dma_start3A_58 = tpu.memref_slice %arg12[%add3A_32, %dma_start3A_57] : memref<20x125xi32, #tpu.memory_space<vmem>> -> memref<1x125xi32, #tpu.memory_space<vmem>>
      %dma_start3A_59 = tpu.memref_squeeze %dma_start3A_58 : memref<1x125xi32, #tpu.memory_space<vmem>> -> memref<125xi32, #tpu.memory_space<vmem>>
      %dma_start3A_60 = arith.constant 0 : i32
      %dma_start3A_61 = arith.constant 0 : i32
      %dma_start3A_62 = tpu.memref_slice %arg11[%dma_start3A_60, %dma_start3A_61] : memref<10000x16xf32, #tpu.memory_space<vmem_shared>> -> memref<10000x16xf32, #tpu.memory_space<vmem_shared>>
      tpu.enqueue_indirect_dma source(%arg15 : memref<125x16xf32, #tpu.memory_space<vmem>>) target(%dma_start3A_62 : memref<10000x16xf32, #tpu.memory_space<vmem_shared>>) offsets(%dma_start3A_59 : memref<125xi32, #tpu.memory_space<vmem>>) semaphore(%arg18 : memref<!tpu.dma_semaphore, #tpu.memory_space<semaphore_mem>>) {add = true}
      %dma_wait3A = arith.constant 0 : i32
      %dma_wait3A_63 = tpu.memref_slice %arg2[%add3A_41, %dma_wait3A] : memref<80000x128xf32, #tpu.memory_space<hbm>> -> memref<125x128xf32, #tpu.memory_space<hbm>>
      %dma_wait3A_64 = arith.constant 0 : i32
      %dma_wait3A_65 = tpu.memref_slice %arg2[%add3A_41, %dma_wait3A_64] : memref<80000x128xf32, #tpu.memory_space<hbm>> -> memref<125x128xf32, #tpu.memory_space<hbm>>
      tpu.wait_dma2 semaphore(%arg16 : memref<!tpu.dma_semaphore, #tpu.memory_space<semaphore_mem>>) src(%dma_wait3A_65 : memref<125x128xf32, #tpu.memory_space<hbm>>) dst(%arg13 : memref<125x128xf32, #tpu.memory_space<vmem>>)
      %dma_start3A_66 = arith.constant 0 : i32
      %dma_start3A_67 = tpu.memref_slice %arg12[%mul3A_30, %dma_start3A_66] : memref<20x125xi32, #tpu.memory_space<vmem>> -> memref<1x125xi32, #tpu.memory_space<vmem>>
      %dma_start3A_68 = tpu.memref_squeeze %dma_start3A_67 : memref<1x125xi32, #tpu.memory_space<vmem>> -> memref<125xi32, #tpu.memory_space<vmem>>
      %dma_start3A_69 = arith.constant 0 : i32
      %dma_start3A_70 = arith.constant 0 : i32
      %dma_start3A_71 = tpu.memref_slice %arg10[%dma_start3A_69, %dma_start3A_70] : memref<10000x128xf32, #tpu.memory_space<vmem_shared>> -> memref<10000x128xf32, #tpu.memory_space<vmem_shared>>
      tpu.enqueue_indirect_dma source(%arg13 : memref<125x128xf32, #tpu.memory_space<vmem>>) target(%dma_start3A_71 : memref<10000x128xf32, #tpu.memory_space<vmem_shared>>) offsets(%dma_start3A_68 : memref<125xi32, #tpu.memory_space<vmem>>) semaphore(%arg16 : memref<!tpu.dma_semaphore, #tpu.memory_space<semaphore_mem>>) {add = true}
      %dma_wait3A_72 = arith.constant 0 : i32
      %dma_wait3A_73 = tpu.memref_slice %arg2[%add3A_43, %dma_wait3A_72] : memref<80000x128xf32, #tpu.memory_space<hbm>> -> memref<125x128xf32, #tpu.memory_space<hbm>>
      %dma_wait3A_74 = arith.constant 0 : i32
      %dma_wait3A_75 = tpu.memref_slice %arg2[%add3A_43, %dma_wait3A_74] : memref<80000x128xf32, #tpu.memory_space<hbm>> -> memref<125x128xf32, #tpu.memory_space<hbm>>
      tpu.wait_dma2 semaphore(%arg17 : memref<!tpu.dma_semaphore, #tpu.memory_space<semaphore_mem>>) src(%dma_wait3A_75 : memref<125x128xf32, #tpu.memory_space<hbm>>) dst(%arg14 : memref<125x128xf32, #tpu.memory_space<vmem>>)
      %dma_start3A_76 = arith.constant 0 : i32
      %dma_start3A_77 = tpu.memref_slice %arg12[%add3A_32, %dma_start3A_76] : memref<20x125xi32, #tpu.memory_space<vmem>> -> memref<1x125xi32, #tpu.memory_space<vmem>>
      %dma_start3A_78 = tpu.memref_squeeze %dma_start3A_77 : memref<1x125xi32, #tpu.memory_space<vmem>> -> memref<125xi32, #tpu.memory_space<vmem>>
      %dma_start3A_79 = arith.constant 0 : i32
      %dma_start3A_80 = arith.constant 0 : i32
      %dma_start3A_81 = tpu.memref_slice %arg10[%dma_start3A_79, %dma_start3A_80] : memref<10000x128xf32, #tpu.memory_space<vmem_shared>> -> memref<10000x128xf32, #tpu.memory_space<vmem_shared>>
      tpu.enqueue_indirect_dma source(%arg14 : memref<125x128xf32, #tpu.memory_space<vmem>>) target(%dma_start3A_81 : memref<10000x128xf32, #tpu.memory_space<vmem_shared>>) offsets(%dma_start3A_78 : memref<125xi32, #tpu.memory_space<vmem>>) semaphore(%arg17 : memref<!tpu.dma_semaphore, #tpu.memory_space<semaphore_mem>>) {add = true}
      %dma_wait3A_82 = arith.constant 0 : i32
      %dma_wait3A_83 = tpu.memref_slice %arg12[%mul3A_30, %dma_wait3A_82] : memref<20x125xi32, #tpu.memory_space<vmem>> -> memref<1x125xi32, #tpu.memory_space<vmem>>
      %dma_wait3A_84 = tpu.memref_squeeze %dma_wait3A_83 : memref<1x125xi32, #tpu.memory_space<vmem>> -> memref<125xi32, #tpu.memory_space<vmem>>
      %dma_wait3A_85 = arith.constant 0 : i32
      %dma_wait3A_86 = arith.constant 0 : i32
      %dma_wait3A_87 = tpu.memref_slice %arg10[%dma_wait3A_85, %dma_wait3A_86] : memref<10000x128xf32, #tpu.memory_space<vmem_shared>> -> memref<10000x128xf32, #tpu.memory_space<vmem_shared>>
      tpu.wait_indirect_dma semaphore(%arg16 : memref<!tpu.dma_semaphore, #tpu.memory_space<semaphore_mem>>) src(%arg13 : memref<125x128xf32, #tpu.memory_space<vmem>>) dst(%dma_wait3A_87 : memref<10000x128xf32, #tpu.memory_space<vmem_shared>>)
      %dma_wait3A_88 = arith.constant 0 : i32
      %dma_wait3A_89 = tpu.memref_slice %arg12[%add3A_32, %dma_wait3A_88] : memref<20x125xi32, #tpu.memory_space<vmem>> -> memref<1x125xi32, #tpu.memory_space<vmem>>
      %dma_wait3A_90 = tpu.memref_squeeze %dma_wait3A_89 : memref<1x125xi32, #tpu.memory_space<vmem>> -> memref<125xi32, #tpu.memory_space<vmem>>
      %dma_wait3A_91 = arith.constant 0 : i32
      %dma_wait3A_92 = arith.constant 0 : i32
      %dma_wait3A_93 = tpu.memref_slice %arg10[%dma_wait3A_91, %dma_wait3A_92] : memref<10000x128xf32, #tpu.memory_space<vmem_shared>> -> memref<10000x128xf32, #tpu.memory_space<vmem_shared>>
      tpu.wait_indirect_dma semaphore(%arg17 : memref<!tpu.dma_semaphore, #tpu.memory_space<semaphore_mem>>) src(%arg14 : memref<125x128xf32, #tpu.memory_space<vmem>>) dst(%dma_wait3A_93 : memref<10000x128xf32, #tpu.memory_space<vmem_shared>>)
      %dma_wait3A_94 = arith.constant 0 : i32
      %dma_wait3A_95 = tpu.memref_slice %arg12[%mul3A_30, %dma_wait3A_94] : memref<20x125xi32, #tpu.memory_space<vmem>> -> memref<1x125xi32, #tpu.memory_space<vmem>>
      %dma_wait3A_96 = tpu.memref_squeeze %dma_wait3A_95 : memref<1x125xi32, #tpu.memory_space<vmem>> -> memref<125xi32, #tpu.memory_space<vmem>>
      %dma_wait3A_97 = arith.constant 0 : i32
      %dma_wait3A_98 = arith.constant 0 : i32
      %dma_wait3A_99 = tpu.memref_slice %arg11[%dma_wait3A_97, %dma_wait3A_98] : memref<10000x16xf32, #tpu.memory_space<vmem_shared>> -> memref<10000x16xf32, #tpu.memory_space<vmem_shared>>
      tpu.wait_indirect_dma semaphore(%arg18 : memref<!tpu.dma_semaphore, #tpu.memory_space<semaphore_mem>>) src(%arg15 : memref<125x16xf32, #tpu.memory_space<vmem>>) dst(%dma_wait3A_99 : memref<10000x16xf32, #tpu.memory_space<vmem_shared>>)
      %dma_wait3A_100 = arith.constant 0 : i32
      %dma_wait3A_101 = tpu.memref_slice %arg12[%add3A_32, %dma_wait3A_100] : memref<20x125xi32, #tpu.memory_space<vmem>> -> memref<1x125xi32, #tpu.memory_space<vmem>>
      %dma_wait3A_102 = tpu.memref_squeeze %dma_wait3A_101 : memref<1x125xi32, #tpu.memory_space<vmem>> -> memref<125xi32, #tpu.memory_space<vmem>>
      %dma_wait3A_103 = arith.constant 0 : i32
      %dma_wait3A_104 = arith.constant 0 : i32
      %dma_wait3A_105 = tpu.memref_slice %arg11[%dma_wait3A_103, %dma_wait3A_104] : memref<10000x16xf32, #tpu.memory_space<vmem_shared>> -> memref<10000x16xf32, #tpu.memory_space<vmem_shared>>
      tpu.wait_indirect_dma semaphore(%arg18 : memref<!tpu.dma_semaphore, #tpu.memory_space<semaphore_mem>>) src(%arg15 : memref<125x16xf32, #tpu.memory_space<vmem>>) dst(%dma_wait3A_105 : memref<10000x16xf32, #tpu.memory_space<vmem_shared>>)
    }
    %scan3A_18 = arith.constant 10 : i32
    %barrier3A_19 = arith.constant 0 : index
    tpu.barrier barrier_id(%barrier3A_19)
    %mul3A_20 = arith.constant 625 : i32
    %mul3A_21 = arith.muli %arg1, %mul3A_20 : i32
    %mul3A_22 = arith.constant 625 : i32
    %mul3A_23 = arith.muli %arg1, %mul3A_22 : i32
    "tpu.region"() ({
      %run_scoped3A = tpu.sem_alloc : memref<!tpu.dma_semaphore, #tpu.memory_space<semaphore_mem>>
      %dma_start3A = arith.constant 0 : i32
      %dma_start3A_28 = tpu.memref_slice %arg8[%arg0, %mul3A_23, %dma_start3A] : memref<2x10000x128xf32, #tpu.memory_space<hbm>> -> memref<1x625x128xf32, #tpu.memory_space<hbm>>
      %dma_start3A_29 = tpu.memref_squeeze %dma_start3A_28 : memref<1x625x128xf32, #tpu.memory_space<hbm>> -> memref<625x128xf32, #tpu.memory_space<hbm>>
      %dma_start3A_30 = arith.constant 0 : i32
      %dma_start3A_31 = tpu.memref_slice %arg10[%mul3A_21, %dma_start3A_30] : memref<10000x128xf32, #tpu.memory_space<vmem_shared>> -> memref<625x128xf32, #tpu.memory_space<vmem_shared>>
      tpu.enqueue_dma source(%dma_start3A_31 : memref<625x128xf32, #tpu.memory_space<vmem_shared>>) target(%dma_start3A_29 : memref<625x128xf32, #tpu.memory_space<hbm>>) target_semaphore(%run_scoped3A : memref<!tpu.dma_semaphore, #tpu.memory_space<semaphore_mem>>)
      %dma_wait3A = arith.constant 0 : i32
      %dma_wait3A_32 = tpu.memref_slice %arg8[%arg0, %mul3A_23, %dma_wait3A] : memref<2x10000x128xf32, #tpu.memory_space<hbm>> -> memref<1x625x128xf32, #tpu.memory_space<hbm>>
      %dma_wait3A_33 = tpu.memref_squeeze %dma_wait3A_32 : memref<1x625x128xf32, #tpu.memory_space<hbm>> -> memref<625x128xf32, #tpu.memory_space<hbm>>
      %dma_wait3A_34 = arith.constant 0 : i32
      %dma_wait3A_35 = tpu.memref_slice %arg10[%mul3A_21, %dma_wait3A_34] : memref<10000x128xf32, #tpu.memory_space<vmem_shared>> -> memref<625x128xf32, #tpu.memory_space<vmem_shared>>
      tpu.wait_dma2 semaphore(%run_scoped3A : memref<!tpu.dma_semaphore, #tpu.memory_space<semaphore_mem>>) src(%dma_wait3A_35 : memref<625x128xf32, #tpu.memory_space<vmem_shared>>) dst(%dma_wait3A_33 : memref<625x128xf32, #tpu.memory_space<hbm>>)
      tpu.yield
    }) : () -> ()
    %mul3A_24 = arith.constant 625 : i32
    %mul3A_25 = arith.muli %arg1, %mul3A_24 : i32
    %mul3A_26 = arith.constant 625 : i32
    %mul3A_27 = arith.muli %arg1, %mul3A_26 : i32
    "tpu.region"() ({
      %run_scoped3A = tpu.sem_alloc : memref<!tpu.dma_semaphore, #tpu.memory_space<semaphore_mem>>
      %dma_start3A = arith.constant 0 : i32
      %dma_start3A_28 = tpu.memref_slice %arg9[%arg0, %mul3A_27, %dma_start3A] : memref<2x10000x16xf32, #tpu.memory_space<hbm>> -> memref<1x625x16xf32, #tpu.memory_space<hbm>>
      %dma_start3A_29 = tpu.memref_squeeze %dma_start3A_28 : memref<1x625x16xf32, #tpu.memory_space<hbm>> -> memref<625x16xf32, #tpu.memory_space<hbm>>
      %dma_start3A_30 = arith.constant 0 : i32
      %dma_start3A_31 = tpu.memref_slice %arg11[%mul3A_25, %dma_start3A_30] : memref<10000x16xf32, #tpu.memory_space<vmem_shared>> -> memref<625x16xf32, #tpu.memory_space<vmem_shared>>
      tpu.enqueue_dma source(%dma_start3A_31 : memref<625x16xf32, #tpu.memory_space<vmem_shared>>) target(%dma_start3A_29 : memref<625x16xf32, #tpu.memory_space<hbm>>) target_semaphore(%run_scoped3A : memref<!tpu.dma_semaphore, #tpu.memory_space<semaphore_mem>>)
      %dma_wait3A = arith.constant 0 : i32
      %dma_wait3A_32 = tpu.memref_slice %arg9[%arg0, %mul3A_27, %dma_wait3A] : memref<2x10000x16xf32, #tpu.memory_space<hbm>> -> memref<1x625x16xf32, #tpu.memory_space<hbm>>
      %dma_wait3A_33 = tpu.memref_squeeze %dma_wait3A_32 : memref<1x625x16xf32, #tpu.memory_space<hbm>> -> memref<625x16xf32, #tpu.memory_space<hbm>>
      %dma_wait3A_34 = arith.constant 0 : i32
      %dma_wait3A_35 = tpu.memref_slice %arg11[%mul3A_25, %dma_wait3A_34] : memref<10000x16xf32, #tpu.memory_space<vmem_shared>> -> memref<625x16xf32, #tpu.memory_space<vmem_shared>>
      tpu.wait_dma2 semaphore(%run_scoped3A : memref<!tpu.dma_semaphore, #tpu.memory_space<semaphore_mem>>) src(%dma_wait3A_35 : memref<625x16xf32, #tpu.memory_space<vmem_shared>>) dst(%dma_wait3A_33 : memref<625x16xf32, #tpu.memory_space<hbm>>)
      tpu.yield
    }) : () -> ()
    return
  }
}

#map = affine_map<(d0, d1) -> (0, 0)>
#map1 = affine_map<(d0, d1) -> (0, 0, 0)>
module attributes {stable_mosaic.version = 14 : i64} {
  func.func @scatter_add_d3(%arg0: i32, %arg1: i32, %arg2: memref<80000x128xf32, #tpu.memory_space<hbm>>, %arg3: memref<80000x128xf32, #tpu.memory_space<hbm>>, %arg4: memref<2560x125xi32, #tpu.memory_space<hbm>>, %arg5: memref<10000x128xf32, #tpu.memory_space<hbm>>, %arg6: memref<10000x16xf32, #tpu.memory_space<hbm>>, %arg7: memref<125x16xf32, #tpu.memory_space<hbm>>, %arg8: memref<2x10000x128xf32, #tpu.memory_space<hbm>>, %arg9: memref<2x10000x16xf32, #tpu.memory_space<hbm>>, %arg10: memref<10000x128xf32, #tpu.memory_space<vmem_shared>>, %arg11: memref<10000x16xf32, #tpu.memory_space<vmem_shared>>, %arg12: memref<20x125xi32, #tpu.memory_space<vmem>>, %arg13: memref<125x128xf32, #tpu.memory_space<vmem>>, %arg14: memref<125x128xf32, #tpu.memory_space<vmem>>, %arg15: memref<125x16xf32, #tpu.memory_space<vmem>>, %arg16: memref<!tpu.dma_semaphore, #tpu.memory_space<semaphore_mem>>, %arg17: memref<!tpu.dma_semaphore, #tpu.memory_space<semaphore_mem>>, %arg18: memref<!tpu.dma_semaphore, #tpu.memory_space<semaphore_mem>>) attributes {dimension_semantics = [#tpu.dimension_semantics<core_parallel>, #tpu.dimension_semantics<subcore_parallel>], iteration_bounds = array<i64: 2, 16>, scalar_prefetch = 0 : i64, scratch_operands = 9 : i64, tpu.core_type = #tpu.core_type<sc_vector_subcore>, window_params = [{transform_indices = #map}, {transform_indices = #map}, {transform_indices = #map}, {transform_indices = #map}, {transform_indices = #map}, {transform_indices = #map}, {transform_indices = #map1}, {transform_indices = #map1}]} {
    %mul3A = arith.constant 16 : i32
    %mul3A_0 = arith.muli %arg0, %mul3A : i32
    %add3A = arith.addi %mul3A_0, %arg1 : i32
    %mul3A_1 = arith.constant 625 : i32
    %mul3A_2 = arith.muli %arg1, %mul3A_1 : i32
    %mul3A_3 = arith.constant 625 : i32
    %mul3A_4 = arith.muli %arg1, %mul3A_3 : i32
    "tpu.region"() ({
      %run_scoped3A = tpu.sem_alloc : memref<!tpu.dma_semaphore, #tpu.memory_space<semaphore_mem>>
      %dma_start3A = arith.constant 0 : i32
      %dma_start3A_28 = tpu.memref_slice %arg10[%mul3A_4, %dma_start3A] : memref<10000x128xf32, #tpu.memory_space<vmem_shared>> -> memref<625x128xf32, #tpu.memory_space<vmem_shared>>
      %dma_start3A_29 = arith.constant 0 : i32
      %dma_start3A_30 = tpu.memref_slice %arg5[%mul3A_2, %dma_start3A_29] : memref<10000x128xf32, #tpu.memory_space<hbm>> -> memref<625x128xf32, #tpu.memory_space<hbm>>
      tpu.enqueue_dma source(%dma_start3A_30 : memref<625x128xf32, #tpu.memory_space<hbm>>) target(%dma_start3A_28 : memref<625x128xf32, #tpu.memory_space<vmem_shared>>) target_semaphore(%run_scoped3A : memref<!tpu.dma_semaphore, #tpu.memory_space<semaphore_mem>>)
      %dma_wait3A = arith.constant 0 : i32
      %dma_wait3A_31 = tpu.memref_slice %arg10[%mul3A_4, %dma_wait3A] : memref<10000x128xf32, #tpu.memory_space<vmem_shared>> -> memref<625x128xf32, #tpu.memory_space<vmem_shared>>
      %dma_wait3A_32 = arith.constant 0 : i32
      %dma_wait3A_33 = tpu.memref_slice %arg5[%mul3A_2, %dma_wait3A_32] : memref<10000x128xf32, #tpu.memory_space<hbm>> -> memref<625x128xf32, #tpu.memory_space<hbm>>
      tpu.wait_dma2 semaphore(%run_scoped3A : memref<!tpu.dma_semaphore, #tpu.memory_space<semaphore_mem>>) src(%dma_wait3A_33 : memref<625x128xf32, #tpu.memory_space<hbm>>) dst(%dma_wait3A_31 : memref<625x128xf32, #tpu.memory_space<vmem_shared>>)
      tpu.yield
    }) : () -> ()
    %mul3A_5 = arith.constant 625 : i32
    %mul3A_6 = arith.muli %arg1, %mul3A_5 : i32
    %mul3A_7 = arith.constant 625 : i32
    %mul3A_8 = arith.muli %arg1, %mul3A_7 : i32
    "tpu.region"() ({
      %run_scoped3A = tpu.sem_alloc : memref<!tpu.dma_semaphore, #tpu.memory_space<semaphore_mem>>
      %dma_start3A = arith.constant 0 : i32
      %dma_start3A_28 = tpu.memref_slice %arg11[%mul3A_8, %dma_start3A] : memref<10000x16xf32, #tpu.memory_space<vmem_shared>> -> memref<625x16xf32, #tpu.memory_space<vmem_shared>>
      %dma_start3A_29 = arith.constant 0 : i32
      %dma_start3A_30 = tpu.memref_slice %arg6[%mul3A_6, %dma_start3A_29] : memref<10000x16xf32, #tpu.memory_space<hbm>> -> memref<625x16xf32, #tpu.memory_space<hbm>>
      tpu.enqueue_dma source(%dma_start3A_30 : memref<625x16xf32, #tpu.memory_space<hbm>>) target(%dma_start3A_28 : memref<625x16xf32, #tpu.memory_space<vmem_shared>>) target_semaphore(%run_scoped3A : memref<!tpu.dma_semaphore, #tpu.memory_space<semaphore_mem>>)
      %dma_wait3A = arith.constant 0 : i32
      %dma_wait3A_31 = tpu.memref_slice %arg11[%mul3A_8, %dma_wait3A] : memref<10000x16xf32, #tpu.memory_space<vmem_shared>> -> memref<625x16xf32, #tpu.memory_space<vmem_shared>>
      %dma_wait3A_32 = arith.constant 0 : i32
      %dma_wait3A_33 = tpu.memref_slice %arg6[%mul3A_6, %dma_wait3A_32] : memref<10000x16xf32, #tpu.memory_space<hbm>> -> memref<625x16xf32, #tpu.memory_space<hbm>>
      tpu.wait_dma2 semaphore(%run_scoped3A : memref<!tpu.dma_semaphore, #tpu.memory_space<semaphore_mem>>) src(%dma_wait3A_33 : memref<625x16xf32, #tpu.memory_space<hbm>>) dst(%dma_wait3A_31 : memref<625x16xf32, #tpu.memory_space<vmem_shared>>)
      tpu.yield
    }) : () -> ()
    "tpu.region"() ({
      %run_scoped3A = tpu.sem_alloc : memref<!tpu.dma_semaphore, #tpu.memory_space<semaphore_mem>>
      tpu.enqueue_dma source(%arg7 : memref<125x16xf32, #tpu.memory_space<hbm>>) target(%arg15 : memref<125x16xf32, #tpu.memory_space<vmem>>) target_semaphore(%run_scoped3A : memref<!tpu.dma_semaphore, #tpu.memory_space<semaphore_mem>>)
      tpu.wait_dma2 semaphore(%run_scoped3A : memref<!tpu.dma_semaphore, #tpu.memory_space<semaphore_mem>>) src(%arg7 : memref<125x16xf32, #tpu.memory_space<hbm>>) dst(%arg15 : memref<125x16xf32, #tpu.memory_space<vmem>>)
      tpu.yield
    }) : () -> ()
    %barrier3A = arith.constant 0 : index
    tpu.barrier barrier_id(%barrier3A)
    %mul3A_9 = arith.constant 20 : i32
    %mul3A_10 = arith.muli %add3A, %mul3A_9 : i32
    %add3A_11 = arith.constant 1920 : i32
    %add3A_12 = arith.addi %add3A_11, %mul3A_10 : i32
    %add3A_13 = arith.constant 0 : i32
    %add3A_14 = arith.addi %add3A_12, %add3A_13 : i32
    "tpu.region"() ({
      %run_scoped3A = tpu.sem_alloc : memref<!tpu.dma_semaphore, #tpu.memory_space<semaphore_mem>>
      %dma_start3A = arith.constant 0 : i32
      %dma_start3A_28 = tpu.memref_slice %arg4[%add3A_14, %dma_start3A] : memref<2560x125xi32, #tpu.memory_space<hbm>> -> memref<20x125xi32, #tpu.memory_space<hbm>>
      %dma_start3A_29 = arith.constant 0 : i32
      %dma_start3A_30 = tpu.memref_slice %arg4[%add3A_14, %dma_start3A_29] : memref<2560x125xi32, #tpu.memory_space<hbm>> -> memref<20x125xi32, #tpu.memory_space<hbm>>
      tpu.enqueue_dma source(%dma_start3A_30 : memref<20x125xi32, #tpu.memory_space<hbm>>) target(%arg12 : memref<20x125xi32, #tpu.memory_space<vmem>>) target_semaphore(%run_scoped3A : memref<!tpu.dma_semaphore, #tpu.memory_space<semaphore_mem>>)
      %dma_wait3A = arith.constant 0 : i32
      %dma_wait3A_31 = tpu.memref_slice %arg4[%add3A_14, %dma_wait3A] : memref<2560x125xi32, #tpu.memory_space<hbm>> -> memref<20x125xi32, #tpu.memory_space<hbm>>
      %dma_wait3A_32 = arith.constant 0 : i32
      %dma_wait3A_33 = tpu.memref_slice %arg4[%add3A_14, %dma_wait3A_32] : memref<2560x125xi32, #tpu.memory_space<hbm>> -> memref<20x125xi32, #tpu.memory_space<hbm>>
      tpu.wait_dma2 semaphore(%run_scoped3A : memref<!tpu.dma_semaphore, #tpu.memory_space<semaphore_mem>>) src(%dma_wait3A_33 : memref<20x125xi32, #tpu.memory_space<hbm>>) dst(%arg12 : memref<20x125xi32, #tpu.memory_space<vmem>>)
      tpu.yield
    }) : () -> ()
    %scan3A = arith.constant 0 : i32
    %scan3A_15 = arith.constant 10 : i32
    %scan3A_16 = arith.addi %scan3A, %scan3A_15 : i32
    %scan3A_17 = arith.constant 1 : i32
    scf.for %scan3A_28 = %scan3A to %scan3A_16 step %scan3A_17  : i32 {
      %mul3A_29 = arith.constant 2 : i32
      %mul3A_30 = arith.muli %mul3A_29, %scan3A_28 : i32
      %add3A_31 = arith.constant 1 : i32
      %add3A_32 = arith.addi %mul3A_30, %add3A_31 : i32
      %mul3A_33 = arith.constant 2500 : i32
      %mul3A_34 = arith.muli %add3A, %mul3A_33 : i32
      %mul3A_35 = arith.constant 2 : i32
      %mul3A_36 = arith.muli %mul3A_35, %scan3A_28 : i32
      %add3A_37 = arith.constant 0 : i32
      %add3A_38 = arith.addi %add3A_37, %mul3A_36 : i32
      %mul3A_39 = arith.constant 125 : i32
      %mul3A_40 = arith.muli %add3A_38, %mul3A_39 : i32
      %add3A_41 = arith.addi %mul3A_34, %mul3A_40 : i32
      %add3A_42 = arith.constant 125 : i32
      %add3A_43 = arith.addi %add3A_41, %add3A_42 : i32
      %dma_start3A = arith.constant 0 : i32
      %dma_start3A_44 = tpu.memref_slice %arg2[%add3A_41, %dma_start3A] : memref<80000x128xf32, #tpu.memory_space<hbm>> -> memref<125x128xf32, #tpu.memory_space<hbm>>
      %dma_start3A_45 = arith.constant 0 : i32
      %dma_start3A_46 = tpu.memref_slice %arg2[%add3A_41, %dma_start3A_45] : memref<80000x128xf32, #tpu.memory_space<hbm>> -> memref<125x128xf32, #tpu.memory_space<hbm>>
      tpu.enqueue_dma source(%dma_start3A_46 : memref<125x128xf32, #tpu.memory_space<hbm>>) target(%arg13 : memref<125x128xf32, #tpu.memory_space<vmem>>) target_semaphore(%arg16 : memref<!tpu.dma_semaphore, #tpu.memory_space<semaphore_mem>>)
      %dma_start3A_47 = arith.constant 0 : i32
      %dma_start3A_48 = tpu.memref_slice %arg2[%add3A_43, %dma_start3A_47] : memref<80000x128xf32, #tpu.memory_space<hbm>> -> memref<125x128xf32, #tpu.memory_space<hbm>>
      %dma_start3A_49 = arith.constant 0 : i32
      %dma_start3A_50 = tpu.memref_slice %arg2[%add3A_43, %dma_start3A_49] : memref<80000x128xf32, #tpu.memory_space<hbm>> -> memref<125x128xf32, #tpu.memory_space<hbm>>
      tpu.enqueue_dma source(%dma_start3A_50 : memref<125x128xf32, #tpu.memory_space<hbm>>) target(%arg14 : memref<125x128xf32, #tpu.memory_space<vmem>>) target_semaphore(%arg17 : memref<!tpu.dma_semaphore, #tpu.memory_space<semaphore_mem>>)
      %dma_start3A_51 = arith.constant 0 : i32
      %dma_start3A_52 = tpu.memref_slice %arg12[%mul3A_30, %dma_start3A_51] : memref<20x125xi32, #tpu.memory_space<vmem>> -> memref<1x125xi32, #tpu.memory_space<vmem>>
      %dma_start3A_53 = tpu.memref_squeeze %dma_start3A_52 : memref<1x125xi32, #tpu.memory_space<vmem>> -> memref<125xi32, #tpu.memory_space<vmem>>
      %dma_start3A_54 = arith.constant 0 : i32
      %dma_start3A_55 = arith.constant 0 : i32
      %dma_start3A_56 = tpu.memref_slice %arg11[%dma_start3A_54, %dma_start3A_55] : memref<10000x16xf32, #tpu.memory_space<vmem_shared>> -> memref<10000x16xf32, #tpu.memory_space<vmem_shared>>
      tpu.enqueue_indirect_dma source(%arg15 : memref<125x16xf32, #tpu.memory_space<vmem>>) target(%dma_start3A_56 : memref<10000x16xf32, #tpu.memory_space<vmem_shared>>) offsets(%dma_start3A_53 : memref<125xi32, #tpu.memory_space<vmem>>) semaphore(%arg18 : memref<!tpu.dma_semaphore, #tpu.memory_space<semaphore_mem>>) {add = true}
      %dma_start3A_57 = arith.constant 0 : i32
      %dma_start3A_58 = tpu.memref_slice %arg12[%add3A_32, %dma_start3A_57] : memref<20x125xi32, #tpu.memory_space<vmem>> -> memref<1x125xi32, #tpu.memory_space<vmem>>
      %dma_start3A_59 = tpu.memref_squeeze %dma_start3A_58 : memref<1x125xi32, #tpu.memory_space<vmem>> -> memref<125xi32, #tpu.memory_space<vmem>>
      %dma_start3A_60 = arith.constant 0 : i32
      %dma_start3A_61 = arith.constant 0 : i32
      %dma_start3A_62 = tpu.memref_slice %arg11[%dma_start3A_60, %dma_start3A_61] : memref<10000x16xf32, #tpu.memory_space<vmem_shared>> -> memref<10000x16xf32, #tpu.memory_space<vmem_shared>>
      tpu.enqueue_indirect_dma source(%arg15 : memref<125x16xf32, #tpu.memory_space<vmem>>) target(%dma_start3A_62 : memref<10000x16xf32, #tpu.memory_space<vmem_shared>>) offsets(%dma_start3A_59 : memref<125xi32, #tpu.memory_space<vmem>>) semaphore(%arg18 : memref<!tpu.dma_semaphore, #tpu.memory_space<semaphore_mem>>) {add = true}
      %dma_wait3A = arith.constant 0 : i32
      %dma_wait3A_63 = tpu.memref_slice %arg2[%add3A_41, %dma_wait3A] : memref<80000x128xf32, #tpu.memory_space<hbm>> -> memref<125x128xf32, #tpu.memory_space<hbm>>
      %dma_wait3A_64 = arith.constant 0 : i32
      %dma_wait3A_65 = tpu.memref_slice %arg2[%add3A_41, %dma_wait3A_64] : memref<80000x128xf32, #tpu.memory_space<hbm>> -> memref<125x128xf32, #tpu.memory_space<hbm>>
      tpu.wait_dma2 semaphore(%arg16 : memref<!tpu.dma_semaphore, #tpu.memory_space<semaphore_mem>>) src(%dma_wait3A_65 : memref<125x128xf32, #tpu.memory_space<hbm>>) dst(%arg13 : memref<125x128xf32, #tpu.memory_space<vmem>>)
      %dma_start3A_66 = arith.constant 0 : i32
      %dma_start3A_67 = tpu.memref_slice %arg12[%mul3A_30, %dma_start3A_66] : memref<20x125xi32, #tpu.memory_space<vmem>> -> memref<1x125xi32, #tpu.memory_space<vmem>>
      %dma_start3A_68 = tpu.memref_squeeze %dma_start3A_67 : memref<1x125xi32, #tpu.memory_space<vmem>> -> memref<125xi32, #tpu.memory_space<vmem>>
      %dma_start3A_69 = arith.constant 0 : i32
      %dma_start3A_70 = arith.constant 0 : i32
      %dma_start3A_71 = tpu.memref_slice %arg10[%dma_start3A_69, %dma_start3A_70] : memref<10000x128xf32, #tpu.memory_space<vmem_shared>> -> memref<10000x128xf32, #tpu.memory_space<vmem_shared>>
      tpu.enqueue_indirect_dma source(%arg13 : memref<125x128xf32, #tpu.memory_space<vmem>>) target(%dma_start3A_71 : memref<10000x128xf32, #tpu.memory_space<vmem_shared>>) offsets(%dma_start3A_68 : memref<125xi32, #tpu.memory_space<vmem>>) semaphore(%arg16 : memref<!tpu.dma_semaphore, #tpu.memory_space<semaphore_mem>>) {add = true}
      %dma_wait3A_72 = arith.constant 0 : i32
      %dma_wait3A_73 = tpu.memref_slice %arg2[%add3A_43, %dma_wait3A_72] : memref<80000x128xf32, #tpu.memory_space<hbm>> -> memref<125x128xf32, #tpu.memory_space<hbm>>
      %dma_wait3A_74 = arith.constant 0 : i32
      %dma_wait3A_75 = tpu.memref_slice %arg2[%add3A_43, %dma_wait3A_74] : memref<80000x128xf32, #tpu.memory_space<hbm>> -> memref<125x128xf32, #tpu.memory_space<hbm>>
      tpu.wait_dma2 semaphore(%arg17 : memref<!tpu.dma_semaphore, #tpu.memory_space<semaphore_mem>>) src(%dma_wait3A_75 : memref<125x128xf32, #tpu.memory_space<hbm>>) dst(%arg14 : memref<125x128xf32, #tpu.memory_space<vmem>>)
      %dma_start3A_76 = arith.constant 0 : i32
      %dma_start3A_77 = tpu.memref_slice %arg12[%add3A_32, %dma_start3A_76] : memref<20x125xi32, #tpu.memory_space<vmem>> -> memref<1x125xi32, #tpu.memory_space<vmem>>
      %dma_start3A_78 = tpu.memref_squeeze %dma_start3A_77 : memref<1x125xi32, #tpu.memory_space<vmem>> -> memref<125xi32, #tpu.memory_space<vmem>>
      %dma_start3A_79 = arith.constant 0 : i32
      %dma_start3A_80 = arith.constant 0 : i32
      %dma_start3A_81 = tpu.memref_slice %arg10[%dma_start3A_79, %dma_start3A_80] : memref<10000x128xf32, #tpu.memory_space<vmem_shared>> -> memref<10000x128xf32, #tpu.memory_space<vmem_shared>>
      tpu.enqueue_indirect_dma source(%arg14 : memref<125x128xf32, #tpu.memory_space<vmem>>) target(%dma_start3A_81 : memref<10000x128xf32, #tpu.memory_space<vmem_shared>>) offsets(%dma_start3A_78 : memref<125xi32, #tpu.memory_space<vmem>>) semaphore(%arg17 : memref<!tpu.dma_semaphore, #tpu.memory_space<semaphore_mem>>) {add = true}
      %dma_wait3A_82 = arith.constant 0 : i32
      %dma_wait3A_83 = tpu.memref_slice %arg12[%mul3A_30, %dma_wait3A_82] : memref<20x125xi32, #tpu.memory_space<vmem>> -> memref<1x125xi32, #tpu.memory_space<vmem>>
      %dma_wait3A_84 = tpu.memref_squeeze %dma_wait3A_83 : memref<1x125xi32, #tpu.memory_space<vmem>> -> memref<125xi32, #tpu.memory_space<vmem>>
      %dma_wait3A_85 = arith.constant 0 : i32
      %dma_wait3A_86 = arith.constant 0 : i32
      %dma_wait3A_87 = tpu.memref_slice %arg10[%dma_wait3A_85, %dma_wait3A_86] : memref<10000x128xf32, #tpu.memory_space<vmem_shared>> -> memref<10000x128xf32, #tpu.memory_space<vmem_shared>>
      tpu.wait_indirect_dma semaphore(%arg16 : memref<!tpu.dma_semaphore, #tpu.memory_space<semaphore_mem>>) src(%arg13 : memref<125x128xf32, #tpu.memory_space<vmem>>) dst(%dma_wait3A_87 : memref<10000x128xf32, #tpu.memory_space<vmem_shared>>)
      %dma_wait3A_88 = arith.constant 0 : i32
      %dma_wait3A_89 = tpu.memref_slice %arg12[%add3A_32, %dma_wait3A_88] : memref<20x125xi32, #tpu.memory_space<vmem>> -> memref<1x125xi32, #tpu.memory_space<vmem>>
      %dma_wait3A_90 = tpu.memref_squeeze %dma_wait3A_89 : memref<1x125xi32, #tpu.memory_space<vmem>> -> memref<125xi32, #tpu.memory_space<vmem>>
      %dma_wait3A_91 = arith.constant 0 : i32
      %dma_wait3A_92 = arith.constant 0 : i32
      %dma_wait3A_93 = tpu.memref_slice %arg10[%dma_wait3A_91, %dma_wait3A_92] : memref<10000x128xf32, #tpu.memory_space<vmem_shared>> -> memref<10000x128xf32, #tpu.memory_space<vmem_shared>>
      tpu.wait_indirect_dma semaphore(%arg17 : memref<!tpu.dma_semaphore, #tpu.memory_space<semaphore_mem>>) src(%arg14 : memref<125x128xf32, #tpu.memory_space<vmem>>) dst(%dma_wait3A_93 : memref<10000x128xf32, #tpu.memory_space<vmem_shared>>)
      %dma_wait3A_94 = arith.constant 0 : i32
      %dma_wait3A_95 = tpu.memref_slice %arg12[%mul3A_30, %dma_wait3A_94] : memref<20x125xi32, #tpu.memory_space<vmem>> -> memref<1x125xi32, #tpu.memory_space<vmem>>
      %dma_wait3A_96 = tpu.memref_squeeze %dma_wait3A_95 : memref<1x125xi32, #tpu.memory_space<vmem>> -> memref<125xi32, #tpu.memory_space<vmem>>
      %dma_wait3A_97 = arith.constant 0 : i32
      %dma_wait3A_98 = arith.constant 0 : i32
      %dma_wait3A_99 = tpu.memref_slice %arg11[%dma_wait3A_97, %dma_wait3A_98] : memref<10000x16xf32, #tpu.memory_space<vmem_shared>> -> memref<10000x16xf32, #tpu.memory_space<vmem_shared>>
      tpu.wait_indirect_dma semaphore(%arg18 : memref<!tpu.dma_semaphore, #tpu.memory_space<semaphore_mem>>) src(%arg15 : memref<125x16xf32, #tpu.memory_space<vmem>>) dst(%dma_wait3A_99 : memref<10000x16xf32, #tpu.memory_space<vmem_shared>>)
      %dma_wait3A_100 = arith.constant 0 : i32
      %dma_wait3A_101 = tpu.memref_slice %arg12[%add3A_32, %dma_wait3A_100] : memref<20x125xi32, #tpu.memory_space<vmem>> -> memref<1x125xi32, #tpu.memory_space<vmem>>
      %dma_wait3A_102 = tpu.memref_squeeze %dma_wait3A_101 : memref<1x125xi32, #tpu.memory_space<vmem>> -> memref<125xi32, #tpu.memory_space<vmem>>
      %dma_wait3A_103 = arith.constant 0 : i32
      %dma_wait3A_104 = arith.constant 0 : i32
      %dma_wait3A_105 = tpu.memref_slice %arg11[%dma_wait3A_103, %dma_wait3A_104] : memref<10000x16xf32, #tpu.memory_space<vmem_shared>> -> memref<10000x16xf32, #tpu.memory_space<vmem_shared>>
      tpu.wait_indirect_dma semaphore(%arg18 : memref<!tpu.dma_semaphore, #tpu.memory_space<semaphore_mem>>) src(%arg15 : memref<125x16xf32, #tpu.memory_space<vmem>>) dst(%dma_wait3A_105 : memref<10000x16xf32, #tpu.memory_space<vmem_shared>>)
    }
    %scan3A_18 = arith.constant 10 : i32
    %barrier3A_19 = arith.constant 0 : index
    tpu.barrier barrier_id(%barrier3A_19)
    %mul3A_20 = arith.constant 625 : i32
    %mul3A_21 = arith.muli %arg1, %mul3A_20 : i32
    %mul3A_22 = arith.constant 625 : i32
    %mul3A_23 = arith.muli %arg1, %mul3A_22 : i32
    "tpu.region"() ({
      %run_scoped3A = tpu.sem_alloc : memref<!tpu.dma_semaphore, #tpu.memory_space<semaphore_mem>>
      %dma_start3A = arith.constant 0 : i32
      %dma_start3A_28 = tpu.memref_slice %arg8[%arg0, %mul3A_23, %dma_start3A] : memref<2x10000x128xf32, #tpu.memory_space<hbm>> -> memref<1x625x128xf32, #tpu.memory_space<hbm>>
      %dma_start3A_29 = tpu.memref_squeeze %dma_start3A_28 : memref<1x625x128xf32, #tpu.memory_space<hbm>> -> memref<625x128xf32, #tpu.memory_space<hbm>>
      %dma_start3A_30 = arith.constant 0 : i32
      %dma_start3A_31 = tpu.memref_slice %arg10[%mul3A_21, %dma_start3A_30] : memref<10000x128xf32, #tpu.memory_space<vmem_shared>> -> memref<625x128xf32, #tpu.memory_space<vmem_shared>>
      tpu.enqueue_dma source(%dma_start3A_31 : memref<625x128xf32, #tpu.memory_space<vmem_shared>>) target(%dma_start3A_29 : memref<625x128xf32, #tpu.memory_space<hbm>>) target_semaphore(%run_scoped3A : memref<!tpu.dma_semaphore, #tpu.memory_space<semaphore_mem>>)
      %dma_wait3A = arith.constant 0 : i32
      %dma_wait3A_32 = tpu.memref_slice %arg8[%arg0, %mul3A_23, %dma_wait3A] : memref<2x10000x128xf32, #tpu.memory_space<hbm>> -> memref<1x625x128xf32, #tpu.memory_space<hbm>>
      %dma_wait3A_33 = tpu.memref_squeeze %dma_wait3A_32 : memref<1x625x128xf32, #tpu.memory_space<hbm>> -> memref<625x128xf32, #tpu.memory_space<hbm>>
      %dma_wait3A_34 = arith.constant 0 : i32
      %dma_wait3A_35 = tpu.memref_slice %arg10[%mul3A_21, %dma_wait3A_34] : memref<10000x128xf32, #tpu.memory_space<vmem_shared>> -> memref<625x128xf32, #tpu.memory_space<vmem_shared>>
      tpu.wait_dma2 semaphore(%run_scoped3A : memref<!tpu.dma_semaphore, #tpu.memory_space<semaphore_mem>>) src(%dma_wait3A_35 : memref<625x128xf32, #tpu.memory_space<vmem_shared>>) dst(%dma_wait3A_33 : memref<625x128xf32, #tpu.memory_space<hbm>>)
      tpu.yield
    }) : () -> ()
    %mul3A_24 = arith.constant 625 : i32
    %mul3A_25 = arith.muli %arg1, %mul3A_24 : i32
    %mul3A_26 = arith.constant 625 : i32
    %mul3A_27 = arith.muli %arg1, %mul3A_26 : i32
    "tpu.region"() ({
      %run_scoped3A = tpu.sem_alloc : memref<!tpu.dma_semaphore, #tpu.memory_space<semaphore_mem>>
      %dma_start3A = arith.constant 0 : i32
      %dma_start3A_28 = tpu.memref_slice %arg9[%arg0, %mul3A_27, %dma_start3A] : memref<2x10000x16xf32, #tpu.memory_space<hbm>> -> memref<1x625x16xf32, #tpu.memory_space<hbm>>
      %dma_start3A_29 = tpu.memref_squeeze %dma_start3A_28 : memref<1x625x16xf32, #tpu.memory_space<hbm>> -> memref<625x16xf32, #tpu.memory_space<hbm>>
      %dma_start3A_30 = arith.constant 0 : i32
      %dma_start3A_31 = tpu.memref_slice %arg11[%mul3A_25, %dma_start3A_30] : memref<10000x16xf32, #tpu.memory_space<vmem_shared>> -> memref<625x16xf32, #tpu.memory_space<vmem_shared>>
      tpu.enqueue_dma source(%dma_start3A_31 : memref<625x16xf32, #tpu.memory_space<vmem_shared>>) target(%dma_start3A_29 : memref<625x16xf32, #tpu.memory_space<hbm>>) target_semaphore(%run_scoped3A : memref<!tpu.dma_semaphore, #tpu.memory_space<semaphore_mem>>)
      %dma_wait3A = arith.constant 0 : i32
      %dma_wait3A_32 = tpu.memref_slice %arg9[%arg0, %mul3A_27, %dma_wait3A] : memref<2x10000x16xf32, #tpu.memory_space<hbm>> -> memref<1x625x16xf32, #tpu.memory_space<hbm>>
      %dma_wait3A_33 = tpu.memref_squeeze %dma_wait3A_32 : memref<1x625x16xf32, #tpu.memory_space<hbm>> -> memref<625x16xf32, #tpu.memory_space<hbm>>
      %dma_wait3A_34 = arith.constant 0 : i32
      %dma_wait3A_35 = tpu.memref_slice %arg11[%mul3A_25, %dma_wait3A_34] : memref<10000x16xf32, #tpu.memory_space<vmem_shared>> -> memref<625x16xf32, #tpu.memory_space<vmem_shared>>
      tpu.wait_dma2 semaphore(%run_scoped3A : memref<!tpu.dma_semaphore, #tpu.memory_space<semaphore_mem>>) src(%dma_wait3A_35 : memref<625x16xf32, #tpu.memory_space<vmem_shared>>) dst(%dma_wait3A_33 : memref<625x16xf32, #tpu.memory_space<hbm>>)
      tpu.yield
    }) : () -> ()
    return
  }
}

module attributes {stable_mosaic.version = 14 : i64} {
  func.func @_node_pre_body(%arg0: i32, %arg1: memref<1000x128xf32, #tpu.memory_space<vmem>>, %arg2: memref<1x128xf32, #tpu.memory_space<vmem>>, %arg3: memref<1x128xf32, #tpu.memory_space<vmem>>, %arg4: memref<128x128xf32, #tpu.memory_space<vmem>>, %arg5: memref<128x128xf32, #tpu.memory_space<vmem>>, %arg6: memref<32x6xf32, #tpu.memory_space<vmem>>, %arg7: memref<6x128xf32, #tpu.memory_space<vmem>>, %arg8: memref<1x128xf32, #tpu.memory_space<vmem>>, %arg9: memref<1000x128xf32, #tpu.memory_space<vmem>>, %arg10: memref<1000x128xf32, #tpu.memory_space<vmem>>, %arg11: memref<1000x128xf32, #tpu.memory_space<vmem>>, %arg12: memref<32x128xf32, #tpu.memory_space<vmem>>) attributes {dimension_semantics = [#tpu.dimension_semantics<arbitrary>], iteration_bounds = array<i64: 10>, scalar_prefetch = 0 : i64, scratch_operands = 0 : i64, tpu.core_type = #tpu.core_type<tc>, window_params = [{transform_indices = @transform_0, window_bounds = array<i64: 1000, 128>}, {pipeline_mode = #tpu.pipeline_mode<synchronous>, transform_indices = @transform_1, window_bounds = array<i64: 1, 128>}, {pipeline_mode = #tpu.pipeline_mode<synchronous>, transform_indices = @transform_2, window_bounds = array<i64: 1, 128>}, {pipeline_mode = #tpu.pipeline_mode<synchronous>, transform_indices = @transform_3, window_bounds = array<i64: 128, 128>}, {pipeline_mode = #tpu.pipeline_mode<synchronous>, transform_indices = @transform_4, window_bounds = array<i64: 128, 128>}, {pipeline_mode = #tpu.pipeline_mode<synchronous>, transform_indices = @transform_5, window_bounds = array<i64: 32, 6>}, {pipeline_mode = #tpu.pipeline_mode<synchronous>, transform_indices = @transform_6, window_bounds = array<i64: 6, 128>}, {pipeline_mode = #tpu.pipeline_mode<synchronous>, transform_indices = @transform_7, window_bounds = array<i64: 1, 128>}, {transform_indices = @transform_8, window_bounds = array<i64: 1000, 128>}, {transform_indices = @transform_9, window_bounds = array<i64: 1000, 128>}, {transform_indices = @transform_10, window_bounds = array<i64: 1000, 128>}, {pipeline_mode = #tpu.pipeline_mode<synchronous>, transform_indices = @transform_11, window_bounds = array<i64: 32, 128>}]} {
    %get3A = arith.constant 0 : index
    %get3A_0 = arith.constant 0 : index
    %get3A_1 = vector.load %arg1[%get3A, %get3A_0] : memref<1000x128xf32, #tpu.memory_space<vmem>>, vector<1000x128xf32>
    %get3A_2 = arith.constant 0 : index
    %get3A_3 = arith.constant 0 : index
    %get3A_4 = vector.load %arg2[%get3A_2, %get3A_3] : memref<1x128xf32, #tpu.memory_space<vmem>>, vector<1x128xf32>
    %get3A_5 = arith.constant 0 : index
    %get3A_6 = arith.constant 0 : index
    %get3A_7 = vector.load %arg3[%get3A_5, %get3A_6] : memref<1x128xf32, #tpu.memory_space<vmem>>, vector<1x128xf32>
    %reduce_sum3A = arith.constant dense<0.000000e+00> : vector<1000xf32>
    %reduce_sum3A_8 = vector.multi_reduction <add>, %get3A_1, %reduce_sum3A [1] : vector<1000x128xf32> to vector<1000xf32>
    %broadcast_in_dim3A = vector.shape_cast %reduce_sum3A_8 : vector<1000xf32> to vector<1000x1xf32>
    %div3A = arith.constant 1.280000e+02 : f32
    %div3A_9 = vector.broadcast %div3A : f32 to vector<1000x1xf32>
    %div3A_10 = arith.divf %broadcast_in_dim3A, %div3A_9 : vector<1000x1xf32>
    %sub3A = vector.broadcast %div3A_10 : vector<1000x1xf32> to vector<1000x128xf32>
    %sub3A_11 = arith.subf %get3A_1, %sub3A : vector<1000x128xf32>
    %integer_pow3A = arith.mulf %sub3A_11, %sub3A_11 : vector<1000x128xf32>
    %reduce_sum3A_12 = arith.constant dense<0.000000e+00> : vector<1000xf32>
    %reduce_sum3A_13 = vector.multi_reduction <add>, %integer_pow3A, %reduce_sum3A_12 [1] : vector<1000x128xf32> to vector<1000xf32>
    %broadcast_in_dim3A_14 = vector.shape_cast %reduce_sum3A_13 : vector<1000xf32> to vector<1000x1xf32>
    %div3A_15 = arith.constant 1.280000e+02 : f32
    %div3A_16 = vector.broadcast %div3A_15 : f32 to vector<1000x1xf32>
    %div3A_17 = arith.divf %broadcast_in_dim3A_14, %div3A_16 : vector<1000x1xf32>
    %sub3A_18 = vector.broadcast %div3A_10 : vector<1000x1xf32> to vector<1000x128xf32>
    %sub3A_19 = arith.subf %get3A_1, %sub3A_18 : vector<1000x128xf32>
    %add3A = arith.constant 9.99999974E-6 : f32
    %add3A_20 = vector.broadcast %add3A : f32 to vector<1000x1xf32>
    %add3A_21 = arith.addf %div3A_17, %add3A_20 : vector<1000x1xf32>
    %sqrt3A = math.sqrt %add3A_21 : vector<1000x1xf32>
    %div3A_22 = vector.broadcast %sqrt3A : vector<1000x1xf32> to vector<1000x128xf32>
    %div3A_23 = arith.divf %sub3A_19, %div3A_22 : vector<1000x128xf32>
    %mul3A = vector.broadcast %get3A_4 : vector<1x128xf32> to vector<1000x128xf32>
    %mul3A_24 = arith.mulf %div3A_23, %mul3A : vector<1000x128xf32>
    %add3A_25 = vector.broadcast %get3A_7 : vector<1x128xf32> to vector<1000x128xf32>
    %add3A_26 = arith.addf %mul3A_24, %add3A_25 : vector<1000x128xf32>
    %swap3A = arith.constant 0 : index
    %swap3A_27 = arith.constant 0 : index
    %swap3A_28 = vector.load %arg9[%swap3A, %swap3A_27] : memref<1000x128xf32, #tpu.memory_space<vmem>>, vector<1000x128xf32>
    tpu.vector_store %arg9[%swap3A, %swap3A_27], %add3A_26 {strides = array<i32>} : memref<1000x128xf32, #tpu.memory_space<vmem>>, vector<1000x128xf32>,
    %get3A_29 = arith.constant 0 : index
    %get3A_30 = arith.constant 0 : index
    %get3A_31 = vector.load %arg4[%get3A_29, %get3A_30] : memref<128x128xf32, #tpu.memory_space<vmem>>, vector<128x128xf32>
    %dot_general3A = arith.constant dense<0.000000e+00> : vector<1000x128xf32>
    %dot_general3A_32 = tpu.matmul %add3A_26, %get3A_31, %dot_general3A {dimension_numbers = #tpu.dot_dimension_numbers<[1], [0], [0], [1], [0, 0, 1, 1], [], []>, transpose_lhs_hint = false} : vector<1000x128xf32>, vector<128x128xf32>, vector<1000x128xf32> -> vector<1000x128xf32>
    %swap3A_33 = arith.constant 0 : index
    %swap3A_34 = arith.constant 0 : index
    %swap3A_35 = vector.load %arg10[%swap3A_33, %swap3A_34] : memref<1000x128xf32, #tpu.memory_space<vmem>>, vector<1000x128xf32>
    tpu.vector_store %arg10[%swap3A_33, %swap3A_34], %dot_general3A_32 {strides = array<i32>} : memref<1000x128xf32, #tpu.memory_space<vmem>>, vector<1000x128xf32>,
    %get3A_36 = arith.constant 0 : index
    %get3A_37 = arith.constant 0 : index
    %get3A_38 = vector.load %arg5[%get3A_36, %get3A_37] : memref<128x128xf32, #tpu.memory_space<vmem>>, vector<128x128xf32>
    %dot_general3A_39 = arith.constant dense<0.000000e+00> : vector<1000x128xf32>
    %dot_general3A_40 = tpu.matmul %add3A_26, %get3A_38, %dot_general3A_39 {dimension_numbers = #tpu.dot_dimension_numbers<[1], [0], [0], [1], [0, 0, 1, 1], [], []>, transpose_lhs_hint = false} : vector<1000x128xf32>, vector<128x128xf32>, vector<1000x128xf32> -> vector<1000x128xf32>
    %swap3A_41 = arith.constant 0 : index
    %swap3A_42 = arith.constant 0 : index
    %swap3A_43 = vector.load %arg11[%swap3A_41, %swap3A_42] : memref<1000x128xf32, #tpu.memory_space<vmem>>, vector<1000x128xf32>
    tpu.vector_store %arg11[%swap3A_41, %swap3A_42], %dot_general3A_40 {strides = array<i32>} : memref<1000x128xf32, #tpu.memory_space<vmem>>, vector<1000x128xf32>,
    %get3A_44 = arith.constant 0 : index
    %get3A_45 = arith.constant 0 : index
    %get3A_46 = vector.load %arg6[%get3A_44, %get3A_45] : memref<32x6xf32, #tpu.memory_space<vmem>>, vector<32x6xf32>
    %get3A_47 = arith.constant 0 : index
    %get3A_48 = arith.constant 0 : index
    %get3A_49 = vector.load %arg7[%get3A_47, %get3A_48] : memref<6x128xf32, #tpu.memory_space<vmem>>, vector<6x128xf32>
    %dot_general3A_50 = arith.constant dense<0.000000e+00> : vector<32x128xf32>
    %dot_general3A_51 = tpu.matmul %get3A_46, %get3A_49, %dot_general3A_50 {dimension_numbers = #tpu.dot_dimension_numbers<[1], [0], [0], [1], [0, 0, 1, 1], [], []>, transpose_lhs_hint = false} : vector<32x6xf32>, vector<6x128xf32>, vector<32x128xf32> -> vector<32x128xf32>
    %get3A_52 = arith.constant 0 : index
    %get3A_53 = arith.constant 0 : index
    %get3A_54 = vector.load %arg8[%get3A_52, %get3A_53] : memref<1x128xf32, #tpu.memory_space<vmem>>, vector<1x128xf32>
    %add3A_55 = vector.broadcast %get3A_54 : vector<1x128xf32> to vector<32x128xf32>
    %add3A_56 = arith.addf %dot_general3A_51, %add3A_55 : vector<32x128xf32>
    %swap3A_57 = arith.constant 0 : index
    %swap3A_58 = arith.constant 0 : index
    %swap3A_59 = vector.load %arg12[%swap3A_57, %swap3A_58] : memref<32x128xf32, #tpu.memory_space<vmem>>, vector<32x128xf32>
    tpu.vector_store %arg12[%swap3A_57, %swap3A_58], %add3A_56 {strides = array<i32>} : memref<32x128xf32, #tpu.memory_space<vmem>>, vector<32x128xf32>,
    return
  }
  func.func @transform_0(%arg0: i32) -> (i32, i32) {
    %c0_i32 = arith.constant 0 : i32
    %c0_i32_0 = arith.constant 0 : i32
    return %arg0, %c0_i32 : i32, i32
  }
  func.func @transform_1(%arg0: i32) -> (i32, i32) {
    %c0_i32 = arith.constant 0 : i32
    %c0_i32_0 = arith.constant 0 : i32
    %c0_i32_1 = arith.constant 0 : i32
    return %c0_i32, %c0_i32_0 : i32, i32
  }
  func.func @transform_2(%arg0: i32) -> (i32, i32) {
    %c0_i32 = arith.constant 0 : i32
    %c0_i32_0 = arith.constant 0 : i32
    %c0_i32_1 = arith.constant 0 : i32
    return %c0_i32, %c0_i32_0 : i32, i32
  }
  func.func @transform_3(%arg0: i32) -> (i32, i32) {
    %c0_i32 = arith.constant 0 : i32
    %c0_i32_0 = arith.constant 0 : i32
    %c0_i32_1 = arith.constant 0 : i32
    return %c0_i32, %c0_i32_0 : i32, i32
  }
  func.func @transform_4(%arg0: i32) -> (i32, i32) {
    %c0_i32 = arith.constant 0 : i32
    %c0_i32_0 = arith.constant 0 : i32
    %c0_i32_1 = arith.constant 0 : i32
    return %c0_i32, %c0_i32_0 : i32, i32
  }
  func.func @transform_5(%arg0: i32) -> (i32, i32) {
    %c0_i32 = arith.constant 0 : i32
    %c0_i32_0 = arith.constant 0 : i32
    %c0_i32_1 = arith.constant 0 : i32
    return %c0_i32, %c0_i32_0 : i32, i32
  }
  func.func @transform_6(%arg0: i32) -> (i32, i32) {
    %c0_i32 = arith.constant 0 : i32
    %c0_i32_0 = arith.constant 0 : i32
    %c0_i32_1 = arith.constant 0 : i32
    return %c0_i32, %c0_i32_0 : i32, i32
  }
  func.func @transform_7(%arg0: i32) -> (i32, i32) {
    %c0_i32 = arith.constant 0 : i32
    %c0_i32_0 = arith.constant 0 : i32
    %c0_i32_1 = arith.constant 0 : i32
    return %c0_i32, %c0_i32_0 : i32, i32
  }
  func.func @transform_8(%arg0: i32) -> (i32, i32) {
    %c0_i32 = arith.constant 0 : i32
    %c0_i32_0 = arith.constant 0 : i32
    return %arg0, %c0_i32 : i32, i32
  }
  func.func @transform_9(%arg0: i32) -> (i32, i32) {
    %c0_i32 = arith.constant 0 : i32
    %c0_i32_0 = arith.constant 0 : i32
    return %arg0, %c0_i32 : i32, i32
  }
  func.func @transform_10(%arg0: i32) -> (i32, i32) {
    %c0_i32 = arith.constant 0 : i32
    %c0_i32_0 = arith.constant 0 : i32
    return %arg0, %c0_i32 : i32, i32
  }
  func.func @transform_11(%arg0: i32) -> (i32, i32) {
    %c0_i32 = arith.constant 0 : i32
    %c0_i32_0 = arith.constant 0 : i32
    %c0_i32_1 = arith.constant 0 : i32
    return %c0_i32, %c0_i32_0 : i32, i32
  }
}

module attributes {stable_mosaic.version = 14 : i64} {
  func.func @edge_mlp_p0(%arg0: i32, %arg1: memref<4000x128xf32, #tpu.memory_space<vmem>>, %arg2: memref<4000x128xf32, #tpu.memory_space<vmem>>, %arg3: memref<4000x3xf32, #tpu.memory_space<vmem>>, %arg4: memref<32x128xf32, #tpu.memory_space<vmem>>, %arg5: memref<128x128xf32, #tpu.memory_space<vmem>>, %arg6: memref<3x128xf32, #tpu.memory_space<vmem>>, %arg7: memref<128x128xf32, #tpu.memory_space<vmem>>, %arg8: memref<1x128xf32, #tpu.memory_space<vmem>>, %arg9: memref<4000x128xf32, #tpu.memory_space<vmem>>) attributes {dimension_semantics = [#tpu.dimension_semantics<arbitrary>], iteration_bounds = array<i64: 20>, scalar_prefetch = 0 : i64, scratch_operands = 0 : i64, tpu.core_type = #tpu.core_type<tc>, window_params = [{transform_indices = @transform_0, window_bounds = array<i64: 4000, 128>}, {transform_indices = @transform_1, window_bounds = array<i64: 4000, 128>}, {transform_indices = @transform_2, window_bounds = array<i64: 4000, 3>}, {pipeline_mode = #tpu.pipeline_mode<synchronous>, transform_indices = @transform_3, window_bounds = array<i64: 32, 128>}, {pipeline_mode = #tpu.pipeline_mode<synchronous>, transform_indices = @transform_4, window_bounds = array<i64: 128, 128>}, {pipeline_mode = #tpu.pipeline_mode<synchronous>, transform_indices = @transform_5, window_bounds = array<i64: 3, 128>}, {pipeline_mode = #tpu.pipeline_mode<synchronous>, transform_indices = @transform_6, window_bounds = array<i64: 128, 128>}, {pipeline_mode = #tpu.pipeline_mode<synchronous>, transform_indices = @transform_7, window_bounds = array<i64: 1, 128>}, {transform_indices = @transform_8, window_bounds = array<i64: 4000, 128>}]} {
    %get3A = arith.constant 0 : index
    %get3A_0 = arith.constant 0 : index
    %get3A_1 = vector.load %arg3[%get3A, %get3A_0] : memref<4000x3xf32, #tpu.memory_space<vmem>>, vector<4000x3xf32>
    %get3A_2 = arith.constant 0 : index
    %get3A_3 = arith.constant 0 : index
    %get3A_4 = vector.load %arg6[%get3A_2, %get3A_3] : memref<3x128xf32, #tpu.memory_space<vmem>>, vector<3x128xf32>
    %slice3A = vector.extract_strided_slice %get3A_1 {offsets = [0, 0], sizes = [4000, 1], strides = [1, 1]} : vector<4000x3xf32> to vector<4000x1xf32>
    %slice3A_5 = vector.extract_strided_slice %get3A_4 {offsets = [0, 0], sizes = [1, 128], strides = [1, 1]} : vector<3x128xf32> to vector<1x128xf32>
    %mul3A = vector.broadcast %slice3A : vector<4000x1xf32> to vector<4000x128xf32>
    %mul3A_6 = vector.broadcast %slice3A_5 : vector<1x128xf32> to vector<4000x128xf32>
    %mul3A_7 = arith.mulf %mul3A, %mul3A_6 : vector<4000x128xf32>
    %slice3A_8 = vector.extract_strided_slice %get3A_1 {offsets = [0, 1], sizes = [4000, 1], strides = [1, 1]} : vector<4000x3xf32> to vector<4000x1xf32>
    %slice3A_9 = vector.extract_strided_slice %get3A_4 {offsets = [1, 0], sizes = [1, 128], strides = [1, 1]} : vector<3x128xf32> to vector<1x128xf32>
    %mul3A_10 = vector.broadcast %slice3A_8 : vector<4000x1xf32> to vector<4000x128xf32>
    %mul3A_11 = vector.broadcast %slice3A_9 : vector<1x128xf32> to vector<4000x128xf32>
    %mul3A_12 = arith.mulf %mul3A_10, %mul3A_11 : vector<4000x128xf32>
    %add3A = arith.addf %mul3A_7, %mul3A_12 : vector<4000x128xf32>
    %slice3A_13 = vector.extract_strided_slice %get3A_1 {offsets = [0, 2], sizes = [4000, 1], strides = [1, 1]} : vector<4000x3xf32> to vector<4000x1xf32>
    %slice3A_14 = vector.extract_strided_slice %get3A_4 {offsets = [2, 0], sizes = [1, 128], strides = [1, 1]} : vector<3x128xf32> to vector<1x128xf32>
    %mul3A_15 = vector.broadcast %slice3A_13 : vector<4000x1xf32> to vector<4000x128xf32>
    %mul3A_16 = vector.broadcast %slice3A_14 : vector<1x128xf32> to vector<4000x128xf32>
    %mul3A_17 = arith.mulf %mul3A_15, %mul3A_16 : vector<4000x128xf32>
    %add3A_18 = arith.addf %add3A, %mul3A_17 : vector<4000x128xf32>
    %slice3A_19 = vector.extract_strided_slice %get3A_1 {offsets = [0, 0], sizes = [4000, 1], strides = [1, 1]} : vector<4000x3xf32> to vector<4000x1xf32>
    %bitcast_convert_type3A = tpu.bitcast %slice3A_19 : vector<4000x1xf32> -> vector<4000x1xi32>
    %and3A = arith.constant 31 : i32
    %and3A_20 = vector.broadcast %and3A : i32 to vector<4000x1xi32>
    %and3A_21 = arith.andi %bitcast_convert_type3A, %and3A_20 : vector<4000x1xi32>
    %iota3A = tpu.iota {dimensions = array<i32: 1>} : vector<1x32xi32>
    %eq3A = vector.broadcast %and3A_21 : vector<4000x1xi32> to vector<4000x32xi32>
    %eq3A_22 = vector.broadcast %iota3A : vector<1x32xi32> to vector<4000x32xi32>
    %eq3A_23 = arith.cmpi eq, %eq3A, %eq3A_22 : vector<4000x32xi32>
    %convert_element_type3A = arith.extui %eq3A_23 : vector<4000x32xi1> to vector<4000x32xi32>
    %convert_element_type3A_24 = arith.sitofp %convert_element_type3A : vector<4000x32xi32> to vector<4000x32xf32>
    %get3A_25 = arith.constant 0 : index
    %get3A_26 = arith.constant 0 : index
    %get3A_27 = vector.load %arg4[%get3A_25, %get3A_26] : memref<32x128xf32, #tpu.memory_space<vmem>>, vector<32x128xf32>
    %dot_general3A = arith.constant dense<0.000000e+00> : vector<4000x128xf32>
    %dot_general3A_28 = tpu.matmul %convert_element_type3A_24, %get3A_27, %dot_general3A {dimension_numbers = #tpu.dot_dimension_numbers<[1], [0], [0], [1], [0, 0, 1, 1], [], []>, transpose_lhs_hint = false} : vector<4000x32xf32>, vector<32x128xf32>, vector<4000x128xf32> -> vector<4000x128xf32>
    %get3A_29 = arith.constant 0 : index
    %get3A_30 = arith.constant 0 : index
    %get3A_31 = vector.load %arg1[%get3A_29, %get3A_30] : memref<4000x128xf32, #tpu.memory_space<vmem>>, vector<4000x128xf32>
    %convert_element_type3A_32 = arith.truncf %get3A_31 : vector<4000x128xf32> to vector<4000x128xbf16>
    %get3A_33 = arith.constant 0 : index
    %get3A_34 = arith.constant 0 : index
    %get3A_35 = vector.load %arg5[%get3A_33, %get3A_34] : memref<128x128xf32, #tpu.memory_space<vmem>>, vector<128x128xf32>
    %convert_element_type3A_36 = arith.truncf %get3A_35 : vector<128x128xf32> to vector<128x128xbf16>
    %dot_general3A_37 = arith.constant dense<0.000000e+00> : vector<4000x128xf32>
    %dot_general3A_38 = tpu.matmul %convert_element_type3A_32, %convert_element_type3A_36, %dot_general3A_37 {dimension_numbers = #tpu.dot_dimension_numbers<[1], [0], [0], [1], [0, 0, 1, 1], [], []>, transpose_lhs_hint = false} : vector<4000x128xbf16>, vector<128x128xbf16>, vector<4000x128xf32> -> vector<4000x128xf32>
    %get3A_39 = arith.constant 0 : index
    %get3A_40 = arith.constant 0 : index
    %get3A_41 = vector.load %arg2[%get3A_39, %get3A_40] : memref<4000x128xf32, #tpu.memory_space<vmem>>, vector<4000x128xf32>
    %add3A_42 = arith.addf %dot_general3A_38, %get3A_41 : vector<4000x128xf32>
    %add3A_43 = arith.addf %add3A_42, %add3A_18 : vector<4000x128xf32>
    %add3A_44 = arith.addf %add3A_43, %dot_general3A_28 : vector<4000x128xf32>
    %logistic3A = arith.negf %add3A_44 : vector<4000x128xf32>
    %logistic3A_45 = math.exp %logistic3A : vector<4000x128xf32>
    %logistic3A_46 = arith.constant 1.000000e+00 : f32
    %logistic3A_47 = vector.broadcast %logistic3A_46 : f32 to vector<4000x128xf32>
    %logistic3A_48 = arith.addf %logistic3A_47, %logistic3A_45 : vector<4000x128xf32>
    %logistic3A_49 = arith.divf %logistic3A_47, %logistic3A_48 : vector<4000x128xf32>
    %mul3A_50 = arith.mulf %add3A_44, %logistic3A_49 : vector<4000x128xf32>
    %convert_element_type3A_51 = arith.truncf %mul3A_50 : vector<4000x128xf32> to vector<4000x128xbf16>
    %get3A_52 = arith.constant 0 : index
    %get3A_53 = arith.constant 0 : index
    %get3A_54 = vector.load %arg7[%get3A_52, %get3A_53] : memref<128x128xf32, #tpu.memory_space<vmem>>, vector<128x128xf32>
    %convert_element_type3A_55 = arith.truncf %get3A_54 : vector<128x128xf32> to vector<128x128xbf16>
    %dot_general3A_56 = arith.constant dense<0.000000e+00> : vector<4000x128xf32>
    %dot_general3A_57 = tpu.matmul %convert_element_type3A_51, %convert_element_type3A_55, %dot_general3A_56 {dimension_numbers = #tpu.dot_dimension_numbers<[1], [0], [0], [1], [0, 0, 1, 1], [], []>, transpose_lhs_hint = false} : vector<4000x128xbf16>, vector<128x128xbf16>, vector<4000x128xf32> -> vector<4000x128xf32>
    %get3A_58 = arith.constant 0 : index
    %get3A_59 = arith.constant 0 : index
    %get3A_60 = vector.load %arg8[%get3A_58, %get3A_59] : memref<1x128xf32, #tpu.memory_space<vmem>>, vector<1x128xf32>
    %add3A_61 = vector.broadcast %get3A_60 : vector<1x128xf32> to vector<4000x128xf32>
    %add3A_62 = arith.addf %dot_general3A_57, %add3A_61 : vector<4000x128xf32>
    %logistic3A_63 = arith.negf %add3A_62 : vector<4000x128xf32>
    %logistic3A_64 = math.exp %logistic3A_63 : vector<4000x128xf32>
    %logistic3A_65 = arith.constant 1.000000e+00 : f32
    %logistic3A_66 = vector.broadcast %logistic3A_65 : f32 to vector<4000x128xf32>
    %logistic3A_67 = arith.addf %logistic3A_66, %logistic3A_64 : vector<4000x128xf32>
    %logistic3A_68 = arith.divf %logistic3A_66, %logistic3A_67 : vector<4000x128xf32>
    %mul3A_69 = arith.mulf %add3A_62, %logistic3A_68 : vector<4000x128xf32>
    %swap3A = arith.constant 0 : index
    %swap3A_70 = arith.constant 0 : index
    %swap3A_71 = vector.load %arg9[%swap3A, %swap3A_70] : memref<4000x128xf32, #tpu.memory_space<vmem>>, vector<4000x128xf32>
    tpu.vector_store %arg9[%swap3A, %swap3A_70], %mul3A_69 {strides = array<i32>} : memref<4000x128xf32, #tpu.memory_space<vmem>>, vector<4000x128xf32>,
    return
  }
  func.func @transform_0(%arg0: i32) -> (i32, i32) {
    %add3A = arith.constant 0 : i32
    %add3A_0 = arith.addi %add3A, %arg0 : i32
    %c0_i32 = arith.constant 0 : i32
    %c0_i32_1 = arith.constant 0 : i32
    return %add3A_0, %c0_i32 : i32, i32
  }
  func.func @transform_1(%arg0: i32) -> (i32, i32) {
    %c0_i32 = arith.constant 0 : i32
    %c0_i32_0 = arith.constant 0 : i32
    return %arg0, %c0_i32 : i32, i32
  }
  func.func @transform_2(%arg0: i32) -> (i32, i32) {
    %add3A = arith.constant 0 : i32
    %add3A_0 = arith.addi %add3A, %arg0 : i32
    %c0_i32 = arith.constant 0 : i32
    %c0_i32_1 = arith.constant 0 : i32
    return %add3A_0, %c0_i32 : i32, i32
  }
  func.func @transform_3(%arg0: i32) -> (i32, i32) {
    %c0_i32 = arith.constant 0 : i32
    %c0_i32_0 = arith.constant 0 : i32
    %c0_i32_1 = arith.constant 0 : i32
    return %c0_i32, %c0_i32_0 : i32, i32
  }
  func.func @transform_4(%arg0: i32) -> (i32, i32) {
    %c0_i32 = arith.constant 0 : i32
    %c0_i32_0 = arith.constant 0 : i32
    %c0_i32_1 = arith.constant 0 : i32
    return %c0_i32, %c0_i32_0 : i32, i32
  }
  func.func @transform_5(%arg0: i32) -> (i32, i32) {
    %c0_i32 = arith.constant 0 : i32
    %c0_i32_0 = arith.constant 0 : i32
    %c0_i32_1 = arith.constant 0 : i32
    return %c0_i32, %c0_i32_0 : i32, i32
  }
  func.func @transform_6(%arg0: i32) -> (i32, i32) {
    %c0_i32 = arith.constant 0 : i32
    %c0_i32_0 = arith.constant 0 : i32
    %c0_i32_1 = arith.constant 0 : i32
    return %c0_i32, %c0_i32_0 : i32, i32
  }
  func.func @transform_7(%arg0: i32) -> (i32, i32) {
    %c0_i32 = arith.constant 0 : i32
    %c0_i32_0 = arith.constant 0 : i32
    %c0_i32_1 = arith.constant 0 : i32
    return %c0_i32, %c0_i32_0 : i32, i32
  }
  func.func @transform_8(%arg0: i32) -> (i32, i32) {
    %c0_i32 = arith.constant 0 : i32
    %c0_i32_0 = arith.constant 0 : i32
    return %arg0, %c0_i32 : i32, i32
  }
}

module attributes {stable_mosaic.version = 14 : i64} {
  func.func @edge_mlp_p1(%arg0: i32, %arg1: memref<4000x128xf32, #tpu.memory_space<vmem>>, %arg2: memref<4000x128xf32, #tpu.memory_space<vmem>>, %arg3: memref<4000x3xf32, #tpu.memory_space<vmem>>, %arg4: memref<32x128xf32, #tpu.memory_space<vmem>>, %arg5: memref<128x128xf32, #tpu.memory_space<vmem>>, %arg6: memref<3x128xf32, #tpu.memory_space<vmem>>, %arg7: memref<128x128xf32, #tpu.memory_space<vmem>>, %arg8: memref<1x128xf32, #tpu.memory_space<vmem>>, %arg9: memref<4000x128xf32, #tpu.memory_space<vmem>>) attributes {dimension_semantics = [#tpu.dimension_semantics<arbitrary>], iteration_bounds = array<i64: 20>, scalar_prefetch = 0 : i64, scratch_operands = 0 : i64, tpu.core_type = #tpu.core_type<tc>, window_params = [{transform_indices = @transform_0, window_bounds = array<i64: 4000, 128>}, {transform_indices = @transform_1, window_bounds = array<i64: 4000, 128>}, {transform_indices = @transform_2, window_bounds = array<i64: 4000, 3>}, {pipeline_mode = #tpu.pipeline_mode<synchronous>, transform_indices = @transform_3, window_bounds = array<i64: 32, 128>}, {pipeline_mode = #tpu.pipeline_mode<synchronous>, transform_indices = @transform_4, window_bounds = array<i64: 128, 128>}, {pipeline_mode = #tpu.pipeline_mode<synchronous>, transform_indices = @transform_5, window_bounds = array<i64: 3, 128>}, {pipeline_mode = #tpu.pipeline_mode<synchronous>, transform_indices = @transform_6, window_bounds = array<i64: 128, 128>}, {pipeline_mode = #tpu.pipeline_mode<synchronous>, transform_indices = @transform_7, window_bounds = array<i64: 1, 128>}, {transform_indices = @transform_8, window_bounds = array<i64: 4000, 128>}]} {
    %get3A = arith.constant 0 : index
    %get3A_0 = arith.constant 0 : index
    %get3A_1 = vector.load %arg3[%get3A, %get3A_0] : memref<4000x3xf32, #tpu.memory_space<vmem>>, vector<4000x3xf32>
    %get3A_2 = arith.constant 0 : index
    %get3A_3 = arith.constant 0 : index
    %get3A_4 = vector.load %arg6[%get3A_2, %get3A_3] : memref<3x128xf32, #tpu.memory_space<vmem>>, vector<3x128xf32>
    %slice3A = vector.extract_strided_slice %get3A_1 {offsets = [0, 0], sizes = [4000, 1], strides = [1, 1]} : vector<4000x3xf32> to vector<4000x1xf32>
    %slice3A_5 = vector.extract_strided_slice %get3A_4 {offsets = [0, 0], sizes = [1, 128], strides = [1, 1]} : vector<3x128xf32> to vector<1x128xf32>
    %mul3A = vector.broadcast %slice3A : vector<4000x1xf32> to vector<4000x128xf32>
    %mul3A_6 = vector.broadcast %slice3A_5 : vector<1x128xf32> to vector<4000x128xf32>
    %mul3A_7 = arith.mulf %mul3A, %mul3A_6 : vector<4000x128xf32>
    %slice3A_8 = vector.extract_strided_slice %get3A_1 {offsets = [0, 1], sizes = [4000, 1], strides = [1, 1]} : vector<4000x3xf32> to vector<4000x1xf32>
    %slice3A_9 = vector.extract_strided_slice %get3A_4 {offsets = [1, 0], sizes = [1, 128], strides = [1, 1]} : vector<3x128xf32> to vector<1x128xf32>
    %mul3A_10 = vector.broadcast %slice3A_8 : vector<4000x1xf32> to vector<4000x128xf32>
    %mul3A_11 = vector.broadcast %slice3A_9 : vector<1x128xf32> to vector<4000x128xf32>
    %mul3A_12 = arith.mulf %mul3A_10, %mul3A_11 : vector<4000x128xf32>
    %add3A = arith.addf %mul3A_7, %mul3A_12 : vector<4000x128xf32>
    %slice3A_13 = vector.extract_strided_slice %get3A_1 {offsets = [0, 2], sizes = [4000, 1], strides = [1, 1]} : vector<4000x3xf32> to vector<4000x1xf32>
    %slice3A_14 = vector.extract_strided_slice %get3A_4 {offsets = [2, 0], sizes = [1, 128], strides = [1, 1]} : vector<3x128xf32> to vector<1x128xf32>
    %mul3A_15 = vector.broadcast %slice3A_13 : vector<4000x1xf32> to vector<4000x128xf32>
    %mul3A_16 = vector.broadcast %slice3A_14 : vector<1x128xf32> to vector<4000x128xf32>
    %mul3A_17 = arith.mulf %mul3A_15, %mul3A_16 : vector<4000x128xf32>
    %add3A_18 = arith.addf %add3A, %mul3A_17 : vector<4000x128xf32>
    %slice3A_19 = vector.extract_strided_slice %get3A_1 {offsets = [0, 0], sizes = [4000, 1], strides = [1, 1]} : vector<4000x3xf32> to vector<4000x1xf32>
    %bitcast_convert_type3A = tpu.bitcast %slice3A_19 : vector<4000x1xf32> -> vector<4000x1xi32>
    %and3A = arith.constant 31 : i32
    %and3A_20 = vector.broadcast %and3A : i32 to vector<4000x1xi32>
    %and3A_21 = arith.andi %bitcast_convert_type3A, %and3A_20 : vector<4000x1xi32>
    %iota3A = tpu.iota {dimensions = array<i32: 1>} : vector<1x32xi32>
    %eq3A = vector.broadcast %and3A_21 : vector<4000x1xi32> to vector<4000x32xi32>
    %eq3A_22 = vector.broadcast %iota3A : vector<1x32xi32> to vector<4000x32xi32>
    %eq3A_23 = arith.cmpi eq, %eq3A, %eq3A_22 : vector<4000x32xi32>
    %convert_element_type3A = arith.extui %eq3A_23 : vector<4000x32xi1> to vector<4000x32xi32>
    %convert_element_type3A_24 = arith.sitofp %convert_element_type3A : vector<4000x32xi32> to vector<4000x32xf32>
    %get3A_25 = arith.constant 0 : index
    %get3A_26 = arith.constant 0 : index
    %get3A_27 = vector.load %arg4[%get3A_25, %get3A_26] : memref<32x128xf32, #tpu.memory_space<vmem>>, vector<32x128xf32>
    %dot_general3A = arith.constant dense<0.000000e+00> : vector<4000x128xf32>
    %dot_general3A_28 = tpu.matmul %convert_element_type3A_24, %get3A_27, %dot_general3A {dimension_numbers = #tpu.dot_dimension_numbers<[1], [0], [0], [1], [0, 0, 1, 1], [], []>, transpose_lhs_hint = false} : vector<4000x32xf32>, vector<32x128xf32>, vector<4000x128xf32> -> vector<4000x128xf32>
    %get3A_29 = arith.constant 0 : index
    %get3A_30 = arith.constant 0 : index
    %get3A_31 = vector.load %arg1[%get3A_29, %get3A_30] : memref<4000x128xf32, #tpu.memory_space<vmem>>, vector<4000x128xf32>
    %convert_element_type3A_32 = arith.truncf %get3A_31 : vector<4000x128xf32> to vector<4000x128xbf16>
    %get3A_33 = arith.constant 0 : index
    %get3A_34 = arith.constant 0 : index
    %get3A_35 = vector.load %arg5[%get3A_33, %get3A_34] : memref<128x128xf32, #tpu.memory_space<vmem>>, vector<128x128xf32>
    %convert_element_type3A_36 = arith.truncf %get3A_35 : vector<128x128xf32> to vector<128x128xbf16>
    %dot_general3A_37 = arith.constant dense<0.000000e+00> : vector<4000x128xf32>
    %dot_general3A_38 = tpu.matmul %convert_element_type3A_32, %convert_element_type3A_36, %dot_general3A_37 {dimension_numbers = #tpu.dot_dimension_numbers<[1], [0], [0], [1], [0, 0, 1, 1], [], []>, transpose_lhs_hint = false} : vector<4000x128xbf16>, vector<128x128xbf16>, vector<4000x128xf32> -> vector<4000x128xf32>
    %get3A_39 = arith.constant 0 : index
    %get3A_40 = arith.constant 0 : index
    %get3A_41 = vector.load %arg2[%get3A_39, %get3A_40] : memref<4000x128xf32, #tpu.memory_space<vmem>>, vector<4000x128xf32>
    %add3A_42 = arith.addf %dot_general3A_38, %get3A_41 : vector<4000x128xf32>
    %add3A_43 = arith.addf %add3A_42, %add3A_18 : vector<4000x128xf32>
    %add3A_44 = arith.addf %add3A_43, %dot_general3A_28 : vector<4000x128xf32>
    %logistic3A = arith.negf %add3A_44 : vector<4000x128xf32>
    %logistic3A_45 = math.exp %logistic3A : vector<4000x128xf32>
    %logistic3A_46 = arith.constant 1.000000e+00 : f32
    %logistic3A_47 = vector.broadcast %logistic3A_46 : f32 to vector<4000x128xf32>
    %logistic3A_48 = arith.addf %logistic3A_47, %logistic3A_45 : vector<4000x128xf32>
    %logistic3A_49 = arith.divf %logistic3A_47, %logistic3A_48 : vector<4000x128xf32>
    %mul3A_50 = arith.mulf %add3A_44, %logistic3A_49 : vector<4000x128xf32>
    %convert_element_type3A_51 = arith.truncf %mul3A_50 : vector<4000x128xf32> to vector<4000x128xbf16>
    %get3A_52 = arith.constant 0 : index
    %get3A_53 = arith.constant 0 : index
    %get3A_54 = vector.load %arg7[%get3A_52, %get3A_53] : memref<128x128xf32, #tpu.memory_space<vmem>>, vector<128x128xf32>
    %convert_element_type3A_55 = arith.truncf %get3A_54 : vector<128x128xf32> to vector<128x128xbf16>
    %dot_general3A_56 = arith.constant dense<0.000000e+00> : vector<4000x128xf32>
    %dot_general3A_57 = tpu.matmul %convert_element_type3A_51, %convert_element_type3A_55, %dot_general3A_56 {dimension_numbers = #tpu.dot_dimension_numbers<[1], [0], [0], [1], [0, 0, 1, 1], [], []>, transpose_lhs_hint = false} : vector<4000x128xbf16>, vector<128x128xbf16>, vector<4000x128xf32> -> vector<4000x128xf32>
    %get3A_58 = arith.constant 0 : index
    %get3A_59 = arith.constant 0 : index
    %get3A_60 = vector.load %arg8[%get3A_58, %get3A_59] : memref<1x128xf32, #tpu.memory_space<vmem>>, vector<1x128xf32>
    %add3A_61 = vector.broadcast %get3A_60 : vector<1x128xf32> to vector<4000x128xf32>
    %add3A_62 = arith.addf %dot_general3A_57, %add3A_61 : vector<4000x128xf32>
    %logistic3A_63 = arith.negf %add3A_62 : vector<4000x128xf32>
    %logistic3A_64 = math.exp %logistic3A_63 : vector<4000x128xf32>
    %logistic3A_65 = arith.constant 1.000000e+00 : f32
    %logistic3A_66 = vector.broadcast %logistic3A_65 : f32 to vector<4000x128xf32>
    %logistic3A_67 = arith.addf %logistic3A_66, %logistic3A_64 : vector<4000x128xf32>
    %logistic3A_68 = arith.divf %logistic3A_66, %logistic3A_67 : vector<4000x128xf32>
    %mul3A_69 = arith.mulf %add3A_62, %logistic3A_68 : vector<4000x128xf32>
    %swap3A = arith.constant 0 : index
    %swap3A_70 = arith.constant 0 : index
    %swap3A_71 = vector.load %arg9[%swap3A, %swap3A_70] : memref<4000x128xf32, #tpu.memory_space<vmem>>, vector<4000x128xf32>
    tpu.vector_store %arg9[%swap3A, %swap3A_70], %mul3A_69 {strides = array<i32>} : memref<4000x128xf32, #tpu.memory_space<vmem>>, vector<4000x128xf32>,
    return
  }
  func.func @transform_0(%arg0: i32) -> (i32, i32) {
    %add3A = arith.constant 20 : i32
    %add3A_0 = arith.addi %add3A, %arg0 : i32
    %c0_i32 = arith.constant 0 : i32
    %c0_i32_1 = arith.constant 0 : i32
    return %add3A_0, %c0_i32 : i32, i32
  }
  func.func @transform_1(%arg0: i32) -> (i32, i32) {
    %c0_i32 = arith.constant 0 : i32
    %c0_i32_0 = arith.constant 0 : i32
    return %arg0, %c0_i32 : i32, i32
  }
  func.func @transform_2(%arg0: i32) -> (i32, i32) {
    %add3A = arith.constant 20 : i32
    %add3A_0 = arith.addi %add3A, %arg0 : i32
    %c0_i32 = arith.constant 0 : i32
    %c0_i32_1 = arith.constant 0 : i32
    return %add3A_0, %c0_i32 : i32, i32
  }
  func.func @transform_3(%arg0: i32) -> (i32, i32) {
    %c0_i32 = arith.constant 0 : i32
    %c0_i32_0 = arith.constant 0 : i32
    %c0_i32_1 = arith.constant 0 : i32
    return %c0_i32, %c0_i32_0 : i32, i32
  }
  func.func @transform_4(%arg0: i32) -> (i32, i32) {
    %c0_i32 = arith.constant 0 : i32
    %c0_i32_0 = arith.constant 0 : i32
    %c0_i32_1 = arith.constant 0 : i32
    return %c0_i32, %c0_i32_0 : i32, i32
  }
  func.func @transform_5(%arg0: i32) -> (i32, i32) {
    %c0_i32 = arith.constant 0 : i32
    %c0_i32_0 = arith.constant 0 : i32
    %c0_i32_1 = arith.constant 0 : i32
    return %c0_i32, %c0_i32_0 : i32, i32
  }
  func.func @transform_6(%arg0: i32) -> (i32, i32) {
    %c0_i32 = arith.constant 0 : i32
    %c0_i32_0 = arith.constant 0 : i32
    %c0_i32_1 = arith.constant 0 : i32
    return %c0_i32, %c0_i32_0 : i32, i32
  }
  func.func @transform_7(%arg0: i32) -> (i32, i32) {
    %c0_i32 = arith.constant 0 : i32
    %c0_i32_0 = arith.constant 0 : i32
    %c0_i32_1 = arith.constant 0 : i32
    return %c0_i32, %c0_i32_0 : i32, i32
  }
  func.func @transform_8(%arg0: i32) -> (i32, i32) {
    %c0_i32 = arith.constant 0 : i32
    %c0_i32_0 = arith.constant 0 : i32
    return %arg0, %c0_i32 : i32, i32
  }
}

module attributes {stable_mosaic.version = 14 : i64} {
  func.func @edge_mlp_p2(%arg0: i32, %arg1: memref<4000x128xf32, #tpu.memory_space<vmem>>, %arg2: memref<4000x128xf32, #tpu.memory_space<vmem>>, %arg3: memref<4000x3xf32, #tpu.memory_space<vmem>>, %arg4: memref<32x128xf32, #tpu.memory_space<vmem>>, %arg5: memref<128x128xf32, #tpu.memory_space<vmem>>, %arg6: memref<3x128xf32, #tpu.memory_space<vmem>>, %arg7: memref<128x128xf32, #tpu.memory_space<vmem>>, %arg8: memref<1x128xf32, #tpu.memory_space<vmem>>, %arg9: memref<4000x128xf32, #tpu.memory_space<vmem>>) attributes {dimension_semantics = [#tpu.dimension_semantics<arbitrary>], iteration_bounds = array<i64: 20>, scalar_prefetch = 0 : i64, scratch_operands = 0 : i64, tpu.core_type = #tpu.core_type<tc>, window_params = [{transform_indices = @transform_0, window_bounds = array<i64: 4000, 128>}, {transform_indices = @transform_1, window_bounds = array<i64: 4000, 128>}, {transform_indices = @transform_2, window_bounds = array<i64: 4000, 3>}, {pipeline_mode = #tpu.pipeline_mode<synchronous>, transform_indices = @transform_3, window_bounds = array<i64: 32, 128>}, {pipeline_mode = #tpu.pipeline_mode<synchronous>, transform_indices = @transform_4, window_bounds = array<i64: 128, 128>}, {pipeline_mode = #tpu.pipeline_mode<synchronous>, transform_indices = @transform_5, window_bounds = array<i64: 3, 128>}, {pipeline_mode = #tpu.pipeline_mode<synchronous>, transform_indices = @transform_6, window_bounds = array<i64: 128, 128>}, {pipeline_mode = #tpu.pipeline_mode<synchronous>, transform_indices = @transform_7, window_bounds = array<i64: 1, 128>}, {transform_indices = @transform_8, window_bounds = array<i64: 4000, 128>}]} {
    %get3A = arith.constant 0 : index
    %get3A_0 = arith.constant 0 : index
    %get3A_1 = vector.load %arg3[%get3A, %get3A_0] : memref<4000x3xf32, #tpu.memory_space<vmem>>, vector<4000x3xf32>
    %get3A_2 = arith.constant 0 : index
    %get3A_3 = arith.constant 0 : index
    %get3A_4 = vector.load %arg6[%get3A_2, %get3A_3] : memref<3x128xf32, #tpu.memory_space<vmem>>, vector<3x128xf32>
    %slice3A = vector.extract_strided_slice %get3A_1 {offsets = [0, 0], sizes = [4000, 1], strides = [1, 1]} : vector<4000x3xf32> to vector<4000x1xf32>
    %slice3A_5 = vector.extract_strided_slice %get3A_4 {offsets = [0, 0], sizes = [1, 128], strides = [1, 1]} : vector<3x128xf32> to vector<1x128xf32>
    %mul3A = vector.broadcast %slice3A : vector<4000x1xf32> to vector<4000x128xf32>
    %mul3A_6 = vector.broadcast %slice3A_5 : vector<1x128xf32> to vector<4000x128xf32>
    %mul3A_7 = arith.mulf %mul3A, %mul3A_6 : vector<4000x128xf32>
    %slice3A_8 = vector.extract_strided_slice %get3A_1 {offsets = [0, 1], sizes = [4000, 1], strides = [1, 1]} : vector<4000x3xf32> to vector<4000x1xf32>
    %slice3A_9 = vector.extract_strided_slice %get3A_4 {offsets = [1, 0], sizes = [1, 128], strides = [1, 1]} : vector<3x128xf32> to vector<1x128xf32>
    %mul3A_10 = vector.broadcast %slice3A_8 : vector<4000x1xf32> to vector<4000x128xf32>
    %mul3A_11 = vector.broadcast %slice3A_9 : vector<1x128xf32> to vector<4000x128xf32>
    %mul3A_12 = arith.mulf %mul3A_10, %mul3A_11 : vector<4000x128xf32>
    %add3A = arith.addf %mul3A_7, %mul3A_12 : vector<4000x128xf32>
    %slice3A_13 = vector.extract_strided_slice %get3A_1 {offsets = [0, 2], sizes = [4000, 1], strides = [1, 1]} : vector<4000x3xf32> to vector<4000x1xf32>
    %slice3A_14 = vector.extract_strided_slice %get3A_4 {offsets = [2, 0], sizes = [1, 128], strides = [1, 1]} : vector<3x128xf32> to vector<1x128xf32>
    %mul3A_15 = vector.broadcast %slice3A_13 : vector<4000x1xf32> to vector<4000x128xf32>
    %mul3A_16 = vector.broadcast %slice3A_14 : vector<1x128xf32> to vector<4000x128xf32>
    %mul3A_17 = arith.mulf %mul3A_15, %mul3A_16 : vector<4000x128xf32>
    %add3A_18 = arith.addf %add3A, %mul3A_17 : vector<4000x128xf32>
    %slice3A_19 = vector.extract_strided_slice %get3A_1 {offsets = [0, 0], sizes = [4000, 1], strides = [1, 1]} : vector<4000x3xf32> to vector<4000x1xf32>
    %bitcast_convert_type3A = tpu.bitcast %slice3A_19 : vector<4000x1xf32> -> vector<4000x1xi32>
    %and3A = arith.constant 31 : i32
    %and3A_20 = vector.broadcast %and3A : i32 to vector<4000x1xi32>
    %and3A_21 = arith.andi %bitcast_convert_type3A, %and3A_20 : vector<4000x1xi32>
    %iota3A = tpu.iota {dimensions = array<i32: 1>} : vector<1x32xi32>
    %eq3A = vector.broadcast %and3A_21 : vector<4000x1xi32> to vector<4000x32xi32>
    %eq3A_22 = vector.broadcast %iota3A : vector<1x32xi32> to vector<4000x32xi32>
    %eq3A_23 = arith.cmpi eq, %eq3A, %eq3A_22 : vector<4000x32xi32>
    %convert_element_type3A = arith.extui %eq3A_23 : vector<4000x32xi1> to vector<4000x32xi32>
    %convert_element_type3A_24 = arith.sitofp %convert_element_type3A : vector<4000x32xi32> to vector<4000x32xf32>
    %get3A_25 = arith.constant 0 : index
    %get3A_26 = arith.constant 0 : index
    %get3A_27 = vector.load %arg4[%get3A_25, %get3A_26] : memref<32x128xf32, #tpu.memory_space<vmem>>, vector<32x128xf32>
    %dot_general3A = arith.constant dense<0.000000e+00> : vector<4000x128xf32>
    %dot_general3A_28 = tpu.matmul %convert_element_type3A_24, %get3A_27, %dot_general3A {dimension_numbers = #tpu.dot_dimension_numbers<[1], [0], [0], [1], [0, 0, 1, 1], [], []>, transpose_lhs_hint = false} : vector<4000x32xf32>, vector<32x128xf32>, vector<4000x128xf32> -> vector<4000x128xf32>
    %get3A_29 = arith.constant 0 : index
    %get3A_30 = arith.constant 0 : index
    %get3A_31 = vector.load %arg1[%get3A_29, %get3A_30] : memref<4000x128xf32, #tpu.memory_space<vmem>>, vector<4000x128xf32>
    %convert_element_type3A_32 = arith.truncf %get3A_31 : vector<4000x128xf32> to vector<4000x128xbf16>
    %get3A_33 = arith.constant 0 : index
    %get3A_34 = arith.constant 0 : index
    %get3A_35 = vector.load %arg5[%get3A_33, %get3A_34] : memref<128x128xf32, #tpu.memory_space<vmem>>, vector<128x128xf32>
    %convert_element_type3A_36 = arith.truncf %get3A_35 : vector<128x128xf32> to vector<128x128xbf16>
    %dot_general3A_37 = arith.constant dense<0.000000e+00> : vector<4000x128xf32>
    %dot_general3A_38 = tpu.matmul %convert_element_type3A_32, %convert_element_type3A_36, %dot_general3A_37 {dimension_numbers = #tpu.dot_dimension_numbers<[1], [0], [0], [1], [0, 0, 1, 1], [], []>, transpose_lhs_hint = false} : vector<4000x128xbf16>, vector<128x128xbf16>, vector<4000x128xf32> -> vector<4000x128xf32>
    %get3A_39 = arith.constant 0 : index
    %get3A_40 = arith.constant 0 : index
    %get3A_41 = vector.load %arg2[%get3A_39, %get3A_40] : memref<4000x128xf32, #tpu.memory_space<vmem>>, vector<4000x128xf32>
    %add3A_42 = arith.addf %dot_general3A_38, %get3A_41 : vector<4000x128xf32>
    %add3A_43 = arith.addf %add3A_42, %add3A_18 : vector<4000x128xf32>
    %add3A_44 = arith.addf %add3A_43, %dot_general3A_28 : vector<4000x128xf32>
    %logistic3A = arith.negf %add3A_44 : vector<4000x128xf32>
    %logistic3A_45 = math.exp %logistic3A : vector<4000x128xf32>
    %logistic3A_46 = arith.constant 1.000000e+00 : f32
    %logistic3A_47 = vector.broadcast %logistic3A_46 : f32 to vector<4000x128xf32>
    %logistic3A_48 = arith.addf %logistic3A_47, %logistic3A_45 : vector<4000x128xf32>
    %logistic3A_49 = arith.divf %logistic3A_47, %logistic3A_48 : vector<4000x128xf32>
    %mul3A_50 = arith.mulf %add3A_44, %logistic3A_49 : vector<4000x128xf32>
    %convert_element_type3A_51 = arith.truncf %mul3A_50 : vector<4000x128xf32> to vector<4000x128xbf16>
    %get3A_52 = arith.constant 0 : index
    %get3A_53 = arith.constant 0 : index
    %get3A_54 = vector.load %arg7[%get3A_52, %get3A_53] : memref<128x128xf32, #tpu.memory_space<vmem>>, vector<128x128xf32>
    %convert_element_type3A_55 = arith.truncf %get3A_54 : vector<128x128xf32> to vector<128x128xbf16>
    %dot_general3A_56 = arith.constant dense<0.000000e+00> : vector<4000x128xf32>
    %dot_general3A_57 = tpu.matmul %convert_element_type3A_51, %convert_element_type3A_55, %dot_general3A_56 {dimension_numbers = #tpu.dot_dimension_numbers<[1], [0], [0], [1], [0, 0, 1, 1], [], []>, transpose_lhs_hint = false} : vector<4000x128xbf16>, vector<128x128xbf16>, vector<4000x128xf32> -> vector<4000x128xf32>
    %get3A_58 = arith.constant 0 : index
    %get3A_59 = arith.constant 0 : index
    %get3A_60 = vector.load %arg8[%get3A_58, %get3A_59] : memref<1x128xf32, #tpu.memory_space<vmem>>, vector<1x128xf32>
    %add3A_61 = vector.broadcast %get3A_60 : vector<1x128xf32> to vector<4000x128xf32>
    %add3A_62 = arith.addf %dot_general3A_57, %add3A_61 : vector<4000x128xf32>
    %logistic3A_63 = arith.negf %add3A_62 : vector<4000x128xf32>
    %logistic3A_64 = math.exp %logistic3A_63 : vector<4000x128xf32>
    %logistic3A_65 = arith.constant 1.000000e+00 : f32
    %logistic3A_66 = vector.broadcast %logistic3A_65 : f32 to vector<4000x128xf32>
    %logistic3A_67 = arith.addf %logistic3A_66, %logistic3A_64 : vector<4000x128xf32>
    %logistic3A_68 = arith.divf %logistic3A_66, %logistic3A_67 : vector<4000x128xf32>
    %mul3A_69 = arith.mulf %add3A_62, %logistic3A_68 : vector<4000x128xf32>
    %swap3A = arith.constant 0 : index
    %swap3A_70 = arith.constant 0 : index
    %swap3A_71 = vector.load %arg9[%swap3A, %swap3A_70] : memref<4000x128xf32, #tpu.memory_space<vmem>>, vector<4000x128xf32>
    tpu.vector_store %arg9[%swap3A, %swap3A_70], %mul3A_69 {strides = array<i32>} : memref<4000x128xf32, #tpu.memory_space<vmem>>, vector<4000x128xf32>,
    return
  }
  func.func @transform_0(%arg0: i32) -> (i32, i32) {
    %add3A = arith.constant 40 : i32
    %add3A_0 = arith.addi %add3A, %arg0 : i32
    %c0_i32 = arith.constant 0 : i32
    %c0_i32_1 = arith.constant 0 : i32
    return %add3A_0, %c0_i32 : i32, i32
  }
  func.func @transform_1(%arg0: i32) -> (i32, i32) {
    %c0_i32 = arith.constant 0 : i32
    %c0_i32_0 = arith.constant 0 : i32
    return %arg0, %c0_i32 : i32, i32
  }
  func.func @transform_2(%arg0: i32) -> (i32, i32) {
    %add3A = arith.constant 40 : i32
    %add3A_0 = arith.addi %add3A, %arg0 : i32
    %c0_i32 = arith.constant 0 : i32
    %c0_i32_1 = arith.constant 0 : i32
    return %add3A_0, %c0_i32 : i32, i32
  }
  func.func @transform_3(%arg0: i32) -> (i32, i32) {
    %c0_i32 = arith.constant 0 : i32
    %c0_i32_0 = arith.constant 0 : i32
    %c0_i32_1 = arith.constant 0 : i32
    return %c0_i32, %c0_i32_0 : i32, i32
  }
  func.func @transform_4(%arg0: i32) -> (i32, i32) {
    %c0_i32 = arith.constant 0 : i32
    %c0_i32_0 = arith.constant 0 : i32
    %c0_i32_1 = arith.constant 0 : i32
    return %c0_i32, %c0_i32_0 : i32, i32
  }
  func.func @transform_5(%arg0: i32) -> (i32, i32) {
    %c0_i32 = arith.constant 0 : i32
    %c0_i32_0 = arith.constant 0 : i32
    %c0_i32_1 = arith.constant 0 : i32
    return %c0_i32, %c0_i32_0 : i32, i32
  }
  func.func @transform_6(%arg0: i32) -> (i32, i32) {
    %c0_i32 = arith.constant 0 : i32
    %c0_i32_0 = arith.constant 0 : i32
    %c0_i32_1 = arith.constant 0 : i32
    return %c0_i32, %c0_i32_0 : i32, i32
  }
  func.func @transform_7(%arg0: i32) -> (i32, i32) {
    %c0_i32 = arith.constant 0 : i32
    %c0_i32_0 = arith.constant 0 : i32
    %c0_i32_1 = arith.constant 0 : i32
    return %c0_i32, %c0_i32_0 : i32, i32
  }
  func.func @transform_8(%arg0: i32) -> (i32, i32) {
    %c0_i32 = arith.constant 0 : i32
    %c0_i32_0 = arith.constant 0 : i32
    return %arg0, %c0_i32 : i32, i32
  }
}

module attributes {stable_mosaic.version = 14 : i64} {
  func.func @edge_mlp_p3(%arg0: i32, %arg1: memref<4000x128xf32, #tpu.memory_space<vmem>>, %arg2: memref<4000x128xf32, #tpu.memory_space<vmem>>, %arg3: memref<4000x3xf32, #tpu.memory_space<vmem>>, %arg4: memref<32x128xf32, #tpu.memory_space<vmem>>, %arg5: memref<128x128xf32, #tpu.memory_space<vmem>>, %arg6: memref<3x128xf32, #tpu.memory_space<vmem>>, %arg7: memref<128x128xf32, #tpu.memory_space<vmem>>, %arg8: memref<1x128xf32, #tpu.memory_space<vmem>>, %arg9: memref<4000x128xf32, #tpu.memory_space<vmem>>) attributes {dimension_semantics = [#tpu.dimension_semantics<arbitrary>], iteration_bounds = array<i64: 20>, scalar_prefetch = 0 : i64, scratch_operands = 0 : i64, tpu.core_type = #tpu.core_type<tc>, window_params = [{transform_indices = @transform_0, window_bounds = array<i64: 4000, 128>}, {transform_indices = @transform_1, window_bounds = array<i64: 4000, 128>}, {transform_indices = @transform_2, window_bounds = array<i64: 4000, 3>}, {pipeline_mode = #tpu.pipeline_mode<synchronous>, transform_indices = @transform_3, window_bounds = array<i64: 32, 128>}, {pipeline_mode = #tpu.pipeline_mode<synchronous>, transform_indices = @transform_4, window_bounds = array<i64: 128, 128>}, {pipeline_mode = #tpu.pipeline_mode<synchronous>, transform_indices = @transform_5, window_bounds = array<i64: 3, 128>}, {pipeline_mode = #tpu.pipeline_mode<synchronous>, transform_indices = @transform_6, window_bounds = array<i64: 128, 128>}, {pipeline_mode = #tpu.pipeline_mode<synchronous>, transform_indices = @transform_7, window_bounds = array<i64: 1, 128>}, {transform_indices = @transform_8, window_bounds = array<i64: 4000, 128>}]} {
    %get3A = arith.constant 0 : index
    %get3A_0 = arith.constant 0 : index
    %get3A_1 = vector.load %arg3[%get3A, %get3A_0] : memref<4000x3xf32, #tpu.memory_space<vmem>>, vector<4000x3xf32>
    %get3A_2 = arith.constant 0 : index
    %get3A_3 = arith.constant 0 : index
    %get3A_4 = vector.load %arg6[%get3A_2, %get3A_3] : memref<3x128xf32, #tpu.memory_space<vmem>>, vector<3x128xf32>
    %slice3A = vector.extract_strided_slice %get3A_1 {offsets = [0, 0], sizes = [4000, 1], strides = [1, 1]} : vector<4000x3xf32> to vector<4000x1xf32>
    %slice3A_5 = vector.extract_strided_slice %get3A_4 {offsets = [0, 0], sizes = [1, 128], strides = [1, 1]} : vector<3x128xf32> to vector<1x128xf32>
    %mul3A = vector.broadcast %slice3A : vector<4000x1xf32> to vector<4000x128xf32>
    %mul3A_6 = vector.broadcast %slice3A_5 : vector<1x128xf32> to vector<4000x128xf32>
    %mul3A_7 = arith.mulf %mul3A, %mul3A_6 : vector<4000x128xf32>
    %slice3A_8 = vector.extract_strided_slice %get3A_1 {offsets = [0, 1], sizes = [4000, 1], strides = [1, 1]} : vector<4000x3xf32> to vector<4000x1xf32>
    %slice3A_9 = vector.extract_strided_slice %get3A_4 {offsets = [1, 0], sizes = [1, 128], strides = [1, 1]} : vector<3x128xf32> to vector<1x128xf32>
    %mul3A_10 = vector.broadcast %slice3A_8 : vector<4000x1xf32> to vector<4000x128xf32>
    %mul3A_11 = vector.broadcast %slice3A_9 : vector<1x128xf32> to vector<4000x128xf32>
    %mul3A_12 = arith.mulf %mul3A_10, %mul3A_11 : vector<4000x128xf32>
    %add3A = arith.addf %mul3A_7, %mul3A_12 : vector<4000x128xf32>
    %slice3A_13 = vector.extract_strided_slice %get3A_1 {offsets = [0, 2], sizes = [4000, 1], strides = [1, 1]} : vector<4000x3xf32> to vector<4000x1xf32>
    %slice3A_14 = vector.extract_strided_slice %get3A_4 {offsets = [2, 0], sizes = [1, 128], strides = [1, 1]} : vector<3x128xf32> to vector<1x128xf32>
    %mul3A_15 = vector.broadcast %slice3A_13 : vector<4000x1xf32> to vector<4000x128xf32>
    %mul3A_16 = vector.broadcast %slice3A_14 : vector<1x128xf32> to vector<4000x128xf32>
    %mul3A_17 = arith.mulf %mul3A_15, %mul3A_16 : vector<4000x128xf32>
    %add3A_18 = arith.addf %add3A, %mul3A_17 : vector<4000x128xf32>
    %slice3A_19 = vector.extract_strided_slice %get3A_1 {offsets = [0, 0], sizes = [4000, 1], strides = [1, 1]} : vector<4000x3xf32> to vector<4000x1xf32>
    %bitcast_convert_type3A = tpu.bitcast %slice3A_19 : vector<4000x1xf32> -> vector<4000x1xi32>
    %and3A = arith.constant 31 : i32
    %and3A_20 = vector.broadcast %and3A : i32 to vector<4000x1xi32>
    %and3A_21 = arith.andi %bitcast_convert_type3A, %and3A_20 : vector<4000x1xi32>
    %iota3A = tpu.iota {dimensions = array<i32: 1>} : vector<1x32xi32>
    %eq3A = vector.broadcast %and3A_21 : vector<4000x1xi32> to vector<4000x32xi32>
    %eq3A_22 = vector.broadcast %iota3A : vector<1x32xi32> to vector<4000x32xi32>
    %eq3A_23 = arith.cmpi eq, %eq3A, %eq3A_22 : vector<4000x32xi32>
    %convert_element_type3A = arith.extui %eq3A_23 : vector<4000x32xi1> to vector<4000x32xi32>
    %convert_element_type3A_24 = arith.sitofp %convert_element_type3A : vector<4000x32xi32> to vector<4000x32xf32>
    %get3A_25 = arith.constant 0 : index
    %get3A_26 = arith.constant 0 : index
    %get3A_27 = vector.load %arg4[%get3A_25, %get3A_26] : memref<32x128xf32, #tpu.memory_space<vmem>>, vector<32x128xf32>
    %dot_general3A = arith.constant dense<0.000000e+00> : vector<4000x128xf32>
    %dot_general3A_28 = tpu.matmul %convert_element_type3A_24, %get3A_27, %dot_general3A {dimension_numbers = #tpu.dot_dimension_numbers<[1], [0], [0], [1], [0, 0, 1, 1], [], []>, transpose_lhs_hint = false} : vector<4000x32xf32>, vector<32x128xf32>, vector<4000x128xf32> -> vector<4000x128xf32>
    %get3A_29 = arith.constant 0 : index
    %get3A_30 = arith.constant 0 : index
    %get3A_31 = vector.load %arg1[%get3A_29, %get3A_30] : memref<4000x128xf32, #tpu.memory_space<vmem>>, vector<4000x128xf32>
    %convert_element_type3A_32 = arith.truncf %get3A_31 : vector<4000x128xf32> to vector<4000x128xbf16>
    %get3A_33 = arith.constant 0 : index
    %get3A_34 = arith.constant 0 : index
    %get3A_35 = vector.load %arg5[%get3A_33, %get3A_34] : memref<128x128xf32, #tpu.memory_space<vmem>>, vector<128x128xf32>
    %convert_element_type3A_36 = arith.truncf %get3A_35 : vector<128x128xf32> to vector<128x128xbf16>
    %dot_general3A_37 = arith.constant dense<0.000000e+00> : vector<4000x128xf32>
    %dot_general3A_38 = tpu.matmul %convert_element_type3A_32, %convert_element_type3A_36, %dot_general3A_37 {dimension_numbers = #tpu.dot_dimension_numbers<[1], [0], [0], [1], [0, 0, 1, 1], [], []>, transpose_lhs_hint = false} : vector<4000x128xbf16>, vector<128x128xbf16>, vector<4000x128xf32> -> vector<4000x128xf32>
    %get3A_39 = arith.constant 0 : index
    %get3A_40 = arith.constant 0 : index
    %get3A_41 = vector.load %arg2[%get3A_39, %get3A_40] : memref<4000x128xf32, #tpu.memory_space<vmem>>, vector<4000x128xf32>
    %add3A_42 = arith.addf %dot_general3A_38, %get3A_41 : vector<4000x128xf32>
    %add3A_43 = arith.addf %add3A_42, %add3A_18 : vector<4000x128xf32>
    %add3A_44 = arith.addf %add3A_43, %dot_general3A_28 : vector<4000x128xf32>
    %logistic3A = arith.negf %add3A_44 : vector<4000x128xf32>
    %logistic3A_45 = math.exp %logistic3A : vector<4000x128xf32>
    %logistic3A_46 = arith.constant 1.000000e+00 : f32
    %logistic3A_47 = vector.broadcast %logistic3A_46 : f32 to vector<4000x128xf32>
    %logistic3A_48 = arith.addf %logistic3A_47, %logistic3A_45 : vector<4000x128xf32>
    %logistic3A_49 = arith.divf %logistic3A_47, %logistic3A_48 : vector<4000x128xf32>
    %mul3A_50 = arith.mulf %add3A_44, %logistic3A_49 : vector<4000x128xf32>
    %convert_element_type3A_51 = arith.truncf %mul3A_50 : vector<4000x128xf32> to vector<4000x128xbf16>
    %get3A_52 = arith.constant 0 : index
    %get3A_53 = arith.constant 0 : index
    %get3A_54 = vector.load %arg7[%get3A_52, %get3A_53] : memref<128x128xf32, #tpu.memory_space<vmem>>, vector<128x128xf32>
    %convert_element_type3A_55 = arith.truncf %get3A_54 : vector<128x128xf32> to vector<128x128xbf16>
    %dot_general3A_56 = arith.constant dense<0.000000e+00> : vector<4000x128xf32>
    %dot_general3A_57 = tpu.matmul %convert_element_type3A_51, %convert_element_type3A_55, %dot_general3A_56 {dimension_numbers = #tpu.dot_dimension_numbers<[1], [0], [0], [1], [0, 0, 1, 1], [], []>, transpose_lhs_hint = false} : vector<4000x128xbf16>, vector<128x128xbf16>, vector<4000x128xf32> -> vector<4000x128xf32>
    %get3A_58 = arith.constant 0 : index
    %get3A_59 = arith.constant 0 : index
    %get3A_60 = vector.load %arg8[%get3A_58, %get3A_59] : memref<1x128xf32, #tpu.memory_space<vmem>>, vector<1x128xf32>
    %add3A_61 = vector.broadcast %get3A_60 : vector<1x128xf32> to vector<4000x128xf32>
    %add3A_62 = arith.addf %dot_general3A_57, %add3A_61 : vector<4000x128xf32>
    %logistic3A_63 = arith.negf %add3A_62 : vector<4000x128xf32>
    %logistic3A_64 = math.exp %logistic3A_63 : vector<4000x128xf32>
    %logistic3A_65 = arith.constant 1.000000e+00 : f32
    %logistic3A_66 = vector.broadcast %logistic3A_65 : f32 to vector<4000x128xf32>
    %logistic3A_67 = arith.addf %logistic3A_66, %logistic3A_64 : vector<4000x128xf32>
    %logistic3A_68 = arith.divf %logistic3A_66, %logistic3A_67 : vector<4000x128xf32>
    %mul3A_69 = arith.mulf %add3A_62, %logistic3A_68 : vector<4000x128xf32>
    %swap3A = arith.constant 0 : index
    %swap3A_70 = arith.constant 0 : index
    %swap3A_71 = vector.load %arg9[%swap3A, %swap3A_70] : memref<4000x128xf32, #tpu.memory_space<vmem>>, vector<4000x128xf32>
    tpu.vector_store %arg9[%swap3A, %swap3A_70], %mul3A_69 {strides = array<i32>} : memref<4000x128xf32, #tpu.memory_space<vmem>>, vector<4000x128xf32>,
    return
  }
  func.func @transform_0(%arg0: i32) -> (i32, i32) {
    %add3A = arith.constant 60 : i32
    %add3A_0 = arith.addi %add3A, %arg0 : i32
    %c0_i32 = arith.constant 0 : i32
    %c0_i32_1 = arith.constant 0 : i32
    return %add3A_0, %c0_i32 : i32, i32
  }
  func.func @transform_1(%arg0: i32) -> (i32, i32) {
    %c0_i32 = arith.constant 0 : i32
    %c0_i32_0 = arith.constant 0 : i32
    return %arg0, %c0_i32 : i32, i32
  }
  func.func @transform_2(%arg0: i32) -> (i32, i32) {
    %add3A = arith.constant 60 : i32
    %add3A_0 = arith.addi %add3A, %arg0 : i32
    %c0_i32 = arith.constant 0 : i32
    %c0_i32_1 = arith.constant 0 : i32
    return %add3A_0, %c0_i32 : i32, i32
  }
  func.func @transform_3(%arg0: i32) -> (i32, i32) {
    %c0_i32 = arith.constant 0 : i32
    %c0_i32_0 = arith.constant 0 : i32
    %c0_i32_1 = arith.constant 0 : i32
    return %c0_i32, %c0_i32_0 : i32, i32
  }
  func.func @transform_4(%arg0: i32) -> (i32, i32) {
    %c0_i32 = arith.constant 0 : i32
    %c0_i32_0 = arith.constant 0 : i32
    %c0_i32_1 = arith.constant 0 : i32
    return %c0_i32, %c0_i32_0 : i32, i32
  }
  func.func @transform_5(%arg0: i32) -> (i32, i32) {
    %c0_i32 = arith.constant 0 : i32
    %c0_i32_0 = arith.constant 0 : i32
    %c0_i32_1 = arith.constant 0 : i32
    return %c0_i32, %c0_i32_0 : i32, i32
  }
  func.func @transform_6(%arg0: i32) -> (i32, i32) {
    %c0_i32 = arith.constant 0 : i32
    %c0_i32_0 = arith.constant 0 : i32
    %c0_i32_1 = arith.constant 0 : i32
    return %c0_i32, %c0_i32_0 : i32, i32
  }
  func.func @transform_7(%arg0: i32) -> (i32, i32) {
    %c0_i32 = arith.constant 0 : i32
    %c0_i32_0 = arith.constant 0 : i32
    %c0_i32_1 = arith.constant 0 : i32
    return %c0_i32, %c0_i32_0 : i32, i32
  }
  func.func @transform_8(%arg0: i32) -> (i32, i32) {
    %c0_i32 = arith.constant 0 : i32
    %c0_i32_0 = arith.constant 0 : i32
    return %arg0, %c0_i32 : i32, i32
  }
}

module attributes {stable_mosaic.version = 14 : i64} {
  func.func @_node_mlp_body(%arg0: i32, %arg1: memref<1000x128xf32, #tpu.memory_space<vmem>>, %arg2: memref<1000x128xf32, #tpu.memory_space<vmem>>, %arg3: memref<2x1000x128xf32, #tpu.memory_space<vmem>>, %arg4: memref<2x1000x128xf32, #tpu.memory_space<vmem>>, %arg5: memref<2x1000x128xf32, #tpu.memory_space<vmem>>, %arg6: memref<2x1000x128xf32, #tpu.memory_space<vmem>>, %arg7: memref<2x1000x16xf32, #tpu.memory_space<vmem>>, %arg8: memref<2x1000x16xf32, #tpu.memory_space<vmem>>, %arg9: memref<2x1000x16xf32, #tpu.memory_space<vmem>>, %arg10: memref<2x1000x16xf32, #tpu.memory_space<vmem>>, %arg11: memref<128x128xf32, #tpu.memory_space<vmem>>, %arg12: memref<128x128xf32, #tpu.memory_space<vmem>>, %arg13: memref<1x128xf32, #tpu.memory_space<vmem>>, %arg14: memref<128x128xf32, #tpu.memory_space<vmem>>, %arg15: memref<1x128xf32, #tpu.memory_space<vmem>>, %arg16: memref<1000x128xf32, #tpu.memory_space<vmem>>) attributes {dimension_semantics = [#tpu.dimension_semantics<arbitrary>], iteration_bounds = array<i64: 10>, scalar_prefetch = 0 : i64, scratch_operands = 0 : i64, tpu.core_type = #tpu.core_type<tc>, window_params = [{transform_indices = @transform_0, window_bounds = array<i64: 1000, 128>}, {transform_indices = @transform_1, window_bounds = array<i64: 1000, 128>}, {transform_indices = @transform_2, window_bounds = array<i64: 2, 1000, 128>}, {transform_indices = @transform_3, window_bounds = array<i64: 2, 1000, 128>}, {transform_indices = @transform_4, window_bounds = array<i64: 2, 1000, 128>}, {transform_indices = @transform_5, window_bounds = array<i64: 2, 1000, 128>}, {transform_indices = @transform_6, window_bounds = array<i64: 2, 1000, 16>}, {transform_indices = @transform_7, window_bounds = array<i64: 2, 1000, 16>}, {transform_indices = @transform_8, window_bounds = array<i64: 2, 1000, 16>}, {transform_indices = @transform_9, window_bounds = array<i64: 2, 1000, 16>}, {pipeline_mode = #tpu.pipeline_mode<synchronous>, transform_indices = @transform_10, window_bounds = array<i64: 128, 128>}, {pipeline_mode = #tpu.pipeline_mode<synchronous>, transform_indices = @transform_11, window_bounds = array<i64: 128, 128>}, {pipeline_mode = #tpu.pipeline_mode<synchronous>, transform_indices = @transform_12, window_bounds = array<i64: 1, 128>}, {pipeline_mode = #tpu.pipeline_mode<synchronous>, transform_indices = @transform_13, window_bounds = array<i64: 128, 128>}, {pipeline_mode = #tpu.pipeline_mode<synchronous>, transform_indices = @transform_14, window_bounds = array<i64: 1, 128>}, {transform_indices = @transform_15, window_bounds = array<i64: 1000, 128>}]} {
    %get3A = arith.constant 0 : index
    %get3A_0 = arith.constant 0 : index
    %get3A_1 = arith.constant 0 : index
    %get3A_2 = vector.load %arg3[%get3A, %get3A_0, %get3A_1] : memref<2x1000x128xf32, #tpu.memory_space<vmem>>, vector<1x1000x128xf32>
    %get3A_3 = vector.shape_cast %get3A_2 : vector<1x1000x128xf32> to vector<1000x128xf32>
    %get3A_4 = arith.constant 1 : index
    %get3A_5 = arith.constant 0 : index
    %get3A_6 = arith.constant 0 : index
    %get3A_7 = vector.load %arg3[%get3A_4, %get3A_5, %get3A_6] : memref<2x1000x128xf32, #tpu.memory_space<vmem>>, vector<1x1000x128xf32>
    %get3A_8 = vector.shape_cast %get3A_7 : vector<1x1000x128xf32> to vector<1000x128xf32>
    %add3A = arith.addf %get3A_3, %get3A_8 : vector<1000x128xf32>
    %get3A_9 = arith.constant 0 : index
    %get3A_10 = arith.constant 0 : index
    %get3A_11 = arith.constant 0 : index
    %get3A_12 = vector.load %arg7[%get3A_9, %get3A_10, %get3A_11] : memref<2x1000x16xf32, #tpu.memory_space<vmem>>, vector<1x1000x1xf32>
    %get3A_13 = vector.shape_cast %get3A_12 : vector<1x1000x1xf32> to vector<1000x1xf32>
    %get3A_14 = arith.constant 1 : index
    %get3A_15 = arith.constant 0 : index
    %get3A_16 = arith.constant 0 : index
    %get3A_17 = vector.load %arg7[%get3A_14, %get3A_15, %get3A_16] : memref<2x1000x16xf32, #tpu.memory_space<vmem>>, vector<1x1000x1xf32>
    %get3A_18 = vector.shape_cast %get3A_17 : vector<1x1000x1xf32> to vector<1000x1xf32>
    %add3A_19 = arith.addf %get3A_13, %get3A_18 : vector<1000x1xf32>
    %get3A_20 = arith.constant 0 : index
    %get3A_21 = arith.constant 0 : index
    %get3A_22 = arith.constant 0 : index
    %get3A_23 = vector.load %arg4[%get3A_20, %get3A_21, %get3A_22] : memref<2x1000x128xf32, #tpu.memory_space<vmem>>, vector<1x1000x128xf32>
    %get3A_24 = vector.shape_cast %get3A_23 : vector<1x1000x128xf32> to vector<1000x128xf32>
    %add3A_25 = arith.addf %add3A, %get3A_24 : vector<1000x128xf32>
    %get3A_26 = arith.constant 1 : index
    %get3A_27 = arith.constant 0 : index
    %get3A_28 = arith.constant 0 : index
    %get3A_29 = vector.load %arg4[%get3A_26, %get3A_27, %get3A_28] : memref<2x1000x128xf32, #tpu.memory_space<vmem>>, vector<1x1000x128xf32>
    %get3A_30 = vector.shape_cast %get3A_29 : vector<1x1000x128xf32> to vector<1000x128xf32>
    %add3A_31 = arith.addf %add3A_25, %get3A_30 : vector<1000x128xf32>
    %get3A_32 = arith.constant 0 : index
    %get3A_33 = arith.constant 0 : index
    %get3A_34 = arith.constant 0 : index
    %get3A_35 = vector.load %arg8[%get3A_32, %get3A_33, %get3A_34] : memref<2x1000x16xf32, #tpu.memory_space<vmem>>, vector<1x1000x1xf32>
    %get3A_36 = vector.shape_cast %get3A_35 : vector<1x1000x1xf32> to vector<1000x1xf32>
    %add3A_37 = arith.addf %add3A_19, %get3A_36 : vector<1000x1xf32>
    %get3A_38 = arith.constant 1 : index
    %get3A_39 = arith.constant 0 : index
    %get3A_40 = arith.constant 0 : index
    %get3A_41 = vector.load %arg8[%get3A_38, %get3A_39, %get3A_40] : memref<2x1000x16xf32, #tpu.memory_space<vmem>>, vector<1x1000x1xf32>
    %get3A_42 = vector.shape_cast %get3A_41 : vector<1x1000x1xf32> to vector<1000x1xf32>
    %add3A_43 = arith.addf %add3A_37, %get3A_42 : vector<1000x1xf32>
    %get3A_44 = arith.constant 0 : index
    %get3A_45 = arith.constant 0 : index
    %get3A_46 = arith.constant 0 : index
    %get3A_47 = vector.load %arg5[%get3A_44, %get3A_45, %get3A_46] : memref<2x1000x128xf32, #tpu.memory_space<vmem>>, vector<1x1000x128xf32>
    %get3A_48 = vector.shape_cast %get3A_47 : vector<1x1000x128xf32> to vector<1000x128xf32>
    %add3A_49 = arith.addf %add3A_31, %get3A_48 : vector<1000x128xf32>
    %get3A_50 = arith.constant 1 : index
    %get3A_51 = arith.constant 0 : index
    %get3A_52 = arith.constant 0 : index
    %get3A_53 = vector.load %arg5[%get3A_50, %get3A_51, %get3A_52] : memref<2x1000x128xf32, #tpu.memory_space<vmem>>, vector<1x1000x128xf32>
    %get3A_54 = vector.shape_cast %get3A_53 : vector<1x1000x128xf32> to vector<1000x128xf32>
    %add3A_55 = arith.addf %add3A_49, %get3A_54 : vector<1000x128xf32>
    %get3A_56 = arith.constant 0 : index
    %get3A_57 = arith.constant 0 : index
    %get3A_58 = arith.constant 0 : index
    %get3A_59 = vector.load %arg9[%get3A_56, %get3A_57, %get3A_58] : memref<2x1000x16xf32, #tpu.memory_space<vmem>>, vector<1x1000x1xf32>
    %get3A_60 = vector.shape_cast %get3A_59 : vector<1x1000x1xf32> to vector<1000x1xf32>
    %add3A_61 = arith.addf %add3A_43, %get3A_60 : vector<1000x1xf32>
    %get3A_62 = arith.constant 1 : index
    %get3A_63 = arith.constant 0 : index
    %get3A_64 = arith.constant 0 : index
    %get3A_65 = vector.load %arg9[%get3A_62, %get3A_63, %get3A_64] : memref<2x1000x16xf32, #tpu.memory_space<vmem>>, vector<1x1000x1xf32>
    %get3A_66 = vector.shape_cast %get3A_65 : vector<1x1000x1xf32> to vector<1000x1xf32>
    %add3A_67 = arith.addf %add3A_61, %get3A_66 : vector<1000x1xf32>
    %get3A_68 = arith.constant 0 : index
    %get3A_69 = arith.constant 0 : index
    %get3A_70 = arith.constant 0 : index
    %get3A_71 = vector.load %arg6[%get3A_68, %get3A_69, %get3A_70] : memref<2x1000x128xf32, #tpu.memory_space<vmem>>, vector<1x1000x128xf32>
    %get3A_72 = vector.shape_cast %get3A_71 : vector<1x1000x128xf32> to vector<1000x128xf32>
    %add3A_73 = arith.addf %add3A_55, %get3A_72 : vector<1000x128xf32>
    %get3A_74 = arith.constant 1 : index
    %get3A_75 = arith.constant 0 : index
    %get3A_76 = arith.constant 0 : index
    %get3A_77 = vector.load %arg6[%get3A_74, %get3A_75, %get3A_76] : memref<2x1000x128xf32, #tpu.memory_space<vmem>>, vector<1x1000x128xf32>
    %get3A_78 = vector.shape_cast %get3A_77 : vector<1x1000x128xf32> to vector<1000x128xf32>
    %add3A_79 = arith.addf %add3A_73, %get3A_78 : vector<1000x128xf32>
    %get3A_80 = arith.constant 0 : index
    %get3A_81 = arith.constant 0 : index
    %get3A_82 = arith.constant 0 : index
    %get3A_83 = vector.load %arg10[%get3A_80, %get3A_81, %get3A_82] : memref<2x1000x16xf32, #tpu.memory_space<vmem>>, vector<1x1000x1xf32>
    %get3A_84 = vector.shape_cast %get3A_83 : vector<1x1000x1xf32> to vector<1000x1xf32>
    %add3A_85 = arith.addf %add3A_67, %get3A_84 : vector<1000x1xf32>
    %get3A_86 = arith.constant 1 : index
    %get3A_87 = arith.constant 0 : index
    %get3A_88 = arith.constant 0 : index
    %get3A_89 = vector.load %arg10[%get3A_86, %get3A_87, %get3A_88] : memref<2x1000x16xf32, #tpu.memory_space<vmem>>, vector<1x1000x1xf32>
    %get3A_90 = vector.shape_cast %get3A_89 : vector<1x1000x1xf32> to vector<1000x1xf32>
    %add3A_91 = arith.addf %add3A_85, %get3A_90 : vector<1000x1xf32>
    %max3A = arith.constant 1.000000e+00 : f32
    %max3A_92 = vector.broadcast %max3A : f32 to vector<1000x1xf32>
    %max3A_93 = arith.maximumf %add3A_91, %max3A_92 : vector<1000x1xf32>
    %div3A = vector.broadcast %max3A_93 : vector<1000x1xf32> to vector<1000x128xf32>
    %div3A_94 = arith.divf %add3A_79, %div3A : vector<1000x128xf32>
    %get3A_95 = arith.constant 0 : index
    %get3A_96 = arith.constant 0 : index
    %get3A_97 = vector.load %arg2[%get3A_95, %get3A_96] : memref<1000x128xf32, #tpu.memory_space<vmem>>, vector<1000x128xf32>
    %get3A_98 = arith.constant 0 : index
    %get3A_99 = arith.constant 0 : index
    %get3A_100 = vector.load %arg11[%get3A_98, %get3A_99] : memref<128x128xf32, #tpu.memory_space<vmem>>, vector<128x128xf32>
    %dot_general3A = arith.constant dense<0.000000e+00> : vector<1000x128xf32>
    %dot_general3A_101 = tpu.matmul %get3A_97, %get3A_100, %dot_general3A {dimension_numbers = #tpu.dot_dimension_numbers<[1], [0], [0], [1], [0, 0, 1, 1], [], []>, transpose_lhs_hint = false} : vector<1000x128xf32>, vector<128x128xf32>, vector<1000x128xf32> -> vector<1000x128xf32>
    %get3A_102 = arith.constant 0 : index
    %get3A_103 = arith.constant 0 : index
    %get3A_104 = vector.load %arg12[%get3A_102, %get3A_103] : memref<128x128xf32, #tpu.memory_space<vmem>>, vector<128x128xf32>
    %dot_general3A_105 = arith.constant dense<0.000000e+00> : vector<1000x128xf32>
    %dot_general3A_106 = tpu.matmul %div3A_94, %get3A_104, %dot_general3A_105 {dimension_numbers = #tpu.dot_dimension_numbers<[1], [0], [0], [1], [0, 0, 1, 1], [], []>, transpose_lhs_hint = false} : vector<1000x128xf32>, vector<128x128xf32>, vector<1000x128xf32> -> vector<1000x128xf32>
    %add3A_107 = arith.addf %dot_general3A_101, %dot_general3A_106 : vector<1000x128xf32>
    %get3A_108 = arith.constant 0 : index
    %get3A_109 = arith.constant 0 : index
    %get3A_110 = vector.load %arg13[%get3A_108, %get3A_109] : memref<1x128xf32, #tpu.memory_space<vmem>>, vector<1x128xf32>
    %add3A_111 = vector.broadcast %get3A_110 : vector<1x128xf32> to vector<1000x128xf32>
    %add3A_112 = arith.addf %add3A_107, %add3A_111 : vector<1000x128xf32>
    %logistic3A = arith.negf %add3A_112 : vector<1000x128xf32>
    %logistic3A_113 = math.exp %logistic3A : vector<1000x128xf32>
    %logistic3A_114 = arith.constant 1.000000e+00 : f32
    %logistic3A_115 = vector.broadcast %logistic3A_114 : f32 to vector<1000x128xf32>
    %logistic3A_116 = arith.addf %logistic3A_115, %logistic3A_113 : vector<1000x128xf32>
    %logistic3A_117 = arith.divf %logistic3A_115, %logistic3A_116 : vector<1000x128xf32>
    %mul3A = arith.mulf %add3A_112, %logistic3A_117 : vector<1000x128xf32>
    %get3A_118 = arith.constant 0 : index
    %get3A_119 = arith.constant 0 : index
    %get3A_120 = vector.load %arg14[%get3A_118, %get3A_119] : memref<128x128xf32, #tpu.memory_space<vmem>>, vector<128x128xf32>
    %dot_general3A_121 = arith.constant dense<0.000000e+00> : vector<1000x128xf32>
    %dot_general3A_122 = tpu.matmul %mul3A, %get3A_120, %dot_general3A_121 {dimension_numbers = #tpu.dot_dimension_numbers<[1], [0], [0], [1], [0, 0, 1, 1], [], []>, transpose_lhs_hint = false} : vector<1000x128xf32>, vector<128x128xf32>, vector<1000x128xf32> -> vector<1000x128xf32>
    %get3A_123 = arith.constant 0 : index
    %get3A_124 = arith.constant 0 : index
    %get3A_125 = vector.load %arg15[%get3A_123, %get3A_124] : memref<1x128xf32, #tpu.memory_space<vmem>>, vector<1x128xf32>
    %add3A_126 = vector.broadcast %get3A_125 : vector<1x128xf32> to vector<1000x128xf32>
    %add3A_127 = arith.addf %dot_general3A_122, %add3A_126 : vector<1000x128xf32>
    %logistic3A_128 = arith.negf %add3A_127 : vector<1000x128xf32>
    %logistic3A_129 = math.exp %logistic3A_128 : vector<1000x128xf32>
    %logistic3A_130 = arith.constant 1.000000e+00 : f32
    %logistic3A_131 = vector.broadcast %logistic3A_130 : f32 to vector<1000x128xf32>
    %logistic3A_132 = arith.addf %logistic3A_131, %logistic3A_129 : vector<1000x128xf32>
    %logistic3A_133 = arith.divf %logistic3A_131, %logistic3A_132 : vector<1000x128xf32>
    %mul3A_134 = arith.mulf %add3A_127, %logistic3A_133 : vector<1000x128xf32>
    %get3A_135 = arith.constant 0 : index
    %get3A_136 = arith.constant 0 : index
    %get3A_137 = vector.load %arg1[%get3A_135, %get3A_136] : memref<1000x128xf32, #tpu.memory_space<vmem>>, vector<1000x128xf32>
    %add3A_138 = arith.addf %get3A_137, %mul3A_134 : vector<1000x128xf32>
    %swap3A = arith.constant 0 : index
    %swap3A_139 = arith.constant 0 : index
    %swap3A_140 = vector.load %arg16[%swap3A, %swap3A_139] : memref<1000x128xf32, #tpu.memory_space<vmem>>, vector<1000x128xf32>
    tpu.vector_store %arg16[%swap3A, %swap3A_139], %add3A_138 {strides = array<i32>} : memref<1000x128xf32, #tpu.memory_space<vmem>>, vector<1000x128xf32>,
    return
  }
  func.func @transform_0(%arg0: i32) -> (i32, i32) {
    %c0_i32 = arith.constant 0 : i32
    %c0_i32_0 = arith.constant 0 : i32
    return %arg0, %c0_i32 : i32, i32
  }
  func.func @transform_1(%arg0: i32) -> (i32, i32) {
    %c0_i32 = arith.constant 0 : i32
    %c0_i32_0 = arith.constant 0 : i32
    return %arg0, %c0_i32 : i32, i32
  }
  func.func @transform_2(%arg0: i32) -> (i32, i32, i32) {
    %c0_i32 = arith.constant 0 : i32
    %c0_i32_0 = arith.constant 0 : i32
    %c0_i32_1 = arith.constant 0 : i32
    return %c0_i32, %arg0, %c0_i32_0 : i32, i32, i32
  }
  func.func @transform_3(%arg0: i32) -> (i32, i32, i32) {
    %c0_i32 = arith.constant 0 : i32
    %c0_i32_0 = arith.constant 0 : i32
    %c0_i32_1 = arith.constant 0 : i32
    return %c0_i32, %arg0, %c0_i32_0 : i32, i32, i32
  }
  func.func @transform_4(%arg0: i32) -> (i32, i32, i32) {
    %c0_i32 = arith.constant 0 : i32
    %c0_i32_0 = arith.constant 0 : i32
    %c0_i32_1 = arith.constant 0 : i32
    return %c0_i32, %arg0, %c0_i32_0 : i32, i32, i32
  }
  func.func @transform_5(%arg0: i32) -> (i32, i32, i32) {
    %c0_i32 = arith.constant 0 : i32
    %c0_i32_0 = arith.constant 0 : i32
    %c0_i32_1 = arith.constant 0 : i32
    return %c0_i32, %arg0, %c0_i32_0 : i32, i32, i32
  }
  func.func @transform_6(%arg0: i32) -> (i32, i32, i32) {
    %c0_i32 = arith.constant 0 : i32
    %c0_i32_0 = arith.constant 0 : i32
    %c0_i32_1 = arith.constant 0 : i32
    return %c0_i32, %arg0, %c0_i32_0 : i32, i32, i32
  }
  func.func @transform_7(%arg0: i32) -> (i32, i32, i32) {
    %c0_i32 = arith.constant 0 : i32
    %c0_i32_0 = arith.constant 0 : i32
    %c0_i32_1 = arith.constant 0 : i32
    return %c0_i32, %arg0, %c0_i32_0 : i32, i32, i32
  }
  func.func @transform_8(%arg0: i32) -> (i32, i32, i32) {
    %c0_i32 = arith.constant 0 : i32
    %c0_i32_0 = arith.constant 0 : i32
    %c0_i32_1 = arith.constant 0 : i32
    return %c0_i32, %arg0, %c0_i32_0 : i32, i32, i32
  }
  func.func @transform_9(%arg0: i32) -> (i32, i32, i32) {
    %c0_i32 = arith.constant 0 : i32
    %c0_i32_0 = arith.constant 0 : i32
    %c0_i32_1 = arith.constant 0 : i32
    return %c0_i32, %arg0, %c0_i32_0 : i32, i32, i32
  }
  func.func @transform_10(%arg0: i32) -> (i32, i32) {
    %c0_i32 = arith.constant 0 : i32
    %c0_i32_0 = arith.constant 0 : i32
    %c0_i32_1 = arith.constant 0 : i32
    return %c0_i32, %c0_i32_0 : i32, i32
  }
  func.func @transform_11(%arg0: i32) -> (i32, i32) {
    %c0_i32 = arith.constant 0 : i32
    %c0_i32_0 = arith.constant 0 : i32
    %c0_i32_1 = arith.constant 0 : i32
    return %c0_i32, %c0_i32_0 : i32, i32
  }
  func.func @transform_12(%arg0: i32) -> (i32, i32) {
    %c0_i32 = arith.constant 0 : i32
    %c0_i32_0 = arith.constant 0 : i32
    %c0_i32_1 = arith.constant 0 : i32
    return %c0_i32, %c0_i32_0 : i32, i32
  }
  func.func @transform_13(%arg0: i32) -> (i32, i32) {
    %c0_i32 = arith.constant 0 : i32
    %c0_i32_0 = arith.constant 0 : i32
    %c0_i32_1 = arith.constant 0 : i32
    return %c0_i32, %c0_i32_0 : i32, i32
  }
  func.func @transform_14(%arg0: i32) -> (i32, i32) {
    %c0_i32 = arith.constant 0 : i32
    %c0_i32_0 = arith.constant 0 : i32
    %c0_i32_1 = arith.constant 0 : i32
    return %c0_i32, %c0_i32_0 : i32, i32
  }
  func.func @transform_15(%arg0: i32) -> (i32, i32) {
    %c0_i32 = arith.constant 0 : i32
    %c0_i32_0 = arith.constant 0 : i32
    return %arg0, %c0_i32 : i32, i32
  }
}

</mosaic_0001>

<sc_bundles>
// kernel: gather_sum_p0.3.cloned.1.call-start
scs
__scs_entry_jumppad:
0x0: {  	(pc) =	sbr.rel $0x88, $3  }
0x1: {  	(tag) =	ssettag $0x0;
	lr =	simm.s32 $0x1  }
0x2: {  	[smem:$0x3F91] =	sst lr;
	_ =	strace $0xD0000000  }
0x3: {  	_ = 	snop  }
0x4: {  	_ = 	snop  }
0x5: {  	_ = 	snop  }
0x6: {  	_ = 	snop  }
0x7: {  	_ = 	snop  }
__scs_overlays_trampoline_lowered:
0x8: {  	[smem:$0x3FA0] =	sst s0  }
0x9: {  	[smem:$0x3FA1] =	sst s1  }
0xa: {  	[smem:$0x3FA2] =	sst s2  }
0xb: {  	[smem:$0x3FA3] =	sst s3  }
0xc: {  	[smem:$0x3FA4] =	sst s4  }
0xd: {  	[smem:$0x3FA5] =	sst s5  }
0xe: {  	[smem:$0x3FA6] =	sst s6  }
0xf: {  	[smem:$0x3FA7] =	sst s7  }
0x10: {  	[smem:$0x3FA8] =	sst s8  }
0x11: {  	[smem:$0x3FA9] =	sst s9;
	s0 =	simm.s32 @!p0 $0x0  }
0x12: {  	s1 =	sld [smem:$0x3F8F];
	s0 =	simm.s32 @p0 $0x1  }
0x13: {  	[smem:$0x3FAA] =	sst s0;
	s0 =	simm.s32 @!p1 $0x0  }
0x14: {  	s2 =	sld [smem:$0x3F8E];
	s0 =	simm.s32 @p1 $0x1  }
0x15: {  	[smem:$0x3FAB] =	sst s0;
	s0 =	simm.s32 @!p2 $0x0  }
0x16: {  	s3 =	sld [smem:$0x3FDB];
	s0 =	simm.s32 @p2 $0x1  }
0x17: {  	s4 =	simm.s32 $0x1BF5;
	[smem:$0x3FAD] =	sst s0  }
0x18: {  	s0 =	sld [smem:$0x3F90];
	_ =	swait.ge [sflag:s4], $0x0  }
0x19: {  	s7 =	sld [smem:$0x3F91]  }
0x1a: {  	s8 =	sadd.s32 $0xFFFFE003, lr  }
0x1b: {  	s9 =	sadd.s32 $0xFFFFFEF7, lr;
	s5 =	simm.s32 $0xFFFFFFFF;
	p2 =	slt.u32 s8, $0xFFFFF086  }
0x1c: {  	p1 =	slt.u32 s9, $0xF7A;
	s5 =	simm.s32 @!p2 $0x0  }
0x1d: {  	s5 =	simm.s32 @p1 $0x1;
	p0 =	seq.s32 s7, s2  }
0x1e: {  	s7 =	smul.u32 @!p0 $0xF7A, s2;
	p2 =	seq.s32 @!p0 s5, $0x0  }
0x1f: {  	s9 =	smul.u32 $0xF7A, s1;
	s8 =	simm.s32 @!p0 $0x1BF5;
	p2 =	por !p2, p0  }
0x20: {  	[sflag:s8] =	ssyncset.s32 @!p0 $0xFFFFF086;
	s6 =	sadd.s32 @!p0 s3, s7;
	s7 =	simm.s32 @!p0 $0x108  }
0x21: {  	s3 =	sadd.s32 s3, s9;
	s6 =	sadd.s32 @!p0 $0x88, s6;
	s7 =	simm.s32 @p2 $0x1082  }
0x22: {  	[simem:s7], [sflag:s8] =	dma.local @!p0 [hbm:s6], $0xF7A  }
0x23: {  	s9 =	sor.u32 $0xD0000000, s2;
	s6 =	simm.s32 $0x108;
	_ =	swait.ge @!p0 [sflag:s8], $0x0  }
0x24: {  	s3 =	sadd.s32 $0x88, s3;
	s6 =	simm.s32 @!p1 $0x1082;
	[sflag:s4] =	ssyncset.s32 $0xFFFFF086  }
0x25: {  	[simem:s6], [sflag:s4] =	dma.local [hbm:s3], $0xF7A  }
0x26: {  	[smem:$0x3F91] =	sst s1;
	(tag) =	ssettag s2;
	_ =	strace s9  }
0x27: {  	s1 =	sld [smem:$0x3FA1]  }
0x28: {  	s2 =	sld [smem:$0x3FA2]  }
0x29: {  	s4 =	sld [smem:$0x3FA4]  }
0x2a: {  	p0 =	seq.s32 s5, $0x0;
	s5 =	sld [smem:$0x3FA5]  }
0x2b: {  	s6 =	sld [smem:$0x3FA6]  }
0x2c: {  	s7 =	sld [smem:$0x3FA7]  }
0x2d: {  	s3 =	simm.s32 $0x108;
	s8 =	sld [smem:$0x3FA8]  }
0x2e: {  	s3 =	simm.s32 @!p0 $0x1082;
	s9 =	sld [smem:$0x3FA9]  }
0x2f: {  	lr =	sadd.s32 s0, s3;
	s0 =	sld [smem:$0x3FA0]  }
0x30: {  	s3 =	sld [smem:$0x3FA3]  }
0x31: {  	[smem:$0x3FAC] =	sst s10  }
0x32: {  	s10 =	sld [smem:$0x3FAA];
	_ =	sdelay $0x3  }
0x33: {  	p0 =	seq.s32 s10, $0x1;
	s10 =	sld [smem:$0x3FAC];
	_ =	sdelay $0x3  }
0x34: {  	[smem:$0x3FAC] =	sst s10  }
0x35: {  	s10 =	sld [smem:$0x3FAB];
	_ =	sdelay $0x3  }
0x36: {  	p1 =	seq.s32 s10, $0x1;
	s10 =	sld [smem:$0x3FAC];
	_ =	sdelay $0x3  }
0x37: {  	[smem:$0x3FAC] =	sst s10  }
0x38: {  	s10 =	sld [smem:$0x3FAD]  }
0x39: {  	_ = 	snop;
	(pc) =	sbr.ind lr, $3  }
0x3a: {  	_ = 	snop  }
0x3b: {  	_ = 	snop  }
0x3c: {  	p2 =	seq.s32 s10, $0x1;
	s10 =	sld [smem:$0x3FAC]  }
0x3d: {  	_ =	shalt  }
0x3e: {  	_ =	shalt  }
0x3f: {  	_ =	shalt  }
0x40: {  	_ =	shalt  }
0x41: {  	_ =	shalt  }
0x42: {  	_ =	shalt  }
0x43: {  	_ =	shalt  }
0x44: {  	_ =	shalt  }
0x45: {  	_ =	shalt  }
0x46: {  	_ =	shalt  }
0x47: {  	_ =	shalt  }
0x48: {  	_ =	shalt  }
0x49: {  	_ =	shalt  }
0x4a: {  	_ =	shalt  }
0x4b: {  	_ =	shalt  }
0x4c: {  	_ =	shalt  }
0x4d: {  	_ =	shalt  }
0x4e: {  	_ =	shalt  }
0x4f: {  	_ =	shalt  }
0x50: {  	_ =	shalt  }
0x51: {  	_ =	shalt  }
0x52: {  	_ =	shalt  }
0x53: {  	_ =	shalt  }
0x54: {  	_ =	shalt  }
0x55: {  	_ =	shalt  }
0x56: {  	_ =	shalt  }
0x57: {  	_ =	shalt  }
0x58: {  	_ =	shalt  }
0x59: {  	_ =	shalt  }
0x5a: {  	_ =	shalt  }
0x5b: {  	_ =	shalt  }
0x5c: {  	_ =	shalt  }
0x5d: {  	_ =	shalt  }
0x5e: {  	_ =	shalt  }
0x5f: {  	_ =	shalt  }
0x60: {  	_ =	shalt  }
0x61: {  	_ =	shalt  }
0x62: {  	_ =	shalt  }
0x63: {  	_ =	shalt  }
0x64: {  	_ =	shalt  }
0x65: {  	_ =	shalt  }
0x66: {  	_ =	shalt  }
0x67: {  	_ =	shalt  }
0x68: {  	_ =	shalt  }
0x69: {  	_ =	shalt  }
0x6a: {  	_ =	shalt  }
0x6b: {  	_ =	shalt  }
0x6c: {  	_ =	shalt  }
0x6d: {  	_ =	shalt  }
0x6e: {  	_ =	shalt  }
0x6f: {  	_ =	shalt  }
0x70: {  	_ =	shalt  }
0x71: {  	_ =	shalt  }
0x72: {  	_ =	shalt  }
0x73: {  	_ =	shalt  }
0x74: {  	_ =	shalt  }
0x75: {  	_ =	shalt  }
0x76: {  	_ =	shalt  }
0x77: {  	_ =	shalt  }
0x78: {  	_ =	shalt  }
0x79: {  	_ =	shalt  }
0x7a: {  	_ =	shalt  }
0x7b: {  	_ =	shalt  }
0x7c: {  	_ =	shalt  }
0x7d: {  	_ =	shalt  }
0x7e: {  	_ =	shalt  }
0x7f: {  	_ =	shalt  }
0x80: {  	_ =	shalt  }
0x81: {  	_ =	shalt  }
0x82: {  	_ =	shalt  }
0x83: {  	_ =	shalt  }
0x84: {  	_ =	shalt  }
0x85: {  	_ =	shalt  }
0x86: {  	_ =	shalt  }
0x87: {  	_ =	shalt  }
.Lfunc_end0:
.L_simem_size_0:
called_computation_lowered:
.L_overlay_start_0:
0x88: {  	s2 =	sld [smem:$0x3FD9]  }
0x89: {  	s3 =	sld [smem:$0x3FFE];
	_ =	sdelay $0x1  }
0x8a: {  	s1 =	srdreg.scid  }
0x8b: {  	s0 =	sand.u32 $0x1, s1  }
0x8c: {  	s16 =	sshll.u32 s0, $0xA;
	s2 =	sadd.s32 s3, s2  }
0x8d: {  	s2 =	sadd.s32 s2, s16  }
0x8e: {  	[smem:$0x3FB8] =	sst s2  }
0x8f: {  	_ = 	snop  }
0x90: {  	(tm) =	ssettm $0x1  }
0x91: {  	s17 =	sld [smem:$0x3FFB];
	_ =	sdelay $0x3  }
0x92: {  	_ =	strace s17  }
0x93: {  	s2 =	sld [smem:$0x3FFC];
	_ =	sdelay $0x3  }
0x94: {  	_ =	strace s2  }
0x95: {  	s2 =	sld [smem:$0x3FFD];
	_ =	sdelay $0x3  }
0x96: {  	_ =	strace s2  }
0x97: {  	_ =	strace $0x8FFFFFFF  }
0x98: {  	s18 =	sld [smem:$0x3FDB];
	_ =	sdelay $0x1  }
0x99: {  	s19 =	simm.s32 $_scs_section_size  }
0x9a: {  	s4 =	simm.s32 $_size__tile_overlayer_lowered;
	s5 =	simm.s32 $_tile_overlayer_lowered  }
0x9b: {  	s22 =	simm.s32 $0x1BFF;
	s21 =	sshll.u32 s5, $0x1;
	s2 =	sadd.s32 s19, s18  }
0x9c: {  	s6 =	simm.s32 $0x0;
	s20 =	sshll.u32 s4, $0x1;
	s4 =	sadd.s32 s21, s2  }
0x9d: {  	[timem:s6], [sflag:s22] =	dma.local [hbm:s4], s20  }
0x9e: {  	_ =	swait.ge [sflag:s22], s20  }
0x9f: {  	s3 =	ssub.s32 $0x0, s20;
	[sflag:s22] =	ssyncset.done $0x0  }
0xa0: {  	[sflag:s22] =	ssyncadd.s32 s3;
	_ =	sdelay $0x1  }
0xa1: {  	s23 =	simm.s32 $0x1B8B  }
0xa2: {  	_ =	swait.ge [sflag:s23], $0x1  }
0xa3: {  	[sflag:s23] =	ssyncset.done $0x0  }
0xa4: {  	s25 =	simm.s32 $0x1B8E;
	s24 =	sld [smem:$0x3FFE];
	[sflag:s23] =	ssyncadd.s32 $0xFFFFFFFF  }
0xa5: {  	s26 =	simm.s32 $execute0_lowered;
	[smem:$0x3FD2] =	sst s25  }
0xa6: {  	s4 =	sshll.u32 s26, $0x1;
	_ =	strace $0x80000046;
	[dreg:$0x1] =	wrdreg $0xFFFFFFFF  }
0xa7: {  	s28 =	simm.s32 $_size_execute0_lowered;
	s2 =	sadd.s32 s2, s4;
	[dreg:$0x0] =	wrdreg $0x0  }
0xa8: {  	s4 =	sshll.u32 s28, $0x1;
	[dreg:$0x2] =	wrdreg s2  }
0xa9: {  	[dreg:$0x3] =	wrdreg s4  }
0xaa: {  	[dreg:$0x4] =	wrdreg $0xC0  }
0xab: {  	_ =	task [dreg:s6], $0x5FFFF  }
0xac: {  	[dreg:$0x1] =	wrdreg $0xFFFFFFFF  }
0xad: {  	[dreg:$0x0] =	wrdreg $0x60  }
0xae: {  	[dreg:$0x2] =	wrdreg s24  }
0xaf: {  	[dreg:$0x3] =	wrdreg $0xA  }
0xb0: {  	_ =	task.clear_ibuf [dreg:s6], $0x4FFFF;
	_ =	strace $0x90000046  }
0xb1: {  	s29 =	simm.s32 $0xA;
	_ =	strace $0x80000048  }
0xb2: {  	_ =	swait.ge [sflag:s29], $0x1  }
0xb3: {  	[sflag:s29] =	ssyncadd.s32 $0xFFFFFFFF  }
0xb4: {  	_ =	strace $0x90000048  }
0xb5: {  	_ =	sfence  }
0xb6: {  	s30 =	sld [smem:$0x0];
	_ =	sdelay $0x2  }
0xb7: {  	s31 =	sshll.u32 s1, $0xD;
	s1 =	sshrl.u32 s1, $0x2  }
0xb8: {  	s3 =	sand.u32 $0x4000, s31;
	s1 =	sadd.s32 s1, s30  }
0xb9: {  	s0 =	sor.u32 s3, s0;
	s1 =	sshll.u32 s1, $0x11  }
0xba: {  	s0 =	sor.u32 s1, s0  }
0xbb: {  	s0 =	sadd.s32 $0x8F2B, s0  }
0xbc: {  	[sflag:s0] =	ssyncadd.remote.s32 $0x1  }
0xbd: {  	_ =	sfence.sel $0xFFFF  }
0xbe: {  	[dreg:$0x0] =	wrdreg $0xFFFFFFFF;
	(pc) =	sbr.abs _section_cstart, $3  }
0xbf: {  	[dreg:$0x1] =	wrdreg $0xFFFFFFFF  }
0xc0: {  	_ =	task.clear_ibuf [dreg:s6], $0x2FFFF;
	_ =	strace $0x9FFFFFFF  }
0xc1: {  	(tm) =	ssettm $0x7FFFFFFF  }
tec
execute0_lowered:
.L_overlay_start_1:
0x0: {  	(tag) =	ssettag $0x1  }
0x1: {  	s5 =	rddreg [dreg:$0x0]  }
0x2: {  	s1 =	srdreg.scid;
	s0 =	rddreg [dreg:$0x1]  }
0x3: {  	s2 =	simm.s32 $0x0;
	s14 =	simm.s32 $0x5280;
	s15 =	simm.s32 $0x1  }
0x4: {  	s16 =	simm.s32 $0x2;
	s6 =	sand.u32 $0x1, s1;
	s1 =	stileid.u32  }
0x5: {  	s17 =	simm.s32 $0x0;
	[smem:$0x7FF] =	sst s2;
	s9 =	smul.u32 $0x9C40, s6  }
0x6: {  	s12 =	sadd.s32 $0x69E00, s5;
	s3 =	sshll.u32 s6, $0x4;
	s11 =	smul.u32 $0x9C4, s1  }
0x7: {  	_ =	strace $0x80000047;
	s8 =	ssub.s32 $0x2, s6;
	s31 =	smul.u32 $0x9C400, s6  }
0x8: {  	s13 =	smul.u32 $0x9C40, s1;
	s4 =	sor.u32 s1, s3;
	s3 =	sadd.s32 $0x1B800, s5  }
0x9: {  	s10 =	sshrl.u32 s8, $0x1;
	s7 =	smul.u32 $0x140, s4;
	s4 =	sadd.s32 $0x42A00, s5  }
0xa: {  	s8 =	ssub.s32 s8, s10;
	s9 =	sadd.s32 s11, s9;
	s10 =	sadd.s32 s31, s12  }
0xb: {  	s11 =	simm.s32 $0xA00;
	s9 =	sshll.u32 s9, $0x4;
	s7 =	sadd.s32 s7, s5  }
0xc: {  	s9 =	sadd.s32 s12, s9;
	s12 =	simm.s32 $0x7D;
	s5 =	sadd.s32 $0x7800, s7  }
0xd: {  	s6 =	sadd.s32 $0x11800, s7;
	s7 =	smax.u32 s8, $0x1;
	s8 =	sadd.s32 s13, s10  }
0xe: {  	s9 =	sadd.s32 $0x7D0, s9;
	s10 =	simm.s32 $0x3;
	s13 =	simm.s32 $0x1400  }
.LBB2_1:
0xf: {  	[tilespmem:s2], [sflag:$0x3] =	stream.linear.gather [hbm4b:s5+s2], $0xA00, $0x38;
	[tilespmem:$0x9100] =	vst v63  }
0x10: {  	_ =	swait.ge [sflag:s10], $0xA00  }
0x11: {  	[sflag:s10] =	ssyncset.done $0x0  }
0x12: {  	[sflag:s10] =	ssyncadd.s32 $0xFFFFF600  }
0x13: {  	[tilespmem:s11], [sflag:$0x3] =	stream.linear.gather [hbm4b:s6+s2], $0xA00, $0x38;
	[tilespmem:$0x9100] =	vst v63  }
0x14: {  	_ =	swait.ge [sflag:s10], $0xA00  }
0x15: {  	[sflag:s10] =	ssyncset.done $0x0  }
0x16: {  	s18 =	simm.s32 $0x0;
	[sflag:s10] =	ssyncadd.s32 $0xFFFFF600  }
0x17: {  	[tilespmem:s13], [sflag:$0x1] =	stream.indirect.gather [hbm4b:s3+s12], $0x80, s18, s12, $0xb8;
	[tilespmem:$0x9100] =	vst v63  }
0x18: {  	s29 =	simm.s32 $0x80  }
0x19: {  	[tilespmem:s14], [sflag:$0x2] =	stream.indirect.gather [hbm4b:s3+s12], $0x80, s29, s12, $0xb8;
	[tilespmem:$0x9100] =	vst v63  }
0x1a: {  	_ =	swait.ge [sflag:s15], $0x3E80  }
0x1b: {  	[sflag:s15] =	ssyncset.done $0x0  }
0x1c: {  	s30 =	simm.s32 $0xA00;
	[sflag:s15] =	ssyncadd.s32 $0xFFFFC180  }
0x1d: {  	[tilespmem:s13], [sflag:$0x1] =	stream.indirect.gather.add.f32 [hbm:s4], $0x80, s30, s12, $0xb8;
	[tilespmem:$0x9100] =	vst v63  }
0x1e: {  	_ =	swait.ge [sflag:s16], $0x3E80  }
0x1f: {  	[sflag:s16] =	ssyncset.done $0x0  }
0x20: {  	s31 =	simm.s32 $0xA80;
	[sflag:s16] =	ssyncadd.s32 $0xFFFFC180  }
0x21: {  	[tilespmem:s14], [sflag:$0x2] =	stream.indirect.gather.add.f32 [hbm:s4], $0x80, s31, s12, $0xb8;
	[tilespmem:$0x9100] =	vst v63  }
0x22: {  	_ =	swait.ge [sflag:s15], $0x3E80  }
0x23: {  	[sflag:s15] =	ssyncset.done $0x0  }
0x24: {  	[sflag:s15] =	ssyncadd.s32 $0xFFFFC180  }
0x25: {  	[hbm4b:s8+s2] =	stream.linear.scatter [tilespmem:s13], [sflag:$0x1], $0x3E80, $0x38;
	[tilespmem:$0x9100] =	vst v63  }
0x26: {  	_ =	swait.ge [sflag:s16], $0x3E80  }
0x27: {  	[sflag:s16] =	ssyncset.done $0x0  }
0x28: {  	[sflag:s16] =	ssyncadd.s32 $0xFFFFC180  }
0x29: {  	[hbm4b:s9+s2] =	stream.linear.scatter [tilespmem:s14], [sflag:$0x2], $0x3E80, $0x38;
	[tilespmem:$0x9100] =	vst v63  }
0x2a: {  	_ =	swait.ge [sflag:s15], $0x3E80  }
0x2b: {  	[sflag:s15] =	ssyncset.done $0x0  }
0x2c: {  	[sflag:s15] =	ssyncadd.s32 $0xFFFFC180  }
0x2d: {  	s20 =	simm.s32 $0x400;
	s21 =	simm.s32 $0x800;
	_ =	swait.ge [sflag:s16], $0x3E80  }
0x2e: {  	s19 =	sadd.s32 $0xFA0, s8;
	s18 =	sadd.s32 $0xFA0, s9;
	[sflag:s16] =	ssyncset.done $0x0  }
.LBB2_2:
0x2f: {  	s22 =	sshra.s32 s20, $0x2  }
0x30: {  	[sflag:s16] =	ssyncadd.s32 $0xFFFFC180;
	s20 =	smov.u32 s21;
	s23 =	sadd.s32 $0x400, s21  }
0x31: {  	[tilespmem:s13], [sflag:$0x1] =	stream.indirect.gather [hbm4b:s3+s12], $0x80, s22, s12, $0xb8;
	[tilespmem:$0x9100] =	vst v63  }
0x32: {  	p0 =	sne.s32 s21, $0x2400;
	s21 =	sadd.s32 $0x80, s22  }
0x33: {  	[tilespmem:s14], [sflag:$0x2] =	stream.indirect.gather [hbm4b:s3+s12], $0x80, s21, s12, $0xb8;
	[tilespmem:$0x9100] =	vst v63  }
0x34: {  	_ =	swait.ge [sflag:s15], $0x3E80  }
0x35: {  	[sflag:s15] =	ssyncset.done $0x0  }
0x36: {  	s21 =	sadd.s32 $0xA00, s22;
	[sflag:s15] =	ssyncadd.s32 $0xFFFFC180  }
0x37: {  	[tilespmem:s13], [sflag:$0x1] =	stream.indirect.gather.add.f32 [hbm:s4], $0x80, s21, s12, $0xb8;
	[tilespmem:$0x9100] =	vst v63  }
0x38: {  	_ =	swait.ge [sflag:s16], $0x3E80  }
0x39: {  	[sflag:s16] =	ssyncset.done $0x0  }
0x3a: {  	s21 =	sadd.s32 $0xA80, s22;
	[sflag:s16] =	ssyncadd.s32 $0xFFFFC180  }
0x3b: {  	[tilespmem:s14], [sflag:$0x2] =	stream.indirect.gather.add.f32 [hbm:s4], $0x80, s21, s12, $0xb8;
	[tilespmem:$0x9100] =	vst v63  }
0x3c: {  	_ =	swait.ge [sflag:s15], $0x3E80  }
0x3d: {  	[sflag:s15] =	ssyncset.done $0x0  }
0x3e: {  	[sflag:s15] =	ssyncadd.s32 $0xFFFFC180  }
0x3f: {  	[hbm4b:s19+s2] =	stream.linear.scatter [tilespmem:s13], [sflag:$0x1], $0x3E80, $0x38;
	[tilespmem:$0x9100] =	vst v63  }
0x40: {  	_ =	swait.ge [sflag:s16], $0x3E80  }
0x41: {  	[sflag:s16] =	ssyncset.done $0x0  }
0x42: {  	[sflag:s16] =	ssyncadd.s32 $0xFFFFC180  }
0x43: {  	[hbm4b:s18+s2] =	stream.linear.scatter [tilespmem:s14], [sflag:$0x2], $0x3E80, $0x38;
	[tilespmem:$0x9100] =	vst v63  }
.Ltmp0:
0x44: {  	_ =	swait.ge [sflag:s15], $0x3E80;
	(pc) =	sbr.rel @p0 .LBB2_2-.Ltmp0, $4  }
0x45: {  	[sflag:s15] =	ssyncset.done $0x0  }
0x46: {  	[sflag:s15] =	ssyncadd.s32 $0xFFFFC180  }
0x47: {  	s21 =	smov.u32 s23;
	_ =	swait.ge [sflag:s16], $0x3E80  }
0x48: {  	s19 =	sadd.s32 $0xFA0, s19;
	s18 =	sadd.s32 $0xFA0, s18;
	[sflag:s16] =	ssyncset.done $0x0  }
0x49: {  	s20 =	sshra.s32 s20, $0x2;
	[sflag:s16] =	ssyncadd.s32 $0xFFFFC180  }
0x4a: {  	[tilespmem:s13], [sflag:$0x1] =	stream.indirect.gather [hbm4b:s3+s12], $0x80, s20, s12, $0xb8;
	[tilespmem:$0x9100] =	vst v63  }
0x4b: {  	s21 =	sadd.s32 $0x80, s20  }
0x4c: {  	[tilespmem:s14], [sflag:$0x2] =	stream.indirect.gather [hbm4b:s3+s12], $0x80, s21, s12, $0xb8;
	[tilespmem:$0x9100] =	vst v63  }
0x4d: {  	_ =	swait.ge [sflag:s15], $0x3E80  }
0x4e: {  	[sflag:s15] =	ssyncset.done $0x0  }
0x4f: {  	s31 =	sadd.s32 $0xA00, s20;
	[sflag:s15] =	ssyncadd.s32 $0xFFFFC180  }
0x50: {  	[tilespmem:s13], [sflag:$0x1] =	stream.indirect.gather.add.f32 [hbm:s4], $0x80, s31, s12, $0xb8;
	[tilespmem:$0x9100] =	vst v63  }
0x51: {  	_ =	swait.ge [sflag:s16], $0x3E80  }
0x52: {  	[sflag:s16] =	ssyncset.done $0x0  }
0x53: {  	s20 =	sadd.s32 $0xA80, s20;
	[sflag:s16] =	ssyncadd.s32 $0xFFFFC180  }
0x54: {  	[tilespmem:s14], [sflag:$0x2] =	stream.indirect.gather.add.f32 [hbm:s4], $0x80, s20, s12, $0xb8;
	[tilespmem:$0x9100] =	vst v63  }
0x55: {  	_ =	swait.ge [sflag:s15], $0x3E80  }
0x56: {  	[sflag:s15] =	ssyncset.done $0x0  }
0x57: {  	[sflag:s15] =	ssyncadd.s32 $0xFFFFC180  }
0x58: {  	[hbm4b:s19+s2] =	stream.linear.scatter [tilespmem:s13], [sflag:$0x1], $0x3E80, $0x38;
	[tilespmem:$0x9100] =	vst v63  }
0x59: {  	_ =	swait.ge [sflag:s16], $0x3E80  }
0x5a: {  	[sflag:s16] =	ssyncset.done $0x0  }
0x5b: {  	s17 =	sadd.s32 $0x1, s17;
	[sflag:s16] =	ssyncadd.s32 $0xFFFFC180  }
0x5c: {  	[hbm4b:s18+s2] =	stream.linear.scatter [tilespmem:s14], [sflag:$0x2], $0x3E80, $0x38;
	[tilespmem:$0x9100] =	vst v63  }
0x5d: {  	p0 =	sne.s32 s17, s7;
	_ =	swait.ge [sflag:s15], $0x3E80  }
.Ltmp1:
0x5e: {  	[sflag:s15] =	ssyncset.done $0x0;
	(pc) =	sbr.rel @p0 .LBB2_1-.Ltmp1, $4  }
0x5f: {  	[sflag:s15] =	ssyncadd.s32 $0xFFFFC180  }
0x60: {  	_ =	swait.ge [sflag:s16], $0x3E80  }
0x61: {  	[sflag:s16] =	ssyncset.done $0x0  }
0x62: {  	[sflag:s16] =	ssyncadd.s32 $0xFFFFC180  }
0x63: {  	_ =	sfence.sel $0x180000  }
0x64: {  	[bflag:$0x0] =	sbarrier.arrive $0xFFFF  }
0x65: {  	p0 =	sne.s32 s1, $0x0;
	_ =	strace $0x90000047  }
0x66: {  	s0 =	sadd.s32 @!p0 $0x100000, s0;
	[bflag:$0x2] =	sbarrier.arrive $0xFFFF  }
0x67: {  	[sflag:s0] =	ssyncadd.tile.s32 @!p0 $0x1;
	_ =	shalt  }
.Lfunc_end2:
_tile_overlayer_lowered:
.L_overlay_start_2:
0x68: {  	(tag) =	ssettag $0x2  }
0x69: {  	s0 =	rddreg [dreg:$0x0];
	s2 =	stileid.u32  }
0x6a: {  	s1 =	rddreg [dreg:$0x1];
	p0 =	sne.s32 s2, $0x0  }
0x6b: {  	s3 =	rddreg [dreg:$0x2];
	[bflag:$0x3] =	sbarrier.arrive $0xFFFF;
	s2 =	simm.s32 @!p0 $0x1C03  }
0x6c: {  	[timem:s3], [sflag:s2] =	dma.local @!p0 [hbm:s0], s1  }
0x6d: {  	s0 =	simm.s32 @!p0 $0x3  }
0x6e: {  	_ =	swait.ge @!p0 [sflag:s0], s1  }
0x6f: {  	s1 =	ssub.s32 @!p0 $0x0, s1;
	[sflag:s0] =	ssyncset.done @!p0 $0x0  }
0x70: {  	[sflag:s0] =	ssyncadd.s32 @!p0 s1  }
0x71: {  	[bflag:$0x3] =	sbarrier.arrive $0xFFFF  }
0x72: {  	_ =	shalt  }

// kernel: gather_sum_p1.3.cloned.1.call-start
scs
__scs_entry_jumppad:
0x0: {  	(pc) =	sbr.rel $0x88, $3  }
0x1: {  	(tag) =	ssettag $0x0;
	lr =	simm.s32 $0x1  }
0x2: {  	[smem:$0x3F91] =	sst lr;
	_ =	strace $0xD0000000  }
0x3: {  	_ = 	snop  }
0x4: {  	_ = 	snop  }
0x5: {  	_ = 	snop  }
0x6: {  	_ = 	snop  }
0x7: {  	_ = 	snop  }
__scs_overlays_trampoline_lowered:
0x8: {  	[smem:$0x3FA0] =	sst s0  }
0x9: {  	[smem:$0x3FA1] =	sst s1  }
0xa: {  	[smem:$0x3FA2] =	sst s2  }
0xb: {  	[smem:$0x3FA3] =	sst s3  }
0xc: {  	[smem:$0x3FA4] =	sst s4  }
0xd: {  	[smem:$0x3FA5] =	sst s5  }
0xe: {  	[smem:$0x3FA6] =	sst s6  }
0xf: {  	[smem:$0x3FA7] =	sst s7  }
0x10: {  	[smem:$0x3FA8] =	sst s8  }
0x11: {  	[smem:$0x3FA9] =	sst s9;
	s0 =	simm.s32 @!p0 $0x0  }
0x12: {  	s1 =	sld [smem:$0x3F8F];
	s0 =	simm.s32 @p0 $0x1  }
0x13: {  	[smem:$0x3FAA] =	sst s0;
	s0 =	simm.s32 @!p1 $0x0  }
0x14: {  	s2 =	sld [smem:$0x3F8E];
	s0 =	simm.s32 @p1 $0x1  }
0x15: {  	[smem:$0x3FAB] =	sst s0;
	s0 =	simm.s32 @!p2 $0x0  }
0x16: {  	s3 =	sld [smem:$0x3FDB];
	s0 =	simm.s32 @p2 $0x1  }
0x17: {  	s4 =	simm.s32 $0x1BF5;
	[smem:$0x3FAD] =	sst s0  }
0x18: {  	s0 =	sld [smem:$0x3F90];
	_ =	swait.ge [sflag:s4], $0x0  }
0x19: {  	s7 =	sld [smem:$0x3F91]  }
0x1a: {  	s8 =	sadd.s32 $0xFFFFE003, lr  }
0x1b: {  	s9 =	sadd.s32 $0xFFFFFEF7, lr;
	s5 =	simm.s32 $0xFFFFFFFF;
	p2 =	slt.u32 s8, $0xFFFFF086  }
0x1c: {  	p1 =	slt.u32 s9, $0xF7A;
	s5 =	simm.s32 @!p2 $0x0  }
0x1d: {  	s5 =	simm.s32 @p1 $0x1;
	p0 =	seq.s32 s7, s2  }
0x1e: {  	s7 =	smul.u32 @!p0 $0xF7A, s2;
	p2 =	seq.s32 @!p0 s5, $0x0  }
0x1f: {  	s9 =	smul.u32 $0xF7A, s1;
	s8 =	simm.s32 @!p0 $0x1BF5;
	p2 =	por !p2, p0  }
0x20: {  	[sflag:s8] =	ssyncset.s32 @!p0 $0xFFFFF086;
	s6 =	sadd.s32 @!p0 s3, s7;
	s7 =	simm.s32 @!p0 $0x108  }
0x21: {  	s3 =	sadd.s32 s3, s9;
	s6 =	sadd.s32 @!p0 $0x88, s6;
	s7 =	simm.s32 @p2 $0x1082  }
0x22: {  	[simem:s7], [sflag:s8] =	dma.local @!p0 [hbm:s6], $0xF7A  }
0x23: {  	s9 =	sor.u32 $0xD0000000, s2;
	s6 =	simm.s32 $0x108;
	_ =	swait.ge @!p0 [sflag:s8], $0x0  }
0x24: {  	s3 =	sadd.s32 $0x88, s3;
	s6 =	simm.s32 @!p1 $0x1082;
	[sflag:s4] =	ssyncset.s32 $0xFFFFF086  }
0x25: {  	[simem:s6], [sflag:s4] =	dma.local [hbm:s3], $0xF7A  }
0x26: {  	[smem:$0x3F91] =	sst s1;
	(tag) =	ssettag s2;
	_ =	strace s9  }
0x27: {  	s1 =	sld [smem:$0x3FA1]  }
0x28: {  	s2 =	sld [smem:$0x3FA2]  }
0x29: {  	s4 =	sld [smem:$0x3FA4]  }
0x2a: {  	p0 =	seq.s32 s5, $0x0;
	s5 =	sld [smem:$0x3FA5]  }
0x2b: {  	s6 =	sld [smem:$0x3FA6]  }
0x2c: {  	s7 =	sld [smem:$0x3FA7]  }
0x2d: {  	s3 =	simm.s32 $0x108;
	s8 =	sld [smem:$0x3FA8]  }
0x2e: {  	s3 =	simm.s32 @!p0 $0x1082;
	s9 =	sld [smem:$0x3FA9]  }
0x2f: {  	lr =	sadd.s32 s0, s3;
	s0 =	sld [smem:$0x3FA0]  }
0x30: {  	s3 =	sld [smem:$0x3FA3]  }
0x31: {  	[smem:$0x3FAC] =	sst s10  }
0x32: {  	s10 =	sld [smem:$0x3FAA];
	_ =	sdelay $0x3  }
0x33: {  	p0 =	seq.s32 s10, $0x1;
	s10 =	sld [smem:$0x3FAC];
	_ =	sdelay $0x3  }
0x34: {  	[smem:$0x3FAC] =	sst s10  }
0x35: {  	s10 =	sld [smem:$0x3FAB];
	_ =	sdelay $0x3  }
0x36: {  	p1 =	seq.s32 s10, $0x1;
	s10 =	sld [smem:$0x3FAC];
	_ =	sdelay $0x3  }
0x37: {  	[smem:$0x3FAC] =	sst s10  }
0x38: {  	s10 =	sld [smem:$0x3FAD]  }
0x39: {  	_ = 	snop;
	(pc) =	sbr.ind lr, $3  }
0x3a: {  	_ = 	snop  }
0x3b: {  	_ = 	snop  }
0x3c: {  	p2 =	seq.s32 s10, $0x1;
	s10 =	sld [smem:$0x3FAC]  }
0x3d: {  	_ =	shalt  }
0x3e: {  	_ =	shalt  }
0x3f: {  	_ =	shalt  }
0x40: {  	_ =	shalt  }
0x41: {  	_ =	shalt  }
0x42: {  	_ =	shalt  }
0x43: {  	_ =	shalt  }
0x44: {  	_ =	shalt  }
0x45: {  	_ =	shalt  }
0x46: {  	_ =	shalt  }
0x47: {  	_ =	shalt  }
0x48: {  	_ =	shalt  }
0x49: {  	_ =	shalt  }
0x4a: {  	_ =	shalt  }
0x4b: {  	_ =	shalt  }
0x4c: {  	_ =	shalt  }
0x4d: {  	_ =	shalt  }
0x4e: {  	_ =	shalt  }
0x4f: {  	_ =	shalt  }
0x50: {  	_ =	shalt  }
0x51: {  	_ =	shalt  }
0x52: {  	_ =	shalt  }
0x53: {  	_ =	shalt  }
0x54: {  	_ =	shalt  }
0x55: {  	_ =	shalt  }
0x56: {  	_ =	shalt  }
0x57: {  	_ =	shalt  }
0x58: {  	_ =	shalt  }
0x59: {  	_ =	shalt  }
0x5a: {  	_ =	shalt  }
0x5b: {  	_ =	shalt  }
0x5c: {  	_ =	shalt  }
0x5d: {  	_ =	shalt  }
0x5e: {  	_ =	shalt  }
0x5f: {  	_ =	shalt  }
0x60: {  	_ =	shalt  }
0x61: {  	_ =	shalt  }
0x62: {  	_ =	shalt  }
0x63: {  	_ =	shalt  }
0x64: {  	_ =	shalt  }
0x65: {  	_ =	shalt  }
0x66: {  	_ =	shalt  }
0x67: {  	_ =	shalt  }
0x68: {  	_ =	shalt  }
0x69: {  	_ =	shalt  }
0x6a: {  	_ =	shalt  }
0x6b: {  	_ =	shalt  }
0x6c: {  	_ =	shalt  }
0x6d: {  	_ =	shalt  }
0x6e: {  	_ =	shalt  }
0x6f: {  	_ =	shalt  }
0x70: {  	_ =	shalt  }
0x71: {  	_ =	shalt  }
0x72: {  	_ =	shalt  }
0x73: {  	_ =	shalt  }
0x74: {  	_ =	shalt  }
0x75: {  	_ =	shalt  }
0x76: {  	_ =	shalt  }
0x77: {  	_ =	shalt  }
0x78: {  	_ =	shalt  }
0x79: {  	_ =	shalt  }
0x7a: {  	_ =	shalt  }
0x7b: {  	_ =	shalt  }
0x7c: {  	_ =	shalt  }
0x7d: {  	_ =	shalt  }
0x7e: {  	_ =	shalt  }
0x7f: {  	_ =	shalt  }
0x80: {  	_ =	shalt  }
0x81: {  	_ =	shalt  }
0x82: {  	_ =	shalt  }
0x83: {  	_ =	shalt  }
0x84: {  	_ =	shalt  }
0x85: {  	_ =	shalt  }
0x86: {  	_ =	shalt  }
0x87: {  	_ =	shalt  }
.Lfunc_end0:
.L_simem_size_0:
called_computation.1_lowered:
.L_overlay_start_0:
0x88: {  	s2 =	sld [smem:$0x3FD9]  }
0x89: {  	s3 =	sld [smem:$0x3FFE];
	_ =	sdelay $0x1  }
0x8a: {  	s1 =	srdreg.scid  }
0x8b: {  	s0 =	sand.u32 $0x1, s1  }
0x8c: {  	s17 =	sshll.u32 s0, $0xA;
	s2 =	sadd.s32 s3, s2  }
0x8d: {  	s2 =	sadd.s32 s2, s17  }
0x8e: {  	[smem:$0x3FB8] =	sst s2  }
0x8f: {  	_ = 	snop  }
0x90: {  	(tm) =	ssettm $0x1  }
0x91: {  	s18 =	sld [smem:$0x3FFB];
	_ =	sdelay $0x3  }
0x92: {  	_ =	strace s18  }
0x93: {  	s2 =	sld [smem:$0x3FFC];
	_ =	sdelay $0x3  }
0x94: {  	_ =	strace s2  }
0x95: {  	s2 =	sld [smem:$0x3FFD];
	_ =	sdelay $0x3  }
0x96: {  	_ =	strace s2  }
0x97: {  	_ =	strace $0x8FFFFFFF  }
0x98: {  	s19 =	sld [smem:$0x3FDB];
	_ =	sdelay $0x1  }
0x99: {  	s20 =	simm.s32 $_scs_section_size  }
0x9a: {  	s4 =	simm.s32 $_size__tile_overlayer_lowered;
	s5 =	simm.s32 $_tile_overlayer_lowered  }
0x9b: {  	s6 =	simm.s32 $0x1BFF;
	s21 =	sshll.u32 s5, $0x1;
	s3 =	sadd.s32 s20, s19  }
0x9c: {  	s22 =	simm.s32 $0x0;
	s4 =	sshll.u32 s4, $0x1;
	s5 =	sadd.s32 s21, s3  }
0x9d: {  	[timem:s22], [sflag:s6] =	dma.local [hbm:s5], s4  }
0x9e: {  	_ =	swait.ge [sflag:s6], s4  }
0x9f: {  	s4 =	ssub.s32 $0x0, s4;
	[sflag:s6] =	ssyncset.done $0x0  }
0xa0: {  	[sflag:s6] =	ssyncadd.s32 s4;
	_ =	sdelay $0x1  }
0xa1: {  	s23 =	simm.s32 $0x1B8B  }
0xa2: {  	_ =	swait.ge [sflag:s23], $0x1  }
0xa3: {  	[sflag:s23] =	ssyncset.done $0x0  }
0xa4: {  	[sflag:s23] =	ssyncadd.s32 $0xFFFFFFFF  }
0xa5: {  	s4 =	sld [smem:$0x0]  }
0xa6: {  	s5 =	sand.u32 $0xFFFFFFFE, s1  }
0xa7: {  	p0 =	sne.s32 s1, s5  }
0xa8: {  	s5 =	sshll.u32 @p0 s5, $0xE  }
0xa9: {  	s5 =	sadd.s32 @p0 $0x11B8D, s5;
	s6 =	sshll.u32 @p0 s4, $0x11  }
0xaa: {  	s5 =	sor.u32 @p0 s6, s5  }
0xab: {  	[sflag:s5] =	ssyncadd.remote.s32 @p0 $0x1;
	_ =	sdelay $0x1  }
0xac: {  	s5 =	simm.s32 @p0 $0x1B8D  }
0xad: {  	_ =	swait.eq @p0 [sflag:s5], $0x1  }
0xae: {  	[sflag:s5] =	ssyncadd.s32 @p0 $0xFFFFFFFF  }
0xaf: {  	s6 =	sshll.u32 @!p0 s1, $0xE  }
0xb0: {  	s6 =	sor.u32 @!p0 $0x4000, s6;
	s5 =	simm.s32 @!p0 $0x1B8D  }
0xb1: {  	s4 =	sshll.u32 @!p0 s4, $0x11;
	s6 =	sadd.s32 @!p0 $0x11B8D, s6;
	_ =	swait.eq @!p0 [sflag:s5], $0x1  }
0xb2: {  	s4 =	sor.u32 @!p0 s4, s6;
	[sflag:s5] =	ssyncadd.s32 @!p0 $0xFFFFFFFF  }
0xb3: {  	s25 =	simm.s32 $0x1B8E;
	s24 =	sld [smem:$0x3FFE];
	[sflag:s4] =	ssyncadd.remote.s32 @!p0 $0x1  }
0xb4: {  	s26 =	simm.s32 $execute0_lowered;
	[smem:$0x3FD2] =	sst s25  }
0xb5: {  	s5 =	sshll.u32 s26, $0x1;
	_ =	strace $0x80000049;
	[dreg:$0x1] =	wrdreg $0xFFFFFFFF  }
0xb6: {  	s28 =	simm.s32 $_size_execute0_lowered;
	s3 =	sadd.s32 s3, s5;
	[dreg:$0x0] =	wrdreg $0x0  }
0xb7: {  	s5 =	sshll.u32 s28, $0x1;
	[dreg:$0x2] =	wrdreg s3  }
0xb8: {  	[dreg:$0x3] =	wrdreg s5  }
0xb9: {  	[dreg:$0x4] =	wrdreg $0xC0  }
0xba: {  	_ =	task [dreg:s22], $0x5FFFF  }
0xbb: {  	[dreg:$0x1] =	wrdreg $0xFFFFFFFF  }
0xbc: {  	[dreg:$0x0] =	wrdreg $0x60  }
0xbd: {  	[dreg:$0x2] =	wrdreg s24  }
0xbe: {  	[dreg:$0x3] =	wrdreg $0xC  }
0xbf: {  	_ =	task.clear_ibuf [dreg:s22], $0x4FFFF;
	_ =	strace $0x90000049  }
0xc0: {  	s29 =	simm.s32 $0xC;
	_ =	strace $0x8000004B  }
0xc1: {  	_ =	swait.ge [sflag:s29], $0x1  }
0xc2: {  	[sflag:s29] =	ssyncadd.s32 $0xFFFFFFFF  }
0xc3: {  	_ =	strace $0x9000004B  }
0xc4: {  	_ =	sfence  }
0xc5: {  	s30 =	sld [smem:$0x0];
	_ =	sdelay $0x2  }
0xc6: {  	s31 =	sshll.u32 s1, $0xD;
	s1 =	sshrl.u32 s1, $0x2  }
0xc7: {  	s4 =	sand.u32 $0x4000, s31;
	s1 =	sadd.s32 s1, s30  }
0xc8: {  	s0 =	sor.u32 s4, s0;
	s1 =	sshll.u32 s1, $0x11  }
0xc9: {  	s0 =	sor.u32 s1, s0  }
0xca: {  	s0 =	sadd.s32 $0x8F2B, s0  }
0xcb: {  	[sflag:s0] =	ssyncadd.remote.s32 $0x1  }
0xcc: {  	_ =	sfence.sel $0xFFFF  }
0xcd: {  	[dreg:$0x0] =	wrdreg $0xFFFFFFFF;
	(pc) =	sbr.abs _section_cstart, $3  }
0xce: {  	[dreg:$0x1] =	wrdreg $0xFFFFFFFF  }
0xcf: {  	_ =	task.clear_ibuf [dreg:s22], $0x2FFFF;
	_ =	strace $0x9FFFFFFF  }
0xd0: {  	(tm) =	ssettm $0x7FFFFFFF  }
0xd1: {  	_ =	shalt  }
tec
execute0_lowered:
.L_overlay_start_1:
0x0: {  	(tag) =	ssettag $0x1  }
0x1: {  	s5 =	rddreg [dreg:$0x0]  }
0x2: {  	s1 =	srdreg.scid;
	s0 =	rddreg [dreg:$0x1];
	s2 =	simm.s32 $0x0  }
0x3: {  	s14 =	simm.s32 $0x5280;
	s15 =	simm.s32 $0x1;
	s16 =	simm.s32 $0x2  }
0x4: {  	s17 =	simm.s32 $0x0;
	s6 =	sand.u32 $0x1, s1;
	[smem:$0x7FF] =	sst s2  }
0x5: {  	s1 =	stileid.u32;
	s4 =	sadd.s32 $0x42A00, s5;
	s10 =	smul.u32 $0x9C40, s6  }
0x6: {  	s9 =	sadd.s32 $0x1A2600, s5;
	s3 =	sshll.u32 s6, $0x4;
	s12 =	smul.u32 $0x9C4, s1  }
0x7: {  	_ =	strace $0x8000004A;
	s8 =	ssub.s32 $0x2, s6;
	s31 =	smul.u32 $0x9C400, s6  }
0x8: {  	s13 =	smul.u32 $0x9C40, s1;
	s7 =	sor.u32 s1, s3;
	s3 =	sadd.s32 $0x1B800, s5  }
0x9: {  	s11 =	sshrl.u32 s8, $0x1;
	s7 =	smul.u32 $0xA00, s7;
	s10 =	sadd.s32 s12, s10  }
0xa: {  	s8 =	ssub.s32 s8, s11;
	s11 =	sadd.s32 s31, s9;
	s10 =	sshll.u32 s10, $0x4  }
0xb: {  	s12 =	simm.s32 $0x7D;
	s7 =	sshrl.u32 s7, $0x3;
	s9 =	sadd.s32 s9, s10  }
0xc: {  	s10 =	simm.s32 $0x3;
	s7 =	sadd.s32 s5, s7;
	s9 =	sadd.s32 $0x7D0, s9  }
0xd: {  	s5 =	sadd.s32 $0xA000, s7;
	s6 =	sadd.s32 $0x14000, s7;
	s7 =	smax.u32 s8, $0x1  }
0xe: {  	s8 =	sadd.s32 s13, s11;
	s11 =	simm.s32 $0xA00;
	s13 =	simm.s32 $0x1400  }
.LBB2_1:
0xf: {  	[tilespmem:s2], [sflag:$0x3] =	stream.linear.gather [hbm4b:s5+s2], $0xA00, $0x38;
	[tilespmem:$0x9100] =	vst v63  }
0x10: {  	_ =	swait.ge [sflag:s10], $0xA00  }
0x11: {  	[sflag:s10] =	ssyncset.done $0x0  }
0x12: {  	[sflag:s10] =	ssyncadd.s32 $0xFFFFF600  }
0x13: {  	[tilespmem:s11], [sflag:$0x3] =	stream.linear.gather [hbm4b:s6+s2], $0xA00, $0x38;
	[tilespmem:$0x9100] =	vst v63  }
0x14: {  	_ =	swait.ge [sflag:s10], $0xA00  }
0x15: {  	[sflag:s10] =	ssyncset.done $0x0  }
0x16: {  	s18 =	simm.s32 $0x0;
	[sflag:s10] =	ssyncadd.s32 $0xFFFFF600  }
0x17: {  	[tilespmem:s13], [sflag:$0x1] =	stream.indirect.gather [hbm4b:s3+s12], $0x80, s18, s12, $0xb8;
	[tilespmem:$0x9100] =	vst v63  }
0x18: {  	s29 =	simm.s32 $0x80  }
0x19: {  	[tilespmem:s14], [sflag:$0x2] =	stream.indirect.gather [hbm4b:s3+s12], $0x80, s29, s12, $0xb8;
	[tilespmem:$0x9100] =	vst v63  }
0x1a: {  	_ =	swait.ge [sflag:s15], $0x3E80  }
0x1b: {  	[sflag:s15] =	ssyncset.done $0x0  }
0x1c: {  	s30 =	simm.s32 $0xA00;
	[sflag:s15] =	ssyncadd.s32 $0xFFFFC180  }
0x1d: {  	[tilespmem:s13], [sflag:$0x1] =	stream.indirect.gather.add.f32 [hbm:s4], $0x80, s30, s12, $0xb8;
	[tilespmem:$0x9100] =	vst v63  }
0x1e: {  	_ =	swait.ge [sflag:s16], $0x3E80  }
0x1f: {  	[sflag:s16] =	ssyncset.done $0x0  }
0x20: {  	s31 =	simm.s32 $0xA80;
	[sflag:s16] =	ssyncadd.s32 $0xFFFFC180  }
0x21: {  	[tilespmem:s14], [sflag:$0x2] =	stream.indirect.gather.add.f32 [hbm:s4], $0x80, s31, s12, $0xb8;
	[tilespmem:$0x9100] =	vst v63  }
0x22: {  	_ =	swait.ge [sflag:s15], $0x3E80  }
0x23: {  	[sflag:s15] =	ssyncset.done $0x0  }
0x24: {  	[sflag:s15] =	ssyncadd.s32 $0xFFFFC180  }
0x25: {  	[hbm4b:s8+s2] =	stream.linear.scatter [tilespmem:s13], [sflag:$0x1], $0x3E80, $0x38;
	[tilespmem:$0x9100] =	vst v63  }
0x26: {  	_ =	swait.ge [sflag:s16], $0x3E80  }
0x27: {  	[sflag:s16] =	ssyncset.done $0x0  }
0x28: {  	[sflag:s16] =	ssyncadd.s32 $0xFFFFC180  }
0x29: {  	[hbm4b:s9+s2] =	stream.linear.scatter [tilespmem:s14], [sflag:$0x2], $0x3E80, $0x38;
	[tilespmem:$0x9100] =	vst v63  }
0x2a: {  	_ =	swait.ge [sflag:s15], $0x3E80  }
0x2b: {  	[sflag:s15] =	ssyncset.done $0x0  }
0x2c: {  	[sflag:s15] =	ssyncadd.s32 $0xFFFFC180  }
0x2d: {  	s20 =	simm.s32 $0x400;
	s21 =	simm.s32 $0x800;
	_ =	swait.ge [sflag:s16], $0x3E80  }
0x2e: {  	s19 =	sadd.s32 $0xFA0, s8;
	s18 =	sadd.s32 $0xFA0, s9;
	[sflag:s16] =	ssyncset.done $0x0  }
.LBB2_2:
0x2f: {  	s22 =	sshra.s32 s20, $0x2  }
0x30: {  	[sflag:s16] =	ssyncadd.s32 $0xFFFFC180;
	s20 =	smov.u32 s21;
	s23 =	sadd.s32 $0x400, s21  }
0x31: {  	[tilespmem:s13], [sflag:$0x1] =	stream.indirect.gather [hbm4b:s3+s12], $0x80, s22, s12, $0xb8;
	[tilespmem:$0x9100] =	vst v63  }
0x32: {  	p0 =	sne.s32 s21, $0x2400;
	s21 =	sadd.s32 $0x80, s22  }
0x33: {  	[tilespmem:s14], [sflag:$0x2] =	stream.indirect.gather [hbm4b:s3+s12], $0x80, s21, s12, $0xb8;
	[tilespmem:$0x9100] =	vst v63  }
0x34: {  	_ =	swait.ge [sflag:s15], $0x3E80  }
0x35: {  	[sflag:s15] =	ssyncset.done $0x0  }
0x36: {  	s21 =	sadd.s32 $0xA00, s22;
	[sflag:s15] =	ssyncadd.s32 $0xFFFFC180  }
0x37: {  	[tilespmem:s13], [sflag:$0x1] =	stream.indirect.gather.add.f32 [hbm:s4], $0x80, s21, s12, $0xb8;
	[tilespmem:$0x9100] =	vst v63  }
0x38: {  	_ =	swait.ge [sflag:s16], $0x3E80  }
0x39: {  	[sflag:s16] =	ssyncset.done $0x0  }
0x3a: {  	s21 =	sadd.s32 $0xA80, s22;
	[sflag:s16] =	ssyncadd.s32 $0xFFFFC180  }
0x3b: {  	[tilespmem:s14], [sflag:$0x2] =	stream.indirect.gather.add.f32 [hbm:s4], $0x80, s21, s12, $0xb8;
	[tilespmem:$0x9100] =	vst v63  }
0x3c: {  	_ =	swait.ge [sflag:s15], $0x3E80  }
0x3d: {  	[sflag:s15] =	ssyncset.done $0x0  }
0x3e: {  	[sflag:s15] =	ssyncadd.s32 $0xFFFFC180  }
0x3f: {  	[hbm4b:s19+s2] =	stream.linear.scatter [tilespmem:s13], [sflag:$0x1], $0x3E80, $0x38;
	[tilespmem:$0x9100] =	vst v63  }
0x40: {  	_ =	swait.ge [sflag:s16], $0x3E80  }
0x41: {  	[sflag:s16] =	ssyncset.done $0x0  }
0x42: {  	[sflag:s16] =	ssyncadd.s32 $0xFFFFC180  }
0x43: {  	[hbm4b:s18+s2] =	stream.linear.scatter [tilespmem:s14], [sflag:$0x2], $0x3E80, $0x38;
	[tilespmem:$0x9100] =	vst v63  }
.Ltmp0:
0x44: {  	_ =	swait.ge [sflag:s15], $0x3E80;
	(pc) =	sbr.rel @p0 .LBB2_2-.Ltmp0, $4  }
0x45: {  	[sflag:s15] =	ssyncset.done $0x0  }
0x46: {  	[sflag:s15] =	ssyncadd.s32 $0xFFFFC180  }
0x47: {  	s21 =	smov.u32 s23;
	_ =	swait.ge [sflag:s16], $0x3E80  }
0x48: {  	s19 =	sadd.s32 $0xFA0, s19;
	s18 =	sadd.s32 $0xFA0, s18;
	[sflag:s16] =	ssyncset.done $0x0  }
0x49: {  	s20 =	sshra.s32 s20, $0x2;
	[sflag:s16] =	ssyncadd.s32 $0xFFFFC180  }
0x4a: {  	[tilespmem:s13], [sflag:$0x1] =	stream.indirect.gather [hbm4b:s3+s12], $0x80, s20, s12, $0xb8;
	[tilespmem:$0x9100] =	vst v63  }
0x4b: {  	s21 =	sadd.s32 $0x80, s20  }
0x4c: {  	[tilespmem:s14], [sflag:$0x2] =	stream.indirect.gather [hbm4b:s3+s12], $0x80, s21, s12, $0xb8;
	[tilespmem:$0x9100] =	vst v63  }
0x4d: {  	_ =	swait.ge [sflag:s15], $0x3E80  }
0x4e: {  	[sflag:s15] =	ssyncset.done $0x0  }
0x4f: {  	s31 =	sadd.s32 $0xA00, s20;
	[sflag:s15] =	ssyncadd.s32 $0xFFFFC180  }
0x50: {  	[tilespmem:s13], [sflag:$0x1] =	stream.indirect.gather.add.f32 [hbm:s4], $0x80, s31, s12, $0xb8;
	[tilespmem:$0x9100] =	vst v63  }
0x51: {  	_ =	swait.ge [sflag:s16], $0x3E80  }
0x52: {  	[sflag:s16] =	ssyncset.done $0x0  }
0x53: {  	s20 =	sadd.s32 $0xA80, s20;
	[sflag:s16] =	ssyncadd.s32 $0xFFFFC180  }
0x54: {  	[tilespmem:s14], [sflag:$0x2] =	stream.indirect.gather.add.f32 [hbm:s4], $0x80, s20, s12, $0xb8;
	[tilespmem:$0x9100] =	vst v63  }
0x55: {  	_ =	swait.ge [sflag:s15], $0x3E80  }
0x56: {  	[sflag:s15] =	ssyncset.done $0x0  }
0x57: {  	[sflag:s15] =	ssyncadd.s32 $0xFFFFC180  }
0x58: {  	[hbm4b:s19+s2] =	stream.linear.scatter [tilespmem:s13], [sflag:$0x1], $0x3E80, $0x38;
	[tilespmem:$0x9100] =	vst v63  }
0x59: {  	_ =	swait.ge [sflag:s16], $0x3E80  }
0x5a: {  	[sflag:s16] =	ssyncset.done $0x0  }
0x5b: {  	s17 =	sadd.s32 $0x1, s17;
	[sflag:s16] =	ssyncadd.s32 $0xFFFFC180  }
0x5c: {  	[hbm4b:s18+s2] =	stream.linear.scatter [tilespmem:s14], [sflag:$0x2], $0x3E80, $0x38;
	[tilespmem:$0x9100] =	vst v63  }
0x5d: {  	p0 =	sne.s32 s17, s7;
	_ =	swait.ge [sflag:s15], $0x3E80  }
.Ltmp1:
0x5e: {  	[sflag:s15] =	ssyncset.done $0x0;
	(pc) =	sbr.rel @p0 .LBB2_1-.Ltmp1, $4  }
0x5f: {  	[sflag:s15] =	ssyncadd.s32 $0xFFFFC180  }
0x60: {  	_ =	swait.ge [sflag:s16], $0x3E80  }
0x61: {  	[sflag:s16] =	ssyncset.done $0x0  }
0x62: {  	[sflag:s16] =	ssyncadd.s32 $0xFFFFC180  }
0x63: {  	_ =	sfence.sel $0x180000  }
0x64: {  	[bflag:$0x0] =	sbarrier.arrive $0xFFFF  }
0x65: {  	p0 =	sne.s32 s1, $0x0;
	_ =	strace $0x9000004A  }
0x66: {  	s0 =	sadd.s32 @!p0 $0x100000, s0;
	[bflag:$0x2] =	sbarrier.arrive $0xFFFF  }
0x67: {  	[sflag:s0] =	ssyncadd.tile.s32 @!p0 $0x1;
	_ =	shalt  }
.Lfunc_end2:
_tile_overlayer_lowered:
.L_overlay_start_2:
0x68: {  	(tag) =	ssettag $0x2  }
0x69: {  	s0 =	rddreg [dreg:$0x0];
	s2 =	stileid.u32  }
0x6a: {  	s1 =	rddreg [dreg:$0x1];
	p0 =	sne.s32 s2, $0x0  }
0x6b: {  	s3 =	rddreg [dreg:$0x2];
	[bflag:$0x3] =	sbarrier.arrive $0xFFFF;
	s2 =	simm.s32 @!p0 $0x1C03  }
0x6c: {  	[timem:s3], [sflag:s2] =	dma.local @!p0 [hbm:s0], s1  }
0x6d: {  	s0 =	simm.s32 @!p0 $0x3  }
0x6e: {  	_ =	swait.ge @!p0 [sflag:s0], s1  }
0x6f: {  	s1 =	ssub.s32 @!p0 $0x0, s1;
	[sflag:s0] =	ssyncset.done @!p0 $0x0  }
0x70: {  	[sflag:s0] =	ssyncadd.s32 @!p0 s1  }
0x71: {  	[bflag:$0x3] =	sbarrier.arrive $0xFFFF  }
0x72: {  	_ =	shalt  }

// kernel: gather_sum_p2.3.cloned.1.call-start
scs
__scs_entry_jumppad:
0x0: {  	(pc) =	sbr.rel $0x88, $3  }
0x1: {  	(tag) =	ssettag $0x0;
	lr =	simm.s32 $0x1  }
0x2: {  	[smem:$0x3F91] =	sst lr;
	_ =	strace $0xD0000000  }
0x3: {  	_ = 	snop  }
0x4: {  	_ = 	snop  }
0x5: {  	_ = 	snop  }
0x6: {  	_ = 	snop  }
0x7: {  	_ = 	snop  }
__scs_overlays_trampoline_lowered:
0x8: {  	[smem:$0x3FA0] =	sst s0  }
0x9: {  	[smem:$0x3FA1] =	sst s1  }
0xa: {  	[smem:$0x3FA2] =	sst s2  }
0xb: {  	[smem:$0x3FA3] =	sst s3  }
0xc: {  	[smem:$0x3FA4] =	sst s4  }
0xd: {  	[smem:$0x3FA5] =	sst s5  }
0xe: {  	[smem:$0x3FA6] =	sst s6  }
0xf: {  	[smem:$0x3FA7] =	sst s7  }
0x10: {  	[smem:$0x3FA8] =	sst s8  }
0x11: {  	[smem:$0x3FA9] =	sst s9;
	s0 =	simm.s32 @!p0 $0x0  }
0x12: {  	s1 =	sld [smem:$0x3F8F];
	s0 =	simm.s32 @p0 $0x1  }
0x13: {  	[smem:$0x3FAA] =	sst s0;
	s0 =	simm.s32 @!p1 $0x0  }
0x14: {  	s2 =	sld [smem:$0x3F8E];
	s0 =	simm.s32 @p1 $0x1  }
0x15: {  	[smem:$0x3FAB] =	sst s0;
	s0 =	simm.s32 @!p2 $0x0  }
0x16: {  	s3 =	sld [smem:$0x3FDB];
	s0 =	simm.s32 @p2 $0x1  }
0x17: {  	s4 =	simm.s32 $0x1BF5;
	[smem:$0x3FAD] =	sst s0  }
0x18: {  	s0 =	sld [smem:$0x3F90];
	_ =	swait.ge [sflag:s4], $0x0  }
0x19: {  	s7 =	sld [smem:$0x3F91]  }
0x1a: {  	s8 =	sadd.s32 $0xFFFFE003, lr  }
0x1b: {  	s9 =	sadd.s32 $0xFFFFFEF7, lr;
	s5 =	simm.s32 $0xFFFFFFFF;
	p2 =	slt.u32 s8, $0xFFFFF086  }
0x1c: {  	p1 =	slt.u32 s9, $0xF7A;
	s5 =	simm.s32 @!p2 $0x0  }
0x1d: {  	s5 =	simm.s32 @p1 $0x1;
	p0 =	seq.s32 s7, s2  }
0x1e: {  	s7 =	smul.u32 @!p0 $0xF7A, s2;
	p2 =	seq.s32 @!p0 s5, $0x0  }
0x1f: {  	s9 =	smul.u32 $0xF7A, s1;
	s8 =	simm.s32 @!p0 $0x1BF5;
	p2 =	por !p2, p0  }
0x20: {  	[sflag:s8] =	ssyncset.s32 @!p0 $0xFFFFF086;
	s6 =	sadd.s32 @!p0 s3, s7;
	s7 =	simm.s32 @!p0 $0x108  }
0x21: {  	s3 =	sadd.s32 s3, s9;
	s6 =	sadd.s32 @!p0 $0x88, s6;
	s7 =	simm.s32 @p2 $0x1082  }
0x22: {  	[simem:s7], [sflag:s8] =	dma.local @!p0 [hbm:s6], $0xF7A  }
0x23: {  	s9 =	sor.u32 $0xD0000000, s2;
	s6 =	simm.s32 $0x108;
	_ =	swait.ge @!p0 [sflag:s8], $0x0  }
0x24: {  	s3 =	sadd.s32 $0x88, s3;
	s6 =	simm.s32 @!p1 $0x1082;
	[sflag:s4] =	ssyncset.s32 $0xFFFFF086  }
0x25: {  	[simem:s6], [sflag:s4] =	dma.local [hbm:s3], $0xF7A  }
0x26: {  	[smem:$0x3F91] =	sst s1;
	(tag) =	ssettag s2;
	_ =	strace s9  }
0x27: {  	s1 =	sld [smem:$0x3FA1]  }
0x28: {  	s2 =	sld [smem:$0x3FA2]  }
0x29: {  	s4 =	sld [smem:$0x3FA4]  }
0x2a: {  	p0 =	seq.s32 s5, $0x0;
	s5 =	sld [smem:$0x3FA5]  }
0x2b: {  	s6 =	sld [smem:$0x3FA6]  }
0x2c: {  	s7 =	sld [smem:$0x3FA7]  }
0x2d: {  	s3 =	simm.s32 $0x108;
	s8 =	sld [smem:$0x3FA8]  }
0x2e: {  	s3 =	simm.s32 @!p0 $0x1082;
	s9 =	sld [smem:$0x3FA9]  }
0x2f: {  	lr =	sadd.s32 s0, s3;
	s0 =	sld [smem:$0x3FA0]  }
0x30: {  	s3 =	sld [smem:$0x3FA3]  }
0x31: {  	[smem:$0x3FAC] =	sst s10  }
0x32: {  	s10 =	sld [smem:$0x3FAA];
	_ =	sdelay $0x3  }
0x33: {  	p0 =	seq.s32 s10, $0x1;
	s10 =	sld [smem:$0x3FAC];
	_ =	sdelay $0x3  }
0x34: {  	[smem:$0x3FAC] =	sst s10  }
0x35: {  	s10 =	sld [smem:$0x3FAB];
	_ =	sdelay $0x3  }
0x36: {  	p1 =	seq.s32 s10, $0x1;
	s10 =	sld [smem:$0x3FAC];
	_ =	sdelay $0x3  }
0x37: {  	[smem:$0x3FAC] =	sst s10  }
0x38: {  	s10 =	sld [smem:$0x3FAD]  }
0x39: {  	_ = 	snop;
	(pc) =	sbr.ind lr, $3  }
0x3a: {  	_ = 	snop  }
0x3b: {  	_ = 	snop  }
0x3c: {  	p2 =	seq.s32 s10, $0x1;
	s10 =	sld [smem:$0x3FAC]  }
0x3d: {  	_ =	shalt  }
0x3e: {  	_ =	shalt  }
0x3f: {  	_ =	shalt  }
0x40: {  	_ =	shalt  }
0x41: {  	_ =	shalt  }
0x42: {  	_ =	shalt  }
0x43: {  	_ =	shalt  }
0x44: {  	_ =	shalt  }
0x45: {  	_ =	shalt  }
0x46: {  	_ =	shalt  }
0x47: {  	_ =	shalt  }
0x48: {  	_ =	shalt  }
0x49: {  	_ =	shalt  }
0x4a: {  	_ =	shalt  }
0x4b: {  	_ =	shalt  }
0x4c: {  	_ =	shalt  }
0x4d: {  	_ =	shalt  }
0x4e: {  	_ =	shalt  }
0x4f: {  	_ =	shalt  }
0x50: {  	_ =	shalt  }
0x51: {  	_ =	shalt  }
0x52: {  	_ =	shalt  }
0x53: {  	_ =	shalt  }
0x54: {  	_ =	shalt  }
0x55: {  	_ =	shalt  }
0x56: {  	_ =	shalt  }
0x57: {  	_ =	shalt  }
0x58: {  	_ =	shalt  }
0x59: {  	_ =	shalt  }
0x5a: {  	_ =	shalt  }
0x5b: {  	_ =	shalt  }
0x5c: {  	_ =	shalt  }
0x5d: {  	_ =	shalt  }
0x5e: {  	_ =	shalt  }
0x5f: {  	_ =	shalt  }
0x60: {  	_ =	shalt  }
0x61: {  	_ =	shalt  }
0x62: {  	_ =	shalt  }
0x63: {  	_ =	shalt  }
0x64: {  	_ =	shalt  }
0x65: {  	_ =	shalt  }
0x66: {  	_ =	shalt  }
0x67: {  	_ =	shalt  }
0x68: {  	_ =	shalt  }
0x69: {  	_ =	shalt  }
0x6a: {  	_ =	shalt  }
0x6b: {  	_ =	shalt  }
0x6c: {  	_ =	shalt  }
0x6d: {  	_ =	shalt  }
0x6e: {  	_ =	shalt  }
0x6f: {  	_ =	shalt  }
0x70: {  	_ =	shalt  }
0x71: {  	_ =	shalt  }
0x72: {  	_ =	shalt  }
0x73: {  	_ =	shalt  }
0x74: {  	_ =	shalt  }
0x75: {  	_ =	shalt  }
0x76: {  	_ =	shalt  }
0x77: {  	_ =	shalt  }
0x78: {  	_ =	shalt  }
0x79: {  	_ =	shalt  }
0x7a: {  	_ =	shalt  }
0x7b: {  	_ =	shalt  }
0x7c: {  	_ =	shalt  }
0x7d: {  	_ =	shalt  }
0x7e: {  	_ =	shalt  }
0x7f: {  	_ =	shalt  }
0x80: {  	_ =	shalt  }
0x81: {  	_ =	shalt  }
0x82: {  	_ =	shalt  }
0x83: {  	_ =	shalt  }
0x84: {  	_ =	shalt  }
0x85: {  	_ =	shalt  }
0x86: {  	_ =	shalt  }
0x87: {  	_ =	shalt  }
.Lfunc_end0:
.L_simem_size_0:
called_computation.2_lowered:
.L_overlay_start_0:
0x88: {  	s2 =	sld [smem:$0x3FD9]  }
0x89: {  	s3 =	sld [smem:$0x3FFE];
	_ =	sdelay $0x1  }
0x8a: {  	s1 =	srdreg.scid  }
0x8b: {  	s0 =	sand.u32 $0x1, s1  }
0x8c: {  	s17 =	sshll.u32 s0, $0xA;
	s2 =	sadd.s32 s3, s2  }
0x8d: {  	s2 =	sadd.s32 s2, s17  }
0x8e: {  	[smem:$0x3FB8] =	sst s2  }
0x8f: {  	_ = 	snop  }
0x90: {  	(tm) =	ssettm $0x1  }
0x91: {  	s18 =	sld [smem:$0x3FFB];
	_ =	sdelay $0x3  }
0x92: {  	_ =	strace s18  }
0x93: {  	s2 =	sld [smem:$0x3FFC];
	_ =	sdelay $0x3  }
0x94: {  	_ =	strace s2  }
0x95: {  	s2 =	sld [smem:$0x3FFD];
	_ =	sdelay $0x3  }
0x96: {  	_ =	strace s2  }
0x97: {  	_ =	strace $0x8FFFFFFF  }
0x98: {  	s19 =	sld [smem:$0x3FDB];
	_ =	sdelay $0x1  }
0x99: {  	s20 =	simm.s32 $_scs_section_size  }
0x9a: {  	s4 =	simm.s32 $_size__tile_overlayer_lowered;
	s5 =	simm.s32 $_tile_overlayer_lowered  }
0x9b: {  	s6 =	simm.s32 $0x1BFF;
	s21 =	sshll.u32 s5, $0x1;
	s3 =	sadd.s32 s20, s19  }
0x9c: {  	s22 =	simm.s32 $0x0;
	s4 =	sshll.u32 s4, $0x1;
	s5 =	sadd.s32 s21, s3  }
0x9d: {  	[timem:s22], [sflag:s6] =	dma.local [hbm:s5], s4  }
0x9e: {  	_ =	swait.ge [sflag:s6], s4  }
0x9f: {  	s4 =	ssub.s32 $0x0, s4;
	[sflag:s6] =	ssyncset.done $0x0  }
0xa0: {  	[sflag:s6] =	ssyncadd.s32 s4;
	_ =	sdelay $0x1  }
0xa1: {  	s23 =	simm.s32 $0x1B8B  }
0xa2: {  	_ =	swait.ge [sflag:s23], $0x1  }
0xa3: {  	[sflag:s23] =	ssyncset.done $0x0  }
0xa4: {  	[sflag:s23] =	ssyncadd.s32 $0xFFFFFFFF  }
0xa5: {  	s4 =	sld [smem:$0x0]  }
0xa6: {  	s5 =	sand.u32 $0xFFFFFFFE, s1  }
0xa7: {  	p0 =	sne.s32 s1, s5  }
0xa8: {  	s5 =	sshll.u32 @p0 s5, $0xE  }
0xa9: {  	s5 =	sadd.s32 @p0 $0x11B8D, s5;
	s6 =	sshll.u32 @p0 s4, $0x11  }
0xaa: {  	s5 =	sor.u32 @p0 s6, s5  }
0xab: {  	[sflag:s5] =	ssyncadd.remote.s32 @p0 $0x1;
	_ =	sdelay $0x1  }
0xac: {  	s5 =	simm.s32 @p0 $0x1B8D  }
0xad: {  	_ =	swait.eq @p0 [sflag:s5], $0x1  }
0xae: {  	[sflag:s5] =	ssyncadd.s32 @p0 $0xFFFFFFFF  }
0xaf: {  	s6 =	sshll.u32 @!p0 s1, $0xE  }
0xb0: {  	s6 =	sor.u32 @!p0 $0x4000, s6;
	s5 =	simm.s32 @!p0 $0x1B8D  }
0xb1: {  	s4 =	sshll.u32 @!p0 s4, $0x11;
	s6 =	sadd.s32 @!p0 $0x11B8D, s6;
	_ =	swait.eq @!p0 [sflag:s5], $0x1  }
0xb2: {  	s4 =	sor.u32 @!p0 s4, s6;
	[sflag:s5] =	ssyncadd.s32 @!p0 $0xFFFFFFFF  }
0xb3: {  	s25 =	simm.s32 $0x1B8E;
	s24 =	sld [smem:$0x3FFE];
	[sflag:s4] =	ssyncadd.remote.s32 @!p0 $0x1  }
0xb4: {  	s26 =	simm.s32 $execute0_lowered;
	[smem:$0x3FD2] =	sst s25  }
0xb5: {  	s5 =	sshll.u32 s26, $0x1;
	_ =	strace $0x8000004C;
	[dreg:$0x1] =	wrdreg $0xFFFFFFFF  }
0xb6: {  	s28 =	simm.s32 $_size_execute0_lowered;
	s3 =	sadd.s32 s3, s5;
	[dreg:$0x0] =	wrdreg $0x0  }
0xb7: {  	s5 =	sshll.u32 s28, $0x1;
	[dreg:$0x2] =	wrdreg s3  }
0xb8: {  	[dreg:$0x3] =	wrdreg s5  }
0xb9: {  	[dreg:$0x4] =	wrdreg $0xC0  }
0xba: {  	_ =	task [dreg:s22], $0x5FFFF  }
0xbb: {  	[dreg:$0x1] =	wrdreg $0xFFFFFFFF  }
0xbc: {  	[dreg:$0x0] =	wrdreg $0x60  }
0xbd: {  	[dreg:$0x2] =	wrdreg s24  }
0xbe: {  	[dreg:$0x3] =	wrdreg $0xB  }
0xbf: {  	_ =	task.clear_ibuf [dreg:s22], $0x4FFFF;
	_ =	strace $0x9000004C  }
0xc0: {  	s29 =	simm.s32 $0xB;
	_ =	strace $0x8000004E  }
0xc1: {  	_ =	swait.ge [sflag:s29], $0x1  }
0xc2: {  	[sflag:s29] =	ssyncadd.s32 $0xFFFFFFFF  }
0xc3: {  	_ =	strace $0x9000004E  }
0xc4: {  	_ =	sfence  }
0xc5: {  	s30 =	sld [smem:$0x0];
	_ =	sdelay $0x2  }
0xc6: {  	s31 =	sshll.u32 s1, $0xD;
	s1 =	sshrl.u32 s1, $0x2  }
0xc7: {  	s4 =	sand.u32 $0x4000, s31;
	s1 =	sadd.s32 s1, s30  }
0xc8: {  	s0 =	sor.u32 s4, s0;
	s1 =	sshll.u32 s1, $0x11  }
0xc9: {  	s0 =	sor.u32 s1, s0  }
0xca: {  	s0 =	sadd.s32 $0x8F2B, s0  }
0xcb: {  	[sflag:s0] =	ssyncadd.remote.s32 $0x1  }
0xcc: {  	_ =	sfence.sel $0xFFFF  }
0xcd: {  	[dreg:$0x0] =	wrdreg $0xFFFFFFFF;
	(pc) =	sbr.abs _section_cstart, $3  }
0xce: {  	[dreg:$0x1] =	wrdreg $0xFFFFFFFF  }
0xcf: {  	_ =	task.clear_ibuf [dreg:s22], $0x2FFFF;
	_ =	strace $0x9FFFFFFF  }
0xd0: {  	(tm) =	ssettm $0x7FFFFFFF  }
0xd1: {  	_ =	shalt  }
tec
execute0_lowered:
.L_overlay_start_1:
0x0: {  	(tag) =	ssettag $0x1  }
0x1: {  	s5 =	rddreg [dreg:$0x0]  }
0x2: {  	s1 =	srdreg.scid;
	s0 =	rddreg [dreg:$0x1];
	s2 =	simm.s32 $0x0  }
0x3: {  	s14 =	simm.s32 $0x5280;
	s15 =	simm.s32 $0x1;
	s16 =	simm.s32 $0x2  }
0x4: {  	s17 =	simm.s32 $0x0;
	s6 =	sand.u32 $0x1, s1;
	[smem:$0x7FF] =	sst s2  }
0x5: {  	s1 =	stileid.u32;
	s4 =	sadd.s32 $0x42A00, s5;
	s10 =	smul.u32 $0x9C40, s6  }
0x6: {  	s9 =	sadd.s32 $0x2DAE00, s5;
	s3 =	sshll.u32 s6, $0x4;
	s12 =	smul.u32 $0x9C4, s1  }
0x7: {  	_ =	strace $0x8000004D;
	s8 =	ssub.s32 $0x2, s6;
	s31 =	smul.u32 $0x9C400, s6  }
0x8: {  	s13 =	smul.u32 $0x9C40, s1;
	s7 =	sor.u32 s1, s3;
	s3 =	sadd.s32 $0x1B800, s5  }
0x9: {  	s11 =	sshrl.u32 s8, $0x1;
	s7 =	smul.u32 $0xA00, s7;
	s10 =	sadd.s32 s12, s10  }
0xa: {  	s8 =	ssub.s32 s8, s11;
	s11 =	sadd.s32 s31, s9;
	s10 =	sshll.u32 s10, $0x4  }
0xb: {  	s12 =	simm.s32 $0x7D;
	s7 =	sshrl.u32 s7, $0x3;
	s9 =	sadd.s32 s9, s10  }
0xc: {  	s10 =	simm.s32 $0x3;
	s7 =	sadd.s32 s5, s7;
	s9 =	sadd.s32 $0x7D0, s9  }
0xd: {  	s5 =	sadd.s32 $0xC800, s7;
	s6 =	sadd.s32 $0x16800, s7;
	s7 =	smax.u32 s8, $0x1  }
0xe: {  	s8 =	sadd.s32 s13, s11;
	s11 =	simm.s32 $0xA00;
	s13 =	simm.s32 $0x1400  }
.LBB2_1:
0xf: {  	[tilespmem:s2], [sflag:$0x3] =	stream.linear.gather [hbm4b:s5+s2], $0xA00, $0x38;
	[tilespmem:$0x9100] =	vst v63  }
0x10: {  	_ =	swait.ge [sflag:s10], $0xA00  }
0x11: {  	[sflag:s10] =	ssyncset.done $0x0  }
0x12: {  	[sflag:s10] =	ssyncadd.s32 $0xFFFFF600  }
0x13: {  	[tilespmem:s11], [sflag:$0x3] =	stream.linear.gather [hbm4b:s6+s2], $0xA00, $0x38;
	[tilespmem:$0x9100] =	vst v63  }
0x14: {  	_ =	swait.ge [sflag:s10], $0xA00  }
0x15: {  	[sflag:s10] =	ssyncset.done $0x0  }
0x16: {  	s18 =	simm.s32 $0x0;
	[sflag:s10] =	ssyncadd.s32 $0xFFFFF600  }
0x17: {  	[tilespmem:s13], [sflag:$0x1] =	stream.indirect.gather [hbm4b:s3+s12], $0x80, s18, s12, $0xb8;
	[tilespmem:$0x9100] =	vst v63  }
0x18: {  	s29 =	simm.s32 $0x80  }
0x19: {  	[tilespmem:s14], [sflag:$0x2] =	stream.indirect.gather [hbm4b:s3+s12], $0x80, s29, s12, $0xb8;
	[tilespmem:$0x9100] =	vst v63  }
0x1a: {  	_ =	swait.ge [sflag:s15], $0x3E80  }
0x1b: {  	[sflag:s15] =	ssyncset.done $0x0  }
0x1c: {  	s30 =	simm.s32 $0xA00;
	[sflag:s15] =	ssyncadd.s32 $0xFFFFC180  }
0x1d: {  	[tilespmem:s13], [sflag:$0x1] =	stream.indirect.gather.add.f32 [hbm:s4], $0x80, s30, s12, $0xb8;
	[tilespmem:$0x9100] =	vst v63  }
0x1e: {  	_ =	swait.ge [sflag:s16], $0x3E80  }
0x1f: {  	[sflag:s16] =	ssyncset.done $0x0  }
0x20: {  	s31 =	simm.s32 $0xA80;
	[sflag:s16] =	ssyncadd.s32 $0xFFFFC180  }
0x21: {  	[tilespmem:s14], [sflag:$0x2] =	stream.indirect.gather.add.f32 [hbm:s4], $0x80, s31, s12, $0xb8;
	[tilespmem:$0x9100] =	vst v63  }
0x22: {  	_ =	swait.ge [sflag:s15], $0x3E80  }
0x23: {  	[sflag:s15] =	ssyncset.done $0x0  }
0x24: {  	[sflag:s15] =	ssyncadd.s32 $0xFFFFC180  }
0x25: {  	[hbm4b:s8+s2] =	stream.linear.scatter [tilespmem:s13], [sflag:$0x1], $0x3E80, $0x38;
	[tilespmem:$0x9100] =	vst v63  }
0x26: {  	_ =	swait.ge [sflag:s16], $0x3E80  }
0x27: {  	[sflag:s16] =	ssyncset.done $0x0  }
0x28: {  	[sflag:s16] =	ssyncadd.s32 $0xFFFFC180  }
0x29: {  	[hbm4b:s9+s2] =	stream.linear.scatter [tilespmem:s14], [sflag:$0x2], $0x3E80, $0x38;
	[tilespmem:$0x9100] =	vst v63  }
0x2a: {  	_ =	swait.ge [sflag:s15], $0x3E80  }
0x2b: {  	[sflag:s15] =	ssyncset.done $0x0  }
0x2c: {  	[sflag:s15] =	ssyncadd.s32 $0xFFFFC180  }
0x2d: {  	s20 =	simm.s32 $0x400;
	s21 =	simm.s32 $0x800;
	_ =	swait.ge [sflag:s16], $0x3E80  }
0x2e: {  	s19 =	sadd.s32 $0xFA0, s8;
	s18 =	sadd.s32 $0xFA0, s9;
	[sflag:s16] =	ssyncset.done $0x0  }
.LBB2_2:
0x2f: {  	s22 =	sshra.s32 s20, $0x2  }
0x30: {  	[sflag:s16] =	ssyncadd.s32 $0xFFFFC180;
	s20 =	smov.u32 s21;
	s23 =	sadd.s32 $0x400, s21  }
0x31: {  	[tilespmem:s13], [sflag:$0x1] =	stream.indirect.gather [hbm4b:s3+s12], $0x80, s22, s12, $0xb8;
	[tilespmem:$0x9100] =	vst v63  }
0x32: {  	p0 =	sne.s32 s21, $0x2400;
	s21 =	sadd.s32 $0x80, s22  }
0x33: {  	[tilespmem:s14], [sflag:$0x2] =	stream.indirect.gather [hbm4b:s3+s12], $0x80, s21, s12, $0xb8;
	[tilespmem:$0x9100] =	vst v63  }
0x34: {  	_ =	swait.ge [sflag:s15], $0x3E80  }
0x35: {  	[sflag:s15] =	ssyncset.done $0x0  }
0x36: {  	s21 =	sadd.s32 $0xA00, s22;
	[sflag:s15] =	ssyncadd.s32 $0xFFFFC180  }
0x37: {  	[tilespmem:s13], [sflag:$0x1] =	stream.indirect.gather.add.f32 [hbm:s4], $0x80, s21, s12, $0xb8;
	[tilespmem:$0x9100] =	vst v63  }
0x38: {  	_ =	swait.ge [sflag:s16], $0x3E80  }
0x39: {  	[sflag:s16] =	ssyncset.done $0x0  }
0x3a: {  	s21 =	sadd.s32 $0xA80, s22;
	[sflag:s16] =	ssyncadd.s32 $0xFFFFC180  }
0x3b: {  	[tilespmem:s14], [sflag:$0x2] =	stream.indirect.gather.add.f32 [hbm:s4], $0x80, s21, s12, $0xb8;
	[tilespmem:$0x9100] =	vst v63  }
0x3c: {  	_ =	swait.ge [sflag:s15], $0x3E80  }
0x3d: {  	[sflag:s15] =	ssyncset.done $0x0  }
0x3e: {  	[sflag:s15] =	ssyncadd.s32 $0xFFFFC180  }
0x3f: {  	[hbm4b:s19+s2] =	stream.linear.scatter [tilespmem:s13], [sflag:$0x1], $0x3E80, $0x38;
	[tilespmem:$0x9100] =	vst v63  }
0x40: {  	_ =	swait.ge [sflag:s16], $0x3E80  }
0x41: {  	[sflag:s16] =	ssyncset.done $0x0  }
0x42: {  	[sflag:s16] =	ssyncadd.s32 $0xFFFFC180  }
0x43: {  	[hbm4b:s18+s2] =	stream.linear.scatter [tilespmem:s14], [sflag:$0x2], $0x3E80, $0x38;
	[tilespmem:$0x9100] =	vst v63  }
.Ltmp0:
0x44: {  	_ =	swait.ge [sflag:s15], $0x3E80;
	(pc) =	sbr.rel @p0 .LBB2_2-.Ltmp0, $4  }
0x45: {  	[sflag:s15] =	ssyncset.done $0x0  }
0x46: {  	[sflag:s15] =	ssyncadd.s32 $0xFFFFC180  }
0x47: {  	s21 =	smov.u32 s23;
	_ =	swait.ge [sflag:s16], $0x3E80  }
0x48: {  	s19 =	sadd.s32 $0xFA0, s19;
	s18 =	sadd.s32 $0xFA0, s18;
	[sflag:s16] =	ssyncset.done $0x0  }
0x49: {  	s20 =	sshra.s32 s20, $0x2;
	[sflag:s16] =	ssyncadd.s32 $0xFFFFC180  }
0x4a: {  	[tilespmem:s13], [sflag:$0x1] =	stream.indirect.gather [hbm4b:s3+s12], $0x80, s20, s12, $0xb8;
	[tilespmem:$0x9100] =	vst v63  }
0x4b: {  	s21 =	sadd.s32 $0x80, s20  }
0x4c: {  	[tilespmem:s14], [sflag:$0x2] =	stream.indirect.gather [hbm4b:s3+s12], $0x80, s21, s12, $0xb8;
	[tilespmem:$0x9100] =	vst v63  }
0x4d: {  	_ =	swait.ge [sflag:s15], $0x3E80  }
0x4e: {  	[sflag:s15] =	ssyncset.done $0x0  }
0x4f: {  	s31 =	sadd.s32 $0xA00, s20;
	[sflag:s15] =	ssyncadd.s32 $0xFFFFC180  }
0x50: {  	[tilespmem:s13], [sflag:$0x1] =	stream.indirect.gather.add.f32 [hbm:s4], $0x80, s31, s12, $0xb8;
	[tilespmem:$0x9100] =	vst v63  }
0x51: {  	_ =	swait.ge [sflag:s16], $0x3E80  }
0x52: {  	[sflag:s16] =	ssyncset.done $0x0  }
0x53: {  	s20 =	sadd.s32 $0xA80, s20;
	[sflag:s16] =	ssyncadd.s32 $0xFFFFC180  }
0x54: {  	[tilespmem:s14], [sflag:$0x2] =	stream.indirect.gather.add.f32 [hbm:s4], $0x80, s20, s12, $0xb8;
	[tilespmem:$0x9100] =	vst v63  }
0x55: {  	_ =	swait.ge [sflag:s15], $0x3E80  }
0x56: {  	[sflag:s15] =	ssyncset.done $0x0  }
0x57: {  	[sflag:s15] =	ssyncadd.s32 $0xFFFFC180  }
0x58: {  	[hbm4b:s19+s2] =	stream.linear.scatter [tilespmem:s13], [sflag:$0x1], $0x3E80, $0x38;
	[tilespmem:$0x9100] =	vst v63  }
0x59: {  	_ =	swait.ge [sflag:s16], $0x3E80  }
0x5a: {  	[sflag:s16] =	ssyncset.done $0x0  }
0x5b: {  	s17 =	sadd.s32 $0x1, s17;
	[sflag:s16] =	ssyncadd.s32 $0xFFFFC180  }
0x5c: {  	[hbm4b:s18+s2] =	stream.linear.scatter [tilespmem:s14], [sflag:$0x2], $0x3E80, $0x38;
	[tilespmem:$0x9100] =	vst v63  }
0x5d: {  	p0 =	sne.s32 s17, s7;
	_ =	swait.ge [sflag:s15], $0x3E80  }
.Ltmp1:
0x5e: {  	[sflag:s15] =	ssyncset.done $0x0;
	(pc) =	sbr.rel @p0 .LBB2_1-.Ltmp1, $4  }
0x5f: {  	[sflag:s15] =	ssyncadd.s32 $0xFFFFC180  }
0x60: {  	_ =	swait.ge [sflag:s16], $0x3E80  }
0x61: {  	[sflag:s16] =	ssyncset.done $0x0  }
0x62: {  	[sflag:s16] =	ssyncadd.s32 $0xFFFFC180  }
0x63: {  	_ =	sfence.sel $0x180000  }
0x64: {  	[bflag:$0x0] =	sbarrier.arrive $0xFFFF  }
0x65: {  	p0 =	sne.s32 s1, $0x0;
	_ =	strace $0x9000004D  }
0x66: {  	s0 =	sadd.s32 @!p0 $0x100000, s0;
	[bflag:$0x2] =	sbarrier.arrive $0xFFFF  }
0x67: {  	[sflag:s0] =	ssyncadd.tile.s32 @!p0 $0x1;
	_ =	shalt  }
.Lfunc_end2:
_tile_overlayer_lowered:
.L_overlay_start_2:
0x68: {  	(tag) =	ssettag $0x2  }
0x69: {  	s0 =	rddreg [dreg:$0x0];
	s2 =	stileid.u32  }
0x6a: {  	s1 =	rddreg [dreg:$0x1];
	p0 =	sne.s32 s2, $0x0  }
0x6b: {  	s3 =	rddreg [dreg:$0x2];
	[bflag:$0x3] =	sbarrier.arrive $0xFFFF;
	s2 =	simm.s32 @!p0 $0x1C03  }
0x6c: {  	[timem:s3], [sflag:s2] =	dma.local @!p0 [hbm:s0], s1  }
0x6d: {  	s0 =	simm.s32 @!p0 $0x3  }
0x6e: {  	_ =	swait.ge @!p0 [sflag:s0], s1  }
0x6f: {  	s1 =	ssub.s32 @!p0 $0x0, s1;
	[sflag:s0] =	ssyncset.done @!p0 $0x0  }
0x70: {  	[sflag:s0] =	ssyncadd.s32 @!p0 s1  }
0x71: {  	[bflag:$0x3] =	sbarrier.arrive $0xFFFF  }
0x72: {  	_ =	shalt  }

// kernel: gather_sum_p3.3.cloned.1.call-start
scs
__scs_entry_jumppad:
0x0: {  	(pc) =	sbr.rel $0x88, $3  }
0x1: {  	(tag) =	ssettag $0x0;
	lr =	simm.s32 $0x1  }
0x2: {  	[smem:$0x3F91] =	sst lr;
	_ =	strace $0xD0000000  }
0x3: {  	_ = 	snop  }
0x4: {  	_ = 	snop  }
0x5: {  	_ = 	snop  }
0x6: {  	_ = 	snop  }
0x7: {  	_ = 	snop  }
__scs_overlays_trampoline_lowered:
0x8: {  	[smem:$0x3FA0] =	sst s0  }
0x9: {  	[smem:$0x3FA1] =	sst s1  }
0xa: {  	[smem:$0x3FA2] =	sst s2  }
0xb: {  	[smem:$0x3FA3] =	sst s3  }
0xc: {  	[smem:$0x3FA4] =	sst s4  }
0xd: {  	[smem:$0x3FA5] =	sst s5  }
0xe: {  	[smem:$0x3FA6] =	sst s6  }
0xf: {  	[smem:$0x3FA7] =	sst s7  }
0x10: {  	[smem:$0x3FA8] =	sst s8  }
0x11: {  	[smem:$0x3FA9] =	sst s9;
	s0 =	simm.s32 @!p0 $0x0  }
0x12: {  	s1 =	sld [smem:$0x3F8F];
	s0 =	simm.s32 @p0 $0x1  }
0x13: {  	[smem:$0x3FAA] =	sst s0;
	s0 =	simm.s32 @!p1 $0x0  }
0x14: {  	s2 =	sld [smem:$0x3F8E];
	s0 =	simm.s32 @p1 $0x1  }
0x15: {  	[smem:$0x3FAB] =	sst s0;
	s0 =	simm.s32 @!p2 $0x0  }
0x16: {  	s3 =	sld [smem:$0x3FDB];
	s0 =	simm.s32 @p2 $0x1  }
0x17: {  	s4 =	simm.s32 $0x1BF5;
	[smem:$0x3FAD] =	sst s0  }
0x18: {  	s0 =	sld [smem:$0x3F90];
	_ =	swait.ge [sflag:s4], $0x0  }
0x19: {  	s7 =	sld [smem:$0x3F91]  }
0x1a: {  	s8 =	sadd.s32 $0xFFFFE003, lr  }
0x1b: {  	s9 =	sadd.s32 $0xFFFFFEF7, lr;
	s5 =	simm.s32 $0xFFFFFFFF;
	p2 =	slt.u32 s8, $0xFFFFF086  }
0x1c: {  	p1 =	slt.u32 s9, $0xF7A;
	s5 =	simm.s32 @!p2 $0x0  }
0x1d: {  	s5 =	simm.s32 @p1 $0x1;
	p0 =	seq.s32 s7, s2  }
0x1e: {  	s7 =	smul.u32 @!p0 $0xF7A, s2;
	p2 =	seq.s32 @!p0 s5, $0x0  }
0x1f: {  	s9 =	smul.u32 $0xF7A, s1;
	s8 =	simm.s32 @!p0 $0x1BF5;
	p2 =	por !p2, p0  }
0x20: {  	[sflag:s8] =	ssyncset.s32 @!p0 $0xFFFFF086;
	s6 =	sadd.s32 @!p0 s3, s7;
	s7 =	simm.s32 @!p0 $0x108  }
0x21: {  	s3 =	sadd.s32 s3, s9;
	s6 =	sadd.s32 @!p0 $0x88, s6;
	s7 =	simm.s32 @p2 $0x1082  }
0x22: {  	[simem:s7], [sflag:s8] =	dma.local @!p0 [hbm:s6], $0xF7A  }
0x23: {  	s9 =	sor.u32 $0xD0000000, s2;
	s6 =	simm.s32 $0x108;
	_ =	swait.ge @!p0 [sflag:s8], $0x0  }
0x24: {  	s3 =	sadd.s32 $0x88, s3;
	s6 =	simm.s32 @!p1 $0x1082;
	[sflag:s4] =	ssyncset.s32 $0xFFFFF086  }
0x25: {  	[simem:s6], [sflag:s4] =	dma.local [hbm:s3], $0xF7A  }
0x26: {  	[smem:$0x3F91] =	sst s1;
	(tag) =	ssettag s2;
	_ =	strace s9  }
0x27: {  	s1 =	sld [smem:$0x3FA1]  }
0x28: {  	s2 =	sld [smem:$0x3FA2]  }
0x29: {  	s4 =	sld [smem:$0x3FA4]  }
0x2a: {  	p0 =	seq.s32 s5, $0x0;
	s5 =	sld [smem:$0x3FA5]  }
0x2b: {  	s6 =	sld [smem:$0x3FA6]  }
0x2c: {  	s7 =	sld [smem:$0x3FA7]  }
0x2d: {  	s3 =	simm.s32 $0x108;
	s8 =	sld [smem:$0x3FA8]  }
0x2e: {  	s3 =	simm.s32 @!p0 $0x1082;
	s9 =	sld [smem:$0x3FA9]  }
0x2f: {  	lr =	sadd.s32 s0, s3;
	s0 =	sld [smem:$0x3FA0]  }
0x30: {  	s3 =	sld [smem:$0x3FA3]  }
0x31: {  	[smem:$0x3FAC] =	sst s10  }
0x32: {  	s10 =	sld [smem:$0x3FAA];
	_ =	sdelay $0x3  }
0x33: {  	p0 =	seq.s32 s10, $0x1;
	s10 =	sld [smem:$0x3FAC];
	_ =	sdelay $0x3  }
0x34: {  	[smem:$0x3FAC] =	sst s10  }
0x35: {  	s10 =	sld [smem:$0x3FAB];
	_ =	sdelay $0x3  }
0x36: {  	p1 =	seq.s32 s10, $0x1;
	s10 =	sld [smem:$0x3FAC];
	_ =	sdelay $0x3  }
0x37: {  	[smem:$0x3FAC] =	sst s10  }
0x38: {  	s10 =	sld [smem:$0x3FAD]  }
0x39: {  	_ = 	snop;
	(pc) =	sbr.ind lr, $3  }
0x3a: {  	_ = 	snop  }
0x3b: {  	_ = 	snop  }
0x3c: {  	p2 =	seq.s32 s10, $0x1;
	s10 =	sld [smem:$0x3FAC]  }
0x3d: {  	_ =	shalt  }
0x3e: {  	_ =	shalt  }
0x3f: {  	_ =	shalt  }
0x40: {  	_ =	shalt  }
0x41: {  	_ =	shalt  }
0x42: {  	_ =	shalt  }
0x43: {  	_ =	shalt  }
0x44: {  	_ =	shalt  }
0x45: {  	_ =	shalt  }
0x46: {  	_ =	shalt  }
0x47: {  	_ =	shalt  }
0x48: {  	_ =	shalt  }
0x49: {  	_ =	shalt  }
0x4a: {  	_ =	shalt  }
0x4b: {  	_ =	shalt  }
0x4c: {  	_ =	shalt  }
0x4d: {  	_ =	shalt  }
0x4e: {  	_ =	shalt  }
0x4f: {  	_ =	shalt  }
0x50: {  	_ =	shalt  }
0x51: {  	_ =	shalt  }
0x52: {  	_ =	shalt  }
0x53: {  	_ =	shalt  }
0x54: {  	_ =	shalt  }
0x55: {  	_ =	shalt  }
0x56: {  	_ =	shalt  }
0x57: {  	_ =	shalt  }
0x58: {  	_ =	shalt  }
0x59: {  	_ =	shalt  }
0x5a: {  	_ =	shalt  }
0x5b: {  	_ =	shalt  }
0x5c: {  	_ =	shalt  }
0x5d: {  	_ =	shalt  }
0x5e: {  	_ =	shalt  }
0x5f: {  	_ =	shalt  }
0x60: {  	_ =	shalt  }
0x61: {  	_ =	shalt  }
0x62: {  	_ =	shalt  }
0x63: {  	_ =	shalt  }
0x64: {  	_ =	shalt  }
0x65: {  	_ =	shalt  }
0x66: {  	_ =	shalt  }
0x67: {  	_ =	shalt  }
0x68: {  	_ =	shalt  }
0x69: {  	_ =	shalt  }
0x6a: {  	_ =	shalt  }
0x6b: {  	_ =	shalt  }
0x6c: {  	_ =	shalt  }
0x6d: {  	_ =	shalt  }
0x6e: {  	_ =	shalt  }
0x6f: {  	_ =	shalt  }
0x70: {  	_ =	shalt  }
0x71: {  	_ =	shalt  }
0x72: {  	_ =	shalt  }
0x73: {  	_ =	shalt  }
0x74: {  	_ =	shalt  }
0x75: {  	_ =	shalt  }
0x76: {  	_ =	shalt  }
0x77: {  	_ =	shalt  }
0x78: {  	_ =	shalt  }
0x79: {  	_ =	shalt  }
0x7a: {  	_ =	shalt  }
0x7b: {  	_ =	shalt  }
0x7c: {  	_ =	shalt  }
0x7d: {  	_ =	shalt  }
0x7e: {  	_ =	shalt  }
0x7f: {  	_ =	shalt  }
0x80: {  	_ =	shalt  }
0x81: {  	_ =	shalt  }
0x82: {  	_ =	shalt  }
0x83: {  	_ =	shalt  }
0x84: {  	_ =	shalt  }
0x85: {  	_ =	shalt  }
0x86: {  	_ =	shalt  }
0x87: {  	_ =	shalt  }
.Lfunc_end0:
.L_simem_size_0:
called_computation.3_lowered:
.L_overlay_start_0:
0x88: {  	s2 =	sld [smem:$0x3FD9]  }
0x89: {  	s3 =	sld [smem:$0x3FFE];
	_ =	sdelay $0x1  }
0x8a: {  	s1 =	srdreg.scid  }
0x8b: {  	s0 =	sand.u32 $0x1, s1  }
0x8c: {  	s17 =	sshll.u32 s0, $0xA;
	s2 =	sadd.s32 s3, s2  }
0x8d: {  	s2 =	sadd.s32 s2, s17  }
0x8e: {  	[smem:$0x3FB8] =	sst s2  }
0x8f: {  	_ = 	snop  }
0x90: {  	(tm) =	ssettm $0x1  }
0x91: {  	s18 =	sld [smem:$0x3FFB];
	_ =	sdelay $0x3  }
0x92: {  	_ =	strace s18  }
0x93: {  	s2 =	sld [smem:$0x3FFC];
	_ =	sdelay $0x3  }
0x94: {  	_ =	strace s2  }
0x95: {  	s2 =	sld [smem:$0x3FFD];
	_ =	sdelay $0x3  }
0x96: {  	_ =	strace s2  }
0x97: {  	_ =	strace $0x8FFFFFFF  }
0x98: {  	s19 =	sld [smem:$0x3FDB];
	_ =	sdelay $0x1  }
0x99: {  	s20 =	simm.s32 $_scs_section_size  }
0x9a: {  	s4 =	simm.s32 $_size__tile_overlayer_lowered;
	s5 =	simm.s32 $_tile_overlayer_lowered  }
0x9b: {  	s6 =	simm.s32 $0x1BFF;
	s21 =	sshll.u32 s5, $0x1;
	s3 =	sadd.s32 s20, s19  }
0x9c: {  	s22 =	simm.s32 $0x0;
	s4 =	sshll.u32 s4, $0x1;
	s5 =	sadd.s32 s21, s3  }
0x9d: {  	[timem:s22], [sflag:s6] =	dma.local [hbm:s5], s4  }
0x9e: {  	_ =	swait.ge [sflag:s6], s4  }
0x9f: {  	s4 =	ssub.s32 $0x0, s4;
	[sflag:s6] =	ssyncset.done $0x0  }
0xa0: {  	[sflag:s6] =	ssyncadd.s32 s4;
	_ =	sdelay $0x1  }
0xa1: {  	s23 =	simm.s32 $0x1B8B  }
0xa2: {  	_ =	swait.ge [sflag:s23], $0x1  }
0xa3: {  	[sflag:s23] =	ssyncset.done $0x0  }
0xa4: {  	[sflag:s23] =	ssyncadd.s32 $0xFFFFFFFF  }
0xa5: {  	s4 =	sld [smem:$0x0]  }
0xa6: {  	s5 =	sand.u32 $0xFFFFFFFE, s1  }
0xa7: {  	p0 =	sne.s32 s1, s5  }
0xa8: {  	s5 =	sshll.u32 @p0 s5, $0xE  }
0xa9: {  	s5 =	sadd.s32 @p0 $0x11B8D, s5;
	s6 =	sshll.u32 @p0 s4, $0x11  }
0xaa: {  	s5 =	sor.u32 @p0 s6, s5  }
0xab: {  	[sflag:s5] =	ssyncadd.remote.s32 @p0 $0x1;
	_ =	sdelay $0x1  }
0xac: {  	s5 =	simm.s32 @p0 $0x1B8D  }
0xad: {  	_ =	swait.eq @p0 [sflag:s5], $0x1  }
0xae: {  	[sflag:s5] =	ssyncadd.s32 @p0 $0xFFFFFFFF  }
0xaf: {  	s6 =	sshll.u32 @!p0 s1, $0xE  }
0xb0: {  	s6 =	sor.u32 @!p0 $0x4000, s6;
	s5 =	simm.s32 @!p0 $0x1B8D  }
0xb1: {  	s4 =	sshll.u32 @!p0 s4, $0x11;
	s6 =	sadd.s32 @!p0 $0x11B8D, s6;
	_ =	swait.eq @!p0 [sflag:s5], $0x1  }
0xb2: {  	s4 =	sor.u32 @!p0 s4, s6;
	[sflag:s5] =	ssyncadd.s32 @!p0 $0xFFFFFFFF  }
0xb3: {  	s25 =	simm.s32 $0x1B8E;
	s24 =	sld [smem:$0x3FFE];
	[sflag:s4] =	ssyncadd.remote.s32 @!p0 $0x1  }
0xb4: {  	s26 =	simm.s32 $execute0_lowered;
	[smem:$0x3FD2] =	sst s25  }
0xb5: {  	s5 =	sshll.u32 s26, $0x1;
	_ =	strace $0x8000004F;
	[dreg:$0x1] =	wrdreg $0xFFFFFFFF  }
0xb6: {  	s28 =	simm.s32 $_size_execute0_lowered;
	s3 =	sadd.s32 s3, s5;
	[dreg:$0x0] =	wrdreg $0x0  }
0xb7: {  	s5 =	sshll.u32 s28, $0x1;
	[dreg:$0x2] =	wrdreg s3  }
0xb8: {  	[dreg:$0x3] =	wrdreg s5  }
0xb9: {  	[dreg:$0x4] =	wrdreg $0xC0  }
0xba: {  	_ =	task [dreg:s22], $0x5FFFF  }
0xbb: {  	[dreg:$0x1] =	wrdreg $0xFFFFFFFF  }
0xbc: {  	[dreg:$0x0] =	wrdreg $0x60  }
0xbd: {  	[dreg:$0x2] =	wrdreg s24  }
0xbe: {  	[dreg:$0x3] =	wrdreg $0x9  }
0xbf: {  	_ =	task.clear_ibuf [dreg:s22], $0x4FFFF;
	_ =	strace $0x9000004F  }
0xc0: {  	s29 =	simm.s32 $0x9;
	_ =	strace $0x80000051  }
0xc1: {  	_ =	swait.ge [sflag:s29], $0x1  }
0xc2: {  	[sflag:s29] =	ssyncadd.s32 $0xFFFFFFFF  }
0xc3: {  	_ =	strace $0x90000051  }
0xc4: {  	_ =	sfence  }
0xc5: {  	s30 =	sld [smem:$0x0];
	_ =	sdelay $0x2  }
0xc6: {  	s31 =	sshll.u32 s1, $0xD;
	s1 =	sshrl.u32 s1, $0x2  }
0xc7: {  	s4 =	sand.u32 $0x4000, s31;
	s1 =	sadd.s32 s1, s30  }
0xc8: {  	s0 =	sor.u32 s4, s0;
	s1 =	sshll.u32 s1, $0x11  }
0xc9: {  	s0 =	sor.u32 s1, s0  }
0xca: {  	s0 =	sadd.s32 $0x8F2B, s0  }
0xcb: {  	[sflag:s0] =	ssyncadd.remote.s32 $0x1  }
0xcc: {  	_ =	sfence.sel $0xFFFF  }
0xcd: {  	[dreg:$0x0] =	wrdreg $0xFFFFFFFF;
	(pc) =	sbr.abs _section_cstart, $3  }
0xce: {  	[dreg:$0x1] =	wrdreg $0xFFFFFFFF  }
0xcf: {  	_ =	task.clear_ibuf [dreg:s22], $0x2FFFF;
	_ =	strace $0x9FFFFFFF  }
0xd0: {  	(tm) =	ssettm $0x7FFFFFFF  }
0xd1: {  	_ =	shalt  }
tec
execute0_lowered:
.L_overlay_start_1:
0x0: {  	(tag) =	ssettag $0x1  }
0x1: {  	s5 =	rddreg [dreg:$0x0]  }
0x2: {  	s1 =	srdreg.scid;
	s0 =	rddreg [dreg:$0x1];
	s2 =	simm.s32 $0x0  }
0x3: {  	s14 =	simm.s32 $0x5280;
	s15 =	simm.s32 $0x1;
	s16 =	simm.s32 $0x2  }
0x4: {  	s17 =	simm.s32 $0x0;
	s6 =	sand.u32 $0x1, s1;
	[smem:$0x7FF] =	sst s2  }
0x5: {  	s1 =	stileid.u32;
	s4 =	sadd.s32 $0x42A00, s5;
	s10 =	smul.u32 $0x9C40, s6  }
0x6: {  	s9 =	sadd.s32 $0x413600, s5;
	s3 =	sshll.u32 s6, $0x4;
	s12 =	smul.u32 $0x9C4, s1  }
0x7: {  	_ =	strace $0x80000050;
	s8 =	ssub.s32 $0x2, s6;
	s31 =	smul.u32 $0x9C400, s6  }
0x8: {  	s13 =	smul.u32 $0x9C40, s1;
	s7 =	sor.u32 s1, s3;
	s3 =	sadd.s32 $0x1B800, s5  }
0x9: {  	s11 =	sshrl.u32 s8, $0x1;
	s7 =	smul.u32 $0xA00, s7;
	s10 =	sadd.s32 s12, s10  }
0xa: {  	s8 =	ssub.s32 s8, s11;
	s11 =	sadd.s32 s31, s9;
	s10 =	sshll.u32 s10, $0x4  }
0xb: {  	s12 =	simm.s32 $0x7D;
	s7 =	sshrl.u32 s7, $0x3;
	s9 =	sadd.s32 s9, s10  }
0xc: {  	s10 =	simm.s32 $0x3;
	s7 =	sadd.s32 s5, s7;
	s9 =	sadd.s32 $0x7D0, s9  }
0xd: {  	s5 =	sadd.s32 $0xF000, s7;
	s6 =	sadd.s32 $0x19000, s7;
	s7 =	smax.u32 s8, $0x1  }
0xe: {  	s8 =	sadd.s32 s13, s11;
	s11 =	simm.s32 $0xA00;
	s13 =	simm.s32 $0x1400  }
.LBB2_1:
0xf: {  	[tilespmem:s2], [sflag:$0x3] =	stream.linear.gather [hbm4b:s5+s2], $0xA00, $0x38;
	[tilespmem:$0x9100] =	vst v63  }
0x10: {  	_ =	swait.ge [sflag:s10], $0xA00  }
0x11: {  	[sflag:s10] =	ssyncset.done $0x0  }
0x12: {  	[sflag:s10] =	ssyncadd.s32 $0xFFFFF600  }
0x13: {  	[tilespmem:s11], [sflag:$0x3] =	stream.linear.gather [hbm4b:s6+s2], $0xA00, $0x38;
	[tilespmem:$0x9100] =	vst v63  }
0x14: {  	_ =	swait.ge [sflag:s10], $0xA00  }
0x15: {  	[sflag:s10] =	ssyncset.done $0x0  }
0x16: {  	s18 =	simm.s32 $0x0;
	[sflag:s10] =	ssyncadd.s32 $0xFFFFF600  }
0x17: {  	[tilespmem:s13], [sflag:$0x1] =	stream.indirect.gather [hbm4b:s3+s12], $0x80, s18, s12, $0xb8;
	[tilespmem:$0x9100] =	vst v63  }
0x18: {  	s29 =	simm.s32 $0x80  }
0x19: {  	[tilespmem:s14], [sflag:$0x2] =	stream.indirect.gather [hbm4b:s3+s12], $0x80, s29, s12, $0xb8;
	[tilespmem:$0x9100] =	vst v63  }
0x1a: {  	_ =	swait.ge [sflag:s15], $0x3E80  }
0x1b: {  	[sflag:s15] =	ssyncset.done $0x0  }
0x1c: {  	s30 =	simm.s32 $0xA00;
	[sflag:s15] =	ssyncadd.s32 $0xFFFFC180  }
0x1d: {  	[tilespmem:s13], [sflag:$0x1] =	stream.indirect.gather.add.f32 [hbm:s4], $0x80, s30, s12, $0xb8;
	[tilespmem:$0x9100] =	vst v63  }
0x1e: {  	_ =	swait.ge [sflag:s16], $0x3E80  }
0x1f: {  	[sflag:s16] =	ssyncset.done $0x0  }
0x20: {  	s31 =	simm.s32 $0xA80;
	[sflag:s16] =	ssyncadd.s32 $0xFFFFC180  }
0x21: {  	[tilespmem:s14], [sflag:$0x2] =	stream.indirect.gather.add.f32 [hbm:s4], $0x80, s31, s12, $0xb8;
	[tilespmem:$0x9100] =	vst v63  }
0x22: {  	_ =	swait.ge [sflag:s15], $0x3E80  }
0x23: {  	[sflag:s15] =	ssyncset.done $0x0  }
0x24: {  	[sflag:s15] =	ssyncadd.s32 $0xFFFFC180  }
0x25: {  	[hbm4b:s8+s2] =	stream.linear.scatter [tilespmem:s13], [sflag:$0x1], $0x3E80, $0x38;
	[tilespmem:$0x9100] =	vst v63  }
0x26: {  	_ =	swait.ge [sflag:s16], $0x3E80  }
0x27: {  	[sflag:s16] =	ssyncset.done $0x0  }
0x28: {  	[sflag:s16] =	ssyncadd.s32 $0xFFFFC180  }
0x29: {  	[hbm4b:s9+s2] =	stream.linear.scatter [tilespmem:s14], [sflag:$0x2], $0x3E80, $0x38;
	[tilespmem:$0x9100] =	vst v63  }
0x2a: {  	_ =	swait.ge [sflag:s15], $0x3E80  }
0x2b: {  	[sflag:s15] =	ssyncset.done $0x0  }
0x2c: {  	[sflag:s15] =	ssyncadd.s32 $0xFFFFC180  }
0x2d: {  	s20 =	simm.s32 $0x400;
	s21 =	simm.s32 $0x800;
	_ =	swait.ge [sflag:s16], $0x3E80  }
0x2e: {  	s19 =	sadd.s32 $0xFA0, s8;
	s18 =	sadd.s32 $0xFA0, s9;
	[sflag:s16] =	ssyncset.done $0x0  }
.LBB2_2:
0x2f: {  	s22 =	sshra.s32 s20, $0x2  }
0x30: {  	[sflag:s16] =	ssyncadd.s32 $0xFFFFC180;
	s20 =	smov.u32 s21;
	s23 =	sadd.s32 $0x400, s21  }
0x31: {  	[tilespmem:s13], [sflag:$0x1] =	stream.indirect.gather [hbm4b:s3+s12], $0x80, s22, s12, $0xb8;
	[tilespmem:$0x9100] =	vst v63  }
0x32: {  	p0 =	sne.s32 s21, $0x2400;
	s21 =	sadd.s32 $0x80, s22  }
0x33: {  	[tilespmem:s14], [sflag:$0x2] =	stream.indirect.gather [hbm4b:s3+s12], $0x80, s21, s12, $0xb8;
	[tilespmem:$0x9100] =	vst v63  }
0x34: {  	_ =	swait.ge [sflag:s15], $0x3E80  }
0x35: {  	[sflag:s15] =	ssyncset.done $0x0  }
0x36: {  	s21 =	sadd.s32 $0xA00, s22;
	[sflag:s15] =	ssyncadd.s32 $0xFFFFC180  }
0x37: {  	[tilespmem:s13], [sflag:$0x1] =	stream.indirect.gather.add.f32 [hbm:s4], $0x80, s21, s12, $0xb8;
	[tilespmem:$0x9100] =	vst v63  }
0x38: {  	_ =	swait.ge [sflag:s16], $0x3E80  }
0x39: {  	[sflag:s16] =	ssyncset.done $0x0  }
0x3a: {  	s21 =	sadd.s32 $0xA80, s22;
	[sflag:s16] =	ssyncadd.s32 $0xFFFFC180  }
0x3b: {  	[tilespmem:s14], [sflag:$0x2] =	stream.indirect.gather.add.f32 [hbm:s4], $0x80, s21, s12, $0xb8;
	[tilespmem:$0x9100] =	vst v63  }
0x3c: {  	_ =	swait.ge [sflag:s15], $0x3E80  }
0x3d: {  	[sflag:s15] =	ssyncset.done $0x0  }
0x3e: {  	[sflag:s15] =	ssyncadd.s32 $0xFFFFC180  }
0x3f: {  	[hbm4b:s19+s2] =	stream.linear.scatter [tilespmem:s13], [sflag:$0x1], $0x3E80, $0x38;
	[tilespmem:$0x9100] =	vst v63  }
0x40: {  	_ =	swait.ge [sflag:s16], $0x3E80  }
0x41: {  	[sflag:s16] =	ssyncset.done $0x0  }
0x42: {  	[sflag:s16] =	ssyncadd.s32 $0xFFFFC180  }
0x43: {  	[hbm4b:s18+s2] =	stream.linear.scatter [tilespmem:s14], [sflag:$0x2], $0x3E80, $0x38;
	[tilespmem:$0x9100] =	vst v63  }
.Ltmp0:
0x44: {  	_ =	swait.ge [sflag:s15], $0x3E80;
	(pc) =	sbr.rel @p0 .LBB2_2-.Ltmp0, $4  }
0x45: {  	[sflag:s15] =	ssyncset.done $0x0  }
0x46: {  	[sflag:s15] =	ssyncadd.s32 $0xFFFFC180  }
0x47: {  	s21 =	smov.u32 s23;
	_ =	swait.ge [sflag:s16], $0x3E80  }
0x48: {  	s19 =	sadd.s32 $0xFA0, s19;
	s18 =	sadd.s32 $0xFA0, s18;
	[sflag:s16] =	ssyncset.done $0x0  }
0x49: {  	s20 =	sshra.s32 s20, $0x2;
	[sflag:s16] =	ssyncadd.s32 $0xFFFFC180  }
0x4a: {  	[tilespmem:s13], [sflag:$0x1] =	stream.indirect.gather [hbm4b:s3+s12], $0x80, s20, s12, $0xb8;
	[tilespmem:$0x9100] =	vst v63  }
0x4b: {  	s21 =	sadd.s32 $0x80, s20  }
0x4c: {  	[tilespmem:s14], [sflag:$0x2] =	stream.indirect.gather [hbm4b:s3+s12], $0x80, s21, s12, $0xb8;
	[tilespmem:$0x9100] =	vst v63  }
0x4d: {  	_ =	swait.ge [sflag:s15], $0x3E80  }
0x4e: {  	[sflag:s15] =	ssyncset.done $0x0  }
0x4f: {  	s31 =	sadd.s32 $0xA00, s20;
	[sflag:s15] =	ssyncadd.s32 $0xFFFFC180  }
0x50: {  	[tilespmem:s13], [sflag:$0x1] =	stream.indirect.gather.add.f32 [hbm:s4], $0x80, s31, s12, $0xb8;
	[tilespmem:$0x9100] =	vst v63  }
0x51: {  	_ =	swait.ge [sflag:s16], $0x3E80  }
0x52: {  	[sflag:s16] =	ssyncset.done $0x0  }
0x53: {  	s20 =	sadd.s32 $0xA80, s20;
	[sflag:s16] =	ssyncadd.s32 $0xFFFFC180  }
0x54: {  	[tilespmem:s14], [sflag:$0x2] =	stream.indirect.gather.add.f32 [hbm:s4], $0x80, s20, s12, $0xb8;
	[tilespmem:$0x9100] =	vst v63  }
0x55: {  	_ =	swait.ge [sflag:s15], $0x3E80  }
0x56: {  	[sflag:s15] =	ssyncset.done $0x0  }
0x57: {  	[sflag:s15] =	ssyncadd.s32 $0xFFFFC180  }
0x58: {  	[hbm4b:s19+s2] =	stream.linear.scatter [tilespmem:s13], [sflag:$0x1], $0x3E80, $0x38;
	[tilespmem:$0x9100] =	vst v63  }
0x59: {  	_ =	swait.ge [sflag:s16], $0x3E80  }
0x5a: {  	[sflag:s16] =	ssyncset.done $0x0  }
0x5b: {  	s17 =	sadd.s32 $0x1, s17;
	[sflag:s16] =	ssyncadd.s32 $0xFFFFC180  }
0x5c: {  	[hbm4b:s18+s2] =	stream.linear.scatter [tilespmem:s14], [sflag:$0x2], $0x3E80, $0x38;
	[tilespmem:$0x9100] =	vst v63  }
0x5d: {  	p0 =	sne.s32 s17, s7;
	_ =	swait.ge [sflag:s15], $0x3E80  }
.Ltmp1:
0x5e: {  	[sflag:s15] =	ssyncset.done $0x0;
	(pc) =	sbr.rel @p0 .LBB2_1-.Ltmp1, $4  }
0x5f: {  	[sflag:s15] =	ssyncadd.s32 $0xFFFFC180  }
0x60: {  	_ =	swait.ge [sflag:s16], $0x3E80  }
0x61: {  	[sflag:s16] =	ssyncset.done $0x0  }
0x62: {  	[sflag:s16] =	ssyncadd.s32 $0xFFFFC180  }
0x63: {  	_ =	sfence.sel $0x180000  }
0x64: {  	[bflag:$0x0] =	sbarrier.arrive $0xFFFF  }
0x65: {  	p0 =	sne.s32 s1, $0x0;
	_ =	strace $0x90000050  }
0x66: {  	s0 =	sadd.s32 @!p0 $0x100000, s0;
	[bflag:$0x2] =	sbarrier.arrive $0xFFFF  }
0x67: {  	[sflag:s0] =	ssyncadd.tile.s32 @!p0 $0x1;
	_ =	shalt  }
.Lfunc_end2:
_tile_overlayer_lowered:
.L_overlay_start_2:
0x68: {  	(tag) =	ssettag $0x2  }
0x69: {  	s0 =	rddreg [dreg:$0x0];
	s2 =	stileid.u32  }
0x6a: {  	s1 =	rddreg [dreg:$0x1];
	p0 =	sne.s32 s2, $0x0  }
0x6b: {  	s3 =	rddreg [dreg:$0x2];
	[bflag:$0x3] =	sbarrier.arrive $0xFFFF;
	s2 =	simm.s32 @!p0 $0x1C03  }
0x6c: {  	[timem:s3], [sflag:s2] =	dma.local @!p0 [hbm:s0], s1  }
0x6d: {  	s0 =	simm.s32 @!p0 $0x3  }
0x6e: {  	_ =	swait.ge @!p0 [sflag:s0], s1  }
0x6f: {  	s1 =	ssub.s32 @!p0 $0x0, s1;
	[sflag:s0] =	ssyncset.done @!p0 $0x0  }
0x70: {  	[sflag:s0] =	ssyncadd.s32 @!p0 s1  }
0x71: {  	[bflag:$0x3] =	sbarrier.arrive $0xFFFF  }
0x72: {  	_ =	shalt  }

// kernel: scatter_add_d0.3.cloned.1.call-start
scs
__scs_entry_jumppad:
0x0: {  	(pc) =	sbr.rel $0x88, $3  }
0x1: {  	(tag) =	ssettag $0x0;
	lr =	simm.s32 $0x1  }
0x2: {  	[smem:$0x3F91] =	sst lr;
	_ =	strace $0xD0000000  }
0x3: {  	_ = 	snop  }
0x4: {  	_ = 	snop  }
0x5: {  	_ = 	snop  }
0x6: {  	_ = 	snop  }
0x7: {  	_ = 	snop  }
__scs_overlays_trampoline_lowered:
0x8: {  	[smem:$0x3FA0] =	sst s0  }
0x9: {  	[smem:$0x3FA1] =	sst s1  }
0xa: {  	[smem:$0x3FA2] =	sst s2  }
0xb: {  	[smem:$0x3FA3] =	sst s3  }
0xc: {  	[smem:$0x3FA4] =	sst s4  }
0xd: {  	[smem:$0x3FA5] =	sst s5  }
0xe: {  	[smem:$0x3FA6] =	sst s6  }
0xf: {  	[smem:$0x3FA7] =	sst s7  }
0x10: {  	[smem:$0x3FA8] =	sst s8  }
0x11: {  	[smem:$0x3FA9] =	sst s9;
	s0 =	simm.s32 @!p0 $0x0  }
0x12: {  	s1 =	sld [smem:$0x3F8F];
	s0 =	simm.s32 @p0 $0x1  }
0x13: {  	[smem:$0x3FAA] =	sst s0;
	s0 =	simm.s32 @!p1 $0x0  }
0x14: {  	s2 =	sld [smem:$0x3F8E];
	s0 =	simm.s32 @p1 $0x1  }
0x15: {  	[smem:$0x3FAB] =	sst s0;
	s0 =	simm.s32 @!p2 $0x0  }
0x16: {  	s3 =	sld [smem:$0x3FDB];
	s0 =	simm.s32 @p2 $0x1  }
0x17: {  	s4 =	simm.s32 $0x1BF5;
	[smem:$0x3FAD] =	sst s0  }
0x18: {  	s0 =	sld [smem:$0x3F90];
	_ =	swait.ge [sflag:s4], $0x0  }
0x19: {  	s7 =	sld [smem:$0x3F91]  }
0x1a: {  	s8 =	sadd.s32 $0xFFFFE003, lr  }
0x1b: {  	s9 =	sadd.s32 $0xFFFFFEF7, lr;
	s5 =	simm.s32 $0xFFFFFFFF;
	p2 =	slt.u32 s8, $0xFFFFF086  }
0x1c: {  	p1 =	slt.u32 s9, $0xF7A;
	s5 =	simm.s32 @!p2 $0x0  }
0x1d: {  	s5 =	simm.s32 @p1 $0x1;
	p0 =	seq.s32 s7, s2  }
0x1e: {  	s7 =	smul.u32 @!p0 $0xF7A, s2;
	p2 =	seq.s32 @!p0 s5, $0x0  }
0x1f: {  	s9 =	smul.u32 $0xF7A, s1;
	s8 =	simm.s32 @!p0 $0x1BF5;
	p2 =	por !p2, p0  }
0x20: {  	[sflag:s8] =	ssyncset.s32 @!p0 $0xFFFFF086;
	s6 =	sadd.s32 @!p0 s3, s7;
	s7 =	simm.s32 @!p0 $0x108  }
0x21: {  	s3 =	sadd.s32 s3, s9;
	s6 =	sadd.s32 @!p0 $0x88, s6;
	s7 =	simm.s32 @p2 $0x1082  }
0x22: {  	[simem:s7], [sflag:s8] =	dma.local @!p0 [hbm:s6], $0xF7A  }
0x23: {  	s9 =	sor.u32 $0xD0000000, s2;
	s6 =	simm.s32 $0x108;
	_ =	swait.ge @!p0 [sflag:s8], $0x0  }
0x24: {  	s3 =	sadd.s32 $0x88, s3;
	s6 =	simm.s32 @!p1 $0x1082;
	[sflag:s4] =	ssyncset.s32 $0xFFFFF086  }
0x25: {  	[simem:s6], [sflag:s4] =	dma.local [hbm:s3], $0xF7A  }
0x26: {  	[smem:$0x3F91] =	sst s1;
	(tag) =	ssettag s2;
	_ =	strace s9  }
0x27: {  	s1 =	sld [smem:$0x3FA1]  }
0x28: {  	s2 =	sld [smem:$0x3FA2]  }
0x29: {  	s4 =	sld [smem:$0x3FA4]  }
0x2a: {  	p0 =	seq.s32 s5, $0x0;
	s5 =	sld [smem:$0x3FA5]  }
0x2b: {  	s6 =	sld [smem:$0x3FA6]  }
0x2c: {  	s7 =	sld [smem:$0x3FA7]  }
0x2d: {  	s3 =	simm.s32 $0x108;
	s8 =	sld [smem:$0x3FA8]  }
0x2e: {  	s3 =	simm.s32 @!p0 $0x1082;
	s9 =	sld [smem:$0x3FA9]  }
0x2f: {  	lr =	sadd.s32 s0, s3;
	s0 =	sld [smem:$0x3FA0]  }
0x30: {  	s3 =	sld [smem:$0x3FA3]  }
0x31: {  	[smem:$0x3FAC] =	sst s10  }
0x32: {  	s10 =	sld [smem:$0x3FAA];
	_ =	sdelay $0x3  }
0x33: {  	p0 =	seq.s32 s10, $0x1;
	s10 =	sld [smem:$0x3FAC];
	_ =	sdelay $0x3  }
0x34: {  	[smem:$0x3FAC] =	sst s10  }
0x35: {  	s10 =	sld [smem:$0x3FAB];
	_ =	sdelay $0x3  }
0x36: {  	p1 =	seq.s32 s10, $0x1;
	s10 =	sld [smem:$0x3FAC];
	_ =	sdelay $0x3  }
0x37: {  	[smem:$0x3FAC] =	sst s10  }
0x38: {  	s10 =	sld [smem:$0x3FAD]  }
0x39: {  	_ = 	snop;
	(pc) =	sbr.ind lr, $3  }
0x3a: {  	_ = 	snop  }
0x3b: {  	_ = 	snop  }
0x3c: {  	p2 =	seq.s32 s10, $0x1;
	s10 =	sld [smem:$0x3FAC]  }
0x3d: {  	_ =	shalt  }
0x3e: {  	_ =	shalt  }
0x3f: {  	_ =	shalt  }
0x40: {  	_ =	shalt  }
0x41: {  	_ =	shalt  }
0x42: {  	_ =	shalt  }
0x43: {  	_ =	shalt  }
0x44: {  	_ =	shalt  }
0x45: {  	_ =	shalt  }
0x46: {  	_ =	shalt  }
0x47: {  	_ =	shalt  }
0x48: {  	_ =	shalt  }
0x49: {  	_ =	shalt  }
0x4a: {  	_ =	shalt  }
0x4b: {  	_ =	shalt  }
0x4c: {  	_ =	shalt  }
0x4d: {  	_ =	shalt  }
0x4e: {  	_ =	shalt  }
0x4f: {  	_ =	shalt  }
0x50: {  	_ =	shalt  }
0x51: {  	_ =	shalt  }
0x52: {  	_ =	shalt  }
0x53: {  	_ =	shalt  }
0x54: {  	_ =	shalt  }
0x55: {  	_ =	shalt  }
0x56: {  	_ =	shalt  }
0x57: {  	_ =	shalt  }
0x58: {  	_ =	shalt  }
0x59: {  	_ =	shalt  }
0x5a: {  	_ =	shalt  }
0x5b: {  	_ =	shalt  }
0x5c: {  	_ =	shalt  }
0x5d: {  	_ =	shalt  }
0x5e: {  	_ =	shalt  }
0x5f: {  	_ =	shalt  }
0x60: {  	_ =	shalt  }
0x61: {  	_ =	shalt  }
0x62: {  	_ =	shalt  }
0x63: {  	_ =	shalt  }
0x64: {  	_ =	shalt  }
0x65: {  	_ =	shalt  }
0x66: {  	_ =	shalt  }
0x67: {  	_ =	shalt  }
0x68: {  	_ =	shalt  }
0x69: {  	_ =	shalt  }
0x6a: {  	_ =	shalt  }
0x6b: {  	_ =	shalt  }
0x6c: {  	_ =	shalt  }
0x6d: {  	_ =	shalt  }
0x6e: {  	_ =	shalt  }
0x6f: {  	_ =	shalt  }
0x70: {  	_ =	shalt  }
0x71: {  	_ =	shalt  }
0x72: {  	_ =	shalt  }
0x73: {  	_ =	shalt  }
0x74: {  	_ =	shalt  }
0x75: {  	_ =	shalt  }
0x76: {  	_ =	shalt  }
0x77: {  	_ =	shalt  }
0x78: {  	_ =	shalt  }
0x79: {  	_ =	shalt  }
0x7a: {  	_ =	shalt  }
0x7b: {  	_ =	shalt  }
0x7c: {  	_ =	shalt  }
0x7d: {  	_ =	shalt  }
0x7e: {  	_ =	shalt  }
0x7f: {  	_ =	shalt  }
0x80: {  	_ =	shalt  }
0x81: {  	_ =	shalt  }
0x82: {  	_ =	shalt  }
0x83: {  	_ =	shalt  }
0x84: {  	_ =	shalt  }
0x85: {  	_ =	shalt  }
0x86: {  	_ =	shalt  }
0x87: {  	_ =	shalt  }
.Lfunc_end0:
.L_simem_size_0:
called_computation.4_lowered:
.L_overlay_start_0:
0x88: {  	s2 =	sld [smem:$0x3FD9]  }
0x89: {  	s3 =	sld [smem:$0x3FFE];
	_ =	sdelay $0x1  }
0x8a: {  	s1 =	srdreg.scid  }
0x8b: {  	s0 =	sand.u32 $0x1, s1  }
0x8c: {  	s17 =	sshll.u32 s0, $0xA;
	s2 =	sadd.s32 s3, s2  }
0x8d: {  	s2 =	sadd.s32 s2, s17  }
0x8e: {  	[smem:$0x3FB8] =	sst s2  }
0x8f: {  	_ = 	snop  }
0x90: {  	(tm) =	ssettm $0x1  }
0x91: {  	s18 =	sld [smem:$0x3FFB];
	_ =	sdelay $0x3  }
0x92: {  	_ =	strace s18  }
0x93: {  	s2 =	sld [smem:$0x3FFC];
	_ =	sdelay $0x3  }
0x94: {  	_ =	strace s2  }
0x95: {  	s2 =	sld [smem:$0x3FFD];
	_ =	sdelay $0x3  }
0x96: {  	_ =	strace s2  }
0x97: {  	_ =	strace $0x8FFFFFFF  }
0x98: {  	s19 =	sld [smem:$0x3FDB];
	_ =	sdelay $0x1  }
0x99: {  	s20 =	simm.s32 $_scs_section_size  }
0x9a: {  	s4 =	simm.s32 $_size__tile_overlayer_lowered;
	s5 =	simm.s32 $_tile_overlayer_lowered  }
0x9b: {  	s6 =	simm.s32 $0x1BFF;
	s21 =	sshll.u32 s5, $0x1;
	s3 =	sadd.s32 s20, s19  }
0x9c: {  	s22 =	simm.s32 $0x0;
	s4 =	sshll.u32 s4, $0x1;
	s5 =	sadd.s32 s21, s3  }
0x9d: {  	[timem:s22], [sflag:s6] =	dma.local [hbm:s5], s4  }
0x9e: {  	_ =	swait.ge [sflag:s6], s4  }
0x9f: {  	s4 =	ssub.s32 $0x0, s4;
	[sflag:s6] =	ssyncset.done $0x0  }
0xa0: {  	[sflag:s6] =	ssyncadd.s32 s4;
	_ =	sdelay $0x1  }
0xa1: {  	s23 =	simm.s32 $0x1B8B  }
0xa2: {  	_ =	swait.ge [sflag:s23], $0x1  }
0xa3: {  	[sflag:s23] =	ssyncset.done $0x0  }
0xa4: {  	[sflag:s23] =	ssyncadd.s32 $0xFFFFFFFF  }
0xa5: {  	s4 =	sld [smem:$0x0]  }
0xa6: {  	s5 =	sand.u32 $0xFFFFFFFE, s1  }
0xa7: {  	p0 =	sne.s32 s1, s5  }
0xa8: {  	s5 =	sshll.u32 @p0 s5, $0xE  }
0xa9: {  	s5 =	sadd.s32 @p0 $0x11B8D, s5;
	s6 =	sshll.u32 @p0 s4, $0x11  }
0xaa: {  	s5 =	sor.u32 @p0 s6, s5  }
0xab: {  	[sflag:s5] =	ssyncadd.remote.s32 @p0 $0x1;
	_ =	sdelay $0x1  }
0xac: {  	s5 =	simm.s32 @p0 $0x1B8D  }
0xad: {  	_ =	swait.eq @p0 [sflag:s5], $0x1  }
0xae: {  	[sflag:s5] =	ssyncadd.s32 @p0 $0xFFFFFFFF  }
0xaf: {  	s6 =	sshll.u32 @!p0 s1, $0xE  }
0xb0: {  	s6 =	sor.u32 @!p0 $0x4000, s6;
	s5 =	simm.s32 @!p0 $0x1B8D  }
0xb1: {  	s4 =	sshll.u32 @!p0 s4, $0x11;
	s6 =	sadd.s32 @!p0 $0x11B8D, s6;
	_ =	swait.eq @!p0 [sflag:s5], $0x1  }
0xb2: {  	s4 =	sor.u32 @!p0 s4, s6;
	[sflag:s5] =	ssyncadd.s32 @!p0 $0xFFFFFFFF  }
0xb3: {  	s25 =	simm.s32 $0x1B8E;
	s24 =	sld [smem:$0x3FFE];
	[sflag:s4] =	ssyncadd.remote.s32 @!p0 $0x1  }
0xb4: {  	s26 =	simm.s32 $execute0_lowered;
	[smem:$0x3FD2] =	sst s25  }
0xb5: {  	s5 =	sshll.u32 s26, $0x1;
	_ =	strace $0x80000052;
	[dreg:$0x1] =	wrdreg $0xFFFFFFFF  }
0xb6: {  	s28 =	simm.s32 $_size_execute0_lowered;
	s3 =	sadd.s32 s3, s5;
	[dreg:$0x0] =	wrdreg $0x0  }
0xb7: {  	s5 =	sshll.u32 s28, $0x1;
	[dreg:$0x2] =	wrdreg s3  }
0xb8: {  	[dreg:$0x3] =	wrdreg s5  }
0xb9: {  	[dreg:$0x4] =	wrdreg $0xC0  }
0xba: {  	_ =	task [dreg:s22], $0x5FFFF  }
0xbb: {  	[dreg:$0x1] =	wrdreg $0xFFFFFFFF  }
0xbc: {  	[dreg:$0x0] =	wrdreg $0x60  }
0xbd: {  	[dreg:$0x2] =	wrdreg s24  }
0xbe: {  	[dreg:$0x3] =	wrdreg $0x0  }
0xbf: {  	[dreg:$0x4] =	wrdreg $0x138800  }
0xc0: {  	[dreg:$0x5] =	wrdreg $0xA  }
0xc1: {  	_ =	task.clear_ibuf [dreg:s22], $0x6FFFF;
	_ =	strace $0x90000052  }
0xc2: {  	s29 =	simm.s32 $0xA;
	_ =	strace $0x80000054  }
0xc3: {  	_ =	swait.ge [sflag:s29], $0x1  }
0xc4: {  	[sflag:s29] =	ssyncadd.s32 $0xFFFFFFFF  }
0xc5: {  	_ =	strace $0x90000054  }
0xc6: {  	_ =	sfence  }
0xc7: {  	s30 =	sld [smem:$0x0];
	_ =	sdelay $0x2  }
0xc8: {  	s31 =	sshll.u32 s1, $0xD;
	s1 =	sshrl.u32 s1, $0x2  }
0xc9: {  	s4 =	sand.u32 $0x4000, s31;
	s1 =	sadd.s32 s1, s30  }
0xca: {  	s0 =	sor.u32 s4, s0;
	s1 =	sshll.u32 s1, $0x11  }
0xcb: {  	s0 =	sor.u32 s1, s0  }
0xcc: {  	s0 =	sadd.s32 $0x8F2B, s0  }
0xcd: {  	[sflag:s0] =	ssyncadd.remote.s32 $0x1  }
0xce: {  	_ =	sfence.sel $0xFFFF  }
0xcf: {  	[dreg:$0x0] =	wrdreg $0xFFFFFFFF;
	(pc) =	sbr.abs _section_cstart, $3  }
0xd0: {  	[dreg:$0x1] =	wrdreg $0xFFFFFFFF  }
0xd1: {  	_ =	task.clear_ibuf [dreg:s22], $0x2FFFF;
	_ =	strace $0x9FFFFFFF  }
0xd2: {  	(tm) =	ssettm $0x7FFFFFFF  }
0xd3: {  	_ =	shalt  }
tec
execute0_lowered:
.L_overlay_start_1:
0x0: {  	(tag) =	ssettag $0x1  }
0x1: {  	s6 =	rddreg [dreg:$0x0]  }
0x2: {  	s0 =	srdreg.scid;
	s2 =	rddreg [dreg:$0x1]  }
0x3: {  	s3 =	rddreg [dreg:$0x2];
	s7 =	sand.u32 $0x1, s0  }
0x4: {  	s4 =	simm.s32 $0x0;
	s0 =	stileid.u32;
	s5 =	smul.u32 $0x9C400, s7  }
0x5: {  	s20 =	simm.s32 $0x1A810;
	s21 =	simm.s32 $0x7D;
	s9 =	smul.u32 $0x13880, s0  }
0x6: {  	s22 =	simm.s32 $0x1;
	s23 =	simm.s32 $0x2;
	s10 =	smul.u32 $0x2710, s0  }
0x7: {  	[smem:$0x7FF] =	sst s4;
	s1 =	sshll.u32 s7, $0x4;
	s25 =	smul.u32 $0x138800, s7  }
0x8: {  	s14 =	smul.u32 $0x27100, s7;
	s7 =	ssub.s32 $0x2, s7;
	s30 =	sshll.u32 s0, $0x6  }
0x9: {  	s31 =	smul.u32 $0x9C40, s0;
	s8 =	sor.u32 s0, s1;
	s1 =	rddreg [dreg:$0x3]  }
0xa: {  	_ =	strace $0x80000053;
	s29 =	sshrl.u32 s7, $0x1;
	s8 =	smul.u32 $0x140, s8  }
0xb: {  	s11 =	sadd.s32 s5, s6;
	s24 =	sshrl.u32 s9, $0x3;
	s26 =	sshrl.u32 s10, $0x3  }
0xc: {  	s5 =	sadd.s32 $0x7000, s6;
	s14 =	sadd.s32 s10, s14;
	s18 =	sadd.s32 s9, s2  }
0xd: {  	s19 =	sadd.s32 s10, s3;
	s13 =	sadd.s32 s24, s6;
	s15 =	sadd.s32 s26, s6  }
0xe: {  	s28 =	sshrl.u32 s14, $0x3;
	s14 =	ssub.s32 s7, s29;
	s7 =	sor.u32 $0x1C04, s30  }
0xf: {  	s24 =	simm.s32 $0x3;
	s12 =	sadd.s32 s8, s6;
	s8 =	sadd.s32 s9, s25  }
0x10: {  	s17 =	sadd.s32 s28, s6;
	s25 =	simm.s32 $0x0;
	s8 =	sshrl.u32 s8, $0x3  }
0x11: {  	s9 =	sadd.s32 $0x7800, s12;
	s12 =	smax.u32 s14, $0x1;
	s14 =	sshrl.u32 s18, $0x3  }
0x12: {  	s18 =	simm.s32 $0x15F90;
	s16 =	sadd.s32 s8, s6;
	s6 =	sadd.s32 $0x69C00, s13  }
0x13: {  	s8 =	sadd.s32 $0x90E00, s15;
	s13 =	sadd.s32 s31, s11;
	s11 =	sadd.s32 $0x95E00, s17  }
0x14: {  	s15 =	simm.s32 $0x4;
	s17 =	simm.s32 $0x1E690;
	s10 =	sadd.s32 $0x9FC00, s16  }
0x15: {  	s13 =	sadd.s32 $0xA2DE00, s13;
	s16 =	sshrl.u32 s19, $0x3;
	s19 =	simm.s32 $0x16990  }
.LBB2_1:
0x16: {  	[spmem:s14], [sflag:s7] =	dma.local [hbm:s6], $0x2710  }
0x17: {  	_ =	swait.ge [sflag:s15], $0x2710  }
0x18: {  	[sflag:s15] =	ssyncset.done $0x0  }
0x19: {  	[sflag:s15] =	ssyncadd.s32 $0xFFFFD8F0  }
0x1a: {  	[spmem:s16], [sflag:s7] =	dma.local [hbm:s8], $0x4E2  }
0x1b: {  	_ =	swait.ge [sflag:s15], $0x4E2  }
0x1c: {  	[sflag:s15] =	ssyncset.done $0x0  }
0x1d: {  	[sflag:s15] =	ssyncadd.s32 $0xFFFFFB1E  }
0x1e: {  	[tilespmem:s17], [sflag:$0x4] =	stream.linear.gather [hbm4b:s5+s4], $0x7D0, $0x38;
	[tilespmem:$0x1EE60] =	vst v63  }
0x1f: {  	_ =	swait.ge [sflag:s15], $0x7D0  }
0x20: {  	[sflag:s15] =	ssyncset.done $0x0  }
0x21: {  	[sflag:s15] =	ssyncadd.s32 $0xFFFFF830  }
0x22: {  	[bflag:$0x0] =	sbarrier.arrive $0xFFFF  }
0x23: {  	[tilespmem:s18], [sflag:$0x4] =	stream.linear.gather [hbm4b:s9+s4], $0xA00, $0x38;
	[tilespmem:$0x1EE60] =	vst v63  }
0x24: {  	_ =	swait.ge [sflag:s15], $0xA00  }
0x25: {  	[sflag:s15] =	ssyncset.done $0x0  }
0x26: {  	[sflag:s15] =	ssyncadd.s32 $0xFFFFF600  }
0x27: {  	[tilespmem:s19], [sflag:$0x1] =	stream.linear.gather [hbm4b:s13+s4], $0x3E80, $0x38;
	[tilespmem:$0x1EE60] =	vst v63  }
0x28: {  	s26 =	sadd.s32 $0x7D0, s13  }
0x29: {  	[tilespmem:s20], [sflag:$0x2] =	stream.linear.gather [hbm4b:s26+s4], $0x3E80, $0x38;
	[tilespmem:$0x1EE60] =	vst v63  }
0x2a: {  	s31 =	simm.s32 $0x15F90  }
0x2b: {  	[spmem:s3] =	stream.indirect.scatter.add.f32 [tilespmem:s17], [sflag:$0x3], $0x10, s31, s21, $0xb8;
	[tilespmem:$0x1EE60] =	vst v63  }
0x2c: {  	s28 =	simm.s32 $0x16010  }
0x2d: {  	[spmem:s3] =	stream.indirect.scatter.add.f32 [tilespmem:s17], [sflag:$0x3], $0x10, s28, s21, $0xb8;
	[tilespmem:$0x1EE60] =	vst v63  }
0x2e: {  	_ =	swait.ge [sflag:s22], $0x3E80  }
0x2f: {  	[sflag:s22] =	ssyncset.done $0x0  }
0x30: {  	[sflag:s22] =	ssyncadd.s32 $0xFFFFC180  }
0x31: {  	[spmem:s2] =	stream.indirect.scatter.add.f32 [tilespmem:s19], [sflag:$0x1], $0x80, s31, s21, $0xb8;
	[tilespmem:$0x1EE60] =	vst v63  }
0x32: {  	_ =	swait.ge [sflag:s23], $0x3E80  }
0x33: {  	[sflag:s23] =	ssyncset.done $0x0  }
0x34: {  	[sflag:s23] =	ssyncadd.s32 $0xFFFFC180  }
0x35: {  	[spmem:s2] =	stream.indirect.scatter.add.f32 [tilespmem:s20], [sflag:$0x2], $0x80, s28, s21, $0xb8;
	[tilespmem:$0x1EE60] =	vst v63  }
0x36: {  	_ =	swait.ge [sflag:s22], $0x3E80  }
0x37: {  	[sflag:s22] =	ssyncset.done $0x0  }
0x38: {  	[sflag:s22] =	ssyncadd.s32 $0xFFFFC180  }
0x39: {  	_ =	swait.ge [sflag:s23], $0x3E80  }
0x3a: {  	[sflag:s23] =	ssyncset.done $0x0  }
0x3b: {  	[sflag:s23] =	ssyncadd.s32 $0xFFFFC180  }
0x3c: {  	_ =	swait.ge [sflag:s24], $0x7D0  }
0x3d: {  	[sflag:s24] =	ssyncset.done $0x0  }
0x3e: {  	[sflag:s24] =	ssyncadd.s32 $0xFFFFF830  }
0x3f: {  	_ =	swait.ge [sflag:s24], $0x7D0  }
0x40: {  	s26 =	simm.s32 $0x400;
	s28 =	smov.u32 s13;
	[sflag:s24] =	ssyncset.done $0x0  }
.LBB2_2:
0x41: {  	p0 =	sne.s32 s26, $0x2400;
	[sflag:s24] =	ssyncadd.s32 $0xFFFFF830;
	s28 =	sadd.s32 $0xFA0, s28  }
0x42: {  	[tilespmem:s19], [sflag:$0x1] =	stream.linear.gather [hbm4b:s28+s4], $0x3E80, $0x38;
	[tilespmem:$0x1EE60] =	vst v63  }
0x43: {  	s30 =	sshra.s32 s26, $0x2;
	s26 =	sadd.s32 $0x400, s26;
	s29 =	sadd.s32 $0x7D0, s28  }
0x44: {  	[tilespmem:s20], [sflag:$0x2] =	stream.linear.gather [hbm4b:s29+s4], $0x3E80, $0x38;
	[tilespmem:$0x1EE60] =	vst v63  }
0x45: {  	s29 =	sadd.s32 $0x15F90, s30  }
0x46: {  	[spmem:s3] =	stream.indirect.scatter.add.f32 [tilespmem:s17], [sflag:$0x3], $0x10, s29, s21, $0xb8;
	[tilespmem:$0x1EE60] =	vst v63  }
0x47: {  	s30 =	sadd.s32 $0x16010, s30  }
0x48: {  	[spmem:s3] =	stream.indirect.scatter.add.f32 [tilespmem:s17], [sflag:$0x3], $0x10, s30, s21, $0xb8;
	[tilespmem:$0x1EE60] =	vst v63  }
0x49: {  	_ =	swait.ge [sflag:s22], $0x3E80  }
0x4a: {  	[sflag:s22] =	ssyncset.done $0x0  }
0x4b: {  	[sflag:s22] =	ssyncadd.s32 $0xFFFFC180  }
0x4c: {  	[spmem:s2] =	stream.indirect.scatter.add.f32 [tilespmem:s19], [sflag:$0x1], $0x80, s29, s21, $0xb8;
	[tilespmem:$0x1EE60] =	vst v63  }
0x4d: {  	_ =	swait.ge [sflag:s23], $0x3E80  }
0x4e: {  	[sflag:s23] =	ssyncset.done $0x0  }
0x4f: {  	[sflag:s23] =	ssyncadd.s32 $0xFFFFC180  }
0x50: {  	[spmem:s2] =	stream.indirect.scatter.add.f32 [tilespmem:s20], [sflag:$0x2], $0x80, s30, s21, $0xb8;
	[tilespmem:$0x1EE60] =	vst v63  }
0x51: {  	_ =	swait.ge [sflag:s22], $0x3E80  }
0x52: {  	[sflag:s22] =	ssyncset.done $0x0  }
0x53: {  	[sflag:s22] =	ssyncadd.s32 $0xFFFFC180  }
0x54: {  	_ =	swait.ge [sflag:s23], $0x3E80  }
0x55: {  	[sflag:s23] =	ssyncset.done $0x0  }
0x56: {  	[sflag:s23] =	ssyncadd.s32 $0xFFFFC180  }
.Ltmp0:
0x57: {  	_ =	swait.ge [sflag:s24], $0x7D0;
	(pc) =	sbr.rel @p0 .LBB2_2-.Ltmp0, $4  }
0x58: {  	[sflag:s24] =	ssyncset.done $0x0  }
0x59: {  	[sflag:s24] =	ssyncadd.s32 $0xFFFFF830  }
0x5a: {  	_ =	swait.ge [sflag:s24], $0x7D0  }
0x5b: {  	[sflag:s24] =	ssyncset.done $0x0  }
0x5c: {  	[sflag:s24] =	ssyncadd.s32 $0xFFFFF830  }
0x5d: {  	[bflag:$0x0] =	sbarrier.arrive $0xFFFF  }
0x5e: {  	[hbm:s10], [sflag:s7] =	dma.local [spmem:s14], $0x2710  }
0x5f: {  	s25 =	sadd.s32 $0x1, s25;
	_ =	swait.ge [sflag:s15], $0x2710  }
0x60: {  	p0 =	sne.s32 s25, s12;
	[sflag:s15] =	ssyncset.done $0x0  }
.Ltmp1:
0x61: {  	[sflag:s15] =	ssyncadd.s32 $0xFFFFD8F0;
	(pc) =	sbr.rel @p0 .LBB2_1-.Ltmp1, $4  }
0x62: {  	[hbm:s11], [sflag:s7] =	dma.local [spmem:s16], $0x4E2  }
0x63: {  	_ =	swait.ge [sflag:s15], $0x4E2  }
0x64: {  	[sflag:s15] =	ssyncset.done $0x0  }
0x65: {  	[sflag:s15] =	ssyncadd.s32 $0xFFFFFB1E  }
0x66: {  	_ =	sfence.sel $0x180000  }
0x67: {  	[bflag:$0x0] =	sbarrier.arrive $0xFFFF  }
0x68: {  	p0 =	sne.s32 s0, $0x0;
	_ =	strace $0x90000053  }
0x69: {  	s0 =	sadd.s32 @!p0 $0x100000, s1;
	[bflag:$0x2] =	sbarrier.arrive $0xFFFF  }
0x6a: {  	[sflag:s0] =	ssyncadd.tile.s32 @!p0 $0x1;
	_ =	shalt  }
.Lfunc_end2:
_tile_overlayer_lowered:
.L_overlay_start_2:
0x6b: {  	(tag) =	ssettag $0x2  }
0x6c: {  	s0 =	rddreg [dreg:$0x0];
	s2 =	stileid.u32  }
0x6d: {  	s1 =	rddreg [dreg:$0x1];
	p0 =	sne.s32 s2, $0x0  }
0x6e: {  	s3 =	rddreg [dreg:$0x2];
	[bflag:$0x3] =	sbarrier.arrive $0xFFFF;
	s2 =	simm.s32 @!p0 $0x1C04  }
0x6f: {  	[timem:s3], [sflag:s2] =	dma.local @!p0 [hbm:s0], s1  }
0x70: {  	s0 =	simm.s32 @!p0 $0x4  }
0x71: {  	_ =	swait.ge @!p0 [sflag:s0], s1  }
0x72: {  	s1 =	ssub.s32 @!p0 $0x0, s1;
	[sflag:s0] =	ssyncset.done @!p0 $0x0  }
0x73: {  	[sflag:s0] =	ssyncadd.s32 @!p0 s1  }
0x74: {  	[bflag:$0x3] =	sbarrier.arrive $0xFFFF  }
0x75: {  	_ =	shalt  }

// kernel: scatter_add_d1.3.cloned.1.call-start
scs
__scs_entry_jumppad:
0x0: {  	(pc) =	sbr.rel $0x88, $3  }
0x1: {  	(tag) =	ssettag $0x0;
	lr =	simm.s32 $0x1  }
0x2: {  	[smem:$0x3F91] =	sst lr;
	_ =	strace $0xD0000000  }
0x3: {  	_ = 	snop  }
0x4: {  	_ = 	snop  }
0x5: {  	_ = 	snop  }
0x6: {  	_ = 	snop  }
0x7: {  	_ = 	snop  }
__scs_overlays_trampoline_lowered:
0x8: {  	[smem:$0x3FA0] =	sst s0  }
0x9: {  	[smem:$0x3FA1] =	sst s1  }
0xa: {  	[smem:$0x3FA2] =	sst s2  }
0xb: {  	[smem:$0x3FA3] =	sst s3  }
0xc: {  	[smem:$0x3FA4] =	sst s4  }
0xd: {  	[smem:$0x3FA5] =	sst s5  }
0xe: {  	[smem:$0x3FA6] =	sst s6  }
0xf: {  	[smem:$0x3FA7] =	sst s7  }
0x10: {  	[smem:$0x3FA8] =	sst s8  }
0x11: {  	[smem:$0x3FA9] =	sst s9;
	s0 =	simm.s32 @!p0 $0x0  }
0x12: {  	s1 =	sld [smem:$0x3F8F];
	s0 =	simm.s32 @p0 $0x1  }
0x13: {  	[smem:$0x3FAA] =	sst s0;
	s0 =	simm.s32 @!p1 $0x0  }
0x14: {  	s2 =	sld [smem:$0x3F8E];
	s0 =	simm.s32 @p1 $0x1  }
0x15: {  	[smem:$0x3FAB] =	sst s0;
	s0 =	simm.s32 @!p2 $0x0  }
0x16: {  	s3 =	sld [smem:$0x3FDB];
	s0 =	simm.s32 @p2 $0x1  }
0x17: {  	s4 =	simm.s32 $0x1BF5;
	[smem:$0x3FAD] =	sst s0  }
0x18: {  	s0 =	sld [smem:$0x3F90];
	_ =	swait.ge [sflag:s4], $0x0  }
0x19: {  	s7 =	sld [smem:$0x3F91]  }
0x1a: {  	s8 =	sadd.s32 $0xFFFFE003, lr  }
0x1b: {  	s9 =	sadd.s32 $0xFFFFFEF7, lr;
	s5 =	simm.s32 $0xFFFFFFFF;
	p2 =	slt.u32 s8, $0xFFFFF086  }
0x1c: {  	p1 =	slt.u32 s9, $0xF7A;
	s5 =	simm.s32 @!p2 $0x0  }
0x1d: {  	s5 =	simm.s32 @p1 $0x1;
	p0 =	seq.s32 s7, s2  }
0x1e: {  	s7 =	smul.u32 @!p0 $0xF7A, s2;
	p2 =	seq.s32 @!p0 s5, $0x0  }
0x1f: {  	s9 =	smul.u32 $0xF7A, s1;
	s8 =	simm.s32 @!p0 $0x1BF5;
	p2 =	por !p2, p0  }
0x20: {  	[sflag:s8] =	ssyncset.s32 @!p0 $0xFFFFF086;
	s6 =	sadd.s32 @!p0 s3, s7;
	s7 =	simm.s32 @!p0 $0x108  }
0x21: {  	s3 =	sadd.s32 s3, s9;
	s6 =	sadd.s32 @!p0 $0x88, s6;
	s7 =	simm.s32 @p2 $0x1082  }
0x22: {  	[simem:s7], [sflag:s8] =	dma.local @!p0 [hbm:s6], $0xF7A  }
0x23: {  	s9 =	sor.u32 $0xD0000000, s2;
	s6 =	simm.s32 $0x108;
	_ =	swait.ge @!p0 [sflag:s8], $0x0  }
0x24: {  	s3 =	sadd.s32 $0x88, s3;
	s6 =	simm.s32 @!p1 $0x1082;
	[sflag:s4] =	ssyncset.s32 $0xFFFFF086  }
0x25: {  	[simem:s6], [sflag:s4] =	dma.local [hbm:s3], $0xF7A  }
0x26: {  	[smem:$0x3F91] =	sst s1;
	(tag) =	ssettag s2;
	_ =	strace s9  }
0x27: {  	s1 =	sld [smem:$0x3FA1]  }
0x28: {  	s2 =	sld [smem:$0x3FA2]  }
0x29: {  	s4 =	sld [smem:$0x3FA4]  }
0x2a: {  	p0 =	seq.s32 s5, $0x0;
	s5 =	sld [smem:$0x3FA5]  }
0x2b: {  	s6 =	sld [smem:$0x3FA6]  }
0x2c: {  	s7 =	sld [smem:$0x3FA7]  }
0x2d: {  	s3 =	simm.s32 $0x108;
	s8 =	sld [smem:$0x3FA8]  }
0x2e: {  	s3 =	simm.s32 @!p0 $0x1082;
	s9 =	sld [smem:$0x3FA9]  }
0x2f: {  	lr =	sadd.s32 s0, s3;
	s0 =	sld [smem:$0x3FA0]  }
0x30: {  	s3 =	sld [smem:$0x3FA3]  }
0x31: {  	[smem:$0x3FAC] =	sst s10  }
0x32: {  	s10 =	sld [smem:$0x3FAA];
	_ =	sdelay $0x3  }
0x33: {  	p0 =	seq.s32 s10, $0x1;
	s10 =	sld [smem:$0x3FAC];
	_ =	sdelay $0x3  }
0x34: {  	[smem:$0x3FAC] =	sst s10  }
0x35: {  	s10 =	sld [smem:$0x3FAB];
	_ =	sdelay $0x3  }
0x36: {  	p1 =	seq.s32 s10, $0x1;
	s10 =	sld [smem:$0x3FAC];
	_ =	sdelay $0x3  }
0x37: {  	[smem:$0x3FAC] =	sst s10  }
0x38: {  	s10 =	sld [smem:$0x3FAD]  }
0x39: {  	_ = 	snop;
	(pc) =	sbr.ind lr, $3  }
0x3a: {  	_ = 	snop  }
0x3b: {  	_ = 	snop  }
0x3c: {  	p2 =	seq.s32 s10, $0x1;
	s10 =	sld [smem:$0x3FAC]  }
0x3d: {  	_ =	shalt  }
0x3e: {  	_ =	shalt  }
0x3f: {  	_ =	shalt  }
0x40: {  	_ =	shalt  }
0x41: {  	_ =	shalt  }
0x42: {  	_ =	shalt  }
0x43: {  	_ =	shalt  }
0x44: {  	_ =	shalt  }
0x45: {  	_ =	shalt  }
0x46: {  	_ =	shalt  }
0x47: {  	_ =	shalt  }
0x48: {  	_ =	shalt  }
0x49: {  	_ =	shalt  }
0x4a: {  	_ =	shalt  }
0x4b: {  	_ =	shalt  }
0x4c: {  	_ =	shalt  }
0x4d: {  	_ =	shalt  }
0x4e: {  	_ =	shalt  }
0x4f: {  	_ =	shalt  }
0x50: {  	_ =	shalt  }
0x51: {  	_ =	shalt  }
0x52: {  	_ =	shalt  }
0x53: {  	_ =	shalt  }
0x54: {  	_ =	shalt  }
0x55: {  	_ =	shalt  }
0x56: {  	_ =	shalt  }
0x57: {  	_ =	shalt  }
0x58: {  	_ =	shalt  }
0x59: {  	_ =	shalt  }
0x5a: {  	_ =	shalt  }
0x5b: {  	_ =	shalt  }
0x5c: {  	_ =	shalt  }
0x5d: {  	_ =	shalt  }
0x5e: {  	_ =	shalt  }
0x5f: {  	_ =	shalt  }
0x60: {  	_ =	shalt  }
0x61: {  	_ =	shalt  }
0x62: {  	_ =	shalt  }
0x63: {  	_ =	shalt  }
0x64: {  	_ =	shalt  }
0x65: {  	_ =	shalt  }
0x66: {  	_ =	shalt  }
0x67: {  	_ =	shalt  }
0x68: {  	_ =	shalt  }
0x69: {  	_ =	shalt  }
0x6a: {  	_ =	shalt  }
0x6b: {  	_ =	shalt  }
0x6c: {  	_ =	shalt  }
0x6d: {  	_ =	shalt  }
0x6e: {  	_ =	shalt  }
0x6f: {  	_ =	shalt  }
0x70: {  	_ =	shalt  }
0x71: {  	_ =	shalt  }
0x72: {  	_ =	shalt  }
0x73: {  	_ =	shalt  }
0x74: {  	_ =	shalt  }
0x75: {  	_ =	shalt  }
0x76: {  	_ =	shalt  }
0x77: {  	_ =	shalt  }
0x78: {  	_ =	shalt  }
0x79: {  	_ =	shalt  }
0x7a: {  	_ =	shalt  }
0x7b: {  	_ =	shalt  }
0x7c: {  	_ =	shalt  }
0x7d: {  	_ =	shalt  }
0x7e: {  	_ =	shalt  }
0x7f: {  	_ =	shalt  }
0x80: {  	_ =	shalt  }
0x81: {  	_ =	shalt  }
0x82: {  	_ =	shalt  }
0x83: {  	_ =	shalt  }
0x84: {  	_ =	shalt  }
0x85: {  	_ =	shalt  }
0x86: {  	_ =	shalt  }
0x87: {  	_ =	shalt  }
.Lfunc_end0:
.L_simem_size_0:
called_computation.5_lowered:
.L_overlay_start_0:
0x88: {  	s2 =	sld [smem:$0x3FD9]  }
0x89: {  	s3 =	sld [smem:$0x3FFE];
	_ =	sdelay $0x1  }
0x8a: {  	s1 =	srdreg.scid  }
0x8b: {  	s0 =	sand.u32 $0x1, s1  }
0x8c: {  	s17 =	sshll.u32 s0, $0xA;
	s2 =	sadd.s32 s3, s2  }
0x8d: {  	s2 =	sadd.s32 s2, s17  }
0x8e: {  	[smem:$0x3FB8] =	sst s2  }
0x8f: {  	_ = 	snop  }
0x90: {  	(tm) =	ssettm $0x1  }
0x91: {  	s18 =	sld [smem:$0x3FFB];
	_ =	sdelay $0x3  }
0x92: {  	_ =	strace s18  }
0x93: {  	s2 =	sld [smem:$0x3FFC];
	_ =	sdelay $0x3  }
0x94: {  	_ =	strace s2  }
0x95: {  	s2 =	sld [smem:$0x3FFD];
	_ =	sdelay $0x3  }
0x96: {  	_ =	strace s2  }
0x97: {  	_ =	strace $0x8FFFFFFF  }
0x98: {  	s19 =	sld [smem:$0x3FDB];
	_ =	sdelay $0x1  }
0x99: {  	s20 =	simm.s32 $_scs_section_size  }
0x9a: {  	s4 =	simm.s32 $_size__tile_overlayer_lowered;
	s5 =	simm.s32 $_tile_overlayer_lowered  }
0x9b: {  	s6 =	simm.s32 $0x1BFF;
	s21 =	sshll.u32 s5, $0x1;
	s3 =	sadd.s32 s20, s19  }
0x9c: {  	s22 =	simm.s32 $0x0;
	s4 =	sshll.u32 s4, $0x1;
	s5 =	sadd.s32 s21, s3  }
0x9d: {  	[timem:s22], [sflag:s6] =	dma.local [hbm:s5], s4  }
0x9e: {  	_ =	swait.ge [sflag:s6], s4  }
0x9f: {  	s4 =	ssub.s32 $0x0, s4;
	[sflag:s6] =	ssyncset.done $0x0  }
0xa0: {  	[sflag:s6] =	ssyncadd.s32 s4;
	_ =	sdelay $0x1  }
0xa1: {  	s23 =	simm.s32 $0x1B8B  }
0xa2: {  	_ =	swait.ge [sflag:s23], $0x1  }
0xa3: {  	[sflag:s23] =	ssyncset.done $0x0  }
0xa4: {  	[sflag:s23] =	ssyncadd.s32 $0xFFFFFFFF  }
0xa5: {  	s4 =	sld [smem:$0x0]  }
0xa6: {  	s5 =	sand.u32 $0xFFFFFFFE, s1  }
0xa7: {  	p0 =	sne.s32 s1, s5  }
0xa8: {  	s5 =	sshll.u32 @p0 s5, $0xE  }
0xa9: {  	s5 =	sadd.s32 @p0 $0x11B8D, s5;
	s6 =	sshll.u32 @p0 s4, $0x11  }
0xaa: {  	s5 =	sor.u32 @p0 s6, s5  }
0xab: {  	[sflag:s5] =	ssyncadd.remote.s32 @p0 $0x1;
	_ =	sdelay $0x1  }
0xac: {  	s5 =	simm.s32 @p0 $0x1B8D  }
0xad: {  	_ =	swait.eq @p0 [sflag:s5], $0x1  }
0xae: {  	[sflag:s5] =	ssyncadd.s32 @p0 $0xFFFFFFFF  }
0xaf: {  	s6 =	sshll.u32 @!p0 s1, $0xE  }
0xb0: {  	s6 =	sor.u32 @!p0 $0x4000, s6;
	s5 =	simm.s32 @!p0 $0x1B8D  }
0xb1: {  	s4 =	sshll.u32 @!p0 s4, $0x11;
	s6 =	sadd.s32 @!p0 $0x11B8D, s6;
	_ =	swait.eq @!p0 [sflag:s5], $0x1  }
0xb2: {  	s4 =	sor.u32 @!p0 s4, s6;
	[sflag:s5] =	ssyncadd.s32 @!p0 $0xFFFFFFFF  }
0xb3: {  	s25 =	simm.s32 $0x1B8E;
	s24 =	sld [smem:$0x3FFE];
	[sflag:s4] =	ssyncadd.remote.s32 @!p0 $0x1  }
0xb4: {  	s26 =	simm.s32 $execute0_lowered;
	[smem:$0x3FD2] =	sst s25  }
0xb5: {  	s5 =	sshll.u32 s26, $0x1;
	_ =	strace $0x80000055;
	[dreg:$0x1] =	wrdreg $0xFFFFFFFF  }
0xb6: {  	s28 =	simm.s32 $_size_execute0_lowered;
	s3 =	sadd.s32 s3, s5;
	[dreg:$0x0] =	wrdreg $0x0  }
0xb7: {  	s5 =	sshll.u32 s28, $0x1;
	[dreg:$0x2] =	wrdreg s3  }
0xb8: {  	[dreg:$0x3] =	wrdreg s5  }
0xb9: {  	[dreg:$0x4] =	wrdreg $0xC0  }
0xba: {  	_ =	task [dreg:s22], $0x5FFFF  }
0xbb: {  	[dreg:$0x1] =	wrdreg $0xFFFFFFFF  }
0xbc: {  	[dreg:$0x0] =	wrdreg $0x60  }
0xbd: {  	[dreg:$0x2] =	wrdreg s24  }
0xbe: {  	[dreg:$0x3] =	wrdreg $0x0  }
0xbf: {  	[dreg:$0x4] =	wrdreg $0x138800  }
0xc0: {  	[dreg:$0x5] =	wrdreg $0xC  }
0xc1: {  	_ =	task.clear_ibuf [dreg:s22], $0x6FFFF;
	_ =	strace $0x90000055  }
0xc2: {  	s29 =	simm.s32 $0xC;
	_ =	strace $0x80000057  }
0xc3: {  	_ =	swait.ge [sflag:s29], $0x1  }
0xc4: {  	[sflag:s29] =	ssyncadd.s32 $0xFFFFFFFF  }
0xc5: {  	_ =	strace $0x90000057  }
0xc6: {  	_ =	sfence  }
0xc7: {  	s30 =	sld [smem:$0x0];
	_ =	sdelay $0x2  }
0xc8: {  	s31 =	sshll.u32 s1, $0xD;
	s1 =	sshrl.u32 s1, $0x2  }
0xc9: {  	s4 =	sand.u32 $0x4000, s31;
	s1 =	sadd.s32 s1, s30  }
0xca: {  	s0 =	sor.u32 s4, s0;
	s1 =	sshll.u32 s1, $0x11  }
0xcb: {  	s0 =	sor.u32 s1, s0  }
0xcc: {  	s0 =	sadd.s32 $0x8F2B, s0  }
0xcd: {  	[sflag:s0] =	ssyncadd.remote.s32 $0x1  }
0xce: {  	_ =	sfence.sel $0xFFFF  }
0xcf: {  	[dreg:$0x0] =	wrdreg $0xFFFFFFFF;
	(pc) =	sbr.abs _section_cstart, $3  }
0xd0: {  	[dreg:$0x1] =	wrdreg $0xFFFFFFFF  }
0xd1: {  	_ =	task.clear_ibuf [dreg:s22], $0x2FFFF;
	_ =	strace $0x9FFFFFFF  }
0xd2: {  	(tm) =	ssettm $0x7FFFFFFF  }
0xd3: {  	_ =	shalt  }
tec
execute0_lowered:
.L_overlay_start_1:
0x0: {  	(tag) =	ssettag $0x1  }
0x1: {  	s9 =	rddreg [dreg:$0x0]  }
0x2: {  	s1 =	rddreg [dreg:$0x1];
	s0 =	srdreg.scid  }
0x3: {  	s3 =	rddreg [dreg:$0x2];
	s2 =	stileid.u32;
	s4 =	simm.s32 $0x0  }
0x4: {  	s19 =	simm.s32 $0x16990;
	s20 =	simm.s32 $0x1A810;
	s7 =	smul.u32 $0x13880, s2  }
0x5: {  	s21 =	simm.s32 $0x7D;
	s22 =	simm.s32 $0x1;
	s11 =	smul.u32 $0x2710, s2  }
0x6: {  	s6 =	sand.u32 $0x1, s0;
	s0 =	rddreg [dreg:$0x3];
	s30 =	smul.u32 $0x9C40, s2  }
0x7: {  	s23 =	simm.s32 $0x2;
	[smem:$0x7FF] =	sst s4;
	s5 =	smul.u32 $0x9C400, s6  }
0x8: {  	s28 =	sshll.u32 s2, $0x6;
	s8 =	smul.u32 $0x138800, s6;
	_ =	strace $0x80000056  }
0x9: {  	s14 =	smul.u32 $0x27100, s6;
	s15 =	ssub.s32 $0x2, s6;
	s6 =	sshll.u32 s6, $0x4  }
0xa: {  	s10 =	sshrl.u32 s7, $0x3;
	s25 =	sshrl.u32 s11, $0x3;
	s16 =	sshrl.u32 s15, $0x1  }
0xb: {  	s6 =	sor.u32 s2, s6;
	s17 =	sadd.s32 s7, s1;
	s18 =	sadd.s32 s11, s3  }
0xc: {  	s12 =	sadd.s32 s5, s9;
	s10 =	sadd.s32 s10, s9;
	s24 =	sadd.s32 s7, s8  }
0xd: {  	s8 =	sadd.s32 s25, s9;
	s5 =	sadd.s32 $0x7000, s9;
	s14 =	sadd.s32 s11, s14  }
0xe: {  	s15 =	ssub.s32 s15, s16;
	s26 =	smul.u32 $0xA00, s6;
	s7 =	sor.u32 $0x1C04, s28  }
0xf: {  	s16 =	sshrl.u32 s18, $0x3;
	s18 =	simm.s32 $0x15F90;
	s25 =	simm.s32 $0x0  }
0x10: {  	s13 =	sshrl.u32 s24, $0x3;
	s14 =	sshrl.u32 s14, $0x3;
	s6 =	sadd.s32 $0x69C00, s10  }
0x11: {  	s8 =	sadd.s32 $0x90E00, s8;
	s31 =	sadd.s32 s30, s12;
	s12 =	smax.u32 s15, $0x1  }
0x12: {  	s15 =	simm.s32 $0x4;
	s24 =	simm.s32 $0x3;
	s29 =	sshrl.u32 s26, $0x3  }
0x13: {  	s13 =	sadd.s32 s13, s9;
	s14 =	sadd.s32 s14, s9;
	s9 =	sadd.s32 s9, s29  }
0x14: {  	s10 =	sadd.s32 $0xF7C00, s13;
	s11 =	sadd.s32 $0xEDE00, s14;
	s13 =	sadd.s32 $0xB66600, s31  }
0x15: {  	s14 =	sshrl.u32 s17, $0x3;
	s17 =	simm.s32 $0x1E690;
	s9 =	sadd.s32 $0xA000, s9  }
.LBB2_1:
0x16: {  	[spmem:s14], [sflag:s7] =	dma.local [hbm:s6], $0x2710  }
0x17: {  	_ =	swait.ge [sflag:s15], $0x2710  }
0x18: {  	[sflag:s15] =	ssyncset.done $0x0  }
0x19: {  	[sflag:s15] =	ssyncadd.s32 $0xFFFFD8F0  }
0x1a: {  	[spmem:s16], [sflag:s7] =	dma.local [hbm:s8], $0x4E2  }
0x1b: {  	_ =	swait.ge [sflag:s15], $0x4E2  }
0x1c: {  	[sflag:s15] =	ssyncset.done $0x0  }
0x1d: {  	[sflag:s15] =	ssyncadd.s32 $0xFFFFFB1E  }
0x1e: {  	[tilespmem:s17], [sflag:$0x4] =	stream.linear.gather [hbm4b:s5+s4], $0x7D0, $0x38;
	[tilespmem:$0x1EE60] =	vst v63  }
0x1f: {  	_ =	swait.ge [sflag:s15], $0x7D0  }
0x20: {  	[sflag:s15] =	ssyncset.done $0x0  }
0x21: {  	[sflag:s15] =	ssyncadd.s32 $0xFFFFF830  }
0x22: {  	[bflag:$0x0] =	sbarrier.arrive $0xFFFF  }
0x23: {  	[tilespmem:s18], [sflag:$0x4] =	stream.linear.gather [hbm4b:s9+s4], $0xA00, $0x38;
	[tilespmem:$0x1EE60] =	vst v63  }
0x24: {  	_ =	swait.ge [sflag:s15], $0xA00  }
0x25: {  	[sflag:s15] =	ssyncset.done $0x0  }
0x26: {  	[sflag:s15] =	ssyncadd.s32 $0xFFFFF600  }
0x27: {  	[tilespmem:s19], [sflag:$0x1] =	stream.linear.gather [hbm4b:s13+s4], $0x3E80, $0x38;
	[tilespmem:$0x1EE60] =	vst v63  }
0x28: {  	s26 =	sadd.s32 $0x7D0, s13  }
0x29: {  	[tilespmem:s20], [sflag:$0x2] =	stream.linear.gather [hbm4b:s26+s4], $0x3E80, $0x38;
	[tilespmem:$0x1EE60] =	vst v63  }
0x2a: {  	s31 =	simm.s32 $0x15F90  }
0x2b: {  	[spmem:s3] =	stream.indirect.scatter.add.f32 [tilespmem:s17], [sflag:$0x3], $0x10, s31, s21, $0xb8;
	[tilespmem:$0x1EE60] =	vst v63  }
0x2c: {  	s28 =	simm.s32 $0x16010  }
0x2d: {  	[spmem:s3] =	stream.indirect.scatter.add.f32 [tilespmem:s17], [sflag:$0x3], $0x10, s28, s21, $0xb8;
	[tilespmem:$0x1EE60] =	vst v63  }
0x2e: {  	_ =	swait.ge [sflag:s22], $0x3E80  }
0x2f: {  	[sflag:s22] =	ssyncset.done $0x0  }
0x30: {  	[sflag:s22] =	ssyncadd.s32 $0xFFFFC180  }
0x31: {  	[spmem:s1] =	stream.indirect.scatter.add.f32 [tilespmem:s19], [sflag:$0x1], $0x80, s31, s21, $0xb8;
	[tilespmem:$0x1EE60] =	vst v63  }
0x32: {  	_ =	swait.ge [sflag:s23], $0x3E80  }
0x33: {  	[sflag:s23] =	ssyncset.done $0x0  }
0x34: {  	[sflag:s23] =	ssyncadd.s32 $0xFFFFC180  }
0x35: {  	[spmem:s1] =	stream.indirect.scatter.add.f32 [tilespmem:s20], [sflag:$0x2], $0x80, s28, s21, $0xb8;
	[tilespmem:$0x1EE60] =	vst v63  }
0x36: {  	_ =	swait.ge [sflag:s22], $0x3E80  }
0x37: {  	[sflag:s22] =	ssyncset.done $0x0  }
0x38: {  	[sflag:s22] =	ssyncadd.s32 $0xFFFFC180  }
0x39: {  	_ =	swait.ge [sflag:s23], $0x3E80  }
0x3a: {  	[sflag:s23] =	ssyncset.done $0x0  }
0x3b: {  	[sflag:s23] =	ssyncadd.s32 $0xFFFFC180  }
0x3c: {  	_ =	swait.ge [sflag:s24], $0x7D0  }
0x3d: {  	[sflag:s24] =	ssyncset.done $0x0  }
0x3e: {  	[sflag:s24] =	ssyncadd.s32 $0xFFFFF830  }
0x3f: {  	_ =	swait.ge [sflag:s24], $0x7D0  }
0x40: {  	s26 =	simm.s32 $0x400;
	s28 =	smov.u32 s13;
	[sflag:s24] =	ssyncset.done $0x0  }
.LBB2_2:
0x41: {  	p0 =	sne.s32 s26, $0x2400;
	[sflag:s24] =	ssyncadd.s32 $0xFFFFF830;
	s28 =	sadd.s32 $0xFA0, s28  }
0x42: {  	[tilespmem:s19], [sflag:$0x1] =	stream.linear.gather [hbm4b:s28+s4], $0x3E80, $0x38;
	[tilespmem:$0x1EE60] =	vst v63  }
0x43: {  	s30 =	sshra.s32 s26, $0x2;
	s26 =	sadd.s32 $0x400, s26;
	s29 =	sadd.s32 $0x7D0, s28  }
0x44: {  	[tilespmem:s20], [sflag:$0x2] =	stream.linear.gather [hbm4b:s29+s4], $0x3E80, $0x38;
	[tilespmem:$0x1EE60] =	vst v63  }
0x45: {  	s29 =	sadd.s32 $0x15F90, s30  }
0x46: {  	[spmem:s3] =	stream.indirect.scatter.add.f32 [tilespmem:s17], [sflag:$0x3], $0x10, s29, s21, $0xb8;
	[tilespmem:$0x1EE60] =	vst v63  }
0x47: {  	s30 =	sadd.s32 $0x16010, s30  }
0x48: {  	[spmem:s3] =	stream.indirect.scatter.add.f32 [tilespmem:s17], [sflag:$0x3], $0x10, s30, s21, $0xb8;
	[tilespmem:$0x1EE60] =	vst v63  }
0x49: {  	_ =	swait.ge [sflag:s22], $0x3E80  }
0x4a: {  	[sflag:s22] =	ssyncset.done $0x0  }
0x4b: {  	[sflag:s22] =	ssyncadd.s32 $0xFFFFC180  }
0x4c: {  	[spmem:s1] =	stream.indirect.scatter.add.f32 [tilespmem:s19], [sflag:$0x1], $0x80, s29, s21, $0xb8;
	[tilespmem:$0x1EE60] =	vst v63  }
0x4d: {  	_ =	swait.ge [sflag:s23], $0x3E80  }
0x4e: {  	[sflag:s23] =	ssyncset.done $0x0  }
0x4f: {  	[sflag:s23] =	ssyncadd.s32 $0xFFFFC180  }
0x50: {  	[spmem:s1] =	stream.indirect.scatter.add.f32 [tilespmem:s20], [sflag:$0x2], $0x80, s30, s21, $0xb8;
	[tilespmem:$0x1EE60] =	vst v63  }
0x51: {  	_ =	swait.ge [sflag:s22], $0x3E80  }
0x52: {  	[sflag:s22] =	ssyncset.done $0x0  }
0x53: {  	[sflag:s22] =	ssyncadd.s32 $0xFFFFC180  }
0x54: {  	_ =	swait.ge [sflag:s23], $0x3E80  }
0x55: {  	[sflag:s23] =	ssyncset.done $0x0  }
0x56: {  	[sflag:s23] =	ssyncadd.s32 $0xFFFFC180  }
.Ltmp0:
0x57: {  	_ =	swait.ge [sflag:s24], $0x7D0;
	(pc) =	sbr.rel @p0 .LBB2_2-.Ltmp0, $4  }
0x58: {  	[sflag:s24] =	ssyncset.done $0x0  }
0x59: {  	[sflag:s24] =	ssyncadd.s32 $0xFFFFF830  }
0x5a: {  	_ =	swait.ge [sflag:s24], $0x7D0  }
0x5b: {  	[sflag:s24] =	ssyncset.done $0x0  }
0x5c: {  	[sflag:s24] =	ssyncadd.s32 $0xFFFFF830  }
0x5d: {  	[bflag:$0x0] =	sbarrier.arrive $0xFFFF  }
0x5e: {  	[hbm:s10], [sflag:s7] =	dma.local [spmem:s14], $0x2710  }
0x5f: {  	s25 =	sadd.s32 $0x1, s25;
	_ =	swait.ge [sflag:s15], $0x2710  }
0x60: {  	p0 =	sne.s32 s25, s12;
	[sflag:s15] =	ssyncset.done $0x0  }
.Ltmp1:
0x61: {  	[sflag:s15] =	ssyncadd.s32 $0xFFFFD8F0;
	(pc) =	sbr.rel @p0 .LBB2_1-.Ltmp1, $4  }
0x62: {  	[hbm:s11], [sflag:s7] =	dma.local [spmem:s16], $0x4E2  }
0x63: {  	_ =	swait.ge [sflag:s15], $0x4E2  }
0x64: {  	[sflag:s15] =	ssyncset.done $0x0  }
0x65: {  	[sflag:s15] =	ssyncadd.s32 $0xFFFFFB1E  }
0x66: {  	_ =	sfence.sel $0x180000  }
0x67: {  	[bflag:$0x0] =	sbarrier.arrive $0xFFFF  }
0x68: {  	p0 =	sne.s32 s2, $0x0;
	_ =	strace $0x90000056  }
0x69: {  	s0 =	sadd.s32 @!p0 $0x100000, s0;
	[bflag:$0x2] =	sbarrier.arrive $0xFFFF  }
0x6a: {  	[sflag:s0] =	ssyncadd.tile.s32 @!p0 $0x1;
	_ =	shalt  }
.Lfunc_end2:
_tile_overlayer_lowered:
.L_overlay_start_2:
0x6b: {  	(tag) =	ssettag $0x2  }
0x6c: {  	s0 =	rddreg [dreg:$0x0];
	s2 =	stileid.u32  }
0x6d: {  	s1 =	rddreg [dreg:$0x1];
	p0 =	sne.s32 s2, $0x0  }
0x6e: {  	s3 =	rddreg [dreg:$0x2];
	[bflag:$0x3] =	sbarrier.arrive $0xFFFF;
	s2 =	simm.s32 @!p0 $0x1C04  }
0x6f: {  	[timem:s3], [sflag:s2] =	dma.local @!p0 [hbm:s0], s1  }
0x70: {  	s0 =	simm.s32 @!p0 $0x4  }
0x71: {  	_ =	swait.ge @!p0 [sflag:s0], s1  }
0x72: {  	s1 =	ssub.s32 @!p0 $0x0, s1;
	[sflag:s0] =	ssyncset.done @!p0 $0x0  }
0x73: {  	[sflag:s0] =	ssyncadd.s32 @!p0 s1  }
0x74: {  	[bflag:$0x3] =	sbarrier.arrive $0xFFFF  }
0x75: {  	_ =	shalt  }

// kernel: scatter_add_d2.3.cloned.1.call-start
scs
__scs_entry_jumppad:
0x0: {  	(pc) =	sbr.rel $0x88, $3  }
0x1: {  	(tag) =	ssettag $0x0;
	lr =	simm.s32 $0x1  }
0x2: {  	[smem:$0x3F91] =	sst lr;
	_ =	strace $0xD0000000  }
0x3: {  	_ = 	snop  }
0x4: {  	_ = 	snop  }
0x5: {  	_ = 	snop  }
0x6: {  	_ = 	snop  }
0x7: {  	_ = 	snop  }
__scs_overlays_trampoline_lowered:
0x8: {  	[smem:$0x3FA0] =	sst s0  }
0x9: {  	[smem:$0x3FA1] =	sst s1  }
0xa: {  	[smem:$0x3FA2] =	sst s2  }
0xb: {  	[smem:$0x3FA3] =	sst s3  }
0xc: {  	[smem:$0x3FA4] =	sst s4  }
0xd: {  	[smem:$0x3FA5] =	sst s5  }
0xe: {  	[smem:$0x3FA6] =	sst s6  }
0xf: {  	[smem:$0x3FA7] =	sst s7  }
0x10: {  	[smem:$0x3FA8] =	sst s8  }
0x11: {  	[smem:$0x3FA9] =	sst s9;
	s0 =	simm.s32 @!p0 $0x0  }
0x12: {  	s1 =	sld [smem:$0x3F8F];
	s0 =	simm.s32 @p0 $0x1  }
0x13: {  	[smem:$0x3FAA] =	sst s0;
	s0 =	simm.s32 @!p1 $0x0  }
0x14: {  	s2 =	sld [smem:$0x3F8E];
	s0 =	simm.s32 @p1 $0x1  }
0x15: {  	[smem:$0x3FAB] =	sst s0;
	s0 =	simm.s32 @!p2 $0x0  }
0x16: {  	s3 =	sld [smem:$0x3FDB];
	s0 =	simm.s32 @p2 $0x1  }
0x17: {  	s4 =	simm.s32 $0x1BF5;
	[smem:$0x3FAD] =	sst s0  }
0x18: {  	s0 =	sld [smem:$0x3F90];
	_ =	swait.ge [sflag:s4], $0x0  }
0x19: {  	s7 =	sld [smem:$0x3F91]  }
0x1a: {  	s8 =	sadd.s32 $0xFFFFE003, lr  }
0x1b: {  	s9 =	sadd.s32 $0xFFFFFEF7, lr;
	s5 =	simm.s32 $0xFFFFFFFF;
	p2 =	slt.u32 s8, $0xFFFFF086  }
0x1c: {  	p1 =	slt.u32 s9, $0xF7A;
	s5 =	simm.s32 @!p2 $0x0  }
0x1d: {  	s5 =	simm.s32 @p1 $0x1;
	p0 =	seq.s32 s7, s2  }
0x1e: {  	s7 =	smul.u32 @!p0 $0xF7A, s2;
	p2 =	seq.s32 @!p0 s5, $0x0  }
0x1f: {  	s9 =	smul.u32 $0xF7A, s1;
	s8 =	simm.s32 @!p0 $0x1BF5;
	p2 =	por !p2, p0  }
0x20: {  	[sflag:s8] =	ssyncset.s32 @!p0 $0xFFFFF086;
	s6 =	sadd.s32 @!p0 s3, s7;
	s7 =	simm.s32 @!p0 $0x108  }
0x21: {  	s3 =	sadd.s32 s3, s9;
	s6 =	sadd.s32 @!p0 $0x88, s6;
	s7 =	simm.s32 @p2 $0x1082  }
0x22: {  	[simem:s7], [sflag:s8] =	dma.local @!p0 [hbm:s6], $0xF7A  }
0x23: {  	s9 =	sor.u32 $0xD0000000, s2;
	s6 =	simm.s32 $0x108;
	_ =	swait.ge @!p0 [sflag:s8], $0x0  }
0x24: {  	s3 =	sadd.s32 $0x88, s3;
	s6 =	simm.s32 @!p1 $0x1082;
	[sflag:s4] =	ssyncset.s32 $0xFFFFF086  }
0x25: {  	[simem:s6], [sflag:s4] =	dma.local [hbm:s3], $0xF7A  }
0x26: {  	[smem:$0x3F91] =	sst s1;
	(tag) =	ssettag s2;
	_ =	strace s9  }
0x27: {  	s1 =	sld [smem:$0x3FA1]  }
0x28: {  	s2 =	sld [smem:$0x3FA2]  }
0x29: {  	s4 =	sld [smem:$0x3FA4]  }
0x2a: {  	p0 =	seq.s32 s5, $0x0;
	s5 =	sld [smem:$0x3FA5]  }
0x2b: {  	s6 =	sld [smem:$0x3FA6]  }
0x2c: {  	s7 =	sld [smem:$0x3FA7]  }
0x2d: {  	s3 =	simm.s32 $0x108;
	s8 =	sld [smem:$0x3FA8]  }
0x2e: {  	s3 =	simm.s32 @!p0 $0x1082;
	s9 =	sld [smem:$0x3FA9]  }
0x2f: {  	lr =	sadd.s32 s0, s3;
	s0 =	sld [smem:$0x3FA0]  }
0x30: {  	s3 =	sld [smem:$0x3FA3]  }
0x31: {  	[smem:$0x3FAC] =	sst s10  }
0x32: {  	s10 =	sld [smem:$0x3FAA];
	_ =	sdelay $0x3  }
0x33: {  	p0 =	seq.s32 s10, $0x1;
	s10 =	sld [smem:$0x3FAC];
	_ =	sdelay $0x3  }
0x34: {  	[smem:$0x3FAC] =	sst s10  }
0x35: {  	s10 =	sld [smem:$0x3FAB];
	_ =	sdelay $0x3  }
0x36: {  	p1 =	seq.s32 s10, $0x1;
	s10 =	sld [smem:$0x3FAC];
	_ =	sdelay $0x3  }
0x37: {  	[smem:$0x3FAC] =	sst s10  }
0x38: {  	s10 =	sld [smem:$0x3FAD]  }
0x39: {  	_ = 	snop;
	(pc) =	sbr.ind lr, $3  }
0x3a: {  	_ = 	snop  }
0x3b: {  	_ = 	snop  }
0x3c: {  	p2 =	seq.s32 s10, $0x1;
	s10 =	sld [smem:$0x3FAC]  }
0x3d: {  	_ =	shalt  }
0x3e: {  	_ =	shalt  }
0x3f: {  	_ =	shalt  }
0x40: {  	_ =	shalt  }
0x41: {  	_ =	shalt  }
0x42: {  	_ =	shalt  }
0x43: {  	_ =	shalt  }
0x44: {  	_ =	shalt  }
0x45: {  	_ =	shalt  }
0x46: {  	_ =	shalt  }
0x47: {  	_ =	shalt  }
0x48: {  	_ =	shalt  }
0x49: {  	_ =	shalt  }
0x4a: {  	_ =	shalt  }
0x4b: {  	_ =	shalt  }
0x4c: {  	_ =	shalt  }
0x4d: {  	_ =	shalt  }
0x4e: {  	_ =	shalt  }
0x4f: {  	_ =	shalt  }
0x50: {  	_ =	shalt  }
0x51: {  	_ =	shalt  }
0x52: {  	_ =	shalt  }
0x53: {  	_ =	shalt  }
0x54: {  	_ =	shalt  }
0x55: {  	_ =	shalt  }
0x56: {  	_ =	shalt  }
0x57: {  	_ =	shalt  }
0x58: {  	_ =	shalt  }
0x59: {  	_ =	shalt  }
0x5a: {  	_ =	shalt  }
0x5b: {  	_ =	shalt  }
0x5c: {  	_ =	shalt  }
0x5d: {  	_ =	shalt  }
0x5e: {  	_ =	shalt  }
0x5f: {  	_ =	shalt  }
0x60: {  	_ =	shalt  }
0x61: {  	_ =	shalt  }
0x62: {  	_ =	shalt  }
0x63: {  	_ =	shalt  }
0x64: {  	_ =	shalt  }
0x65: {  	_ =	shalt  }
0x66: {  	_ =	shalt  }
0x67: {  	_ =	shalt  }
0x68: {  	_ =	shalt  }
0x69: {  	_ =	shalt  }
0x6a: {  	_ =	shalt  }
0x6b: {  	_ =	shalt  }
0x6c: {  	_ =	shalt  }
0x6d: {  	_ =	shalt  }
0x6e: {  	_ =	shalt  }
0x6f: {  	_ =	shalt  }
0x70: {  	_ =	shalt  }
0x71: {  	_ =	shalt  }
0x72: {  	_ =	shalt  }
0x73: {  	_ =	shalt  }
0x74: {  	_ =	shalt  }
0x75: {  	_ =	shalt  }
0x76: {  	_ =	shalt  }
0x77: {  	_ =	shalt  }
0x78: {  	_ =	shalt  }
0x79: {  	_ =	shalt  }
0x7a: {  	_ =	shalt  }
0x7b: {  	_ =	shalt  }
0x7c: {  	_ =	shalt  }
0x7d: {  	_ =	shalt  }
0x7e: {  	_ =	shalt  }
0x7f: {  	_ =	shalt  }
0x80: {  	_ =	shalt  }
0x81: {  	_ =	shalt  }
0x82: {  	_ =	shalt  }
0x83: {  	_ =	shalt  }
0x84: {  	_ =	shalt  }
0x85: {  	_ =	shalt  }
0x86: {  	_ =	shalt  }
0x87: {  	_ =	shalt  }
.Lfunc_end0:
.L_simem_size_0:
called_computation.6_lowered:
.L_overlay_start_0:
0x88: {  	s2 =	sld [smem:$0x3FD9]  }
0x89: {  	s3 =	sld [smem:$0x3FFE];
	_ =	sdelay $0x1  }
0x8a: {  	s1 =	srdreg.scid  }
0x8b: {  	s0 =	sand.u32 $0x1, s1  }
0x8c: {  	s17 =	sshll.u32 s0, $0xA;
	s2 =	sadd.s32 s3, s2  }
0x8d: {  	s2 =	sadd.s32 s2, s17  }
0x8e: {  	[smem:$0x3FB8] =	sst s2  }
0x8f: {  	_ = 	snop  }
0x90: {  	(tm) =	ssettm $0x1  }
0x91: {  	s18 =	sld [smem:$0x3FFB];
	_ =	sdelay $0x3  }
0x92: {  	_ =	strace s18  }
0x93: {  	s2 =	sld [smem:$0x3FFC];
	_ =	sdelay $0x3  }
0x94: {  	_ =	strace s2  }
0x95: {  	s2 =	sld [smem:$0x3FFD];
	_ =	sdelay $0x3  }
0x96: {  	_ =	strace s2  }
0x97: {  	_ =	strace $0x8FFFFFFF  }
0x98: {  	s19 =	sld [smem:$0x3FDB];
	_ =	sdelay $0x1  }
0x99: {  	s20 =	simm.s32 $_scs_section_size  }
0x9a: {  	s4 =	simm.s32 $_size__tile_overlayer_lowered;
	s5 =	simm.s32 $_tile_overlayer_lowered  }
0x9b: {  	s6 =	simm.s32 $0x1BFF;
	s21 =	sshll.u32 s5, $0x1;
	s3 =	sadd.s32 s20, s19  }
0x9c: {  	s22 =	simm.s32 $0x0;
	s4 =	sshll.u32 s4, $0x1;
	s5 =	sadd.s32 s21, s3  }
0x9d: {  	[timem:s22], [sflag:s6] =	dma.local [hbm:s5], s4  }
0x9e: {  	_ =	swait.ge [sflag:s6], s4  }
0x9f: {  	s4 =	ssub.s32 $0x0, s4;
	[sflag:s6] =	ssyncset.done $0x0  }
0xa0: {  	[sflag:s6] =	ssyncadd.s32 s4;
	_ =	sdelay $0x1  }
0xa1: {  	s23 =	simm.s32 $0x1B8B  }
0xa2: {  	_ =	swait.ge [sflag:s23], $0x1  }
0xa3: {  	[sflag:s23] =	ssyncset.done $0x0  }
0xa4: {  	[sflag:s23] =	ssyncadd.s32 $0xFFFFFFFF  }
0xa5: {  	s4 =	sld [smem:$0x0]  }
0xa6: {  	s5 =	sand.u32 $0xFFFFFFFE, s1  }
0xa7: {  	p0 =	sne.s32 s1, s5  }
0xa8: {  	s5 =	sshll.u32 @p0 s5, $0xE  }
0xa9: {  	s5 =	sadd.s32 @p0 $0x11B8D, s5;
	s6 =	sshll.u32 @p0 s4, $0x11  }
0xaa: {  	s5 =	sor.u32 @p0 s6, s5  }
0xab: {  	[sflag:s5] =	ssyncadd.remote.s32 @p0 $0x1;
	_ =	sdelay $0x1  }
0xac: {  	s5 =	simm.s32 @p0 $0x1B8D  }
0xad: {  	_ =	swait.eq @p0 [sflag:s5], $0x1  }
0xae: {  	[sflag:s5] =	ssyncadd.s32 @p0 $0xFFFFFFFF  }
0xaf: {  	s6 =	sshll.u32 @!p0 s1, $0xE  }
0xb0: {  	s6 =	sor.u32 @!p0 $0x4000, s6;
	s5 =	simm.s32 @!p0 $0x1B8D  }
0xb1: {  	s4 =	sshll.u32 @!p0 s4, $0x11;
	s6 =	sadd.s32 @!p0 $0x11B8D, s6;
	_ =	swait.eq @!p0 [sflag:s5], $0x1  }
0xb2: {  	s4 =	sor.u32 @!p0 s4, s6;
	[sflag:s5] =	ssyncadd.s32 @!p0 $0xFFFFFFFF  }
0xb3: {  	s25 =	simm.s32 $0x1B8E;
	s24 =	sld [smem:$0x3FFE];
	[sflag:s4] =	ssyncadd.remote.s32 @!p0 $0x1  }
0xb4: {  	s26 =	simm.s32 $execute0_lowered;
	[smem:$0x3FD2] =	sst s25  }
0xb5: {  	s5 =	sshll.u32 s26, $0x1;
	_ =	strace $0x80000058;
	[dreg:$0x1] =	wrdreg $0xFFFFFFFF  }
0xb6: {  	s28 =	simm.s32 $_size_execute0_lowered;
	s3 =	sadd.s32 s3, s5;
	[dreg:$0x0] =	wrdreg $0x0  }
0xb7: {  	s5 =	sshll.u32 s28, $0x1;
	[dreg:$0x2] =	wrdreg s3  }
0xb8: {  	[dreg:$0x3] =	wrdreg s5  }
0xb9: {  	[dreg:$0x4] =	wrdreg $0xC0  }
0xba: {  	_ =	task [dreg:s22], $0x5FFFF  }
0xbb: {  	[dreg:$0x1] =	wrdreg $0xFFFFFFFF  }
0xbc: {  	[dreg:$0x0] =	wrdreg $0x60  }
0xbd: {  	[dreg:$0x2] =	wrdreg s24  }
0xbe: {  	[dreg:$0x3] =	wrdreg $0x0  }
0xbf: {  	[dreg:$0x4] =	wrdreg $0x138800  }
0xc0: {  	[dreg:$0x5] =	wrdreg $0xB  }
0xc1: {  	_ =	task.clear_ibuf [dreg:s22], $0x6FFFF;
	_ =	strace $0x90000058  }
0xc2: {  	s29 =	simm.s32 $0xB;
	_ =	strace $0x8000005A  }
0xc3: {  	_ =	swait.ge [sflag:s29], $0x1  }
0xc4: {  	[sflag:s29] =	ssyncadd.s32 $0xFFFFFFFF  }
0xc5: {  	_ =	strace $0x9000005A  }
0xc6: {  	_ =	sfence  }
0xc7: {  	s30 =	sld [smem:$0x0];
	_ =	sdelay $0x2  }
0xc8: {  	s31 =	sshll.u32 s1, $0xD;
	s1 =	sshrl.u32 s1, $0x2  }
0xc9: {  	s4 =	sand.u32 $0x4000, s31;
	s1 =	sadd.s32 s1, s30  }
0xca: {  	s0 =	sor.u32 s4, s0;
	s1 =	sshll.u32 s1, $0x11  }
0xcb: {  	s0 =	sor.u32 s1, s0  }
0xcc: {  	s0 =	sadd.s32 $0x8F2B, s0  }
0xcd: {  	[sflag:s0] =	ssyncadd.remote.s32 $0x1  }
0xce: {  	_ =	sfence.sel $0xFFFF  }
0xcf: {  	[dreg:$0x0] =	wrdreg $0xFFFFFFFF;
	(pc) =	sbr.abs _section_cstart, $3  }
0xd0: {  	[dreg:$0x1] =	wrdreg $0xFFFFFFFF  }
0xd1: {  	_ =	task.clear_ibuf [dreg:s22], $0x2FFFF;
	_ =	strace $0x9FFFFFFF  }
0xd2: {  	(tm) =	ssettm $0x7FFFFFFF  }
0xd3: {  	_ =	shalt  }
tec
execute0_lowered:
.L_overlay_start_1:
0x0: {  	(tag) =	ssettag $0x1  }
0x1: {  	s9 =	rddreg [dreg:$0x0]  }
0x2: {  	s1 =	rddreg [dreg:$0x1];
	s0 =	srdreg.scid  }
0x3: {  	s3 =	rddreg [dreg:$0x2];
	s2 =	stileid.u32;
	s4 =	simm.s32 $0x0  }
0x4: {  	s19 =	simm.s32 $0x16990;
	s20 =	simm.s32 $0x1A810;
	s7 =	smul.u32 $0x13880, s2  }
0x5: {  	s21 =	simm.s32 $0x7D;
	s22 =	simm.s32 $0x1;
	s11 =	smul.u32 $0x2710, s2  }
0x6: {  	s6 =	sand.u32 $0x1, s0;
	s0 =	rddreg [dreg:$0x3];
	s30 =	smul.u32 $0x9C40, s2  }
0x7: {  	s23 =	simm.s32 $0x2;
	[smem:$0x7FF] =	sst s4;
	s5 =	smul.u32 $0x9C400, s6  }
0x8: {  	s28 =	sshll.u32 s2, $0x6;
	s8 =	smul.u32 $0x138800, s6;
	_ =	strace $0x80000059  }
0x9: {  	s14 =	smul.u32 $0x27100, s6;
	s15 =	ssub.s32 $0x2, s6;
	s6 =	sshll.u32 s6, $0x4  }
0xa: {  	s10 =	sshrl.u32 s7, $0x3;
	s25 =	sshrl.u32 s11, $0x3;
	s16 =	sshrl.u32 s15, $0x1  }
0xb: {  	s6 =	sor.u32 s2, s6;
	s17 =	sadd.s32 s7, s1;
	s18 =	sadd.s32 s11, s3  }
0xc: {  	s12 =	sadd.s32 s5, s9;
	s10 =	sadd.s32 s10, s9;
	s24 =	sadd.s32 s7, s8  }
0xd: {  	s8 =	sadd.s32 s25, s9;
	s5 =	sadd.s32 $0x7000, s9;
	s14 =	sadd.s32 s11, s14  }
0xe: {  	s15 =	ssub.s32 s15, s16;
	s26 =	smul.u32 $0xA00, s6;
	s7 =	sor.u32 $0x1C04, s28  }
0xf: {  	s16 =	sshrl.u32 s18, $0x3;
	s18 =	simm.s32 $0x15F90;
	s25 =	simm.s32 $0x0  }
0x10: {  	s13 =	sshrl.u32 s24, $0x3;
	s14 =	sshrl.u32 s14, $0x3;
	s6 =	sadd.s32 $0x69C00, s10  }
0x11: {  	s8 =	sadd.s32 $0x90E00, s8;
	s31 =	sadd.s32 s30, s12;
	s12 =	smax.u32 s15, $0x1  }
0x12: {  	s15 =	simm.s32 $0x4;
	s24 =	simm.s32 $0x3;
	s13 =	sadd.s32 s13, s9  }
0x13: {  	s14 =	sadd.s32 s14, s9;
	s29 =	sshrl.u32 s26, $0x3;
	s10 =	sadd.s32 $0x288400, s13  }
0x14: {  	s9 =	sadd.s32 s9, s29;
	s11 =	sadd.s32 $0x27E600, s14;
	s13 =	sadd.s32 $0x145E00, s31  }
0x15: {  	s14 =	sshrl.u32 s17, $0x3;
	s17 =	simm.s32 $0x1E690;
	s9 =	sadd.s32 $0xC800, s9  }
.LBB2_1:
0x16: {  	[spmem:s14], [sflag:s7] =	dma.local [hbm:s6], $0x2710  }
0x17: {  	_ =	swait.ge [sflag:s15], $0x2710  }
0x18: {  	[sflag:s15] =	ssyncset.done $0x0  }
0x19: {  	[sflag:s15] =	ssyncadd.s32 $0xFFFFD8F0  }
0x1a: {  	[spmem:s16], [sflag:s7] =	dma.local [hbm:s8], $0x4E2  }
0x1b: {  	_ =	swait.ge [sflag:s15], $0x4E2  }
0x1c: {  	[sflag:s15] =	ssyncset.done $0x0  }
0x1d: {  	[sflag:s15] =	ssyncadd.s32 $0xFFFFFB1E  }
0x1e: {  	[tilespmem:s17], [sflag:$0x4] =	stream.linear.gather [hbm4b:s5+s4], $0x7D0, $0x38;
	[tilespmem:$0x1EE60] =	vst v63  }
0x1f: {  	_ =	swait.ge [sflag:s15], $0x7D0  }
0x20: {  	[sflag:s15] =	ssyncset.done $0x0  }
0x21: {  	[sflag:s15] =	ssyncadd.s32 $0xFFFFF830  }
0x22: {  	[bflag:$0x0] =	sbarrier.arrive $0xFFFF  }
0x23: {  	[tilespmem:s18], [sflag:$0x4] =	stream.linear.gather [hbm4b:s9+s4], $0xA00, $0x38;
	[tilespmem:$0x1EE60] =	vst v63  }
0x24: {  	_ =	swait.ge [sflag:s15], $0xA00  }
0x25: {  	[sflag:s15] =	ssyncset.done $0x0  }
0x26: {  	[sflag:s15] =	ssyncadd.s32 $0xFFFFF600  }
0x27: {  	[tilespmem:s19], [sflag:$0x1] =	stream.linear.gather [hbm4b:s13+s4], $0x3E80, $0x38;
	[tilespmem:$0x1EE60] =	vst v63  }
0x28: {  	s26 =	sadd.s32 $0x7D0, s13  }
0x29: {  	[tilespmem:s20], [sflag:$0x2] =	stream.linear.gather [hbm4b:s26+s4], $0x3E80, $0x38;
	[tilespmem:$0x1EE60] =	vst v63  }
0x2a: {  	s31 =	simm.s32 $0x15F90  }
0x2b: {  	[spmem:s3] =	stream.indirect.scatter.add.f32 [tilespmem:s17], [sflag:$0x3], $0x10, s31, s21, $0xb8;
	[tilespmem:$0x1EE60] =	vst v63  }
0x2c: {  	s28 =	simm.s32 $0x16010  }
0x2d: {  	[spmem:s3] =	stream.indirect.scatter.add.f32 [tilespmem:s17], [sflag:$0x3], $0x10, s28, s21, $0xb8;
	[tilespmem:$0x1EE60] =	vst v63  }
0x2e: {  	_ =	swait.ge [sflag:s22], $0x3E80  }
0x2f: {  	[sflag:s22] =	ssyncset.done $0x0  }
0x30: {  	[sflag:s22] =	ssyncadd.s32 $0xFFFFC180  }
0x31: {  	[spmem:s1] =	stream.indirect.scatter.add.f32 [tilespmem:s19], [sflag:$0x1], $0x80, s31, s21, $0xb8;
	[tilespmem:$0x1EE60] =	vst v63  }
0x32: {  	_ =	swait.ge [sflag:s23], $0x3E80  }
0x33: {  	[sflag:s23] =	ssyncset.done $0x0  }
0x34: {  	[sflag:s23] =	ssyncadd.s32 $0xFFFFC180  }
0x35: {  	[spmem:s1] =	stream.indirect.scatter.add.f32 [tilespmem:s20], [sflag:$0x2], $0x80, s28, s21, $0xb8;
	[tilespmem:$0x1EE60] =	vst v63  }
0x36: {  	_ =	swait.ge [sflag:s22], $0x3E80  }
0x37: {  	[sflag:s22] =	ssyncset.done $0x0  }
0x38: {  	[sflag:s22] =	ssyncadd.s32 $0xFFFFC180  }
0x39: {  	_ =	swait.ge [sflag:s23], $0x3E80  }
0x3a: {  	[sflag:s23] =	ssyncset.done $0x0  }
0x3b: {  	[sflag:s23] =	ssyncadd.s32 $0xFFFFC180  }
0x3c: {  	_ =	swait.ge [sflag:s24], $0x7D0  }
0x3d: {  	[sflag:s24] =	ssyncset.done $0x0  }
0x3e: {  	[sflag:s24] =	ssyncadd.s32 $0xFFFFF830  }
0x3f: {  	_ =	swait.ge [sflag:s24], $0x7D0  }
0x40: {  	s26 =	simm.s32 $0x400;
	s28 =	smov.u32 s13;
	[sflag:s24] =	ssyncset.done $0x0  }
.LBB2_2:
0x41: {  	p0 =	sne.s32 s26, $0x2400;
	[sflag:s24] =	ssyncadd.s32 $0xFFFFF830;
	s28 =	sadd.s32 $0xFA0, s28  }
0x42: {  	[tilespmem:s19], [sflag:$0x1] =	stream.linear.gather [hbm4b:s28+s4], $0x3E80, $0x38;
	[tilespmem:$0x1EE60] =	vst v63  }
0x43: {  	s30 =	sshra.s32 s26, $0x2;
	s26 =	sadd.s32 $0x400, s26;
	s29 =	sadd.s32 $0x7D0, s28  }
0x44: {  	[tilespmem:s20], [sflag:$0x2] =	stream.linear.gather [hbm4b:s29+s4], $0x3E80, $0x38;
	[tilespmem:$0x1EE60] =	vst v63  }
0x45: {  	s29 =	sadd.s32 $0x15F90, s30  }
0x46: {  	[spmem:s3] =	stream.indirect.scatter.add.f32 [tilespmem:s17], [sflag:$0x3], $0x10, s29, s21, $0xb8;
	[tilespmem:$0x1EE60] =	vst v63  }
0x47: {  	s30 =	sadd.s32 $0x16010, s30  }
0x48: {  	[spmem:s3] =	stream.indirect.scatter.add.f32 [tilespmem:s17], [sflag:$0x3], $0x10, s30, s21, $0xb8;
	[tilespmem:$0x1EE60] =	vst v63  }
0x49: {  	_ =	swait.ge [sflag:s22], $0x3E80  }
0x4a: {  	[sflag:s22] =	ssyncset.done $0x0  }
0x4b: {  	[sflag:s22] =	ssyncadd.s32 $0xFFFFC180  }
0x4c: {  	[spmem:s1] =	stream.indirect.scatter.add.f32 [tilespmem:s19], [sflag:$0x1], $0x80, s29, s21, $0xb8;
	[tilespmem:$0x1EE60] =	vst v63  }
0x4d: {  	_ =	swait.ge [sflag:s23], $0x3E80  }
0x4e: {  	[sflag:s23] =	ssyncset.done $0x0  }
0x4f: {  	[sflag:s23] =	ssyncadd.s32 $0xFFFFC180  }
0x50: {  	[spmem:s1] =	stream.indirect.scatter.add.f32 [tilespmem:s20], [sflag:$0x2], $0x80, s30, s21, $0xb8;
	[tilespmem:$0x1EE60] =	vst v63  }
0x51: {  	_ =	swait.ge [sflag:s22], $0x3E80  }
0x52: {  	[sflag:s22] =	ssyncset.done $0x0  }
0x53: {  	[sflag:s22] =	ssyncadd.s32 $0xFFFFC180  }
0x54: {  	_ =	swait.ge [sflag:s23], $0x3E80  }
0x55: {  	[sflag:s23] =	ssyncset.done $0x0  }
0x56: {  	[sflag:s23] =	ssyncadd.s32 $0xFFFFC180  }
.Ltmp0:
0x57: {  	_ =	swait.ge [sflag:s24], $0x7D0;
	(pc) =	sbr.rel @p0 .LBB2_2-.Ltmp0, $4  }
0x58: {  	[sflag:s24] =	ssyncset.done $0x0  }
0x59: {  	[sflag:s24] =	ssyncadd.s32 $0xFFFFF830  }
0x5a: {  	_ =	swait.ge [sflag:s24], $0x7D0  }
0x5b: {  	[sflag:s24] =	ssyncset.done $0x0  }
0x5c: {  	[sflag:s24] =	ssyncadd.s32 $0xFFFFF830  }
0x5d: {  	[bflag:$0x0] =	sbarrier.arrive $0xFFFF  }
0x5e: {  	[hbm:s10], [sflag:s7] =	dma.local [spmem:s14], $0x2710  }
0x5f: {  	s25 =	sadd.s32 $0x1, s25;
	_ =	swait.ge [sflag:s15], $0x2710  }
0x60: {  	p0 =	sne.s32 s25, s12;
	[sflag:s15] =	ssyncset.done $0x0  }
.Ltmp1:
0x61: {  	[sflag:s15] =	ssyncadd.s32 $0xFFFFD8F0;
	(pc) =	sbr.rel @p0 .LBB2_1-.Ltmp1, $4  }
0x62: {  	[hbm:s11], [sflag:s7] =	dma.local [spmem:s16], $0x4E2  }
0x63: {  	_ =	swait.ge [sflag:s15], $0x4E2  }
0x64: {  	[sflag:s15] =	ssyncset.done $0x0  }
0x65: {  	[sflag:s15] =	ssyncadd.s32 $0xFFFFFB1E  }
0x66: {  	_ =	sfence.sel $0x180000  }
0x67: {  	[bflag:$0x0] =	sbarrier.arrive $0xFFFF  }
0x68: {  	p0 =	sne.s32 s2, $0x0;
	_ =	strace $0x90000059  }
0x69: {  	s0 =	sadd.s32 @!p0 $0x100000, s0;
	[bflag:$0x2] =	sbarrier.arrive $0xFFFF  }
0x6a: {  	[sflag:s0] =	ssyncadd.tile.s32 @!p0 $0x1;
	_ =	shalt  }
.Lfunc_end2:
_tile_overlayer_lowered:
.L_overlay_start_2:
0x6b: {  	(tag) =	ssettag $0x2  }
0x6c: {  	s0 =	rddreg [dreg:$0x0];
	s2 =	stileid.u32  }
0x6d: {  	s1 =	rddreg [dreg:$0x1];
	p0 =	sne.s32 s2, $0x0  }
0x6e: {  	s3 =	rddreg [dreg:$0x2];
	[bflag:$0x3] =	sbarrier.arrive $0xFFFF;
	s2 =	simm.s32 @!p0 $0x1C04  }
0x6f: {  	[timem:s3], [sflag:s2] =	dma.local @!p0 [hbm:s0], s1  }
0x70: {  	s0 =	simm.s32 @!p0 $0x4  }
0x71: {  	_ =	swait.ge @!p0 [sflag:s0], s1  }
0x72: {  	s1 =	ssub.s32 @!p0 $0x0, s1;
	[sflag:s0] =	ssyncset.done @!p0 $0x0  }
0x73: {  	[sflag:s0] =	ssyncadd.s32 @!p0 s1  }
0x74: {  	[bflag:$0x3] =	sbarrier.arrive $0xFFFF  }
0x75: {  	_ =	shalt  }

// kernel: scatter_add_d3.3.cloned.1.call-start
scs
__scs_entry_jumppad:
0x0: {  	(pc) =	sbr.rel $0x88, $3  }
0x1: {  	(tag) =	ssettag $0x0;
	lr =	simm.s32 $0x1  }
0x2: {  	[smem:$0x3F91] =	sst lr;
	_ =	strace $0xD0000000  }
0x3: {  	_ = 	snop  }
0x4: {  	_ = 	snop  }
0x5: {  	_ = 	snop  }
0x6: {  	_ = 	snop  }
0x7: {  	_ = 	snop  }
__scs_overlays_trampoline_lowered:
0x8: {  	[smem:$0x3FA0] =	sst s0  }
0x9: {  	[smem:$0x3FA1] =	sst s1  }
0xa: {  	[smem:$0x3FA2] =	sst s2  }
0xb: {  	[smem:$0x3FA3] =	sst s3  }
0xc: {  	[smem:$0x3FA4] =	sst s4  }
0xd: {  	[smem:$0x3FA5] =	sst s5  }
0xe: {  	[smem:$0x3FA6] =	sst s6  }
0xf: {  	[smem:$0x3FA7] =	sst s7  }
0x10: {  	[smem:$0x3FA8] =	sst s8  }
0x11: {  	[smem:$0x3FA9] =	sst s9;
	s0 =	simm.s32 @!p0 $0x0  }
0x12: {  	s1 =	sld [smem:$0x3F8F];
	s0 =	simm.s32 @p0 $0x1  }
0x13: {  	[smem:$0x3FAA] =	sst s0;
	s0 =	simm.s32 @!p1 $0x0  }
0x14: {  	s2 =	sld [smem:$0x3F8E];
	s0 =	simm.s32 @p1 $0x1  }
0x15: {  	[smem:$0x3FAB] =	sst s0;
	s0 =	simm.s32 @!p2 $0x0  }
0x16: {  	s3 =	sld [smem:$0x3FDB];
	s0 =	simm.s32 @p2 $0x1  }
0x17: {  	s4 =	simm.s32 $0x1BF5;
	[smem:$0x3FAD] =	sst s0  }
0x18: {  	s0 =	sld [smem:$0x3F90];
	_ =	swait.ge [sflag:s4], $0x0  }
0x19: {  	s7 =	sld [smem:$0x3F91]  }
0x1a: {  	s8 =	sadd.s32 $0xFFFFE003, lr  }
0x1b: {  	s9 =	sadd.s32 $0xFFFFFEF7, lr;
	s5 =	simm.s32 $0xFFFFFFFF;
	p2 =	slt.u32 s8, $0xFFFFF086  }
0x1c: {  	p1 =	slt.u32 s9, $0xF7A;
	s5 =	simm.s32 @!p2 $0x0  }
0x1d: {  	s5 =	simm.s32 @p1 $0x1;
	p0 =	seq.s32 s7, s2  }
0x1e: {  	s7 =	smul.u32 @!p0 $0xF7A, s2;
	p2 =	seq.s32 @!p0 s5, $0x0  }
0x1f: {  	s9 =	smul.u32 $0xF7A, s1;
	s8 =	simm.s32 @!p0 $0x1BF5;
	p2 =	por !p2, p0  }
0x20: {  	[sflag:s8] =	ssyncset.s32 @!p0 $0xFFFFF086;
	s6 =	sadd.s32 @!p0 s3, s7;
	s7 =	simm.s32 @!p0 $0x108  }
0x21: {  	s3 =	sadd.s32 s3, s9;
	s6 =	sadd.s32 @!p0 $0x88, s6;
	s7 =	simm.s32 @p2 $0x1082  }
0x22: {  	[simem:s7], [sflag:s8] =	dma.local @!p0 [hbm:s6], $0xF7A  }
0x23: {  	s9 =	sor.u32 $0xD0000000, s2;
	s6 =	simm.s32 $0x108;
	_ =	swait.ge @!p0 [sflag:s8], $0x0  }
0x24: {  	s3 =	sadd.s32 $0x88, s3;
	s6 =	simm.s32 @!p1 $0x1082;
	[sflag:s4] =	ssyncset.s32 $0xFFFFF086  }
0x25: {  	[simem:s6], [sflag:s4] =	dma.local [hbm:s3], $0xF7A  }
0x26: {  	[smem:$0x3F91] =	sst s1;
	(tag) =	ssettag s2;
	_ =	strace s9  }
0x27: {  	s1 =	sld [smem:$0x3FA1]  }
0x28: {  	s2 =	sld [smem:$0x3FA2]  }
0x29: {  	s4 =	sld [smem:$0x3FA4]  }
0x2a: {  	p0 =	seq.s32 s5, $0x0;
	s5 =	sld [smem:$0x3FA5]  }
0x2b: {  	s6 =	sld [smem:$0x3FA6]  }
0x2c: {  	s7 =	sld [smem:$0x3FA7]  }
0x2d: {  	s3 =	simm.s32 $0x108;
	s8 =	sld [smem:$0x3FA8]  }
0x2e: {  	s3 =	simm.s32 @!p0 $0x1082;
	s9 =	sld [smem:$0x3FA9]  }
0x2f: {  	lr =	sadd.s32 s0, s3;
	s0 =	sld [smem:$0x3FA0]  }
0x30: {  	s3 =	sld [smem:$0x3FA3]  }
0x31: {  	[smem:$0x3FAC] =	sst s10  }
0x32: {  	s10 =	sld [smem:$0x3FAA];
	_ =	sdelay $0x3  }
0x33: {  	p0 =	seq.s32 s10, $0x1;
	s10 =	sld [smem:$0x3FAC];
	_ =	sdelay $0x3  }
0x34: {  	[smem:$0x3FAC] =	sst s10  }
0x35: {  	s10 =	sld [smem:$0x3FAB];
	_ =	sdelay $0x3  }
0x36: {  	p1 =	seq.s32 s10, $0x1;
	s10 =	sld [smem:$0x3FAC];
	_ =	sdelay $0x3  }
0x37: {  	[smem:$0x3FAC] =	sst s10  }
0x38: {  	s10 =	sld [smem:$0x3FAD]  }
0x39: {  	_ = 	snop;
	(pc) =	sbr.ind lr, $3  }
0x3a: {  	_ = 	snop  }
0x3b: {  	_ = 	snop  }
0x3c: {  	p2 =	seq.s32 s10, $0x1;
	s10 =	sld [smem:$0x3FAC]  }
0x3d: {  	_ =	shalt  }
0x3e: {  	_ =	shalt  }
0x3f: {  	_ =	shalt  }
0x40: {  	_ =	shalt  }
0x41: {  	_ =	shalt  }
0x42: {  	_ =	shalt  }
0x43: {  	_ =	shalt  }
0x44: {  	_ =	shalt  }
0x45: {  	_ =	shalt  }
0x46: {  	_ =	shalt  }
0x47: {  	_ =	shalt  }
0x48: {  	_ =	shalt  }
0x49: {  	_ =	shalt  }
0x4a: {  	_ =	shalt  }
0x4b: {  	_ =	shalt  }
0x4c: {  	_ =	shalt  }
0x4d: {  	_ =	shalt  }
0x4e: {  	_ =	shalt  }
0x4f: {  	_ =	shalt  }
0x50: {  	_ =	shalt  }
0x51: {  	_ =	shalt  }
0x52: {  	_ =	shalt  }
0x53: {  	_ =	shalt  }
0x54: {  	_ =	shalt  }
0x55: {  	_ =	shalt  }
0x56: {  	_ =	shalt  }
0x57: {  	_ =	shalt  }
0x58: {  	_ =	shalt  }
0x59: {  	_ =	shalt  }
0x5a: {  	_ =	shalt  }
0x5b: {  	_ =	shalt  }
0x5c: {  	_ =	shalt  }
0x5d: {  	_ =	shalt  }
0x5e: {  	_ =	shalt  }
0x5f: {  	_ =	shalt  }
0x60: {  	_ =	shalt  }
0x61: {  	_ =	shalt  }
0x62: {  	_ =	shalt  }
0x63: {  	_ =	shalt  }
0x64: {  	_ =	shalt  }
0x65: {  	_ =	shalt  }
0x66: {  	_ =	shalt  }
0x67: {  	_ =	shalt  }
0x68: {  	_ =	shalt  }
0x69: {  	_ =	shalt  }
0x6a: {  	_ =	shalt  }
0x6b: {  	_ =	shalt  }
0x6c: {  	_ =	shalt  }
0x6d: {  	_ =	shalt  }
0x6e: {  	_ =	shalt  }
0x6f: {  	_ =	shalt  }
0x70: {  	_ =	shalt  }
0x71: {  	_ =	shalt  }
0x72: {  	_ =	shalt  }
0x73: {  	_ =	shalt  }
0x74: {  	_ =	shalt  }
0x75: {  	_ =	shalt  }
0x76: {  	_ =	shalt  }
0x77: {  	_ =	shalt  }
0x78: {  	_ =	shalt  }
0x79: {  	_ =	shalt  }
0x7a: {  	_ =	shalt  }
0x7b: {  	_ =	shalt  }
0x7c: {  	_ =	shalt  }
0x7d: {  	_ =	shalt  }
0x7e: {  	_ =	shalt  }
0x7f: {  	_ =	shalt  }
0x80: {  	_ =	shalt  }
0x81: {  	_ =	shalt  }
0x82: {  	_ =	shalt  }
0x83: {  	_ =	shalt  }
0x84: {  	_ =	shalt  }
0x85: {  	_ =	shalt  }
0x86: {  	_ =	shalt  }
0x87: {  	_ =	shalt  }
.Lfunc_end0:
.L_simem_size_0:
called_computation.7_lowered:
.L_overlay_start_0:
0x88: {  	s2 =	sld [smem:$0x3FD9]  }
0x89: {  	s3 =	sld [smem:$0x3FFE];
	_ =	sdelay $0x1  }
0x8a: {  	s1 =	srdreg.scid  }
0x8b: {  	s0 =	sand.u32 $0x1, s1  }
0x8c: {  	s17 =	sshll.u32 s0, $0xA;
	s2 =	sadd.s32 s3, s2  }
0x8d: {  	s2 =	sadd.s32 s2, s17  }
0x8e: {  	[smem:$0x3FB8] =	sst s2  }
0x8f: {  	_ = 	snop  }
0x90: {  	(tm) =	ssettm $0x1  }
0x91: {  	s18 =	sld [smem:$0x3FFB];
	_ =	sdelay $0x3  }
0x92: {  	_ =	strace s18  }
0x93: {  	s2 =	sld [smem:$0x3FFC];
	_ =	sdelay $0x3  }
0x94: {  	_ =	strace s2  }
0x95: {  	s2 =	sld [smem:$0x3FFD];
	_ =	sdelay $0x3  }
0x96: {  	_ =	strace s2  }
0x97: {  	_ =	strace $0x8FFFFFFF  }
0x98: {  	s19 =	sld [smem:$0x3FDB];
	_ =	sdelay $0x1  }
0x99: {  	s20 =	simm.s32 $_scs_section_size  }
0x9a: {  	s4 =	simm.s32 $_size__tile_overlayer_lowered;
	s5 =	simm.s32 $_tile_overlayer_lowered  }
0x9b: {  	s6 =	simm.s32 $0x1BFF;
	s21 =	sshll.u32 s5, $0x1;
	s3 =	sadd.s32 s20, s19  }
0x9c: {  	s22 =	simm.s32 $0x0;
	s4 =	sshll.u32 s4, $0x1;
	s5 =	sadd.s32 s21, s3  }
0x9d: {  	[timem:s22], [sflag:s6] =	dma.local [hbm:s5], s4  }
0x9e: {  	_ =	swait.ge [sflag:s6], s4  }
0x9f: {  	s4 =	ssub.s32 $0x0, s4;
	[sflag:s6] =	ssyncset.done $0x0  }
0xa0: {  	[sflag:s6] =	ssyncadd.s32 s4;
	_ =	sdelay $0x1  }
0xa1: {  	s23 =	simm.s32 $0x1B8B  }
0xa2: {  	_ =	swait.ge [sflag:s23], $0x1  }
0xa3: {  	[sflag:s23] =	ssyncset.done $0x0  }
0xa4: {  	[sflag:s23] =	ssyncadd.s32 $0xFFFFFFFF  }
0xa5: {  	s4 =	sld [smem:$0x0]  }
0xa6: {  	s5 =	sand.u32 $0xFFFFFFFE, s1  }
0xa7: {  	p0 =	sne.s32 s1, s5  }
0xa8: {  	s5 =	sshll.u32 @p0 s5, $0xE  }
0xa9: {  	s5 =	sadd.s32 @p0 $0x11B8D, s5;
	s6 =	sshll.u32 @p0 s4, $0x11  }
0xaa: {  	s5 =	sor.u32 @p0 s6, s5  }
0xab: {  	[sflag:s5] =	ssyncadd.remote.s32 @p0 $0x1;
	_ =	sdelay $0x1  }
0xac: {  	s5 =	simm.s32 @p0 $0x1B8D  }
0xad: {  	_ =	swait.eq @p0 [sflag:s5], $0x1  }
0xae: {  	[sflag:s5] =	ssyncadd.s32 @p0 $0xFFFFFFFF  }
0xaf: {  	s6 =	sshll.u32 @!p0 s1, $0xE  }
0xb0: {  	s6 =	sor.u32 @!p0 $0x4000, s6;
	s5 =	simm.s32 @!p0 $0x1B8D  }
0xb1: {  	s4 =	sshll.u32 @!p0 s4, $0x11;
	s6 =	sadd.s32 @!p0 $0x11B8D, s6;
	_ =	swait.eq @!p0 [sflag:s5], $0x1  }
0xb2: {  	s4 =	sor.u32 @!p0 s4, s6;
	[sflag:s5] =	ssyncadd.s32 @!p0 $0xFFFFFFFF  }
0xb3: {  	s25 =	simm.s32 $0x1B8E;
	s24 =	sld [smem:$0x3FFE];
	[sflag:s4] =	ssyncadd.remote.s32 @!p0 $0x1  }
0xb4: {  	s26 =	simm.s32 $execute0_lowered;
	[smem:$0x3FD2] =	sst s25  }
0xb5: {  	s5 =	sshll.u32 s26, $0x1;
	_ =	strace $0x8000005B;
	[dreg:$0x1] =	wrdreg $0xFFFFFFFF  }
0xb6: {  	s28 =	simm.s32 $_size_execute0_lowered;
	s3 =	sadd.s32 s3, s5;
	[dreg:$0x0] =	wrdreg $0x0  }
0xb7: {  	s5 =	sshll.u32 s28, $0x1;
	[dreg:$0x2] =	wrdreg s3  }
0xb8: {  	[dreg:$0x3] =	wrdreg s5  }
0xb9: {  	[dreg:$0x4] =	wrdreg $0xC0  }
0xba: {  	_ =	task [dreg:s22], $0x5FFFF  }
0xbb: {  	[dreg:$0x1] =	wrdreg $0xFFFFFFFF  }
0xbc: {  	[dreg:$0x0] =	wrdreg $0x60  }
0xbd: {  	[dreg:$0x2] =	wrdreg s24  }
0xbe: {  	[dreg:$0x3] =	wrdreg $0x0  }
0xbf: {  	[dreg:$0x4] =	wrdreg $0x138800  }
0xc0: {  	[dreg:$0x5] =	wrdreg $0x9  }
0xc1: {  	_ =	task.clear_ibuf [dreg:s22], $0x6FFFF;
	_ =	strace $0x9000005B  }
0xc2: {  	s29 =	simm.s32 $0x9;
	_ =	strace $0x8000005D  }
0xc3: {  	_ =	swait.ge [sflag:s29], $0x1  }
0xc4: {  	[sflag:s29] =	ssyncadd.s32 $0xFFFFFFFF  }
0xc5: {  	_ =	strace $0x9000005D  }
0xc6: {  	_ =	sfence  }
0xc7: {  	s30 =	sld [smem:$0x0];
	_ =	sdelay $0x2  }
0xc8: {  	s31 =	sshll.u32 s1, $0xD;
	s1 =	sshrl.u32 s1, $0x2  }
0xc9: {  	s4 =	sand.u32 $0x4000, s31;
	s1 =	sadd.s32 s1, s30  }
0xca: {  	s0 =	sor.u32 s4, s0;
	s1 =	sshll.u32 s1, $0x11  }
0xcb: {  	s0 =	sor.u32 s1, s0  }
0xcc: {  	s0 =	sadd.s32 $0x8F2B, s0  }
0xcd: {  	[sflag:s0] =	ssyncadd.remote.s32 $0x1  }
0xce: {  	_ =	sfence.sel $0xFFFF  }
0xcf: {  	[dreg:$0x0] =	wrdreg $0xFFFFFFFF;
	(pc) =	sbr.abs _section_cstart, $3  }
0xd0: {  	[dreg:$0x1] =	wrdreg $0xFFFFFFFF  }
0xd1: {  	_ =	task.clear_ibuf [dreg:s22], $0x2FFFF;
	_ =	strace $0x9FFFFFFF  }
0xd2: {  	(tm) =	ssettm $0x7FFFFFFF  }
0xd3: {  	_ =	shalt  }
tec
execute0_lowered:
.L_overlay_start_1:
0x0: {  	(tag) =	ssettag $0x1  }
0x1: {  	s9 =	rddreg [dreg:$0x0]  }
0x2: {  	s1 =	rddreg [dreg:$0x1];
	s0 =	srdreg.scid  }
0x3: {  	s3 =	rddreg [dreg:$0x2];
	s2 =	stileid.u32;
	s4 =	simm.s32 $0x0  }
0x4: {  	s19 =	simm.s32 $0x16990;
	s20 =	simm.s32 $0x1A810;
	s7 =	smul.u32 $0x13880, s2  }
0x5: {  	s21 =	simm.s32 $0x7D;
	s22 =	simm.s32 $0x1;
	s11 =	smul.u32 $0x2710, s2  }
0x6: {  	s6 =	sand.u32 $0x1, s0;
	s0 =	rddreg [dreg:$0x3];
	s30 =	smul.u32 $0x9C40, s2  }
0x7: {  	s23 =	simm.s32 $0x2;
	[smem:$0x7FF] =	sst s4;
	s5 =	smul.u32 $0x9C400, s6  }
0x8: {  	s28 =	sshll.u32 s2, $0x6;
	s8 =	smul.u32 $0x138800, s6;
	_ =	strace $0x8000005C  }
0x9: {  	s14 =	smul.u32 $0x27100, s6;
	s15 =	ssub.s32 $0x2, s6;
	s6 =	sshll.u32 s6, $0x4  }
0xa: {  	s10 =	sshrl.u32 s7, $0x3;
	s25 =	sshrl.u32 s11, $0x3;
	s16 =	sshrl.u32 s15, $0x1  }
0xb: {  	s6 =	sor.u32 s2, s6;
	s17 =	sadd.s32 s7, s1;
	s18 =	sadd.s32 s11, s3  }
0xc: {  	s12 =	sadd.s32 s5, s9;
	s10 =	sadd.s32 s10, s9;
	s24 =	sadd.s32 s7, s8  }
0xd: {  	s8 =	sadd.s32 s25, s9;
	s5 =	sadd.s32 $0x7000, s9;
	s14 =	sadd.s32 s11, s14  }
0xe: {  	s15 =	ssub.s32 s15, s16;
	s26 =	smul.u32 $0xA00, s6;
	s7 =	sor.u32 $0x1C04, s28  }
0xf: {  	s16 =	sshrl.u32 s18, $0x3;
	s18 =	simm.s32 $0x15F90;
	s25 =	simm.s32 $0x0  }
0x10: {  	s13 =	sshrl.u32 s24, $0x3;
	s14 =	sshrl.u32 s14, $0x3;
	s6 =	sadd.s32 $0x69C00, s10  }
0x11: {  	s8 =	sadd.s32 $0x90E00, s8;
	s31 =	sadd.s32 s30, s12;
	s12 =	smax.u32 s15, $0x1  }
0x12: {  	s15 =	simm.s32 $0x4;
	s24 =	simm.s32 $0x3;
	s29 =	sshrl.u32 s26, $0x3  }
0x13: {  	s13 =	sadd.s32 s13, s9;
	s14 =	sadd.s32 s14, s9;
	s9 =	sadd.s32 s9, s29  }
0x14: {  	s10 =	sadd.s32 $0x1B600, s13;
	s11 =	sadd.s32 $0x11800, s14;
	s13 =	sadd.s32 $0x2D6600, s31  }
0x15: {  	s14 =	sshrl.u32 s17, $0x3;
	s17 =	simm.s32 $0x1E690;
	s9 =	sadd.s32 $0xF000, s9  }
.LBB2_1:
0x16: {  	[spmem:s14], [sflag:s7] =	dma.local [hbm:s6], $0x2710  }
0x17: {  	_ =	swait.ge [sflag:s15], $0x2710  }
0x18: {  	[sflag:s15] =	ssyncset.done $0x0  }
0x19: {  	[sflag:s15] =	ssyncadd.s32 $0xFFFFD8F0  }
0x1a: {  	[spmem:s16], [sflag:s7] =	dma.local [hbm:s8], $0x4E2  }
0x1b: {  	_ =	swait.ge [sflag:s15], $0x4E2  }
0x1c: {  	[sflag:s15] =	ssyncset.done $0x0  }
0x1d: {  	[sflag:s15] =	ssyncadd.s32 $0xFFFFFB1E  }
0x1e: {  	[tilespmem:s17], [sflag:$0x4] =	stream.linear.gather [hbm4b:s5+s4], $0x7D0, $0x38;
	[tilespmem:$0x1EE60] =	vst v63  }
0x1f: {  	_ =	swait.ge [sflag:s15], $0x7D0  }
0x20: {  	[sflag:s15] =	ssyncset.done $0x0  }
0x21: {  	[sflag:s15] =	ssyncadd.s32 $0xFFFFF830  }
0x22: {  	[bflag:$0x0] =	sbarrier.arrive $0xFFFF  }
0x23: {  	[tilespmem:s18], [sflag:$0x4] =	stream.linear.gather [hbm4b:s9+s4], $0xA00, $0x38;
	[tilespmem:$0x1EE60] =	vst v63  }
0x24: {  	_ =	swait.ge [sflag:s15], $0xA00  }
0x25: {  	[sflag:s15] =	ssyncset.done $0x0  }
0x26: {  	[sflag:s15] =	ssyncadd.s32 $0xFFFFF600  }
0x27: {  	[tilespmem:s19], [sflag:$0x1] =	stream.linear.gather [hbm4b:s13+s4], $0x3E80, $0x38;
	[tilespmem:$0x1EE60] =	vst v63  }
0x28: {  	s26 =	sadd.s32 $0x7D0, s13  }
0x29: {  	[tilespmem:s20], [sflag:$0x2] =	stream.linear.gather [hbm4b:s26+s4], $0x3E80, $0x38;
	[tilespmem:$0x1EE60] =	vst v63  }
0x2a: {  	s31 =	simm.s32 $0x15F90  }
0x2b: {  	[spmem:s3] =	stream.indirect.scatter.add.f32 [tilespmem:s17], [sflag:$0x3], $0x10, s31, s21, $0xb8;
	[tilespmem:$0x1EE60] =	vst v63  }
0x2c: {  	s28 =	simm.s32 $0x16010  }
0x2d: {  	[spmem:s3] =	stream.indirect.scatter.add.f32 [tilespmem:s17], [sflag:$0x3], $0x10, s28, s21, $0xb8;
	[tilespmem:$0x1EE60] =	vst v63  }
0x2e: {  	_ =	swait.ge [sflag:s22], $0x3E80  }
0x2f: {  	[sflag:s22] =	ssyncset.done $0x0  }
0x30: {  	[sflag:s22] =	ssyncadd.s32 $0xFFFFC180  }
0x31: {  	[spmem:s1] =	stream.indirect.scatter.add.f32 [tilespmem:s19], [sflag:$0x1], $0x80, s31, s21, $0xb8;
	[tilespmem:$0x1EE60] =	vst v63  }
0x32: {  	_ =	swait.ge [sflag:s23], $0x3E80  }
0x33: {  	[sflag:s23] =	ssyncset.done $0x0  }
0x34: {  	[sflag:s23] =	ssyncadd.s32 $0xFFFFC180  }
0x35: {  	[spmem:s1] =	stream.indirect.scatter.add.f32 [tilespmem:s20], [sflag:$0x2], $0x80, s28, s21, $0xb8;
	[tilespmem:$0x1EE60] =	vst v63  }
0x36: {  	_ =	swait.ge [sflag:s22], $0x3E80  }
0x37: {  	[sflag:s22] =	ssyncset.done $0x0  }
0x38: {  	[sflag:s22] =	ssyncadd.s32 $0xFFFFC180  }
0x39: {  	_ =	swait.ge [sflag:s23], $0x3E80  }
0x3a: {  	[sflag:s23] =	ssyncset.done $0x0  }
0x3b: {  	[sflag:s23] =	ssyncadd.s32 $0xFFFFC180  }
0x3c: {  	_ =	swait.ge [sflag:s24], $0x7D0  }
0x3d: {  	[sflag:s24] =	ssyncset.done $0x0  }
0x3e: {  	[sflag:s24] =	ssyncadd.s32 $0xFFFFF830  }
0x3f: {  	_ =	swait.ge [sflag:s24], $0x7D0  }
0x40: {  	s26 =	simm.s32 $0x400;
	s28 =	smov.u32 s13;
	[sflag:s24] =	ssyncset.done $0x0  }
.LBB2_2:
0x41: {  	p0 =	sne.s32 s26, $0x2400;
	[sflag:s24] =	ssyncadd.s32 $0xFFFFF830;
	s28 =	sadd.s32 $0xFA0, s28  }
0x42: {  	[tilespmem:s19], [sflag:$0x1] =	stream.linear.gather [hbm4b:s28+s4], $0x3E80, $0x38;
	[tilespmem:$0x1EE60] =	vst v63  }
0x43: {  	s30 =	sshra.s32 s26, $0x2;
	s26 =	sadd.s32 $0x400, s26;
	s29 =	sadd.s32 $0x7D0, s28  }
0x44: {  	[tilespmem:s20], [sflag:$0x2] =	stream.linear.gather [hbm4b:s29+s4], $0x3E80, $0x38;
	[tilespmem:$0x1EE60] =	vst v63  }
0x45: {  	s29 =	sadd.s32 $0x15F90, s30  }
0x46: {  	[spmem:s3] =	stream.indirect.scatter.add.f32 [tilespmem:s17], [sflag:$0x3], $0x10, s29, s21, $0xb8;
	[tilespmem:$0x1EE60] =	vst v63  }
0x47: {  	s30 =	sadd.s32 $0x16010, s30  }
0x48: {  	[spmem:s3] =	stream.indirect.scatter.add.f32 [tilespmem:s17], [sflag:$0x3], $0x10, s30, s21, $0xb8;
	[tilespmem:$0x1EE60] =	vst v63  }
0x49: {  	_ =	swait.ge [sflag:s22], $0x3E80  }
0x4a: {  	[sflag:s22] =	ssyncset.done $0x0  }
0x4b: {  	[sflag:s22] =	ssyncadd.s32 $0xFFFFC180  }
0x4c: {  	[spmem:s1] =	stream.indirect.scatter.add.f32 [tilespmem:s19], [sflag:$0x1], $0x80, s29, s21, $0xb8;
	[tilespmem:$0x1EE60] =	vst v63  }
0x4d: {  	_ =	swait.ge [sflag:s23], $0x3E80  }
0x4e: {  	[sflag:s23] =	ssyncset.done $0x0  }
0x4f: {  	[sflag:s23] =	ssyncadd.s32 $0xFFFFC180  }
0x50: {  	[spmem:s1] =	stream.indirect.scatter.add.f32 [tilespmem:s20], [sflag:$0x2], $0x80, s30, s21, $0xb8;
	[tilespmem:$0x1EE60] =	vst v63  }
0x51: {  	_ =	swait.ge [sflag:s22], $0x3E80  }
0x52: {  	[sflag:s22] =	ssyncset.done $0x0  }
0x53: {  	[sflag:s22] =	ssyncadd.s32 $0xFFFFC180  }
0x54: {  	_ =	swait.ge [sflag:s23], $0x3E80  }
0x55: {  	[sflag:s23] =	ssyncset.done $0x0  }
0x56: {  	[sflag:s23] =	ssyncadd.s32 $0xFFFFC180  }
.Ltmp0:
0x57: {  	_ =	swait.ge [sflag:s24], $0x7D0;
	(pc) =	sbr.rel @p0 .LBB2_2-.Ltmp0, $4  }
0x58: {  	[sflag:s24] =	ssyncset.done $0x0  }
0x59: {  	[sflag:s24] =	ssyncadd.s32 $0xFFFFF830  }
0x5a: {  	_ =	swait.ge [sflag:s24], $0x7D0  }
0x5b: {  	[sflag:s24] =	ssyncset.done $0x0  }
0x5c: {  	[sflag:s24] =	ssyncadd.s32 $0xFFFFF830  }
0x5d: {  	[bflag:$0x0] =	sbarrier.arrive $0xFFFF  }
0x5e: {  	[hbm:s10], [sflag:s7] =	dma.local [spmem:s14], $0x2710  }
0x5f: {  	s25 =	sadd.s32 $0x1, s25;
	_ =	swait.ge [sflag:s15], $0x2710  }
0x60: {  	p0 =	sne.s32 s25, s12;
	[sflag:s15] =	ssyncset.done $0x0  }
.Ltmp1:
0x61: {  	[sflag:s15] =	ssyncadd.s32 $0xFFFFD8F0;
	(pc) =	sbr.rel @p0 .LBB2_1-.Ltmp1, $4  }
0x62: {  	[hbm:s11], [sflag:s7] =	dma.local [spmem:s16], $0x4E2  }
0x63: {  	_ =	swait.ge [sflag:s15], $0x4E2  }
0x64: {  	[sflag:s15] =	ssyncset.done $0x0  }
0x65: {  	[sflag:s15] =	ssyncadd.s32 $0xFFFFFB1E  }
0x66: {  	_ =	sfence.sel $0x180000  }
0x67: {  	[bflag:$0x0] =	sbarrier.arrive $0xFFFF  }
0x68: {  	p0 =	sne.s32 s2, $0x0;
	_ =	strace $0x9000005C  }
0x69: {  	s0 =	sadd.s32 @!p0 $0x100000, s0;
	[bflag:$0x2] =	sbarrier.arrive $0xFFFF  }
0x6a: {  	[sflag:s0] =	ssyncadd.tile.s32 @!p0 $0x1;
	_ =	shalt  }
.Lfunc_end2:
_tile_overlayer_lowered:
.L_overlay_start_2:
0x6b: {  	(tag) =	ssettag $0x2  }
0x6c: {  	s0 =	rddreg [dreg:$0x0];
	s2 =	stileid.u32  }
0x6d: {  	s1 =	rddreg [dreg:$0x1];
	p0 =	sne.s32 s2, $0x0  }
0x6e: {  	s3 =	rddreg [dreg:$0x2];
	[bflag:$0x3] =	sbarrier.arrive $0xFFFF;
	s2 =	simm.s32 @!p0 $0x1C04  }
0x6f: {  	[timem:s3], [sflag:s2] =	dma.local @!p0 [hbm:s0], s1  }
0x70: {  	s0 =	simm.s32 @!p0 $0x4  }
0x71: {  	_ =	swait.ge @!p0 [sflag:s0], s1  }
0x72: {  	s1 =	ssub.s32 @!p0 $0x0, s1;
	[sflag:s0] =	ssyncset.done @!p0 $0x0  }
0x73: {  	[sflag:s0] =	ssyncadd.s32 @!p0 s1  }
0x74: {  	[bflag:$0x3] =	sbarrier.arrive $0xFFFF  }
0x75: {  	_ =	shalt  }

</sc_bundles>
